<compile_context>
chip_gen: v7x
topology: tpu7x:2x2x1
jax: 0.10.2.dev20260603
libtpu: 0.0.44.dev20260713+nightly
codegen_flags: <defaults>
</compile_context>

<pallas_src>
import functools
import math

import jax
import jax.numpy as jnp
import numpy as np
from jax import lax
from jax.experimental import pallas as pl
from jax.experimental.pallas import tpu as pltpu
from jax.experimental.pallas import tpu_sc as plsc

_D_MODEL = 100000
_PADW = 100096
_DIM = 64
_BATCH = 4096
_SEQ = 200

_NC = 2
_NS = 16
_NW = _NC * _NS
_CPW = _DIM // _NW
_LANES = 16
_UNROLL = 16
_NIB = 4
_NOB = 2

_SCALE = np.float32(math.sqrt(_D_MODEL))


def _scale_pad_block(w_ref, o_ref):
    o_ref[:, pl.ds(0, _D_MODEL)] = w_ref[...] * _SCALE


def _scale_table(wt):
    return pl.pallas_call(
        _scale_pad_block,
        out_shape=jax.ShapeDtypeStruct((_DIM, _PADW), jnp.float32),
        grid=(_DIM // 8,),
        in_specs=[pl.BlockSpec((8, _D_MODEL), lambda i: (i, 0))],
        out_specs=pl.BlockSpec((8, _PADW), lambda i: (i, 0)),
    )(wt)


_sc_mesh = plsc.VectorSubcoreMesh(core_axis_name="c", subcore_axis_name="s")


@functools.partial(
    pl.kernel,
    mesh=_sc_mesh,
    out_type=jax.ShapeDtypeStruct((_SEQ, _DIM // 8, _BATCH // 128, 8, 128),
                                  jnp.float32),
    scratch_types=[
        pltpu.VMEM((_PADW // 128, 128), jnp.float32),
        pltpu.VMEM((_NIB, _BATCH // 128, 128), jnp.int32),
        pltpu.VMEM((_NOB, _BATCH // 128, 128), jnp.float32),
        pltpu.VMEM_SHARED((2, _BATCH // 128, 8, 128), jnp.int32),
    ] + [pltpu.SemaphoreType.DMA] * (_NIB + _NOB + 1),
    compiler_params=pltpu.CompilerParams(
        use_tc_tiling_on_sc=False, needs_layout_passes=False),
)
def _sc_colgather(ws_hbm, xt_hbm, out_hbm, col_v, idx_v, out_v, xsp, *sems):
    isem = sems[:_NIB]
    osem = sems[_NIB:_NIB + _NOB]
    bsem = sems[_NIB + _NOB]
    wid = lax.axis_index("s") * _NC + lax.axis_index("c")
    lead = lax.axis_index("s") == 0
    nblk = _SEQ // 8

    def prefetch_idx(r, sl, buf):
        pltpu.async_copy(xsp.at[buf, :, r, :], idx_v.at[sl], isem[sl])

    def wait_idx(sl):
        pltpu.make_async_copy(xsp.at[0, :, 0, :], idx_v.at[sl],
                              isem[sl]).wait()

    def issue_out(s, c, sl):
        pltpu.async_copy(out_v.at[sl], out_hbm.at[s, c // 8, :, c % 8],
                         osem[sl])

    def wait_out(sl):
        pltpu.make_async_copy(out_v.at[sl], out_hbm.at[0, 0, :, 0],
                              osem[sl]).wait()

    def stage_block(k, buf):
        pltpu.async_copy(xt_hbm.at[k], xsp.at[buf], bsem)

    def wait_block():
        pltpu.make_async_copy(xt_hbm.at[0], xsp.at[0], bsem).wait()

    def gather_row(isl, osl):
        @plsc.parallel_loop(0, _BATCH, _LANES, unroll=_UNROLL)
        def _(off):
            iv = idx_v[isl, off // 128, pl.ds(off % 128, _LANES)]
            out_v[osl, off // 128, pl.ds(off % 128, _LANES)] = (
                plsc.load_gather(col_v, [iv >> 7, iv & 127]))

    for ci in range(_CPW):
        c = wid * _CPW + ci
        pltpu.sync_copy(ws_hbm.at[c // 8, :, c % 8, :], col_v)

        @pl.when(lead)
        def _():
            stage_block(0, 0)
            wait_block()
        plsc.subcore_barrier()

        def blkbody(blk, carry):
            buf = lax.rem(blk, 2)

            @pl.when(jnp.logical_and(lead, blk < nblk - 1))
            def _():
                stage_block(blk + 1, 1 - buf)

            for p in range(_NIB - 1):
                prefetch_idx(p, p, buf)
            for b in range(8):
                s = blk * 8 + b
                if b + _NIB - 1 < 8:
                    prefetch_idx(b + _NIB - 1, (b + _NIB - 1) % _NIB, buf)
                wait_idx(b % _NIB)
                if b >= _NOB:
                    wait_out(b % _NOB)
                else:
                    @pl.when(blk >= 1)
                    def _():
                        wait_out(b % _NOB)
                gather_row(b % _NIB, b % _NOB)
                issue_out(s, c, b % _NOB)

            @pl.when(jnp.logical_and(lead, blk < nblk - 1))
            def _():
                wait_block()
            plsc.subcore_barrier()
            return carry

        lax.fori_loop(0, nblk, blkbody, 0)
        wait_out(0)
        wait_out(1)


def kernel(x, W):
    ws = _scale_table(W.T)
    ws4 = ws.reshape(8, 8, _PADW // 128, 128).transpose(0, 2, 1, 3)
    xt4 = x.T.reshape(_SEQ // 8, 8, _BATCH // 128, 128).transpose(0, 2, 1, 3)
    out5 = _sc_colgather(ws4, xt4)
    t = jnp.transpose(out5, (2, 4, 0, 1, 3))
    return t.reshape(_BATCH, _SEQ, _DIM)

# --- scband reference (transcript-rebuilt; emitter-appended) ---
"""Pipeline reference for scband-embeddings-16406775071161 (READ-ONLY COPY).

The authoritative reference and input builder live on the scoring server;
editing this copy changes nothing except your own understanding.
"""

import jax, jax.numpy as jnp
import numpy as np
import math

D_MODEL = 100000  # per module code, nn.Embedding(d_model, vocab_size): d_model = num rows
VOCAB_SIZE = 64   # per module code, vocab_size = embedding dim (args are swapped vs convention)
BATCH = 4096
SEQ = 200


def setup_inputs(seed: int = 0) -> dict:
    key = jax.random.key(seed)
    kx, kw = jax.random.split(key)
    x = jax.random.randint(kx, (BATCH, SEQ), 0, D_MODEL, dtype=jnp.int32)
    W = jax.random.normal(kw, (D_MODEL, VOCAB_SIZE), dtype=jnp.float32) * 0.02
    return {"x": x, "W": W}


def reference(x, W):
    # faithful translation: self.lut(x) * sqrt(self.d_model)
    emb = jnp.take(W, x, axis=0)
    return emb * jnp.float32(math.sqrt(D_MODEL))

if __name__ == "__main__":
    import jax
    _d = setup_inputs()
    print(jax.jit(kernel)(*tuple(_d.values())))

</pallas_src>

<mosaic_0001>
#map = affine_map<(d0, d1) -> (0, 0, 0, 0)>
#map1 = affine_map<(d0, d1) -> (0, 0, 0, 0, 0)>
module attributes {stable_mosaic.version = 14 : i64} {
  func.func @_sc_colgather(%arg0: i32, %arg1: i32, %arg2: memref<8x782x8x128xf32, #tpu.memory_space<hbm>>, %arg3: memref<25x32x8x128xi32, #tpu.memory_space<hbm>>, %arg4: memref<200x8x32x8x128xf32, #tpu.memory_space<hbm>>, %arg5: memref<782x128xf32, #tpu.memory_space<vmem>>, %arg6: memref<4x32x128xi32, #tpu.memory_space<vmem>>, %arg7: memref<2x32x128xf32, #tpu.memory_space<vmem>>, %arg8: memref<2x32x8x128xi32, #tpu.memory_space<vmem_shared>>, %arg9: memref<!tpu.dma_semaphore, #tpu.memory_space<semaphore_mem>>, %arg10: memref<!tpu.dma_semaphore, #tpu.memory_space<semaphore_mem>>, %arg11: memref<!tpu.dma_semaphore, #tpu.memory_space<semaphore_mem>>, %arg12: memref<!tpu.dma_semaphore, #tpu.memory_space<semaphore_mem>>, %arg13: memref<!tpu.dma_semaphore, #tpu.memory_space<semaphore_mem>>, %arg14: memref<!tpu.dma_semaphore, #tpu.memory_space<semaphore_mem>>, %arg15: memref<!tpu.dma_semaphore, #tpu.memory_space<semaphore_mem>>) attributes {dimension_semantics = [#tpu.dimension_semantics<core_parallel>, #tpu.dimension_semantics<subcore_parallel>], iteration_bounds = array<i64: 2, 16>, scalar_prefetch = 0 : i64, scratch_operands = 11 : i64, tpu.core_type = #tpu.core_type<sc_vector_subcore>, window_params = [{transform_indices = #map}, {transform_indices = #map}, {transform_indices = #map1}]} {
    %mul3A = arith.constant 2 : i32
    %mul3A_0 = arith.muli %arg1, %mul3A : i32
    %add3A = arith.addi %mul3A_0, %arg0 : i32
    %eq3A = arith.constant 0 : i32
    %eq3A_1 = arith.cmpi eq, %arg1, %eq3A : i32
    %mul3A_2 = arith.constant 2 : i32
    %mul3A_3 = arith.muli %add3A, %mul3A_2 : i32
    %add3A_4 = arith.constant 0 : i32
    %add3A_5 = arith.addi %mul3A_3, %add3A_4 : i32
    %jit3A = arith.constant 8 : i32
    %div3A = arith.divsi %add3A_5, %jit3A : i32
    %sign3A = arith.constant 0 : i32
    %sign3A_6 = arith.cmpi sgt, %add3A_5, %sign3A : i32
    %sign3A_7 = arith.extui %sign3A_6 : i1 to i32
    %sign3A_8 = arith.constant 0 : i32
    %sign3A_9 = arith.cmpi slt, %add3A_5, %sign3A_8 : i32
    %sign3A_10 = arith.extui %sign3A_9 : i1 to i32
    %sign3A_11 = arith.subi %sign3A_7, %sign3A_10 : i32
    %sign3A_12 = arith.constant 0 : i32
    %sign3A_13 = arith.cmpi sgt, %jit3A, %sign3A_12 : i32
    %sign3A_14 = arith.extui %sign3A_13 : i1 to i32
    %sign3A_15 = arith.constant 0 : i32
    %sign3A_16 = arith.cmpi slt, %jit3A, %sign3A_15 : i32
    %sign3A_17 = arith.extui %sign3A_16 : i1 to i32
    %sign3A_18 = arith.subi %sign3A_14, %sign3A_17 : i32
    %ne3A = arith.cmpi ne, %sign3A_11, %sign3A_18 : i32
    %rem3A = arith.remsi %add3A_5, %jit3A : i32
    %ne3A_19 = arith.constant 0 : i32
    %ne3A_20 = arith.cmpi ne, %rem3A, %ne3A_19 : i32
    %and3A = arith.andi %ne3A, %ne3A_20 : i1
    %sub3A = arith.constant 1 : i32
    %sub3A_21 = arith.subi %div3A, %sub3A : i32
    %select_n3A = arith.select %and3A, %sub3A_21, %div3A : i32
    %jit3A_22 = arith.constant 8 : i32
    %eq3A_23 = arith.constant 0 : i32
    %eq3A_24 = arith.cmpi eq, %jit3A_22, %eq3A_23 : i32
    %jit3A_25 = arith.constant 1 : i32
    %select_n3A_26 = arith.select %eq3A_24, %jit3A_25, %jit3A_22 : i32
    %rem3A_27 = arith.remsi %add3A_5, %select_n3A_26 : i32
    %ne3A_28 = arith.constant 0 : i32
    %ne3A_29 = arith.cmpi ne, %rem3A_27, %ne3A_28 : i32
    %lt3A = arith.constant 0 : i32
    %lt3A_30 = arith.cmpi slt, %rem3A_27, %lt3A : i32
    %lt3A_31 = arith.constant 0 : i32
    %lt3A_32 = arith.cmpi slt, %select_n3A_26, %lt3A_31 : i32
    %ne3A_33 = arith.xori %lt3A_30, %lt3A_32 : i1
    %and3A_34 = arith.andi %ne3A_33, %ne3A_29 : i1
    %add3A_35 = arith.addi %rem3A_27, %select_n3A_26 : i32
    %select_n3A_36 = arith.select %and3A_34, %add3A_35, %rem3A_27 : i32
    "tpu.region"() ({
      %run_scoped3A = tpu.sem_alloc : memref<!tpu.dma_semaphore, #tpu.memory_space<semaphore_mem>>
      %dma_start3A = arith.constant 0 : i32
      %dma_start3A_176 = arith.constant 0 : i32
      %dma_start3A_177 = tpu.memref_slice %arg2[%select_n3A, %dma_start3A, %select_n3A_36, %dma_start3A_176] : memref<8x782x8x128xf32, #tpu.memory_space<hbm>> -> memref<1x782x1x128xf32, #tpu.memory_space<hbm>>
      %dma_start3A_178 = tpu.memref_squeeze %dma_start3A_177 : memref<1x782x1x128xf32, #tpu.memory_space<hbm>> -> memref<782x128xf32, #tpu.memory_space<hbm>>
      %dma_start3A_179 = arith.constant 0 : i32
      %dma_start3A_180 = arith.constant 0 : i32
      %dma_start3A_181 = tpu.memref_slice %arg2[%select_n3A, %dma_start3A_179, %select_n3A_36, %dma_start3A_180] : memref<8x782x8x128xf32, #tpu.memory_space<hbm>> -> memref<1x782x1x128xf32, #tpu.memory_space<hbm>>
      %dma_start3A_182 = tpu.memref_squeeze %dma_start3A_181 : memref<1x782x1x128xf32, #tpu.memory_space<hbm>> -> memref<782x128xf32, #tpu.memory_space<hbm>>
      tpu.enqueue_dma source(%dma_start3A_182 : memref<782x128xf32, #tpu.memory_space<hbm>>) target(%arg5 : memref<782x128xf32, #tpu.memory_space<vmem>>) target_semaphore(%run_scoped3A : memref<!tpu.dma_semaphore, #tpu.memory_space<semaphore_mem>>)
      %dma_wait3A_183 = arith.constant 0 : i32
      %dma_wait3A_184 = arith.constant 0 : i32
      %dma_wait3A_185 = tpu.memref_slice %arg2[%select_n3A, %dma_wait3A_183, %select_n3A_36, %dma_wait3A_184] : memref<8x782x8x128xf32, #tpu.memory_space<hbm>> -> memref<1x782x1x128xf32, #tpu.memory_space<hbm>>
      %dma_wait3A_186 = tpu.memref_squeeze %dma_wait3A_185 : memref<1x782x1x128xf32, #tpu.memory_space<hbm>> -> memref<782x128xf32, #tpu.memory_space<hbm>>
      %dma_wait3A_187 = arith.constant 0 : i32
      %dma_wait3A_188 = arith.constant 0 : i32
      %dma_wait3A_189 = tpu.memref_slice %arg2[%select_n3A, %dma_wait3A_187, %select_n3A_36, %dma_wait3A_188] : memref<8x782x8x128xf32, #tpu.memory_space<hbm>> -> memref<1x782x1x128xf32, #tpu.memory_space<hbm>>
      %dma_wait3A_190 = tpu.memref_squeeze %dma_wait3A_189 : memref<1x782x1x128xf32, #tpu.memory_space<hbm>> -> memref<782x128xf32, #tpu.memory_space<hbm>>
      tpu.wait_dma2 semaphore(%run_scoped3A : memref<!tpu.dma_semaphore, #tpu.memory_space<semaphore_mem>>) src(%dma_wait3A_190 : memref<782x128xf32, #tpu.memory_space<hbm>>) dst(%arg5 : memref<782x128xf32, #tpu.memory_space<vmem>>)
      tpu.yield
    }) : () -> ()
    %convert_element_type3A = arith.extui %eq3A_1 : i1 to i32
    %cond3A = arith.constant 0 : i32
    %cond3A_37 = arith.cmpi ne, %convert_element_type3A, %cond3A : i32
    scf.if %cond3A_37 {
      %dma_start3A = arith.constant 0 : i32
      %dma_start3A_176 = arith.constant 0 : i32
      %dma_start3A_177 = arith.constant 0 : i32
      %dma_start3A_178 = arith.constant 0 : i32
      %dma_start3A_179 = arith.constant 0 : i32
      %dma_start3A_180 = tpu.memref_slice %arg8[%dma_start3A_176, %dma_start3A_177, %dma_start3A_178, %dma_start3A_179] : memref<2x32x8x128xi32, #tpu.memory_space<vmem_shared>> -> memref<1x32x8x128xi32, #tpu.memory_space<vmem_shared>>
      %dma_start3A_181 = tpu.memref_squeeze %dma_start3A_180 : memref<1x32x8x128xi32, #tpu.memory_space<vmem_shared>> -> memref<32x8x128xi32, #tpu.memory_space<vmem_shared>>
      %dma_start3A_182 = arith.constant 0 : i32
      %dma_start3A_183 = arith.constant 0 : i32
      %dma_start3A_184 = arith.constant 0 : i32
      %dma_start3A_185 = tpu.memref_slice %arg3[%dma_start3A, %dma_start3A_182, %dma_start3A_183, %dma_start3A_184] : memref<25x32x8x128xi32, #tpu.memory_space<hbm>> -> memref<1x32x8x128xi32, #tpu.memory_space<hbm>>
      %dma_start3A_186 = tpu.memref_squeeze %dma_start3A_185 : memref<1x32x8x128xi32, #tpu.memory_space<hbm>> -> memref<32x8x128xi32, #tpu.memory_space<hbm>>
      tpu.enqueue_dma source(%dma_start3A_186 : memref<32x8x128xi32, #tpu.memory_space<hbm>>) target(%dma_start3A_181 : memref<32x8x128xi32, #tpu.memory_space<vmem_shared>>) target_semaphore(%arg15 : memref<!tpu.dma_semaphore, #tpu.memory_space<semaphore_mem>>)
      %dma_wait3A_187 = arith.constant 0 : i32
      %dma_wait3A_188 = arith.constant 0 : i32
      %dma_wait3A_189 = arith.constant 0 : i32
      %dma_wait3A_190 = arith.constant 0 : i32
      %dma_wait3A_191 = arith.constant 0 : i32
      %dma_wait3A_192 = tpu.memref_slice %arg8[%dma_wait3A_188, %dma_wait3A_189, %dma_wait3A_190, %dma_wait3A_191] : memref<2x32x8x128xi32, #tpu.memory_space<vmem_shared>> -> memref<1x32x8x128xi32, #tpu.memory_space<vmem_shared>>
      %dma_wait3A_193 = tpu.memref_squeeze %dma_wait3A_192 : memref<1x32x8x128xi32, #tpu.memory_space<vmem_shared>> -> memref<32x8x128xi32, #tpu.memory_space<vmem_shared>>
      %dma_wait3A_194 = arith.constant 0 : i32
      %dma_wait3A_195 = arith.constant 0 : i32
      %dma_wait3A_196 = arith.constant 0 : i32
      %dma_wait3A_197 = tpu.memref_slice %arg3[%dma_wait3A_187, %dma_wait3A_194, %dma_wait3A_195, %dma_wait3A_196] : memref<25x32x8x128xi32, #tpu.memory_space<hbm>> -> memref<1x32x8x128xi32, #tpu.memory_space<hbm>>
      %dma_wait3A_198 = tpu.memref_squeeze %dma_wait3A_197 : memref<1x32x8x128xi32, #tpu.memory_space<hbm>> -> memref<32x8x128xi32, #tpu.memory_space<hbm>>
      tpu.wait_dma2 semaphore(%arg15 : memref<!tpu.dma_semaphore, #tpu.memory_space<semaphore_mem>>) src(%dma_wait3A_198 : memref<32x8x128xi32, #tpu.memory_space<hbm>>) dst(%dma_wait3A_193 : memref<32x8x128xi32, #tpu.memory_space<vmem_shared>>)
    } else {
    }
    %barrier3A = arith.constant 0 : index
    tpu.barrier barrier_id(%barrier3A)
    %scan3A = arith.constant 0 : i32
    %scan3A_38 = arith.constant 0 : i32
    %scan3A_39 = arith.constant 25 : i32
    %scan3A_40 = arith.addi %scan3A_38, %scan3A_39 : i32
    %scan3A_41 = arith.constant 1 : i32
    scf.for %scan3A_176 = %scan3A_38 to %scan3A_40 step %scan3A_41  : i32 {
      %rem3A_177 = arith.constant 2 : i32
      %rem3A_178 = arith.remsi %scan3A_176, %rem3A_177 : i32
      %lt3A_179 = arith.constant 24 : i32
      %lt3A_180 = arith.cmpi slt, %scan3A_176, %lt3A_179 : i32
      %and3A_181 = arith.andi %eq3A_1, %lt3A_180 : i1
      %convert_element_type3A_182 = arith.extui %and3A_181 : i1 to i32
      %cond3A_183 = arith.constant 0 : i32
      %cond3A_184 = arith.cmpi ne, %convert_element_type3A_182, %cond3A_183 : i32
      scf.if %cond3A_184 {
        %add3A_1127 = arith.constant 1 : i32
        %add3A_1128 = arith.addi %scan3A_176, %add3A_1127 : i32
        %sub3A_1129 = arith.constant 1 : i32
        %sub3A_1130 = arith.subi %sub3A_1129, %rem3A_178 : i32
        %dma_start3A_1131 = arith.constant 0 : i32
        %dma_start3A_1132 = arith.constant 0 : i32
        %dma_start3A_1133 = arith.constant 0 : i32
        %dma_start3A_1134 = tpu.memref_slice %arg8[%sub3A_1130, %dma_start3A_1131, %dma_start3A_1132, %dma_start3A_1133] : memref<2x32x8x128xi32, #tpu.memory_space<vmem_shared>> -> memref<1x32x8x128xi32, #tpu.memory_space<vmem_shared>>
        %dma_start3A_1135 = tpu.memref_squeeze %dma_start3A_1134 : memref<1x32x8x128xi32, #tpu.memory_space<vmem_shared>> -> memref<32x8x128xi32, #tpu.memory_space<vmem_shared>>
        %dma_start3A_1136 = arith.constant 0 : i32
        %dma_start3A_1137 = arith.constant 0 : i32
        %dma_start3A_1138 = arith.constant 0 : i32
        %dma_start3A_1139 = tpu.memref_slice %arg3[%add3A_1128, %dma_start3A_1136, %dma_start3A_1137, %dma_start3A_1138] : memref<25x32x8x128xi32, #tpu.memory_space<hbm>> -> memref<1x32x8x128xi32, #tpu.memory_space<hbm>>
        %dma_start3A_1140 = tpu.memref_squeeze %dma_start3A_1139 : memref<1x32x8x128xi32, #tpu.memory_space<hbm>> -> memref<32x8x128xi32, #tpu.memory_space<hbm>>
        tpu.enqueue_dma source(%dma_start3A_1140 : memref<32x8x128xi32, #tpu.memory_space<hbm>>) target(%dma_start3A_1135 : memref<32x8x128xi32, #tpu.memory_space<vmem_shared>>) target_semaphore(%arg15 : memref<!tpu.dma_semaphore, #tpu.memory_space<semaphore_mem>>)
      } else {
      }
      %dma_start3A = arith.constant 0 : i32
      %dma_start3A_185 = arith.constant 0 : i32
      %dma_start3A_186 = arith.constant 0 : i32
      %dma_start3A_187 = arith.constant 0 : i32
      %dma_start3A_188 = tpu.memref_slice %arg6[%dma_start3A_185, %dma_start3A_186, %dma_start3A_187] : memref<4x32x128xi32, #tpu.memory_space<vmem>> -> memref<1x32x128xi32, #tpu.memory_space<vmem>>
      %dma_start3A_189 = tpu.memref_squeeze %dma_start3A_188 : memref<1x32x128xi32, #tpu.memory_space<vmem>> -> memref<32x128xi32, #tpu.memory_space<vmem>>
      %dma_start3A_190 = arith.constant 0 : i32
      %dma_start3A_191 = arith.constant 0 : i32
      %dma_start3A_192 = tpu.memref_slice %arg8[%rem3A_178, %dma_start3A_190, %dma_start3A, %dma_start3A_191] : memref<2x32x8x128xi32, #tpu.memory_space<vmem_shared>> -> memref<1x32x1x128xi32, #tpu.memory_space<vmem_shared>>
      %dma_start3A_193 = tpu.memref_squeeze %dma_start3A_192 : memref<1x32x1x128xi32, #tpu.memory_space<vmem_shared>> -> memref<32x128xi32, #tpu.memory_space<vmem_shared>>
      %dma_start3A_194 = arith.constant 0 : i32
      %dma_start3A_195 = arith.constant 0 : i32
      %dma_start3A_196 = tpu.memref_slice %arg6[%dma_start3A_185, %dma_start3A_194, %dma_start3A_195] : memref<4x32x128xi32, #tpu.memory_space<vmem>> -> memref<1x32x128xi32, #tpu.memory_space<vmem>>
      %dma_start3A_197 = tpu.memref_squeeze %dma_start3A_196 : memref<1x32x128xi32, #tpu.memory_space<vmem>> -> memref<32x128xi32, #tpu.memory_space<vmem>>
      %dma_start3A_198 = arith.constant 0 : i32
      %dma_start3A_199 = arith.constant 0 : i32
      %dma_start3A_200 = tpu.memref_slice %arg8[%rem3A_178, %dma_start3A_198, %dma_start3A, %dma_start3A_199] : memref<2x32x8x128xi32, #tpu.memory_space<vmem_shared>> -> memref<1x32x1x128xi32, #tpu.memory_space<vmem_shared>>
      %dma_start3A_201 = tpu.memref_squeeze %dma_start3A_200 : memref<1x32x1x128xi32, #tpu.memory_space<vmem_shared>> -> memref<32x128xi32, #tpu.memory_space<vmem_shared>>
      tpu.enqueue_dma source(%dma_start3A_201 : memref<32x128xi32, #tpu.memory_space<vmem_shared>>) target(%dma_start3A_197 : memref<32x128xi32, #tpu.memory_space<vmem>>) target_semaphore(%arg9 : memref<!tpu.dma_semaphore, #tpu.memory_space<semaphore_mem>>)
      %dma_start3A_202 = arith.constant 1 : i32
      %dma_start3A_203 = arith.constant 1 : i32
      %dma_start3A_204 = arith.constant 0 : i32
      %dma_start3A_205 = arith.constant 0 : i32
      %dma_start3A_206 = tpu.memref_slice %arg6[%dma_start3A_203, %dma_start3A_204, %dma_start3A_205] : memref<4x32x128xi32, #tpu.memory_space<vmem>> -> memref<1x32x128xi32, #tpu.memory_space<vmem>>
      %dma_start3A_207 = tpu.memref_squeeze %dma_start3A_206 : memref<1x32x128xi32, #tpu.memory_space<vmem>> -> memref<32x128xi32, #tpu.memory_space<vmem>>
      %dma_start3A_208 = arith.constant 0 : i32
      %dma_start3A_209 = arith.constant 0 : i32
      %dma_start3A_210 = tpu.memref_slice %arg8[%rem3A_178, %dma_start3A_208, %dma_start3A_202, %dma_start3A_209] : memref<2x32x8x128xi32, #tpu.memory_space<vmem_shared>> -> memref<1x32x1x128xi32, #tpu.memory_space<vmem_shared>>
      %dma_start3A_211 = tpu.memref_squeeze %dma_start3A_210 : memref<1x32x1x128xi32, #tpu.memory_space<vmem_shared>> -> memref<32x128xi32, #tpu.memory_space<vmem_shared>>
      %dma_start3A_212 = arith.constant 0 : i32
      %dma_start3A_213 = arith.constant 0 : i32
      %dma_start3A_214 = tpu.memref_slice %arg6[%dma_start3A_203, %dma_start3A_212, %dma_start3A_213] : memref<4x32x128xi32, #tpu.memory_space<vmem>> -> memref<1x32x128xi32, #tpu.memory_space<vmem>>
      %dma_start3A_215 = tpu.memref_squeeze %dma_start3A_214 : memref<1x32x128xi32, #tpu.memory_space<vmem>> -> memref<32x128xi32, #tpu.memory_space<vmem>>
      %dma_start3A_216 = arith.constant 0 : i32
      %dma_start3A_217 = arith.constant 0 : i32
      %dma_start3A_218 = tpu.memref_slice %arg8[%rem3A_178, %dma_start3A_216, %dma_start3A_202, %dma_start3A_217] : memref<2x32x8x128xi32, #tpu.memory_space<vmem_shared>> -> memref<1x32x1x128xi32, #tpu.memory_space<vmem_shared>>
      %dma_start3A_219 = tpu.memref_squeeze %dma_start3A_218 : memref<1x32x1x128xi32, #tpu.memory_space<vmem_shared>> -> memref<32x128xi32, #tpu.memory_space<vmem_shared>>
      tpu.enqueue_dma source(%dma_start3A_219 : memref<32x128xi32, #tpu.memory_space<vmem_shared>>) target(%dma_start3A_215 : memref<32x128xi32, #tpu.memory_space<vmem>>) target_semaphore(%arg10 : memref<!tpu.dma_semaphore, #tpu.memory_space<semaphore_mem>>)
      %dma_start3A_220 = arith.constant 2 : i32
      %dma_start3A_221 = arith.constant 2 : i32
      %dma_start3A_222 = arith.constant 0 : i32
      %dma_start3A_223 = arith.constant 0 : i32
      %dma_start3A_224 = tpu.memref_slice %arg6[%dma_start3A_221, %dma_start3A_222, %dma_start3A_223] : memref<4x32x128xi32, #tpu.memory_space<vmem>> -> memref<1x32x128xi32, #tpu.memory_space<vmem>>
      %dma_start3A_225 = tpu.memref_squeeze %dma_start3A_224 : memref<1x32x128xi32, #tpu.memory_space<vmem>> -> memref<32x128xi32, #tpu.memory_space<vmem>>
      %dma_start3A_226 = arith.constant 0 : i32
      %dma_start3A_227 = arith.constant 0 : i32
      %dma_start3A_228 = tpu.memref_slice %arg8[%rem3A_178, %dma_start3A_226, %dma_start3A_220, %dma_start3A_227] : memref<2x32x8x128xi32, #tpu.memory_space<vmem_shared>> -> memref<1x32x1x128xi32, #tpu.memory_space<vmem_shared>>
      %dma_start3A_229 = tpu.memref_squeeze %dma_start3A_228 : memref<1x32x1x128xi32, #tpu.memory_space<vmem_shared>> -> memref<32x128xi32, #tpu.memory_space<vmem_shared>>
      %dma_start3A_230 = arith.constant 0 : i32
      %dma_start3A_231 = arith.constant 0 : i32
      %dma_start3A_232 = tpu.memref_slice %arg6[%dma_start3A_221, %dma_start3A_230, %dma_start3A_231] : memref<4x32x128xi32, #tpu.memory_space<vmem>> -> memref<1x32x128xi32, #tpu.memory_space<vmem>>
      %dma_start3A_233 = tpu.memref_squeeze %dma_start3A_232 : memref<1x32x128xi32, #tpu.memory_space<vmem>> -> memref<32x128xi32, #tpu.memory_space<vmem>>
      %dma_start3A_234 = arith.constant 0 : i32
      %dma_start3A_235 = arith.constant 0 : i32
      %dma_start3A_236 = tpu.memref_slice %arg8[%rem3A_178, %dma_start3A_234, %dma_start3A_220, %dma_start3A_235] : memref<2x32x8x128xi32, #tpu.memory_space<vmem_shared>> -> memref<1x32x1x128xi32, #tpu.memory_space<vmem_shared>>
      %dma_start3A_237 = tpu.memref_squeeze %dma_start3A_236 : memref<1x32x1x128xi32, #tpu.memory_space<vmem_shared>> -> memref<32x128xi32, #tpu.memory_space<vmem_shared>>
      tpu.enqueue_dma source(%dma_start3A_237 : memref<32x128xi32, #tpu.memory_space<vmem_shared>>) target(%dma_start3A_233 : memref<32x128xi32, #tpu.memory_space<vmem>>) target_semaphore(%arg11 : memref<!tpu.dma_semaphore, #tpu.memory_space<semaphore_mem>>)
      %mul3A_238 = arith.constant 8 : i32
      %mul3A_239 = arith.muli %scan3A_176, %mul3A_238 : i32
      %add3A_240 = arith.constant 0 : i32
      %add3A_241 = arith.addi %mul3A_239, %add3A_240 : i32
      %dma_start3A_242 = arith.constant 3 : i32
      %dma_start3A_243 = arith.constant 3 : i32
      %dma_start3A_244 = arith.constant 0 : i32
      %dma_start3A_245 = arith.constant 0 : i32
      %dma_start3A_246 = tpu.memref_slice %arg6[%dma_start3A_243, %dma_start3A_244, %dma_start3A_245] : memref<4x32x128xi32, #tpu.memory_space<vmem>> -> memref<1x32x128xi32, #tpu.memory_space<vmem>>
      %dma_start3A_247 = tpu.memref_squeeze %dma_start3A_246 : memref<1x32x128xi32, #tpu.memory_space<vmem>> -> memref<32x128xi32, #tpu.memory_space<vmem>>
      %dma_start3A_248 = arith.constant 0 : i32
      %dma_start3A_249 = arith.constant 0 : i32
      %dma_start3A_250 = tpu.memref_slice %arg8[%rem3A_178, %dma_start3A_248, %dma_start3A_242, %dma_start3A_249] : memref<2x32x8x128xi32, #tpu.memory_space<vmem_shared>> -> memref<1x32x1x128xi32, #tpu.memory_space<vmem_shared>>
      %dma_start3A_251 = tpu.memref_squeeze %dma_start3A_250 : memref<1x32x1x128xi32, #tpu.memory_space<vmem_shared>> -> memref<32x128xi32, #tpu.memory_space<vmem_shared>>
      %dma_start3A_252 = arith.constant 0 : i32
      %dma_start3A_253 = arith.constant 0 : i32
      %dma_start3A_254 = tpu.memref_slice %arg6[%dma_start3A_243, %dma_start3A_252, %dma_start3A_253] : memref<4x32x128xi32, #tpu.memory_space<vmem>> -> memref<1x32x128xi32, #tpu.memory_space<vmem>>
      %dma_start3A_255 = tpu.memref_squeeze %dma_start3A_254 : memref<1x32x128xi32, #tpu.memory_space<vmem>> -> memref<32x128xi32, #tpu.memory_space<vmem>>
      %dma_start3A_256 = arith.constant 0 : i32
      %dma_start3A_257 = arith.constant 0 : i32
      %dma_start3A_258 = tpu.memref_slice %arg8[%rem3A_178, %dma_start3A_256, %dma_start3A_242, %dma_start3A_257] : memref<2x32x8x128xi32, #tpu.memory_space<vmem_shared>> -> memref<1x32x1x128xi32, #tpu.memory_space<vmem_shared>>
      %dma_start3A_259 = tpu.memref_squeeze %dma_start3A_258 : memref<1x32x1x128xi32, #tpu.memory_space<vmem_shared>> -> memref<32x128xi32, #tpu.memory_space<vmem_shared>>
      tpu.enqueue_dma source(%dma_start3A_259 : memref<32x128xi32, #tpu.memory_space<vmem_shared>>) target(%dma_start3A_255 : memref<32x128xi32, #tpu.memory_space<vmem>>) target_semaphore(%arg12 : memref<!tpu.dma_semaphore, #tpu.memory_space<semaphore_mem>>)
      %dma_wait3A_260 = arith.constant 0 : i32
      %dma_wait3A_261 = arith.constant 0 : i32
      %dma_wait3A_262 = arith.constant 0 : i32
      %dma_wait3A_263 = arith.constant 0 : i32
      %dma_wait3A_264 = arith.constant 0 : i32
      %dma_wait3A_265 = tpu.memref_slice %arg6[%dma_wait3A_262, %dma_wait3A_263, %dma_wait3A_264] : memref<4x32x128xi32, #tpu.memory_space<vmem>> -> memref<1x32x128xi32, #tpu.memory_space<vmem>>
      %dma_wait3A_266 = tpu.memref_squeeze %dma_wait3A_265 : memref<1x32x128xi32, #tpu.memory_space<vmem>> -> memref<32x128xi32, #tpu.memory_space<vmem>>
      %dma_wait3A_267 = arith.constant 0 : i32
      %dma_wait3A_268 = arith.constant 0 : i32
      %dma_wait3A_269 = tpu.memref_slice %arg8[%dma_wait3A_260, %dma_wait3A_267, %dma_wait3A_261, %dma_wait3A_268] : memref<2x32x8x128xi32, #tpu.memory_space<vmem_shared>> -> memref<1x32x1x128xi32, #tpu.memory_space<vmem_shared>>
      %dma_wait3A_270 = tpu.memref_squeeze %dma_wait3A_269 : memref<1x32x1x128xi32, #tpu.memory_space<vmem_shared>> -> memref<32x128xi32, #tpu.memory_space<vmem_shared>>
      %dma_wait3A_271 = arith.constant 0 : i32
      %dma_wait3A_272 = arith.constant 0 : i32
      %dma_wait3A_273 = tpu.memref_slice %arg6[%dma_wait3A_262, %dma_wait3A_271, %dma_wait3A_272] : memref<4x32x128xi32, #tpu.memory_space<vmem>> -> memref<1x32x128xi32, #tpu.memory_space<vmem>>
      %dma_wait3A_274 = tpu.memref_squeeze %dma_wait3A_273 : memref<1x32x128xi32, #tpu.memory_space<vmem>> -> memref<32x128xi32, #tpu.memory_space<vmem>>
      %dma_wait3A_275 = arith.constant 0 : i32
      %dma_wait3A_276 = arith.constant 0 : i32
      %dma_wait3A_277 = tpu.memref_slice %arg8[%dma_wait3A_260, %dma_wait3A_275, %dma_wait3A_261, %dma_wait3A_276] : memref<2x32x8x128xi32, #tpu.memory_space<vmem_shared>> -> memref<1x32x1x128xi32, #tpu.memory_space<vmem_shared>>
      %dma_wait3A_278 = tpu.memref_squeeze %dma_wait3A_277 : memref<1x32x1x128xi32, #tpu.memory_space<vmem_shared>> -> memref<32x128xi32, #tpu.memory_space<vmem_shared>>
      tpu.wait_dma2 semaphore(%arg9 : memref<!tpu.dma_semaphore, #tpu.memory_space<semaphore_mem>>) src(%dma_wait3A_278 : memref<32x128xi32, #tpu.memory_space<vmem_shared>>) dst(%dma_wait3A_274 : memref<32x128xi32, #tpu.memory_space<vmem>>)
      %ge3A = arith.constant 1 : i32
      %ge3A_279 = arith.cmpi sge, %scan3A_176, %ge3A : i32
      %convert_element_type3A_280 = arith.extui %ge3A_279 : i1 to i32
      %cond3A_281 = arith.constant 0 : i32
      %cond3A_282 = arith.cmpi ne, %convert_element_type3A_280, %cond3A_281 : i32
      scf.if %cond3A_282 {
        %dma_wait3A_1127 = arith.constant 0 : i32
        %dma_wait3A_1128 = arith.constant 0 : i32
        %dma_wait3A_1129 = arith.constant 0 : i32
        %dma_wait3A_1130 = arith.constant 0 : i32
        %dma_wait3A_1131 = arith.constant 0 : i32
        %dma_wait3A_1132 = arith.constant 0 : i32
        %dma_wait3A_1133 = tpu.memref_slice %arg7[%dma_wait3A_1127, %dma_wait3A_1131, %dma_wait3A_1132] : memref<2x32x128xf32, #tpu.memory_space<vmem>> -> memref<1x32x128xf32, #tpu.memory_space<vmem>>
        %dma_wait3A_1134 = tpu.memref_squeeze %dma_wait3A_1133 : memref<1x32x128xf32, #tpu.memory_space<vmem>> -> memref<32x128xf32, #tpu.memory_space<vmem>>
        %dma_wait3A_1135 = arith.constant 0 : i32
        %dma_wait3A_1136 = arith.constant 0 : i32
        %dma_wait3A_1137 = tpu.memref_slice %arg4[%dma_wait3A_1128, %dma_wait3A_1129, %dma_wait3A_1135, %dma_wait3A_1130, %dma_wait3A_1136] : memref<200x8x32x8x128xf32, #tpu.memory_space<hbm>> -> memref<1x1x32x1x128xf32, #tpu.memory_space<hbm>>
        %dma_wait3A_1138 = tpu.memref_squeeze %dma_wait3A_1137 : memref<1x1x32x1x128xf32, #tpu.memory_space<hbm>> -> memref<32x128xf32, #tpu.memory_space<hbm>>
        %dma_wait3A_1139 = arith.constant 0 : i32
        %dma_wait3A_1140 = arith.constant 0 : i32
        %dma_wait3A_1141 = tpu.memref_slice %arg4[%dma_wait3A_1128, %dma_wait3A_1129, %dma_wait3A_1139, %dma_wait3A_1130, %dma_wait3A_1140] : memref<200x8x32x8x128xf32, #tpu.memory_space<hbm>> -> memref<1x1x32x1x128xf32, #tpu.memory_space<hbm>>
        %dma_wait3A_1142 = tpu.memref_squeeze %dma_wait3A_1141 : memref<1x1x32x1x128xf32, #tpu.memory_space<hbm>> -> memref<32x128xf32, #tpu.memory_space<hbm>>
        %dma_wait3A_1143 = arith.constant 0 : i32
        %dma_wait3A_1144 = arith.constant 0 : i32
        %dma_wait3A_1145 = tpu.memref_slice %arg7[%dma_wait3A_1127, %dma_wait3A_1143, %dma_wait3A_1144] : memref<2x32x128xf32, #tpu.memory_space<vmem>> -> memref<1x32x128xf32, #tpu.memory_space<vmem>>
        %dma_wait3A_1146 = tpu.memref_squeeze %dma_wait3A_1145 : memref<1x32x128xf32, #tpu.memory_space<vmem>> -> memref<32x128xf32, #tpu.memory_space<vmem>>
        tpu.wait_dma2 semaphore(%arg13 : memref<!tpu.dma_semaphore, #tpu.memory_space<semaphore_mem>>) src(%dma_wait3A_1146 : memref<32x128xf32, #tpu.memory_space<vmem>>) dst(%dma_wait3A_1142 : memref<32x128xf32, #tpu.memory_space<hbm>>)
      } else {
      }
      %parallel_loop3A = arith.constant 0 : i32
      %parallel_loop3A_283 = arith.constant 4096 : i32
      %parallel_loop3A_284 = arith.constant 16 : i32
      scf.for %parallel_loop3A_1127 = %parallel_loop3A to %parallel_loop3A_283 step %parallel_loop3A_284  : i32 {
        %parallel_loop3A_1128 = arith.constant 128 : i32
        %parallel_loop3A_1129 = arith.divsi %parallel_loop3A_1127, %parallel_loop3A_1128 : i32
        %parallel_loop3A_1130 = arith.constant 0 : i32
        %parallel_loop3A_1131 = arith.cmpi sgt, %parallel_loop3A_1127, %parallel_loop3A_1130 : i32
        %parallel_loop3A_1132 = arith.extui %parallel_loop3A_1131 : i1 to i32
        %parallel_loop3A_1133 = arith.constant 0 : i32
        %parallel_loop3A_1134 = arith.cmpi slt, %parallel_loop3A_1127, %parallel_loop3A_1133 : i32
        %parallel_loop3A_1135 = arith.extui %parallel_loop3A_1134 : i1 to i32
        %parallel_loop3A_1136 = arith.subi %parallel_loop3A_1132, %parallel_loop3A_1135 : i32
        %parallel_loop3A_1137 = arith.constant 0 : i32
        %parallel_loop3A_1138 = arith.cmpi sgt, %parallel_loop3A_1128, %parallel_loop3A_1137 : i32
        %parallel_loop3A_1139 = arith.extui %parallel_loop3A_1138 : i1 to i32
        %parallel_loop3A_1140 = arith.constant 0 : i32
        %parallel_loop3A_1141 = arith.cmpi slt, %parallel_loop3A_1128, %parallel_loop3A_1140 : i32
        %parallel_loop3A_1142 = arith.extui %parallel_loop3A_1141 : i1 to i32
        %parallel_loop3A_1143 = arith.subi %parallel_loop3A_1139, %parallel_loop3A_1142 : i32
        %parallel_loop3A_1144 = arith.cmpi ne, %parallel_loop3A_1136, %parallel_loop3A_1143 : i32
        %parallel_loop3A_1145 = arith.remsi %parallel_loop3A_1127, %parallel_loop3A_1128 : i32
        %parallel_loop3A_1146 = arith.constant 0 : i32
        %parallel_loop3A_1147 = arith.cmpi ne, %parallel_loop3A_1145, %parallel_loop3A_1146 : i32
        %parallel_loop3A_1148 = arith.andi %parallel_loop3A_1144, %parallel_loop3A_1147 : i1
        %parallel_loop3A_1149 = arith.constant 1 : i32
        %parallel_loop3A_1150 = arith.subi %parallel_loop3A_1129, %parallel_loop3A_1149 : i32
        %parallel_loop3A_1151 = arith.select %parallel_loop3A_1148, %parallel_loop3A_1150, %parallel_loop3A_1129 : i32
        %parallel_loop3A_1152 = arith.constant 128 : i32
        %parallel_loop3A_1153 = arith.constant 0 : i32
        %parallel_loop3A_1154 = arith.cmpi eq, %parallel_loop3A_1152, %parallel_loop3A_1153 : i32
        %parallel_loop3A_1155 = arith.constant 1 : i32
        %parallel_loop3A_1156 = arith.select %parallel_loop3A_1154, %parallel_loop3A_1155, %parallel_loop3A_1152 : i32
        %parallel_loop3A_1157 = arith.remsi %parallel_loop3A_1127, %parallel_loop3A_1156 : i32
        %parallel_loop3A_1158 = arith.constant 0 : i32
        %parallel_loop3A_1159 = arith.cmpi ne, %parallel_loop3A_1157, %parallel_loop3A_1158 : i32
        %parallel_loop3A_1160 = arith.constant 0 : i32
        %parallel_loop3A_1161 = arith.cmpi slt, %parallel_loop3A_1157, %parallel_loop3A_1160 : i32
        %parallel_loop3A_1162 = arith.constant 0 : i32
        %parallel_loop3A_1163 = arith.cmpi slt, %parallel_loop3A_1156, %parallel_loop3A_1162 : i32
        %parallel_loop3A_1164 = arith.xori %parallel_loop3A_1161, %parallel_loop3A_1163 : i1
        %parallel_loop3A_1165 = arith.andi %parallel_loop3A_1164, %parallel_loop3A_1159 : i1
        %parallel_loop3A_1166 = arith.addi %parallel_loop3A_1157, %parallel_loop3A_1156 : i32
        %parallel_loop3A_1167 = arith.select %parallel_loop3A_1165, %parallel_loop3A_1166, %parallel_loop3A_1157 : i32
        %parallel_loop3A_1168 = arith.constant 0 : i32
        %parallel_loop3A_1169 = arith.index_cast %parallel_loop3A_1168 : i32 to index
        %parallel_loop3A_1170 = arith.index_cast %parallel_loop3A_1151 : i32 to index
        %parallel_loop3A_1171 = arith.index_cast %parallel_loop3A_1167 : i32 to index
        %parallel_loop3A_1172 = tpu.vector_load %arg6[%parallel_loop3A_1169, %parallel_loop3A_1170, %parallel_loop3A_1171] {strides = array<i32>} : memref<4x32x128xi32, #tpu.memory_space<vmem>>, vector<16xi32>,
        %parallel_loop3A_1173 = arith.constant 7 : i32
        %parallel_loop3A_1174 = vector.broadcast %parallel_loop3A_1173 : i32 to vector<16xi32>
        %parallel_loop3A_1175 = arith.shrsi %parallel_loop3A_1172, %parallel_loop3A_1174 : vector<16xi32>
        %parallel_loop3A_1176 = arith.constant 127 : i32
        %parallel_loop3A_1177 = vector.broadcast %parallel_loop3A_1176 : i32 to vector<16xi32>
        %parallel_loop3A_1178 = arith.andi %parallel_loop3A_1172, %parallel_loop3A_1177 : vector<16xi32>
        %parallel_loop3A_1179 = tpu.vector_load_idx %arg5[%parallel_loop3A_1175, %parallel_loop3A_1178] : memref<782x128xf32, #tpu.memory_space<vmem>>[vector<16xi32>, vector<16xi32>], vector<16xf32>,
        %parallel_loop3A_1180 = arith.constant 128 : i32
        %parallel_loop3A_1181 = arith.divsi %parallel_loop3A_1127, %parallel_loop3A_1180 : i32
        %parallel_loop3A_1182 = arith.constant 0 : i32
        %parallel_loop3A_1183 = arith.cmpi sgt, %parallel_loop3A_1127, %parallel_loop3A_1182 : i32
        %parallel_loop3A_1184 = arith.extui %parallel_loop3A_1183 : i1 to i32
        %parallel_loop3A_1185 = arith.constant 0 : i32
        %parallel_loop3A_1186 = arith.cmpi slt, %parallel_loop3A_1127, %parallel_loop3A_1185 : i32
        %parallel_loop3A_1187 = arith.extui %parallel_loop3A_1186 : i1 to i32
        %parallel_loop3A_1188 = arith.subi %parallel_loop3A_1184, %parallel_loop3A_1187 : i32
        %parallel_loop3A_1189 = arith.constant 0 : i32
        %parallel_loop3A_1190 = arith.cmpi sgt, %parallel_loop3A_1180, %parallel_loop3A_1189 : i32
        %parallel_loop3A_1191 = arith.extui %parallel_loop3A_1190 : i1 to i32
        %parallel_loop3A_1192 = arith.constant 0 : i32
        %parallel_loop3A_1193 = arith.cmpi slt, %parallel_loop3A_1180, %parallel_loop3A_1192 : i32
        %parallel_loop3A_1194 = arith.extui %parallel_loop3A_1193 : i1 to i32
        %parallel_loop3A_1195 = arith.subi %parallel_loop3A_1191, %parallel_loop3A_1194 : i32
        %parallel_loop3A_1196 = arith.cmpi ne, %parallel_loop3A_1188, %parallel_loop3A_1195 : i32
        %parallel_loop3A_1197 = arith.remsi %parallel_loop3A_1127, %parallel_loop3A_1180 : i32
        %parallel_loop3A_1198 = arith.constant 0 : i32
        %parallel_loop3A_1199 = arith.cmpi ne, %parallel_loop3A_1197, %parallel_loop3A_1198 : i32
        %parallel_loop3A_1200 = arith.andi %parallel_loop3A_1196, %parallel_loop3A_1199 : i1
        %parallel_loop3A_1201 = arith.constant 1 : i32
        %parallel_loop3A_1202 = arith.subi %parallel_loop3A_1181, %parallel_loop3A_1201 : i32
        %parallel_loop3A_1203 = arith.select %parallel_loop3A_1200, %parallel_loop3A_1202, %parallel_loop3A_1181 : i32
        %parallel_loop3A_1204 = arith.constant 128 : i32
        %parallel_loop3A_1205 = arith.constant 0 : i32
        %parallel_loop3A_1206 = arith.cmpi eq, %parallel_loop3A_1204, %parallel_loop3A_1205 : i32
        %parallel_loop3A_1207 = arith.constant 1 : i32
        %parallel_loop3A_1208 = arith.select %parallel_loop3A_1206, %parallel_loop3A_1207, %parallel_loop3A_1204 : i32
        %parallel_loop3A_1209 = arith.remsi %parallel_loop3A_1127, %parallel_loop3A_1208 : i32
        %parallel_loop3A_1210 = arith.constant 0 : i32
        %parallel_loop3A_1211 = arith.cmpi ne, %parallel_loop3A_1209, %parallel_loop3A_1210 : i32
        %parallel_loop3A_1212 = arith.constant 0 : i32
        %parallel_loop3A_1213 = arith.cmpi slt, %parallel_loop3A_1209, %parallel_loop3A_1212 : i32
        %parallel_loop3A_1214 = arith.constant 0 : i32
        %parallel_loop3A_1215 = arith.cmpi slt, %parallel_loop3A_1208, %parallel_loop3A_1214 : i32
        %parallel_loop3A_1216 = arith.xori %parallel_loop3A_1213, %parallel_loop3A_1215 : i1
        %parallel_loop3A_1217 = arith.andi %parallel_loop3A_1216, %parallel_loop3A_1211 : i1
        %parallel_loop3A_1218 = arith.addi %parallel_loop3A_1209, %parallel_loop3A_1208 : i32
        %parallel_loop3A_1219 = arith.select %parallel_loop3A_1217, %parallel_loop3A_1218, %parallel_loop3A_1209 : i32
        %parallel_loop3A_1220 = arith.constant 0 : i32
        %parallel_loop3A_1221 = arith.index_cast %parallel_loop3A_1220 : i32 to index
        %parallel_loop3A_1222 = arith.index_cast %parallel_loop3A_1203 : i32 to index
        %parallel_loop3A_1223 = arith.index_cast %parallel_loop3A_1219 : i32 to index
        %parallel_loop3A_1224 = tpu.vector_load %arg7[%parallel_loop3A_1221, %parallel_loop3A_1222, %parallel_loop3A_1223] {strides = array<i32>} : memref<2x32x128xf32, #tpu.memory_space<vmem>>, vector<16xf32>,
        tpu.vector_store %arg7[%parallel_loop3A_1221, %parallel_loop3A_1222, %parallel_loop3A_1223], %parallel_loop3A_1179 {strides = array<i32>} : memref<2x32x128xf32, #tpu.memory_space<vmem>>, vector<16xf32>,
      } {sc.loop_unroll_factor = 16 : i64, sc.parallel_access}
      %jit3A_285 = arith.constant 8 : i32
      %div3A_286 = arith.divsi %add3A_5, %jit3A_285 : i32
      %sign3A_287 = arith.constant 0 : i32
      %sign3A_288 = arith.cmpi sgt, %add3A_5, %sign3A_287 : i32
      %sign3A_289 = arith.extui %sign3A_288 : i1 to i32
      %sign3A_290 = arith.constant 0 : i32
      %sign3A_291 = arith.cmpi slt, %add3A_5, %sign3A_290 : i32
      %sign3A_292 = arith.extui %sign3A_291 : i1 to i32
      %sign3A_293 = arith.subi %sign3A_289, %sign3A_292 : i32
      %sign3A_294 = arith.constant 0 : i32
      %sign3A_295 = arith.cmpi sgt, %jit3A_285, %sign3A_294 : i32
      %sign3A_296 = arith.extui %sign3A_295 : i1 to i32
      %sign3A_297 = arith.constant 0 : i32
      %sign3A_298 = arith.cmpi slt, %jit3A_285, %sign3A_297 : i32
      %sign3A_299 = arith.extui %sign3A_298 : i1 to i32
      %sign3A_300 = arith.subi %sign3A_296, %sign3A_299 : i32
      %ne3A_301 = arith.cmpi ne, %sign3A_293, %sign3A_300 : i32
      %rem3A_302 = arith.remsi %add3A_5, %jit3A_285 : i32
      %ne3A_303 = arith.constant 0 : i32
      %ne3A_304 = arith.cmpi ne, %rem3A_302, %ne3A_303 : i32
      %and3A_305 = arith.andi %ne3A_301, %ne3A_304 : i1
      %sub3A_306 = arith.constant 1 : i32
      %sub3A_307 = arith.subi %div3A_286, %sub3A_306 : i32
      %select_n3A_308 = arith.select %and3A_305, %sub3A_307, %div3A_286 : i32
      %jit3A_309 = arith.constant 8 : i32
      %eq3A_310 = arith.constant 0 : i32
      %eq3A_311 = arith.cmpi eq, %jit3A_309, %eq3A_310 : i32
      %jit3A_312 = arith.constant 1 : i32
      %select_n3A_313 = arith.select %eq3A_311, %jit3A_312, %jit3A_309 : i32
      %rem3A_314 = arith.remsi %add3A_5, %select_n3A_313 : i32
      %ne3A_315 = arith.constant 0 : i32
      %ne3A_316 = arith.cmpi ne, %rem3A_314, %ne3A_315 : i32
      %lt3A_317 = arith.constant 0 : i32
      %lt3A_318 = arith.cmpi slt, %rem3A_314, %lt3A_317 : i32
      %lt3A_319 = arith.constant 0 : i32
      %lt3A_320 = arith.cmpi slt, %select_n3A_313, %lt3A_319 : i32
      %ne3A_321 = arith.xori %lt3A_318, %lt3A_320 : i1
      %and3A_322 = arith.andi %ne3A_321, %ne3A_316 : i1
      %add3A_323 = arith.addi %rem3A_314, %select_n3A_313 : i32
      %select_n3A_324 = arith.select %and3A_322, %add3A_323, %rem3A_314 : i32
      %dma_start3A_325 = arith.constant 0 : i32
      %dma_start3A_326 = arith.constant 0 : i32
      %dma_start3A_327 = arith.constant 0 : i32
      %dma_start3A_328 = tpu.memref_slice %arg7[%dma_start3A_325, %dma_start3A_326, %dma_start3A_327] : memref<2x32x128xf32, #tpu.memory_space<vmem>> -> memref<1x32x128xf32, #tpu.memory_space<vmem>>
      %dma_start3A_329 = tpu.memref_squeeze %dma_start3A_328 : memref<1x32x128xf32, #tpu.memory_space<vmem>> -> memref<32x128xf32, #tpu.memory_space<vmem>>
      %dma_start3A_330 = arith.constant 0 : i32
      %dma_start3A_331 = arith.constant 0 : i32
      %dma_start3A_332 = tpu.memref_slice %arg4[%add3A_241, %select_n3A_308, %dma_start3A_330, %select_n3A_324, %dma_start3A_331] : memref<200x8x32x8x128xf32, #tpu.memory_space<hbm>> -> memref<1x1x32x1x128xf32, #tpu.memory_space<hbm>>
      %dma_start3A_333 = tpu.memref_squeeze %dma_start3A_332 : memref<1x1x32x1x128xf32, #tpu.memory_space<hbm>> -> memref<32x128xf32, #tpu.memory_space<hbm>>
      %dma_start3A_334 = arith.constant 0 : i32
      %dma_start3A_335 = arith.constant 0 : i32
      %dma_start3A_336 = tpu.memref_slice %arg4[%add3A_241, %select_n3A_308, %dma_start3A_334, %select_n3A_324, %dma_start3A_335] : memref<200x8x32x8x128xf32, #tpu.memory_space<hbm>> -> memref<1x1x32x1x128xf32, #tpu.memory_space<hbm>>
      %dma_start3A_337 = tpu.memref_squeeze %dma_start3A_336 : memref<1x1x32x1x128xf32, #tpu.memory_space<hbm>> -> memref<32x128xf32, #tpu.memory_space<hbm>>
      %dma_start3A_338 = arith.constant 0 : i32
      %dma_start3A_339 = arith.constant 0 : i32
      %dma_start3A_340 = tpu.memref_slice %arg7[%dma_start3A_325, %dma_start3A_338, %dma_start3A_339] : memref<2x32x128xf32, #tpu.memory_space<vmem>> -> memref<1x32x128xf32, #tpu.memory_space<vmem>>
      %dma_start3A_341 = tpu.memref_squeeze %dma_start3A_340 : memref<1x32x128xf32, #tpu.memory_space<vmem>> -> memref<32x128xf32, #tpu.memory_space<vmem>>
      tpu.enqueue_dma source(%dma_start3A_341 : memref<32x128xf32, #tpu.memory_space<vmem>>) target(%dma_start3A_337 : memref<32x128xf32, #tpu.memory_space<hbm>>) target_semaphore(%arg13 : memref<!tpu.dma_semaphore, #tpu.memory_space<semaphore_mem>>)
      %mul3A_342 = arith.constant 8 : i32
      %mul3A_343 = arith.muli %scan3A_176, %mul3A_342 : i32
      %add3A_344 = arith.constant 1 : i32
      %add3A_345 = arith.addi %mul3A_343, %add3A_344 : i32
      %dma_start3A_346 = arith.constant 4 : i32
      %dma_start3A_347 = arith.constant 0 : i32
      %dma_start3A_348 = arith.constant 0 : i32
      %dma_start3A_349 = arith.constant 0 : i32
      %dma_start3A_350 = tpu.memref_slice %arg6[%dma_start3A_347, %dma_start3A_348, %dma_start3A_349] : memref<4x32x128xi32, #tpu.memory_space<vmem>> -> memref<1x32x128xi32, #tpu.memory_space<vmem>>
      %dma_start3A_351 = tpu.memref_squeeze %dma_start3A_350 : memref<1x32x128xi32, #tpu.memory_space<vmem>> -> memref<32x128xi32, #tpu.memory_space<vmem>>
      %dma_start3A_352 = arith.constant 0 : i32
      %dma_start3A_353 = arith.constant 0 : i32
      %dma_start3A_354 = tpu.memref_slice %arg8[%rem3A_178, %dma_start3A_352, %dma_start3A_346, %dma_start3A_353] : memref<2x32x8x128xi32, #tpu.memory_space<vmem_shared>> -> memref<1x32x1x128xi32, #tpu.memory_space<vmem_shared>>
      %dma_start3A_355 = tpu.memref_squeeze %dma_start3A_354 : memref<1x32x1x128xi32, #tpu.memory_space<vmem_shared>> -> memref<32x128xi32, #tpu.memory_space<vmem_shared>>
      %dma_start3A_356 = arith.constant 0 : i32
      %dma_start3A_357 = arith.constant 0 : i32
      %dma_start3A_358 = tpu.memref_slice %arg6[%dma_start3A_347, %dma_start3A_356, %dma_start3A_357] : memref<4x32x128xi32, #tpu.memory_space<vmem>> -> memref<1x32x128xi32, #tpu.memory_space<vmem>>
      %dma_start3A_359 = tpu.memref_squeeze %dma_start3A_358 : memref<1x32x128xi32, #tpu.memory_space<vmem>> -> memref<32x128xi32, #tpu.memory_space<vmem>>
      %dma_start3A_360 = arith.constant 0 : i32
      %dma_start3A_361 = arith.constant 0 : i32
      %dma_start3A_362 = tpu.memref_slice %arg8[%rem3A_178, %dma_start3A_360, %dma_start3A_346, %dma_start3A_361] : memref<2x32x8x128xi32, #tpu.memory_space<vmem_shared>> -> memref<1x32x1x128xi32, #tpu.memory_space<vmem_shared>>
      %dma_start3A_363 = tpu.memref_squeeze %dma_start3A_362 : memref<1x32x1x128xi32, #tpu.memory_space<vmem_shared>> -> memref<32x128xi32, #tpu.memory_space<vmem_shared>>
      tpu.enqueue_dma source(%dma_start3A_363 : memref<32x128xi32, #tpu.memory_space<vmem_shared>>) target(%dma_start3A_359 : memref<32x128xi32, #tpu.memory_space<vmem>>) target_semaphore(%arg9 : memref<!tpu.dma_semaphore, #tpu.memory_space<semaphore_mem>>)
      %dma_wait3A_364 = arith.constant 0 : i32
      %dma_wait3A_365 = arith.constant 0 : i32
      %dma_wait3A_366 = arith.constant 1 : i32
      %dma_wait3A_367 = arith.constant 0 : i32
      %dma_wait3A_368 = arith.constant 0 : i32
      %dma_wait3A_369 = tpu.memref_slice %arg6[%dma_wait3A_366, %dma_wait3A_367, %dma_wait3A_368] : memref<4x32x128xi32, #tpu.memory_space<vmem>> -> memref<1x32x128xi32, #tpu.memory_space<vmem>>
      %dma_wait3A_370 = tpu.memref_squeeze %dma_wait3A_369 : memref<1x32x128xi32, #tpu.memory_space<vmem>> -> memref<32x128xi32, #tpu.memory_space<vmem>>
      %dma_wait3A_371 = arith.constant 0 : i32
      %dma_wait3A_372 = arith.constant 0 : i32
      %dma_wait3A_373 = tpu.memref_slice %arg8[%dma_wait3A_364, %dma_wait3A_371, %dma_wait3A_365, %dma_wait3A_372] : memref<2x32x8x128xi32, #tpu.memory_space<vmem_shared>> -> memref<1x32x1x128xi32, #tpu.memory_space<vmem_shared>>
      %dma_wait3A_374 = tpu.memref_squeeze %dma_wait3A_373 : memref<1x32x1x128xi32, #tpu.memory_space<vmem_shared>> -> memref<32x128xi32, #tpu.memory_space<vmem_shared>>
      %dma_wait3A_375 = arith.constant 0 : i32
      %dma_wait3A_376 = arith.constant 0 : i32
      %dma_wait3A_377 = tpu.memref_slice %arg6[%dma_wait3A_366, %dma_wait3A_375, %dma_wait3A_376] : memref<4x32x128xi32, #tpu.memory_space<vmem>> -> memref<1x32x128xi32, #tpu.memory_space<vmem>>
      %dma_wait3A_378 = tpu.memref_squeeze %dma_wait3A_377 : memref<1x32x128xi32, #tpu.memory_space<vmem>> -> memref<32x128xi32, #tpu.memory_space<vmem>>
      %dma_wait3A_379 = arith.constant 0 : i32
      %dma_wait3A_380 = arith.constant 0 : i32
      %dma_wait3A_381 = tpu.memref_slice %arg8[%dma_wait3A_364, %dma_wait3A_379, %dma_wait3A_365, %dma_wait3A_380] : memref<2x32x8x128xi32, #tpu.memory_space<vmem_shared>> -> memref<1x32x1x128xi32, #tpu.memory_space<vmem_shared>>
      %dma_wait3A_382 = tpu.memref_squeeze %dma_wait3A_381 : memref<1x32x1x128xi32, #tpu.memory_space<vmem_shared>> -> memref<32x128xi32, #tpu.memory_space<vmem_shared>>
      tpu.wait_dma2 semaphore(%arg10 : memref<!tpu.dma_semaphore, #tpu.memory_space<semaphore_mem>>) src(%dma_wait3A_382 : memref<32x128xi32, #tpu.memory_space<vmem_shared>>) dst(%dma_wait3A_378 : memref<32x128xi32, #tpu.memory_space<vmem>>)
      %ge3A_383 = arith.constant 1 : i32
      %ge3A_384 = arith.cmpi sge, %scan3A_176, %ge3A_383 : i32
      %convert_element_type3A_385 = arith.extui %ge3A_384 : i1 to i32
      %cond3A_386 = arith.constant 0 : i32
      %cond3A_387 = arith.cmpi ne, %convert_element_type3A_385, %cond3A_386 : i32
      scf.if %cond3A_387 {
        %dma_wait3A_1127 = arith.constant 1 : i32
        %dma_wait3A_1128 = arith.constant 0 : i32
        %dma_wait3A_1129 = arith.constant 0 : i32
        %dma_wait3A_1130 = arith.constant 0 : i32
        %dma_wait3A_1131 = arith.constant 0 : i32
        %dma_wait3A_1132 = arith.constant 0 : i32
        %dma_wait3A_1133 = tpu.memref_slice %arg7[%dma_wait3A_1127, %dma_wait3A_1131, %dma_wait3A_1132] : memref<2x32x128xf32, #tpu.memory_space<vmem>> -> memref<1x32x128xf32, #tpu.memory_space<vmem>>
        %dma_wait3A_1134 = tpu.memref_squeeze %dma_wait3A_1133 : memref<1x32x128xf32, #tpu.memory_space<vmem>> -> memref<32x128xf32, #tpu.memory_space<vmem>>
        %dma_wait3A_1135 = arith.constant 0 : i32
        %dma_wait3A_1136 = arith.constant 0 : i32
        %dma_wait3A_1137 = tpu.memref_slice %arg4[%dma_wait3A_1128, %dma_wait3A_1129, %dma_wait3A_1135, %dma_wait3A_1130, %dma_wait3A_1136] : memref<200x8x32x8x128xf32, #tpu.memory_space<hbm>> -> memref<1x1x32x1x128xf32, #tpu.memory_space<hbm>>
        %dma_wait3A_1138 = tpu.memref_squeeze %dma_wait3A_1137 : memref<1x1x32x1x128xf32, #tpu.memory_space<hbm>> -> memref<32x128xf32, #tpu.memory_space<hbm>>
        %dma_wait3A_1139 = arith.constant 0 : i32
        %dma_wait3A_1140 = arith.constant 0 : i32
        %dma_wait3A_1141 = tpu.memref_slice %arg4[%dma_wait3A_1128, %dma_wait3A_1129, %dma_wait3A_1139, %dma_wait3A_1130, %dma_wait3A_1140] : memref<200x8x32x8x128xf32, #tpu.memory_space<hbm>> -> memref<1x1x32x1x128xf32, #tpu.memory_space<hbm>>
        %dma_wait3A_1142 = tpu.memref_squeeze %dma_wait3A_1141 : memref<1x1x32x1x128xf32, #tpu.memory_space<hbm>> -> memref<32x128xf32, #tpu.memory_space<hbm>>
        %dma_wait3A_1143 = arith.constant 0 : i32
        %dma_wait3A_1144 = arith.constant 0 : i32
        %dma_wait3A_1145 = tpu.memref_slice %arg7[%dma_wait3A_1127, %dma_wait3A_1143, %dma_wait3A_1144] : memref<2x32x128xf32, #tpu.memory_space<vmem>> -> memref<1x32x128xf32, #tpu.memory_space<vmem>>
        %dma_wait3A_1146 = tpu.memref_squeeze %dma_wait3A_1145 : memref<1x32x128xf32, #tpu.memory_space<vmem>> -> memref<32x128xf32, #tpu.memory_space<vmem>>
        tpu.wait_dma2 semaphore(%arg14 : memref<!tpu.dma_semaphore, #tpu.memory_space<semaphore_mem>>) src(%dma_wait3A_1146 : memref<32x128xf32, #tpu.memory_space<vmem>>) dst(%dma_wait3A_1142 : memref<32x128xf32, #tpu.memory_space<hbm>>)
      } else {
      }
      %parallel_loop3A_388 = arith.constant 0 : i32
      %parallel_loop3A_389 = arith.constant 4096 : i32
      %parallel_loop3A_390 = arith.constant 16 : i32
      scf.for %parallel_loop3A_1127 = %parallel_loop3A_388 to %parallel_loop3A_389 step %parallel_loop3A_390  : i32 {
        %parallel_loop3A_1128 = arith.constant 128 : i32
        %parallel_loop3A_1129 = arith.divsi %parallel_loop3A_1127, %parallel_loop3A_1128 : i32
        %parallel_loop3A_1130 = arith.constant 0 : i32
        %parallel_loop3A_1131 = arith.cmpi sgt, %parallel_loop3A_1127, %parallel_loop3A_1130 : i32
        %parallel_loop3A_1132 = arith.extui %parallel_loop3A_1131 : i1 to i32
        %parallel_loop3A_1133 = arith.constant 0 : i32
        %parallel_loop3A_1134 = arith.cmpi slt, %parallel_loop3A_1127, %parallel_loop3A_1133 : i32
        %parallel_loop3A_1135 = arith.extui %parallel_loop3A_1134 : i1 to i32
        %parallel_loop3A_1136 = arith.subi %parallel_loop3A_1132, %parallel_loop3A_1135 : i32
        %parallel_loop3A_1137 = arith.constant 0 : i32
        %parallel_loop3A_1138 = arith.cmpi sgt, %parallel_loop3A_1128, %parallel_loop3A_1137 : i32
        %parallel_loop3A_1139 = arith.extui %parallel_loop3A_1138 : i1 to i32
        %parallel_loop3A_1140 = arith.constant 0 : i32
        %parallel_loop3A_1141 = arith.cmpi slt, %parallel_loop3A_1128, %parallel_loop3A_1140 : i32
        %parallel_loop3A_1142 = arith.extui %parallel_loop3A_1141 : i1 to i32
        %parallel_loop3A_1143 = arith.subi %parallel_loop3A_1139, %parallel_loop3A_1142 : i32
        %parallel_loop3A_1144 = arith.cmpi ne, %parallel_loop3A_1136, %parallel_loop3A_1143 : i32
        %parallel_loop3A_1145 = arith.remsi %parallel_loop3A_1127, %parallel_loop3A_1128 : i32
        %parallel_loop3A_1146 = arith.constant 0 : i32
        %parallel_loop3A_1147 = arith.cmpi ne, %parallel_loop3A_1145, %parallel_loop3A_1146 : i32
        %parallel_loop3A_1148 = arith.andi %parallel_loop3A_1144, %parallel_loop3A_1147 : i1
        %parallel_loop3A_1149 = arith.constant 1 : i32
        %parallel_loop3A_1150 = arith.subi %parallel_loop3A_1129, %parallel_loop3A_1149 : i32
        %parallel_loop3A_1151 = arith.select %parallel_loop3A_1148, %parallel_loop3A_1150, %parallel_loop3A_1129 : i32
        %parallel_loop3A_1152 = arith.constant 128 : i32
        %parallel_loop3A_1153 = arith.constant 0 : i32
        %parallel_loop3A_1154 = arith.cmpi eq, %parallel_loop3A_1152, %parallel_loop3A_1153 : i32
        %parallel_loop3A_1155 = arith.constant 1 : i32
        %parallel_loop3A_1156 = arith.select %parallel_loop3A_1154, %parallel_loop3A_1155, %parallel_loop3A_1152 : i32
        %parallel_loop3A_1157 = arith.remsi %parallel_loop3A_1127, %parallel_loop3A_1156 : i32
        %parallel_loop3A_1158 = arith.constant 0 : i32
        %parallel_loop3A_1159 = arith.cmpi ne, %parallel_loop3A_1157, %parallel_loop3A_1158 : i32
        %parallel_loop3A_1160 = arith.constant 0 : i32
        %parallel_loop3A_1161 = arith.cmpi slt, %parallel_loop3A_1157, %parallel_loop3A_1160 : i32
        %parallel_loop3A_1162 = arith.constant 0 : i32
        %parallel_loop3A_1163 = arith.cmpi slt, %parallel_loop3A_1156, %parallel_loop3A_1162 : i32
        %parallel_loop3A_1164 = arith.xori %parallel_loop3A_1161, %parallel_loop3A_1163 : i1
        %parallel_loop3A_1165 = arith.andi %parallel_loop3A_1164, %parallel_loop3A_1159 : i1
        %parallel_loop3A_1166 = arith.addi %parallel_loop3A_1157, %parallel_loop3A_1156 : i32
        %parallel_loop3A_1167 = arith.select %parallel_loop3A_1165, %parallel_loop3A_1166, %parallel_loop3A_1157 : i32
        %parallel_loop3A_1168 = arith.constant 1 : i32
        %parallel_loop3A_1169 = arith.index_cast %parallel_loop3A_1168 : i32 to index
        %parallel_loop3A_1170 = arith.index_cast %parallel_loop3A_1151 : i32 to index
        %parallel_loop3A_1171 = arith.index_cast %parallel_loop3A_1167 : i32 to index
        %parallel_loop3A_1172 = tpu.vector_load %arg6[%parallel_loop3A_1169, %parallel_loop3A_1170, %parallel_loop3A_1171] {strides = array<i32>} : memref<4x32x128xi32, #tpu.memory_space<vmem>>, vector<16xi32>,
        %parallel_loop3A_1173 = arith.constant 7 : i32
        %parallel_loop3A_1174 = vector.broadcast %parallel_loop3A_1173 : i32 to vector<16xi32>
        %parallel_loop3A_1175 = arith.shrsi %parallel_loop3A_1172, %parallel_loop3A_1174 : vector<16xi32>
        %parallel_loop3A_1176 = arith.constant 127 : i32
        %parallel_loop3A_1177 = vector.broadcast %parallel_loop3A_1176 : i32 to vector<16xi32>
        %parallel_loop3A_1178 = arith.andi %parallel_loop3A_1172, %parallel_loop3A_1177 : vector<16xi32>
        %parallel_loop3A_1179 = tpu.vector_load_idx %arg5[%parallel_loop3A_1175, %parallel_loop3A_1178] : memref<782x128xf32, #tpu.memory_space<vmem>>[vector<16xi32>, vector<16xi32>], vector<16xf32>,
        %parallel_loop3A_1180 = arith.constant 128 : i32
        %parallel_loop3A_1181 = arith.divsi %parallel_loop3A_1127, %parallel_loop3A_1180 : i32
        %parallel_loop3A_1182 = arith.constant 0 : i32
        %parallel_loop3A_1183 = arith.cmpi sgt, %parallel_loop3A_1127, %parallel_loop3A_1182 : i32
        %parallel_loop3A_1184 = arith.extui %parallel_loop3A_1183 : i1 to i32
        %parallel_loop3A_1185 = arith.constant 0 : i32
        %parallel_loop3A_1186 = arith.cmpi slt, %parallel_loop3A_1127, %parallel_loop3A_1185 : i32
        %parallel_loop3A_1187 = arith.extui %parallel_loop3A_1186 : i1 to i32
        %parallel_loop3A_1188 = arith.subi %parallel_loop3A_1184, %parallel_loop3A_1187 : i32
        %parallel_loop3A_1189 = arith.constant 0 : i32
        %parallel_loop3A_1190 = arith.cmpi sgt, %parallel_loop3A_1180, %parallel_loop3A_1189 : i32
        %parallel_loop3A_1191 = arith.extui %parallel_loop3A_1190 : i1 to i32
        %parallel_loop3A_1192 = arith.constant 0 : i32
        %parallel_loop3A_1193 = arith.cmpi slt, %parallel_loop3A_1180, %parallel_loop3A_1192 : i32
        %parallel_loop3A_1194 = arith.extui %parallel_loop3A_1193 : i1 to i32
        %parallel_loop3A_1195 = arith.subi %parallel_loop3A_1191, %parallel_loop3A_1194 : i32
        %parallel_loop3A_1196 = arith.cmpi ne, %parallel_loop3A_1188, %parallel_loop3A_1195 : i32
        %parallel_loop3A_1197 = arith.remsi %parallel_loop3A_1127, %parallel_loop3A_1180 : i32
        %parallel_loop3A_1198 = arith.constant 0 : i32
        %parallel_loop3A_1199 = arith.cmpi ne, %parallel_loop3A_1197, %parallel_loop3A_1198 : i32
        %parallel_loop3A_1200 = arith.andi %parallel_loop3A_1196, %parallel_loop3A_1199 : i1
        %parallel_loop3A_1201 = arith.constant 1 : i32
        %parallel_loop3A_1202 = arith.subi %parallel_loop3A_1181, %parallel_loop3A_1201 : i32
        %parallel_loop3A_1203 = arith.select %parallel_loop3A_1200, %parallel_loop3A_1202, %parallel_loop3A_1181 : i32
        %parallel_loop3A_1204 = arith.constant 128 : i32
        %parallel_loop3A_1205 = arith.constant 0 : i32
        %parallel_loop3A_1206 = arith.cmpi eq, %parallel_loop3A_1204, %parallel_loop3A_1205 : i32
        %parallel_loop3A_1207 = arith.constant 1 : i32
        %parallel_loop3A_1208 = arith.select %parallel_loop3A_1206, %parallel_loop3A_1207, %parallel_loop3A_1204 : i32
        %parallel_loop3A_1209 = arith.remsi %parallel_loop3A_1127, %parallel_loop3A_1208 : i32
        %parallel_loop3A_1210 = arith.constant 0 : i32
        %parallel_loop3A_1211 = arith.cmpi ne, %parallel_loop3A_1209, %parallel_loop3A_1210 : i32
        %parallel_loop3A_1212 = arith.constant 0 : i32
        %parallel_loop3A_1213 = arith.cmpi slt, %parallel_loop3A_1209, %parallel_loop3A_1212 : i32
        %parallel_loop3A_1214 = arith.constant 0 : i32
        %parallel_loop3A_1215 = arith.cmpi slt, %parallel_loop3A_1208, %parallel_loop3A_1214 : i32
        %parallel_loop3A_1216 = arith.xori %parallel_loop3A_1213, %parallel_loop3A_1215 : i1
        %parallel_loop3A_1217 = arith.andi %parallel_loop3A_1216, %parallel_loop3A_1211 : i1
        %parallel_loop3A_1218 = arith.addi %parallel_loop3A_1209, %parallel_loop3A_1208 : i32
        %parallel_loop3A_1219 = arith.select %parallel_loop3A_1217, %parallel_loop3A_1218, %parallel_loop3A_1209 : i32
        %parallel_loop3A_1220 = arith.constant 1 : i32
        %parallel_loop3A_1221 = arith.index_cast %parallel_loop3A_1220 : i32 to index
        %parallel_loop3A_1222 = arith.index_cast %parallel_loop3A_1203 : i32 to index
        %parallel_loop3A_1223 = arith.index_cast %parallel_loop3A_1219 : i32 to index
        %parallel_loop3A_1224 = tpu.vector_load %arg7[%parallel_loop3A_1221, %parallel_loop3A_1222, %parallel_loop3A_1223] {strides = array<i32>} : memref<2x32x128xf32, #tpu.memory_space<vmem>>, vector<16xf32>,
        tpu.vector_store %arg7[%parallel_loop3A_1221, %parallel_loop3A_1222, %parallel_loop3A_1223], %parallel_loop3A_1179 {strides = array<i32>} : memref<2x32x128xf32, #tpu.memory_space<vmem>>, vector<16xf32>,
      } {sc.loop_unroll_factor = 16 : i64, sc.parallel_access}
      %jit3A_391 = arith.constant 8 : i32
      %div3A_392 = arith.divsi %add3A_5, %jit3A_391 : i32
      %sign3A_393 = arith.constant 0 : i32
      %sign3A_394 = arith.cmpi sgt, %add3A_5, %sign3A_393 : i32
      %sign3A_395 = arith.extui %sign3A_394 : i1 to i32
      %sign3A_396 = arith.constant 0 : i32
      %sign3A_397 = arith.cmpi slt, %add3A_5, %sign3A_396 : i32
      %sign3A_398 = arith.extui %sign3A_397 : i1 to i32
      %sign3A_399 = arith.subi %sign3A_395, %sign3A_398 : i32
      %sign3A_400 = arith.constant 0 : i32
      %sign3A_401 = arith.cmpi sgt, %jit3A_391, %sign3A_400 : i32
      %sign3A_402 = arith.extui %sign3A_401 : i1 to i32
      %sign3A_403 = arith.constant 0 : i32
      %sign3A_404 = arith.cmpi slt, %jit3A_391, %sign3A_403 : i32
      %sign3A_405 = arith.extui %sign3A_404 : i1 to i32
      %sign3A_406 = arith.subi %sign3A_402, %sign3A_405 : i32
      %ne3A_407 = arith.cmpi ne, %sign3A_399, %sign3A_406 : i32
      %rem3A_408 = arith.remsi %add3A_5, %jit3A_391 : i32
      %ne3A_409 = arith.constant 0 : i32
      %ne3A_410 = arith.cmpi ne, %rem3A_408, %ne3A_409 : i32
      %and3A_411 = arith.andi %ne3A_407, %ne3A_410 : i1
      %sub3A_412 = arith.constant 1 : i32
      %sub3A_413 = arith.subi %div3A_392, %sub3A_412 : i32
      %select_n3A_414 = arith.select %and3A_411, %sub3A_413, %div3A_392 : i32
      %jit3A_415 = arith.constant 8 : i32
      %eq3A_416 = arith.constant 0 : i32
      %eq3A_417 = arith.cmpi eq, %jit3A_415, %eq3A_416 : i32
      %jit3A_418 = arith.constant 1 : i32
      %select_n3A_419 = arith.select %eq3A_417, %jit3A_418, %jit3A_415 : i32
      %rem3A_420 = arith.remsi %add3A_5, %select_n3A_419 : i32
      %ne3A_421 = arith.constant 0 : i32
      %ne3A_422 = arith.cmpi ne, %rem3A_420, %ne3A_421 : i32
      %lt3A_423 = arith.constant 0 : i32
      %lt3A_424 = arith.cmpi slt, %rem3A_420, %lt3A_423 : i32
      %lt3A_425 = arith.constant 0 : i32
      %lt3A_426 = arith.cmpi slt, %select_n3A_419, %lt3A_425 : i32
      %ne3A_427 = arith.xori %lt3A_424, %lt3A_426 : i1
      %and3A_428 = arith.andi %ne3A_427, %ne3A_422 : i1
      %add3A_429 = arith.addi %rem3A_420, %select_n3A_419 : i32
      %select_n3A_430 = arith.select %and3A_428, %add3A_429, %rem3A_420 : i32
      %dma_start3A_431 = arith.constant 1 : i32
      %dma_start3A_432 = arith.constant 0 : i32
      %dma_start3A_433 = arith.constant 0 : i32
      %dma_start3A_434 = tpu.memref_slice %arg7[%dma_start3A_431, %dma_start3A_432, %dma_start3A_433] : memref<2x32x128xf32, #tpu.memory_space<vmem>> -> memref<1x32x128xf32, #tpu.memory_space<vmem>>
      %dma_start3A_435 = tpu.memref_squeeze %dma_start3A_434 : memref<1x32x128xf32, #tpu.memory_space<vmem>> -> memref<32x128xf32, #tpu.memory_space<vmem>>
      %dma_start3A_436 = arith.constant 0 : i32
      %dma_start3A_437 = arith.constant 0 : i32
      %dma_start3A_438 = tpu.memref_slice %arg4[%add3A_345, %select_n3A_414, %dma_start3A_436, %select_n3A_430, %dma_start3A_437] : memref<200x8x32x8x128xf32, #tpu.memory_space<hbm>> -> memref<1x1x32x1x128xf32, #tpu.memory_space<hbm>>
      %dma_start3A_439 = tpu.memref_squeeze %dma_start3A_438 : memref<1x1x32x1x128xf32, #tpu.memory_space<hbm>> -> memref<32x128xf32, #tpu.memory_space<hbm>>
      %dma_start3A_440 = arith.constant 0 : i32
      %dma_start3A_441 = arith.constant 0 : i32
      %dma_start3A_442 = tpu.memref_slice %arg4[%add3A_345, %select_n3A_414, %dma_start3A_440, %select_n3A_430, %dma_start3A_441] : memref<200x8x32x8x128xf32, #tpu.memory_space<hbm>> -> memref<1x1x32x1x128xf32, #tpu.memory_space<hbm>>
      %dma_start3A_443 = tpu.memref_squeeze %dma_start3A_442 : memref<1x1x32x1x128xf32, #tpu.memory_space<hbm>> -> memref<32x128xf32, #tpu.memory_space<hbm>>
      %dma_start3A_444 = arith.constant 0 : i32
      %dma_start3A_445 = arith.constant 0 : i32
      %dma_start3A_446 = tpu.memref_slice %arg7[%dma_start3A_431, %dma_start3A_444, %dma_start3A_445] : memref<2x32x128xf32, #tpu.memory_space<vmem>> -> memref<1x32x128xf32, #tpu.memory_space<vmem>>
      %dma_start3A_447 = tpu.memref_squeeze %dma_start3A_446 : memref<1x32x128xf32, #tpu.memory_space<vmem>> -> memref<32x128xf32, #tpu.memory_space<vmem>>
      tpu.enqueue_dma source(%dma_start3A_447 : memref<32x128xf32, #tpu.memory_space<vmem>>) target(%dma_start3A_443 : memref<32x128xf32, #tpu.memory_space<hbm>>) target_semaphore(%arg14 : memref<!tpu.dma_semaphore, #tpu.memory_space<semaphore_mem>>)
      %mul3A_448 = arith.constant 8 : i32
      %mul3A_449 = arith.muli %scan3A_176, %mul3A_448 : i32
      %add3A_450 = arith.constant 2 : i32
      %add3A_451 = arith.addi %mul3A_449, %add3A_450 : i32
      %dma_start3A_452 = arith.constant 5 : i32
      %dma_start3A_453 = arith.constant 1 : i32
      %dma_start3A_454 = arith.constant 0 : i32
      %dma_start3A_455 = arith.constant 0 : i32
      %dma_start3A_456 = tpu.memref_slice %arg6[%dma_start3A_453, %dma_start3A_454, %dma_start3A_455] : memref<4x32x128xi32, #tpu.memory_space<vmem>> -> memref<1x32x128xi32, #tpu.memory_space<vmem>>
      %dma_start3A_457 = tpu.memref_squeeze %dma_start3A_456 : memref<1x32x128xi32, #tpu.memory_space<vmem>> -> memref<32x128xi32, #tpu.memory_space<vmem>>
      %dma_start3A_458 = arith.constant 0 : i32
      %dma_start3A_459 = arith.constant 0 : i32
      %dma_start3A_460 = tpu.memref_slice %arg8[%rem3A_178, %dma_start3A_458, %dma_start3A_452, %dma_start3A_459] : memref<2x32x8x128xi32, #tpu.memory_space<vmem_shared>> -> memref<1x32x1x128xi32, #tpu.memory_space<vmem_shared>>
      %dma_start3A_461 = tpu.memref_squeeze %dma_start3A_460 : memref<1x32x1x128xi32, #tpu.memory_space<vmem_shared>> -> memref<32x128xi32, #tpu.memory_space<vmem_shared>>
      %dma_start3A_462 = arith.constant 0 : i32
      %dma_start3A_463 = arith.constant 0 : i32
      %dma_start3A_464 = tpu.memref_slice %arg6[%dma_start3A_453, %dma_start3A_462, %dma_start3A_463] : memref<4x32x128xi32, #tpu.memory_space<vmem>> -> memref<1x32x128xi32, #tpu.memory_space<vmem>>
      %dma_start3A_465 = tpu.memref_squeeze %dma_start3A_464 : memref<1x32x128xi32, #tpu.memory_space<vmem>> -> memref<32x128xi32, #tpu.memory_space<vmem>>
      %dma_start3A_466 = arith.constant 0 : i32
      %dma_start3A_467 = arith.constant 0 : i32
      %dma_start3A_468 = tpu.memref_slice %arg8[%rem3A_178, %dma_start3A_466, %dma_start3A_452, %dma_start3A_467] : memref<2x32x8x128xi32, #tpu.memory_space<vmem_shared>> -> memref<1x32x1x128xi32, #tpu.memory_space<vmem_shared>>
      %dma_start3A_469 = tpu.memref_squeeze %dma_start3A_468 : memref<1x32x1x128xi32, #tpu.memory_space<vmem_shared>> -> memref<32x128xi32, #tpu.memory_space<vmem_shared>>
      tpu.enqueue_dma source(%dma_start3A_469 : memref<32x128xi32, #tpu.memory_space<vmem_shared>>) target(%dma_start3A_465 : memref<32x128xi32, #tpu.memory_space<vmem>>) target_semaphore(%arg10 : memref<!tpu.dma_semaphore, #tpu.memory_space<semaphore_mem>>)
      %dma_wait3A_470 = arith.constant 0 : i32
      %dma_wait3A_471 = arith.constant 0 : i32
      %dma_wait3A_472 = arith.constant 2 : i32
      %dma_wait3A_473 = arith.constant 0 : i32
      %dma_wait3A_474 = arith.constant 0 : i32
      %dma_wait3A_475 = tpu.memref_slice %arg6[%dma_wait3A_472, %dma_wait3A_473, %dma_wait3A_474] : memref<4x32x128xi32, #tpu.memory_space<vmem>> -> memref<1x32x128xi32, #tpu.memory_space<vmem>>
      %dma_wait3A_476 = tpu.memref_squeeze %dma_wait3A_475 : memref<1x32x128xi32, #tpu.memory_space<vmem>> -> memref<32x128xi32, #tpu.memory_space<vmem>>
      %dma_wait3A_477 = arith.constant 0 : i32
      %dma_wait3A_478 = arith.constant 0 : i32
      %dma_wait3A_479 = tpu.memref_slice %arg8[%dma_wait3A_470, %dma_wait3A_477, %dma_wait3A_471, %dma_wait3A_478] : memref<2x32x8x128xi32, #tpu.memory_space<vmem_shared>> -> memref<1x32x1x128xi32, #tpu.memory_space<vmem_shared>>
      %dma_wait3A_480 = tpu.memref_squeeze %dma_wait3A_479 : memref<1x32x1x128xi32, #tpu.memory_space<vmem_shared>> -> memref<32x128xi32, #tpu.memory_space<vmem_shared>>
      %dma_wait3A_481 = arith.constant 0 : i32
      %dma_wait3A_482 = arith.constant 0 : i32
      %dma_wait3A_483 = tpu.memref_slice %arg6[%dma_wait3A_472, %dma_wait3A_481, %dma_wait3A_482] : memref<4x32x128xi32, #tpu.memory_space<vmem>> -> memref<1x32x128xi32, #tpu.memory_space<vmem>>
      %dma_wait3A_484 = tpu.memref_squeeze %dma_wait3A_483 : memref<1x32x128xi32, #tpu.memory_space<vmem>> -> memref<32x128xi32, #tpu.memory_space<vmem>>
      %dma_wait3A_485 = arith.constant 0 : i32
      %dma_wait3A_486 = arith.constant 0 : i32
      %dma_wait3A_487 = tpu.memref_slice %arg8[%dma_wait3A_470, %dma_wait3A_485, %dma_wait3A_471, %dma_wait3A_486] : memref<2x32x8x128xi32, #tpu.memory_space<vmem_shared>> -> memref<1x32x1x128xi32, #tpu.memory_space<vmem_shared>>
      %dma_wait3A_488 = tpu.memref_squeeze %dma_wait3A_487 : memref<1x32x1x128xi32, #tpu.memory_space<vmem_shared>> -> memref<32x128xi32, #tpu.memory_space<vmem_shared>>
      tpu.wait_dma2 semaphore(%arg11 : memref<!tpu.dma_semaphore, #tpu.memory_space<semaphore_mem>>) src(%dma_wait3A_488 : memref<32x128xi32, #tpu.memory_space<vmem_shared>>) dst(%dma_wait3A_484 : memref<32x128xi32, #tpu.memory_space<vmem>>)
      %dma_wait3A_489 = arith.constant 0 : i32
      %dma_wait3A_490 = arith.constant 0 : i32
      %dma_wait3A_491 = arith.constant 0 : i32
      %dma_wait3A_492 = arith.constant 0 : i32
      %dma_wait3A_493 = arith.constant 0 : i32
      %dma_wait3A_494 = arith.constant 0 : i32
      %dma_wait3A_495 = tpu.memref_slice %arg7[%dma_wait3A_489, %dma_wait3A_493, %dma_wait3A_494] : memref<2x32x128xf32, #tpu.memory_space<vmem>> -> memref<1x32x128xf32, #tpu.memory_space<vmem>>
      %dma_wait3A_496 = tpu.memref_squeeze %dma_wait3A_495 : memref<1x32x128xf32, #tpu.memory_space<vmem>> -> memref<32x128xf32, #tpu.memory_space<vmem>>
      %dma_wait3A_497 = arith.constant 0 : i32
      %dma_wait3A_498 = arith.constant 0 : i32
      %dma_wait3A_499 = tpu.memref_slice %arg4[%dma_wait3A_490, %dma_wait3A_491, %dma_wait3A_497, %dma_wait3A_492, %dma_wait3A_498] : memref<200x8x32x8x128xf32, #tpu.memory_space<hbm>> -> memref<1x1x32x1x128xf32, #tpu.memory_space<hbm>>
      %dma_wait3A_500 = tpu.memref_squeeze %dma_wait3A_499 : memref<1x1x32x1x128xf32, #tpu.memory_space<hbm>> -> memref<32x128xf32, #tpu.memory_space<hbm>>
      %dma_wait3A_501 = arith.constant 0 : i32
      %dma_wait3A_502 = arith.constant 0 : i32
      %dma_wait3A_503 = tpu.memref_slice %arg4[%dma_wait3A_490, %dma_wait3A_491, %dma_wait3A_501, %dma_wait3A_492, %dma_wait3A_502] : memref<200x8x32x8x128xf32, #tpu.memory_space<hbm>> -> memref<1x1x32x1x128xf32, #tpu.memory_space<hbm>>
      %dma_wait3A_504 = tpu.memref_squeeze %dma_wait3A_503 : memref<1x1x32x1x128xf32, #tpu.memory_space<hbm>> -> memref<32x128xf32, #tpu.memory_space<hbm>>
      %dma_wait3A_505 = arith.constant 0 : i32
      %dma_wait3A_506 = arith.constant 0 : i32
      %dma_wait3A_507 = tpu.memref_slice %arg7[%dma_wait3A_489, %dma_wait3A_505, %dma_wait3A_506] : memref<2x32x128xf32, #tpu.memory_space<vmem>> -> memref<1x32x128xf32, #tpu.memory_space<vmem>>
      %dma_wait3A_508 = tpu.memref_squeeze %dma_wait3A_507 : memref<1x32x128xf32, #tpu.memory_space<vmem>> -> memref<32x128xf32, #tpu.memory_space<vmem>>
      tpu.wait_dma2 semaphore(%arg13 : memref<!tpu.dma_semaphore, #tpu.memory_space<semaphore_mem>>) src(%dma_wait3A_508 : memref<32x128xf32, #tpu.memory_space<vmem>>) dst(%dma_wait3A_504 : memref<32x128xf32, #tpu.memory_space<hbm>>)
      %parallel_loop3A_509 = arith.constant 0 : i32
      %parallel_loop3A_510 = arith.constant 4096 : i32
      %parallel_loop3A_511 = arith.constant 16 : i32
      scf.for %parallel_loop3A_1127 = %parallel_loop3A_509 to %parallel_loop3A_510 step %parallel_loop3A_511  : i32 {
        %parallel_loop3A_1128 = arith.constant 128 : i32
        %parallel_loop3A_1129 = arith.divsi %parallel_loop3A_1127, %parallel_loop3A_1128 : i32
        %parallel_loop3A_1130 = arith.constant 0 : i32
        %parallel_loop3A_1131 = arith.cmpi sgt, %parallel_loop3A_1127, %parallel_loop3A_1130 : i32
        %parallel_loop3A_1132 = arith.extui %parallel_loop3A_1131 : i1 to i32
        %parallel_loop3A_1133 = arith.constant 0 : i32
        %parallel_loop3A_1134 = arith.cmpi slt, %parallel_loop3A_1127, %parallel_loop3A_1133 : i32
        %parallel_loop3A_1135 = arith.extui %parallel_loop3A_1134 : i1 to i32
        %parallel_loop3A_1136 = arith.subi %parallel_loop3A_1132, %parallel_loop3A_1135 : i32
        %parallel_loop3A_1137 = arith.constant 0 : i32
        %parallel_loop3A_1138 = arith.cmpi sgt, %parallel_loop3A_1128, %parallel_loop3A_1137 : i32
        %parallel_loop3A_1139 = arith.extui %parallel_loop3A_1138 : i1 to i32
        %parallel_loop3A_1140 = arith.constant 0 : i32
        %parallel_loop3A_1141 = arith.cmpi slt, %parallel_loop3A_1128, %parallel_loop3A_1140 : i32
        %parallel_loop3A_1142 = arith.extui %parallel_loop3A_1141 : i1 to i32
        %parallel_loop3A_1143 = arith.subi %parallel_loop3A_1139, %parallel_loop3A_1142 : i32
        %parallel_loop3A_1144 = arith.cmpi ne, %parallel_loop3A_1136, %parallel_loop3A_1143 : i32
        %parallel_loop3A_1145 = arith.remsi %parallel_loop3A_1127, %parallel_loop3A_1128 : i32
        %parallel_loop3A_1146 = arith.constant 0 : i32
        %parallel_loop3A_1147 = arith.cmpi ne, %parallel_loop3A_1145, %parallel_loop3A_1146 : i32
        %parallel_loop3A_1148 = arith.andi %parallel_loop3A_1144, %parallel_loop3A_1147 : i1
        %parallel_loop3A_1149 = arith.constant 1 : i32
        %parallel_loop3A_1150 = arith.subi %parallel_loop3A_1129, %parallel_loop3A_1149 : i32
        %parallel_loop3A_1151 = arith.select %parallel_loop3A_1148, %parallel_loop3A_1150, %parallel_loop3A_1129 : i32
        %parallel_loop3A_1152 = arith.constant 128 : i32
        %parallel_loop3A_1153 = arith.constant 0 : i32
        %parallel_loop3A_1154 = arith.cmpi eq, %parallel_loop3A_1152, %parallel_loop3A_1153 : i32
        %parallel_loop3A_1155 = arith.constant 1 : i32
        %parallel_loop3A_1156 = arith.select %parallel_loop3A_1154, %parallel_loop3A_1155, %parallel_loop3A_1152 : i32
        %parallel_loop3A_1157 = arith.remsi %parallel_loop3A_1127, %parallel_loop3A_1156 : i32
        %parallel_loop3A_1158 = arith.constant 0 : i32
        %parallel_loop3A_1159 = arith.cmpi ne, %parallel_loop3A_1157, %parallel_loop3A_1158 : i32
        %parallel_loop3A_1160 = arith.constant 0 : i32
        %parallel_loop3A_1161 = arith.cmpi slt, %parallel_loop3A_1157, %parallel_loop3A_1160 : i32
        %parallel_loop3A_1162 = arith.constant 0 : i32
        %parallel_loop3A_1163 = arith.cmpi slt, %parallel_loop3A_1156, %parallel_loop3A_1162 : i32
        %parallel_loop3A_1164 = arith.xori %parallel_loop3A_1161, %parallel_loop3A_1163 : i1
        %parallel_loop3A_1165 = arith.andi %parallel_loop3A_1164, %parallel_loop3A_1159 : i1
        %parallel_loop3A_1166 = arith.addi %parallel_loop3A_1157, %parallel_loop3A_1156 : i32
        %parallel_loop3A_1167 = arith.select %parallel_loop3A_1165, %parallel_loop3A_1166, %parallel_loop3A_1157 : i32
        %parallel_loop3A_1168 = arith.constant 2 : i32
        %parallel_loop3A_1169 = arith.index_cast %parallel_loop3A_1168 : i32 to index
        %parallel_loop3A_1170 = arith.index_cast %parallel_loop3A_1151 : i32 to index
        %parallel_loop3A_1171 = arith.index_cast %parallel_loop3A_1167 : i32 to index
        %parallel_loop3A_1172 = tpu.vector_load %arg6[%parallel_loop3A_1169, %parallel_loop3A_1170, %parallel_loop3A_1171] {strides = array<i32>} : memref<4x32x128xi32, #tpu.memory_space<vmem>>, vector<16xi32>,
        %parallel_loop3A_1173 = arith.constant 7 : i32
        %parallel_loop3A_1174 = vector.broadcast %parallel_loop3A_1173 : i32 to vector<16xi32>
        %parallel_loop3A_1175 = arith.shrsi %parallel_loop3A_1172, %parallel_loop3A_1174 : vector<16xi32>
        %parallel_loop3A_1176 = arith.constant 127 : i32
        %parallel_loop3A_1177 = vector.broadcast %parallel_loop3A_1176 : i32 to vector<16xi32>
        %parallel_loop3A_1178 = arith.andi %parallel_loop3A_1172, %parallel_loop3A_1177 : vector<16xi32>
        %parallel_loop3A_1179 = tpu.vector_load_idx %arg5[%parallel_loop3A_1175, %parallel_loop3A_1178] : memref<782x128xf32, #tpu.memory_space<vmem>>[vector<16xi32>, vector<16xi32>], vector<16xf32>,
        %parallel_loop3A_1180 = arith.constant 128 : i32
        %parallel_loop3A_1181 = arith.divsi %parallel_loop3A_1127, %parallel_loop3A_1180 : i32
        %parallel_loop3A_1182 = arith.constant 0 : i32
        %parallel_loop3A_1183 = arith.cmpi sgt, %parallel_loop3A_1127, %parallel_loop3A_1182 : i32
        %parallel_loop3A_1184 = arith.extui %parallel_loop3A_1183 : i1 to i32
        %parallel_loop3A_1185 = arith.constant 0 : i32
        %parallel_loop3A_1186 = arith.cmpi slt, %parallel_loop3A_1127, %parallel_loop3A_1185 : i32
        %parallel_loop3A_1187 = arith.extui %parallel_loop3A_1186 : i1 to i32
        %parallel_loop3A_1188 = arith.subi %parallel_loop3A_1184, %parallel_loop3A_1187 : i32
        %parallel_loop3A_1189 = arith.constant 0 : i32
        %parallel_loop3A_1190 = arith.cmpi sgt, %parallel_loop3A_1180, %parallel_loop3A_1189 : i32
        %parallel_loop3A_1191 = arith.extui %parallel_loop3A_1190 : i1 to i32
        %parallel_loop3A_1192 = arith.constant 0 : i32
        %parallel_loop3A_1193 = arith.cmpi slt, %parallel_loop3A_1180, %parallel_loop3A_1192 : i32
        %parallel_loop3A_1194 = arith.extui %parallel_loop3A_1193 : i1 to i32
        %parallel_loop3A_1195 = arith.subi %parallel_loop3A_1191, %parallel_loop3A_1194 : i32
        %parallel_loop3A_1196 = arith.cmpi ne, %parallel_loop3A_1188, %parallel_loop3A_1195 : i32
        %parallel_loop3A_1197 = arith.remsi %parallel_loop3A_1127, %parallel_loop3A_1180 : i32
        %parallel_loop3A_1198 = arith.constant 0 : i32
        %parallel_loop3A_1199 = arith.cmpi ne, %parallel_loop3A_1197, %parallel_loop3A_1198 : i32
        %parallel_loop3A_1200 = arith.andi %parallel_loop3A_1196, %parallel_loop3A_1199 : i1
        %parallel_loop3A_1201 = arith.constant 1 : i32
        %parallel_loop3A_1202 = arith.subi %parallel_loop3A_1181, %parallel_loop3A_1201 : i32
        %parallel_loop3A_1203 = arith.select %parallel_loop3A_1200, %parallel_loop3A_1202, %parallel_loop3A_1181 : i32
        %parallel_loop3A_1204 = arith.constant 128 : i32
        %parallel_loop3A_1205 = arith.constant 0 : i32
        %parallel_loop3A_1206 = arith.cmpi eq, %parallel_loop3A_1204, %parallel_loop3A_1205 : i32
        %parallel_loop3A_1207 = arith.constant 1 : i32
        %parallel_loop3A_1208 = arith.select %parallel_loop3A_1206, %parallel_loop3A_1207, %parallel_loop3A_1204 : i32
        %parallel_loop3A_1209 = arith.remsi %parallel_loop3A_1127, %parallel_loop3A_1208 : i32
        %parallel_loop3A_1210 = arith.constant 0 : i32
        %parallel_loop3A_1211 = arith.cmpi ne, %parallel_loop3A_1209, %parallel_loop3A_1210 : i32
        %parallel_loop3A_1212 = arith.constant 0 : i32
        %parallel_loop3A_1213 = arith.cmpi slt, %parallel_loop3A_1209, %parallel_loop3A_1212 : i32
        %parallel_loop3A_1214 = arith.constant 0 : i32
        %parallel_loop3A_1215 = arith.cmpi slt, %parallel_loop3A_1208, %parallel_loop3A_1214 : i32
        %parallel_loop3A_1216 = arith.xori %parallel_loop3A_1213, %parallel_loop3A_1215 : i1
        %parallel_loop3A_1217 = arith.andi %parallel_loop3A_1216, %parallel_loop3A_1211 : i1
        %parallel_loop3A_1218 = arith.addi %parallel_loop3A_1209, %parallel_loop3A_1208 : i32
        %parallel_loop3A_1219 = arith.select %parallel_loop3A_1217, %parallel_loop3A_1218, %parallel_loop3A_1209 : i32
        %parallel_loop3A_1220 = arith.constant 0 : i32
        %parallel_loop3A_1221 = arith.index_cast %parallel_loop3A_1220 : i32 to index
        %parallel_loop3A_1222 = arith.index_cast %parallel_loop3A_1203 : i32 to index
        %parallel_loop3A_1223 = arith.index_cast %parallel_loop3A_1219 : i32 to index
        %parallel_loop3A_1224 = tpu.vector_load %arg7[%parallel_loop3A_1221, %parallel_loop3A_1222, %parallel_loop3A_1223] {strides = array<i32>} : memref<2x32x128xf32, #tpu.memory_space<vmem>>, vector<16xf32>,
        tpu.vector_store %arg7[%parallel_loop3A_1221, %parallel_loop3A_1222, %parallel_loop3A_1223], %parallel_loop3A_1179 {strides = array<i32>} : memref<2x32x128xf32, #tpu.memory_space<vmem>>, vector<16xf32>,
      } {sc.loop_unroll_factor = 16 : i64, sc.parallel_access}
      %jit3A_512 = arith.constant 8 : i32
      %div3A_513 = arith.divsi %add3A_5, %jit3A_512 : i32
      %sign3A_514 = arith.constant 0 : i32
      %sign3A_515 = arith.cmpi sgt, %add3A_5, %sign3A_514 : i32
      %sign3A_516 = arith.extui %sign3A_515 : i1 to i32
      %sign3A_517 = arith.constant 0 : i32
      %sign3A_518 = arith.cmpi slt, %add3A_5, %sign3A_517 : i32
      %sign3A_519 = arith.extui %sign3A_518 : i1 to i32
      %sign3A_520 = arith.subi %sign3A_516, %sign3A_519 : i32
      %sign3A_521 = arith.constant 0 : i32
      %sign3A_522 = arith.cmpi sgt, %jit3A_512, %sign3A_521 : i32
      %sign3A_523 = arith.extui %sign3A_522 : i1 to i32
      %sign3A_524 = arith.constant 0 : i32
      %sign3A_525 = arith.cmpi slt, %jit3A_512, %sign3A_524 : i32
      %sign3A_526 = arith.extui %sign3A_525 : i1 to i32
      %sign3A_527 = arith.subi %sign3A_523, %sign3A_526 : i32
      %ne3A_528 = arith.cmpi ne, %sign3A_520, %sign3A_527 : i32
      %rem3A_529 = arith.remsi %add3A_5, %jit3A_512 : i32
      %ne3A_530 = arith.constant 0 : i32
      %ne3A_531 = arith.cmpi ne, %rem3A_529, %ne3A_530 : i32
      %and3A_532 = arith.andi %ne3A_528, %ne3A_531 : i1
      %sub3A_533 = arith.constant 1 : i32
      %sub3A_534 = arith.subi %div3A_513, %sub3A_533 : i32
      %select_n3A_535 = arith.select %and3A_532, %sub3A_534, %div3A_513 : i32
      %jit3A_536 = arith.constant 8 : i32
      %eq3A_537 = arith.constant 0 : i32
      %eq3A_538 = arith.cmpi eq, %jit3A_536, %eq3A_537 : i32
      %jit3A_539 = arith.constant 1 : i32
      %select_n3A_540 = arith.select %eq3A_538, %jit3A_539, %jit3A_536 : i32
      %rem3A_541 = arith.remsi %add3A_5, %select_n3A_540 : i32
      %ne3A_542 = arith.constant 0 : i32
      %ne3A_543 = arith.cmpi ne, %rem3A_541, %ne3A_542 : i32
      %lt3A_544 = arith.constant 0 : i32
      %lt3A_545 = arith.cmpi slt, %rem3A_541, %lt3A_544 : i32
      %lt3A_546 = arith.constant 0 : i32
      %lt3A_547 = arith.cmpi slt, %select_n3A_540, %lt3A_546 : i32
      %ne3A_548 = arith.xori %lt3A_545, %lt3A_547 : i1
      %and3A_549 = arith.andi %ne3A_548, %ne3A_543 : i1
      %add3A_550 = arith.addi %rem3A_541, %select_n3A_540 : i32
      %select_n3A_551 = arith.select %and3A_549, %add3A_550, %rem3A_541 : i32
      %dma_start3A_552 = arith.constant 0 : i32
      %dma_start3A_553 = arith.constant 0 : i32
      %dma_start3A_554 = arith.constant 0 : i32
      %dma_start3A_555 = tpu.memref_slice %arg7[%dma_start3A_552, %dma_start3A_553, %dma_start3A_554] : memref<2x32x128xf32, #tpu.memory_space<vmem>> -> memref<1x32x128xf32, #tpu.memory_space<vmem>>
      %dma_start3A_556 = tpu.memref_squeeze %dma_start3A_555 : memref<1x32x128xf32, #tpu.memory_space<vmem>> -> memref<32x128xf32, #tpu.memory_space<vmem>>
      %dma_start3A_557 = arith.constant 0 : i32
      %dma_start3A_558 = arith.constant 0 : i32
      %dma_start3A_559 = tpu.memref_slice %arg4[%add3A_451, %select_n3A_535, %dma_start3A_557, %select_n3A_551, %dma_start3A_558] : memref<200x8x32x8x128xf32, #tpu.memory_space<hbm>> -> memref<1x1x32x1x128xf32, #tpu.memory_space<hbm>>
      %dma_start3A_560 = tpu.memref_squeeze %dma_start3A_559 : memref<1x1x32x1x128xf32, #tpu.memory_space<hbm>> -> memref<32x128xf32, #tpu.memory_space<hbm>>
      %dma_start3A_561 = arith.constant 0 : i32
      %dma_start3A_562 = arith.constant 0 : i32
      %dma_start3A_563 = tpu.memref_slice %arg4[%add3A_451, %select_n3A_535, %dma_start3A_561, %select_n3A_551, %dma_start3A_562] : memref<200x8x32x8x128xf32, #tpu.memory_space<hbm>> -> memref<1x1x32x1x128xf32, #tpu.memory_space<hbm>>
      %dma_start3A_564 = tpu.memref_squeeze %dma_start3A_563 : memref<1x1x32x1x128xf32, #tpu.memory_space<hbm>> -> memref<32x128xf32, #tpu.memory_space<hbm>>
      %dma_start3A_565 = arith.constant 0 : i32
      %dma_start3A_566 = arith.constant 0 : i32
      %dma_start3A_567 = tpu.memref_slice %arg7[%dma_start3A_552, %dma_start3A_565, %dma_start3A_566] : memref<2x32x128xf32, #tpu.memory_space<vmem>> -> memref<1x32x128xf32, #tpu.memory_space<vmem>>
      %dma_start3A_568 = tpu.memref_squeeze %dma_start3A_567 : memref<1x32x128xf32, #tpu.memory_space<vmem>> -> memref<32x128xf32, #tpu.memory_space<vmem>>
      tpu.enqueue_dma source(%dma_start3A_568 : memref<32x128xf32, #tpu.memory_space<vmem>>) target(%dma_start3A_564 : memref<32x128xf32, #tpu.memory_space<hbm>>) target_semaphore(%arg13 : memref<!tpu.dma_semaphore, #tpu.memory_space<semaphore_mem>>)
      %mul3A_569 = arith.constant 8 : i32
      %mul3A_570 = arith.muli %scan3A_176, %mul3A_569 : i32
      %add3A_571 = arith.constant 3 : i32
      %add3A_572 = arith.addi %mul3A_570, %add3A_571 : i32
      %dma_start3A_573 = arith.constant 6 : i32
      %dma_start3A_574 = arith.constant 2 : i32
      %dma_start3A_575 = arith.constant 0 : i32
      %dma_start3A_576 = arith.constant 0 : i32
      %dma_start3A_577 = tpu.memref_slice %arg6[%dma_start3A_574, %dma_start3A_575, %dma_start3A_576] : memref<4x32x128xi32, #tpu.memory_space<vmem>> -> memref<1x32x128xi32, #tpu.memory_space<vmem>>
      %dma_start3A_578 = tpu.memref_squeeze %dma_start3A_577 : memref<1x32x128xi32, #tpu.memory_space<vmem>> -> memref<32x128xi32, #tpu.memory_space<vmem>>
      %dma_start3A_579 = arith.constant 0 : i32
      %dma_start3A_580 = arith.constant 0 : i32
      %dma_start3A_581 = tpu.memref_slice %arg8[%rem3A_178, %dma_start3A_579, %dma_start3A_573, %dma_start3A_580] : memref<2x32x8x128xi32, #tpu.memory_space<vmem_shared>> -> memref<1x32x1x128xi32, #tpu.memory_space<vmem_shared>>
      %dma_start3A_582 = tpu.memref_squeeze %dma_start3A_581 : memref<1x32x1x128xi32, #tpu.memory_space<vmem_shared>> -> memref<32x128xi32, #tpu.memory_space<vmem_shared>>
      %dma_start3A_583 = arith.constant 0 : i32
      %dma_start3A_584 = arith.constant 0 : i32
      %dma_start3A_585 = tpu.memref_slice %arg6[%dma_start3A_574, %dma_start3A_583, %dma_start3A_584] : memref<4x32x128xi32, #tpu.memory_space<vmem>> -> memref<1x32x128xi32, #tpu.memory_space<vmem>>
      %dma_start3A_586 = tpu.memref_squeeze %dma_start3A_585 : memref<1x32x128xi32, #tpu.memory_space<vmem>> -> memref<32x128xi32, #tpu.memory_space<vmem>>
      %dma_start3A_587 = arith.constant 0 : i32
      %dma_start3A_588 = arith.constant 0 : i32
      %dma_start3A_589 = tpu.memref_slice %arg8[%rem3A_178, %dma_start3A_587, %dma_start3A_573, %dma_start3A_588] : memref<2x32x8x128xi32, #tpu.memory_space<vmem_shared>> -> memref<1x32x1x128xi32, #tpu.memory_space<vmem_shared>>
      %dma_start3A_590 = tpu.memref_squeeze %dma_start3A_589 : memref<1x32x1x128xi32, #tpu.memory_space<vmem_shared>> -> memref<32x128xi32, #tpu.memory_space<vmem_shared>>
      tpu.enqueue_dma source(%dma_start3A_590 : memref<32x128xi32, #tpu.memory_space<vmem_shared>>) target(%dma_start3A_586 : memref<32x128xi32, #tpu.memory_space<vmem>>) target_semaphore(%arg11 : memref<!tpu.dma_semaphore, #tpu.memory_space<semaphore_mem>>)
      %dma_wait3A_591 = arith.constant 0 : i32
      %dma_wait3A_592 = arith.constant 0 : i32
      %dma_wait3A_593 = arith.constant 3 : i32
      %dma_wait3A_594 = arith.constant 0 : i32
      %dma_wait3A_595 = arith.constant 0 : i32
      %dma_wait3A_596 = tpu.memref_slice %arg6[%dma_wait3A_593, %dma_wait3A_594, %dma_wait3A_595] : memref<4x32x128xi32, #tpu.memory_space<vmem>> -> memref<1x32x128xi32, #tpu.memory_space<vmem>>
      %dma_wait3A_597 = tpu.memref_squeeze %dma_wait3A_596 : memref<1x32x128xi32, #tpu.memory_space<vmem>> -> memref<32x128xi32, #tpu.memory_space<vmem>>
      %dma_wait3A_598 = arith.constant 0 : i32
      %dma_wait3A_599 = arith.constant 0 : i32
      %dma_wait3A_600 = tpu.memref_slice %arg8[%dma_wait3A_591, %dma_wait3A_598, %dma_wait3A_592, %dma_wait3A_599] : memref<2x32x8x128xi32, #tpu.memory_space<vmem_shared>> -> memref<1x32x1x128xi32, #tpu.memory_space<vmem_shared>>
      %dma_wait3A_601 = tpu.memref_squeeze %dma_wait3A_600 : memref<1x32x1x128xi32, #tpu.memory_space<vmem_shared>> -> memref<32x128xi32, #tpu.memory_space<vmem_shared>>
      %dma_wait3A_602 = arith.constant 0 : i32
      %dma_wait3A_603 = arith.constant 0 : i32
      %dma_wait3A_604 = tpu.memref_slice %arg6[%dma_wait3A_593, %dma_wait3A_602, %dma_wait3A_603] : memref<4x32x128xi32, #tpu.memory_space<vmem>> -> memref<1x32x128xi32, #tpu.memory_space<vmem>>
      %dma_wait3A_605 = tpu.memref_squeeze %dma_wait3A_604 : memref<1x32x128xi32, #tpu.memory_space<vmem>> -> memref<32x128xi32, #tpu.memory_space<vmem>>
      %dma_wait3A_606 = arith.constant 0 : i32
      %dma_wait3A_607 = arith.constant 0 : i32
      %dma_wait3A_608 = tpu.memref_slice %arg8[%dma_wait3A_591, %dma_wait3A_606, %dma_wait3A_592, %dma_wait3A_607] : memref<2x32x8x128xi32, #tpu.memory_space<vmem_shared>> -> memref<1x32x1x128xi32, #tpu.memory_space<vmem_shared>>
      %dma_wait3A_609 = tpu.memref_squeeze %dma_wait3A_608 : memref<1x32x1x128xi32, #tpu.memory_space<vmem_shared>> -> memref<32x128xi32, #tpu.memory_space<vmem_shared>>
      tpu.wait_dma2 semaphore(%arg12 : memref<!tpu.dma_semaphore, #tpu.memory_space<semaphore_mem>>) src(%dma_wait3A_609 : memref<32x128xi32, #tpu.memory_space<vmem_shared>>) dst(%dma_wait3A_605 : memref<32x128xi32, #tpu.memory_space<vmem>>)
      %dma_wait3A_610 = arith.constant 1 : i32
      %dma_wait3A_611 = arith.constant 0 : i32
      %dma_wait3A_612 = arith.constant 0 : i32
      %dma_wait3A_613 = arith.constant 0 : i32
      %dma_wait3A_614 = arith.constant 0 : i32
      %dma_wait3A_615 = arith.constant 0 : i32
      %dma_wait3A_616 = tpu.memref_slice %arg7[%dma_wait3A_610, %dma_wait3A_614, %dma_wait3A_615] : memref<2x32x128xf32, #tpu.memory_space<vmem>> -> memref<1x32x128xf32, #tpu.memory_space<vmem>>
      %dma_wait3A_617 = tpu.memref_squeeze %dma_wait3A_616 : memref<1x32x128xf32, #tpu.memory_space<vmem>> -> memref<32x128xf32, #tpu.memory_space<vmem>>
      %dma_wait3A_618 = arith.constant 0 : i32
      %dma_wait3A_619 = arith.constant 0 : i32
      %dma_wait3A_620 = tpu.memref_slice %arg4[%dma_wait3A_611, %dma_wait3A_612, %dma_wait3A_618, %dma_wait3A_613, %dma_wait3A_619] : memref<200x8x32x8x128xf32, #tpu.memory_space<hbm>> -> memref<1x1x32x1x128xf32, #tpu.memory_space<hbm>>
      %dma_wait3A_621 = tpu.memref_squeeze %dma_wait3A_620 : memref<1x1x32x1x128xf32, #tpu.memory_space<hbm>> -> memref<32x128xf32, #tpu.memory_space<hbm>>
      %dma_wait3A_622 = arith.constant 0 : i32
      %dma_wait3A_623 = arith.constant 0 : i32
      %dma_wait3A_624 = tpu.memref_slice %arg4[%dma_wait3A_611, %dma_wait3A_612, %dma_wait3A_622, %dma_wait3A_613, %dma_wait3A_623] : memref<200x8x32x8x128xf32, #tpu.memory_space<hbm>> -> memref<1x1x32x1x128xf32, #tpu.memory_space<hbm>>
      %dma_wait3A_625 = tpu.memref_squeeze %dma_wait3A_624 : memref<1x1x32x1x128xf32, #tpu.memory_space<hbm>> -> memref<32x128xf32, #tpu.memory_space<hbm>>
      %dma_wait3A_626 = arith.constant 0 : i32
      %dma_wait3A_627 = arith.constant 0 : i32
      %dma_wait3A_628 = tpu.memref_slice %arg7[%dma_wait3A_610, %dma_wait3A_626, %dma_wait3A_627] : memref<2x32x128xf32, #tpu.memory_space<vmem>> -> memref<1x32x128xf32, #tpu.memory_space<vmem>>
      %dma_wait3A_629 = tpu.memref_squeeze %dma_wait3A_628 : memref<1x32x128xf32, #tpu.memory_space<vmem>> -> memref<32x128xf32, #tpu.memory_space<vmem>>
      tpu.wait_dma2 semaphore(%arg14 : memref<!tpu.dma_semaphore, #tpu.memory_space<semaphore_mem>>) src(%dma_wait3A_629 : memref<32x128xf32, #tpu.memory_space<vmem>>) dst(%dma_wait3A_625 : memref<32x128xf32, #tpu.memory_space<hbm>>)
      %parallel_loop3A_630 = arith.constant 0 : i32
      %parallel_loop3A_631 = arith.constant 4096 : i32
      %parallel_loop3A_632 = arith.constant 16 : i32
      scf.for %parallel_loop3A_1127 = %parallel_loop3A_630 to %parallel_loop3A_631 step %parallel_loop3A_632  : i32 {
        %parallel_loop3A_1128 = arith.constant 128 : i32
        %parallel_loop3A_1129 = arith.divsi %parallel_loop3A_1127, %parallel_loop3A_1128 : i32
        %parallel_loop3A_1130 = arith.constant 0 : i32
        %parallel_loop3A_1131 = arith.cmpi sgt, %parallel_loop3A_1127, %parallel_loop3A_1130 : i32
        %parallel_loop3A_1132 = arith.extui %parallel_loop3A_1131 : i1 to i32
        %parallel_loop3A_1133 = arith.constant 0 : i32
        %parallel_loop3A_1134 = arith.cmpi slt, %parallel_loop3A_1127, %parallel_loop3A_1133 : i32
        %parallel_loop3A_1135 = arith.extui %parallel_loop3A_1134 : i1 to i32
        %parallel_loop3A_1136 = arith.subi %parallel_loop3A_1132, %parallel_loop3A_1135 : i32
        %parallel_loop3A_1137 = arith.constant 0 : i32
        %parallel_loop3A_1138 = arith.cmpi sgt, %parallel_loop3A_1128, %parallel_loop3A_1137 : i32
        %parallel_loop3A_1139 = arith.extui %parallel_loop3A_1138 : i1 to i32
        %parallel_loop3A_1140 = arith.constant 0 : i32
        %parallel_loop3A_1141 = arith.cmpi slt, %parallel_loop3A_1128, %parallel_loop3A_1140 : i32
        %parallel_loop3A_1142 = arith.extui %parallel_loop3A_1141 : i1 to i32
        %parallel_loop3A_1143 = arith.subi %parallel_loop3A_1139, %parallel_loop3A_1142 : i32
        %parallel_loop3A_1144 = arith.cmpi ne, %parallel_loop3A_1136, %parallel_loop3A_1143 : i32
        %parallel_loop3A_1145 = arith.remsi %parallel_loop3A_1127, %parallel_loop3A_1128 : i32
        %parallel_loop3A_1146 = arith.constant 0 : i32
        %parallel_loop3A_1147 = arith.cmpi ne, %parallel_loop3A_1145, %parallel_loop3A_1146 : i32
        %parallel_loop3A_1148 = arith.andi %parallel_loop3A_1144, %parallel_loop3A_1147 : i1
        %parallel_loop3A_1149 = arith.constant 1 : i32
        %parallel_loop3A_1150 = arith.subi %parallel_loop3A_1129, %parallel_loop3A_1149 : i32
        %parallel_loop3A_1151 = arith.select %parallel_loop3A_1148, %parallel_loop3A_1150, %parallel_loop3A_1129 : i32
        %parallel_loop3A_1152 = arith.constant 128 : i32
        %parallel_loop3A_1153 = arith.constant 0 : i32
        %parallel_loop3A_1154 = arith.cmpi eq, %parallel_loop3A_1152, %parallel_loop3A_1153 : i32
        %parallel_loop3A_1155 = arith.constant 1 : i32
        %parallel_loop3A_1156 = arith.select %parallel_loop3A_1154, %parallel_loop3A_1155, %parallel_loop3A_1152 : i32
        %parallel_loop3A_1157 = arith.remsi %parallel_loop3A_1127, %parallel_loop3A_1156 : i32
        %parallel_loop3A_1158 = arith.constant 0 : i32
        %parallel_loop3A_1159 = arith.cmpi ne, %parallel_loop3A_1157, %parallel_loop3A_1158 : i32
        %parallel_loop3A_1160 = arith.constant 0 : i32
        %parallel_loop3A_1161 = arith.cmpi slt, %parallel_loop3A_1157, %parallel_loop3A_1160 : i32
        %parallel_loop3A_1162 = arith.constant 0 : i32
        %parallel_loop3A_1163 = arith.cmpi slt, %parallel_loop3A_1156, %parallel_loop3A_1162 : i32
        %parallel_loop3A_1164 = arith.xori %parallel_loop3A_1161, %parallel_loop3A_1163 : i1
        %parallel_loop3A_1165 = arith.andi %parallel_loop3A_1164, %parallel_loop3A_1159 : i1
        %parallel_loop3A_1166 = arith.addi %parallel_loop3A_1157, %parallel_loop3A_1156 : i32
        %parallel_loop3A_1167 = arith.select %parallel_loop3A_1165, %parallel_loop3A_1166, %parallel_loop3A_1157 : i32
        %parallel_loop3A_1168 = arith.constant 3 : i32
        %parallel_loop3A_1169 = arith.index_cast %parallel_loop3A_1168 : i32 to index
        %parallel_loop3A_1170 = arith.index_cast %parallel_loop3A_1151 : i32 to index
        %parallel_loop3A_1171 = arith.index_cast %parallel_loop3A_1167 : i32 to index
        %parallel_loop3A_1172 = tpu.vector_load %arg6[%parallel_loop3A_1169, %parallel_loop3A_1170, %parallel_loop3A_1171] {strides = array<i32>} : memref<4x32x128xi32, #tpu.memory_space<vmem>>, vector<16xi32>,
        %parallel_loop3A_1173 = arith.constant 7 : i32
        %parallel_loop3A_1174 = vector.broadcast %parallel_loop3A_1173 : i32 to vector<16xi32>
        %parallel_loop3A_1175 = arith.shrsi %parallel_loop3A_1172, %parallel_loop3A_1174 : vector<16xi32>
        %parallel_loop3A_1176 = arith.constant 127 : i32
        %parallel_loop3A_1177 = vector.broadcast %parallel_loop3A_1176 : i32 to vector<16xi32>
        %parallel_loop3A_1178 = arith.andi %parallel_loop3A_1172, %parallel_loop3A_1177 : vector<16xi32>
        %parallel_loop3A_1179 = tpu.vector_load_idx %arg5[%parallel_loop3A_1175, %parallel_loop3A_1178] : memref<782x128xf32, #tpu.memory_space<vmem>>[vector<16xi32>, vector<16xi32>], vector<16xf32>,
        %parallel_loop3A_1180 = arith.constant 128 : i32
        %parallel_loop3A_1181 = arith.divsi %parallel_loop3A_1127, %parallel_loop3A_1180 : i32
        %parallel_loop3A_1182 = arith.constant 0 : i32
        %parallel_loop3A_1183 = arith.cmpi sgt, %parallel_loop3A_1127, %parallel_loop3A_1182 : i32
        %parallel_loop3A_1184 = arith.extui %parallel_loop3A_1183 : i1 to i32
        %parallel_loop3A_1185 = arith.constant 0 : i32
        %parallel_loop3A_1186 = arith.cmpi slt, %parallel_loop3A_1127, %parallel_loop3A_1185 : i32
        %parallel_loop3A_1187 = arith.extui %parallel_loop3A_1186 : i1 to i32
        %parallel_loop3A_1188 = arith.subi %parallel_loop3A_1184, %parallel_loop3A_1187 : i32
        %parallel_loop3A_1189 = arith.constant 0 : i32
        %parallel_loop3A_1190 = arith.cmpi sgt, %parallel_loop3A_1180, %parallel_loop3A_1189 : i32
        %parallel_loop3A_1191 = arith.extui %parallel_loop3A_1190 : i1 to i32
        %parallel_loop3A_1192 = arith.constant 0 : i32
        %parallel_loop3A_1193 = arith.cmpi slt, %parallel_loop3A_1180, %parallel_loop3A_1192 : i32
        %parallel_loop3A_1194 = arith.extui %parallel_loop3A_1193 : i1 to i32
        %parallel_loop3A_1195 = arith.subi %parallel_loop3A_1191, %parallel_loop3A_1194 : i32
        %parallel_loop3A_1196 = arith.cmpi ne, %parallel_loop3A_1188, %parallel_loop3A_1195 : i32
        %parallel_loop3A_1197 = arith.remsi %parallel_loop3A_1127, %parallel_loop3A_1180 : i32
        %parallel_loop3A_1198 = arith.constant 0 : i32
        %parallel_loop3A_1199 = arith.cmpi ne, %parallel_loop3A_1197, %parallel_loop3A_1198 : i32
        %parallel_loop3A_1200 = arith.andi %parallel_loop3A_1196, %parallel_loop3A_1199 : i1
        %parallel_loop3A_1201 = arith.constant 1 : i32
        %parallel_loop3A_1202 = arith.subi %parallel_loop3A_1181, %parallel_loop3A_1201 : i32
        %parallel_loop3A_1203 = arith.select %parallel_loop3A_1200, %parallel_loop3A_1202, %parallel_loop3A_1181 : i32
        %parallel_loop3A_1204 = arith.constant 128 : i32
        %parallel_loop3A_1205 = arith.constant 0 : i32
        %parallel_loop3A_1206 = arith.cmpi eq, %parallel_loop3A_1204, %parallel_loop3A_1205 : i32
        %parallel_loop3A_1207 = arith.constant 1 : i32
        %parallel_loop3A_1208 = arith.select %parallel_loop3A_1206, %parallel_loop3A_1207, %parallel_loop3A_1204 : i32
        %parallel_loop3A_1209 = arith.remsi %parallel_loop3A_1127, %parallel_loop3A_1208 : i32
        %parallel_loop3A_1210 = arith.constant 0 : i32
        %parallel_loop3A_1211 = arith.cmpi ne, %parallel_loop3A_1209, %parallel_loop3A_1210 : i32
        %parallel_loop3A_1212 = arith.constant 0 : i32
        %parallel_loop3A_1213 = arith.cmpi slt, %parallel_loop3A_1209, %parallel_loop3A_1212 : i32
        %parallel_loop3A_1214 = arith.constant 0 : i32
        %parallel_loop3A_1215 = arith.cmpi slt, %parallel_loop3A_1208, %parallel_loop3A_1214 : i32
        %parallel_loop3A_1216 = arith.xori %parallel_loop3A_1213, %parallel_loop3A_1215 : i1
        %parallel_loop3A_1217 = arith.andi %parallel_loop3A_1216, %parallel_loop3A_1211 : i1
        %parallel_loop3A_1218 = arith.addi %parallel_loop3A_1209, %parallel_loop3A_1208 : i32
        %parallel_loop3A_1219 = arith.select %parallel_loop3A_1217, %parallel_loop3A_1218, %parallel_loop3A_1209 : i32
        %parallel_loop3A_1220 = arith.constant 1 : i32
        %parallel_loop3A_1221 = arith.index_cast %parallel_loop3A_1220 : i32 to index
        %parallel_loop3A_1222 = arith.index_cast %parallel_loop3A_1203 : i32 to index
        %parallel_loop3A_1223 = arith.index_cast %parallel_loop3A_1219 : i32 to index
        %parallel_loop3A_1224 = tpu.vector_load %arg7[%parallel_loop3A_1221, %parallel_loop3A_1222, %parallel_loop3A_1223] {strides = array<i32>} : memref<2x32x128xf32, #tpu.memory_space<vmem>>, vector<16xf32>,
        tpu.vector_store %arg7[%parallel_loop3A_1221, %parallel_loop3A_1222, %parallel_loop3A_1223], %parallel_loop3A_1179 {strides = array<i32>} : memref<2x32x128xf32, #tpu.memory_space<vmem>>, vector<16xf32>,
      } {sc.loop_unroll_factor = 16 : i64, sc.parallel_access}
      %jit3A_633 = arith.constant 8 : i32
      %div3A_634 = arith.divsi %add3A_5, %jit3A_633 : i32
      %sign3A_635 = arith.constant 0 : i32
      %sign3A_636 = arith.cmpi sgt, %add3A_5, %sign3A_635 : i32
      %sign3A_637 = arith.extui %sign3A_636 : i1 to i32
      %sign3A_638 = arith.constant 0 : i32
      %sign3A_639 = arith.cmpi slt, %add3A_5, %sign3A_638 : i32
      %sign3A_640 = arith.extui %sign3A_639 : i1 to i32
      %sign3A_641 = arith.subi %sign3A_637, %sign3A_640 : i32
      %sign3A_642 = arith.constant 0 : i32
      %sign3A_643 = arith.cmpi sgt, %jit3A_633, %sign3A_642 : i32
      %sign3A_644 = arith.extui %sign3A_643 : i1 to i32
      %sign3A_645 = arith.constant 0 : i32
      %sign3A_646 = arith.cmpi slt, %jit3A_633, %sign3A_645 : i32
      %sign3A_647 = arith.extui %sign3A_646 : i1 to i32
      %sign3A_648 = arith.subi %sign3A_644, %sign3A_647 : i32
      %ne3A_649 = arith.cmpi ne, %sign3A_641, %sign3A_648 : i32
      %rem3A_650 = arith.remsi %add3A_5, %jit3A_633 : i32
      %ne3A_651 = arith.constant 0 : i32
      %ne3A_652 = arith.cmpi ne, %rem3A_650, %ne3A_651 : i32
      %and3A_653 = arith.andi %ne3A_649, %ne3A_652 : i1
      %sub3A_654 = arith.constant 1 : i32
      %sub3A_655 = arith.subi %div3A_634, %sub3A_654 : i32
      %select_n3A_656 = arith.select %and3A_653, %sub3A_655, %div3A_634 : i32
      %jit3A_657 = arith.constant 8 : i32
      %eq3A_658 = arith.constant 0 : i32
      %eq3A_659 = arith.cmpi eq, %jit3A_657, %eq3A_658 : i32
      %jit3A_660 = arith.constant 1 : i32
      %select_n3A_661 = arith.select %eq3A_659, %jit3A_660, %jit3A_657 : i32
      %rem3A_662 = arith.remsi %add3A_5, %select_n3A_661 : i32
      %ne3A_663 = arith.constant 0 : i32
      %ne3A_664 = arith.cmpi ne, %rem3A_662, %ne3A_663 : i32
      %lt3A_665 = arith.constant 0 : i32
      %lt3A_666 = arith.cmpi slt, %rem3A_662, %lt3A_665 : i32
      %lt3A_667 = arith.constant 0 : i32
      %lt3A_668 = arith.cmpi slt, %select_n3A_661, %lt3A_667 : i32
      %ne3A_669 = arith.xori %lt3A_666, %lt3A_668 : i1
      %and3A_670 = arith.andi %ne3A_669, %ne3A_664 : i1
      %add3A_671 = arith.addi %rem3A_662, %select_n3A_661 : i32
      %select_n3A_672 = arith.select %and3A_670, %add3A_671, %rem3A_662 : i32
      %dma_start3A_673 = arith.constant 1 : i32
      %dma_start3A_674 = arith.constant 0 : i32
      %dma_start3A_675 = arith.constant 0 : i32
      %dma_start3A_676 = tpu.memref_slice %arg7[%dma_start3A_673, %dma_start3A_674, %dma_start3A_675] : memref<2x32x128xf32, #tpu.memory_space<vmem>> -> memref<1x32x128xf32, #tpu.memory_space<vmem>>
      %dma_start3A_677 = tpu.memref_squeeze %dma_start3A_676 : memref<1x32x128xf32, #tpu.memory_space<vmem>> -> memref<32x128xf32, #tpu.memory_space<vmem>>
      %dma_start3A_678 = arith.constant 0 : i32
      %dma_start3A_679 = arith.constant 0 : i32
      %dma_start3A_680 = tpu.memref_slice %arg4[%add3A_572, %select_n3A_656, %dma_start3A_678, %select_n3A_672, %dma_start3A_679] : memref<200x8x32x8x128xf32, #tpu.memory_space<hbm>> -> memref<1x1x32x1x128xf32, #tpu.memory_space<hbm>>
      %dma_start3A_681 = tpu.memref_squeeze %dma_start3A_680 : memref<1x1x32x1x128xf32, #tpu.memory_space<hbm>> -> memref<32x128xf32, #tpu.memory_space<hbm>>
      %dma_start3A_682 = arith.constant 0 : i32
      %dma_start3A_683 = arith.constant 0 : i32
      %dma_start3A_684 = tpu.memref_slice %arg4[%add3A_572, %select_n3A_656, %dma_start3A_682, %select_n3A_672, %dma_start3A_683] : memref<200x8x32x8x128xf32, #tpu.memory_space<hbm>> -> memref<1x1x32x1x128xf32, #tpu.memory_space<hbm>>
      %dma_start3A_685 = tpu.memref_squeeze %dma_start3A_684 : memref<1x1x32x1x128xf32, #tpu.memory_space<hbm>> -> memref<32x128xf32, #tpu.memory_space<hbm>>
      %dma_start3A_686 = arith.constant 0 : i32
      %dma_start3A_687 = arith.constant 0 : i32
      %dma_start3A_688 = tpu.memref_slice %arg7[%dma_start3A_673, %dma_start3A_686, %dma_start3A_687] : memref<2x32x128xf32, #tpu.memory_space<vmem>> -> memref<1x32x128xf32, #tpu.memory_space<vmem>>
      %dma_start3A_689 = tpu.memref_squeeze %dma_start3A_688 : memref<1x32x128xf32, #tpu.memory_space<vmem>> -> memref<32x128xf32, #tpu.memory_space<vmem>>
      tpu.enqueue_dma source(%dma_start3A_689 : memref<32x128xf32, #tpu.memory_space<vmem>>) target(%dma_start3A_685 : memref<32x128xf32, #tpu.memory_space<hbm>>) target_semaphore(%arg14 : memref<!tpu.dma_semaphore, #tpu.memory_space<semaphore_mem>>)
      %mul3A_690 = arith.constant 8 : i32
      %mul3A_691 = arith.muli %scan3A_176, %mul3A_690 : i32
      %add3A_692 = arith.constant 4 : i32
      %add3A_693 = arith.addi %mul3A_691, %add3A_692 : i32
      %dma_start3A_694 = arith.constant 7 : i32
      %dma_start3A_695 = arith.constant 3 : i32
      %dma_start3A_696 = arith.constant 0 : i32
      %dma_start3A_697 = arith.constant 0 : i32
      %dma_start3A_698 = tpu.memref_slice %arg6[%dma_start3A_695, %dma_start3A_696, %dma_start3A_697] : memref<4x32x128xi32, #tpu.memory_space<vmem>> -> memref<1x32x128xi32, #tpu.memory_space<vmem>>
      %dma_start3A_699 = tpu.memref_squeeze %dma_start3A_698 : memref<1x32x128xi32, #tpu.memory_space<vmem>> -> memref<32x128xi32, #tpu.memory_space<vmem>>
      %dma_start3A_700 = arith.constant 0 : i32
      %dma_start3A_701 = arith.constant 0 : i32
      %dma_start3A_702 = tpu.memref_slice %arg8[%rem3A_178, %dma_start3A_700, %dma_start3A_694, %dma_start3A_701] : memref<2x32x8x128xi32, #tpu.memory_space<vmem_shared>> -> memref<1x32x1x128xi32, #tpu.memory_space<vmem_shared>>
      %dma_start3A_703 = tpu.memref_squeeze %dma_start3A_702 : memref<1x32x1x128xi32, #tpu.memory_space<vmem_shared>> -> memref<32x128xi32, #tpu.memory_space<vmem_shared>>
      %dma_start3A_704 = arith.constant 0 : i32
      %dma_start3A_705 = arith.constant 0 : i32
      %dma_start3A_706 = tpu.memref_slice %arg6[%dma_start3A_695, %dma_start3A_704, %dma_start3A_705] : memref<4x32x128xi32, #tpu.memory_space<vmem>> -> memref<1x32x128xi32, #tpu.memory_space<vmem>>
      %dma_start3A_707 = tpu.memref_squeeze %dma_start3A_706 : memref<1x32x128xi32, #tpu.memory_space<vmem>> -> memref<32x128xi32, #tpu.memory_space<vmem>>
      %dma_start3A_708 = arith.constant 0 : i32
      %dma_start3A_709 = arith.constant 0 : i32
      %dma_start3A_710 = tpu.memref_slice %arg8[%rem3A_178, %dma_start3A_708, %dma_start3A_694, %dma_start3A_709] : memref<2x32x8x128xi32, #tpu.memory_space<vmem_shared>> -> memref<1x32x1x128xi32, #tpu.memory_space<vmem_shared>>
      %dma_start3A_711 = tpu.memref_squeeze %dma_start3A_710 : memref<1x32x1x128xi32, #tpu.memory_space<vmem_shared>> -> memref<32x128xi32, #tpu.memory_space<vmem_shared>>
      tpu.enqueue_dma source(%dma_start3A_711 : memref<32x128xi32, #tpu.memory_space<vmem_shared>>) target(%dma_start3A_707 : memref<32x128xi32, #tpu.memory_space<vmem>>) target_semaphore(%arg12 : memref<!tpu.dma_semaphore, #tpu.memory_space<semaphore_mem>>)
      %dma_wait3A_712 = arith.constant 0 : i32
      %dma_wait3A_713 = arith.constant 0 : i32
      %dma_wait3A_714 = arith.constant 0 : i32
      %dma_wait3A_715 = arith.constant 0 : i32
      %dma_wait3A_716 = arith.constant 0 : i32
      %dma_wait3A_717 = tpu.memref_slice %arg6[%dma_wait3A_714, %dma_wait3A_715, %dma_wait3A_716] : memref<4x32x128xi32, #tpu.memory_space<vmem>> -> memref<1x32x128xi32, #tpu.memory_space<vmem>>
      %dma_wait3A_718 = tpu.memref_squeeze %dma_wait3A_717 : memref<1x32x128xi32, #tpu.memory_space<vmem>> -> memref<32x128xi32, #tpu.memory_space<vmem>>
      %dma_wait3A_719 = arith.constant 0 : i32
      %dma_wait3A_720 = arith.constant 0 : i32
      %dma_wait3A_721 = tpu.memref_slice %arg8[%dma_wait3A_712, %dma_wait3A_719, %dma_wait3A_713, %dma_wait3A_720] : memref<2x32x8x128xi32, #tpu.memory_space<vmem_shared>> -> memref<1x32x1x128xi32, #tpu.memory_space<vmem_shared>>
      %dma_wait3A_722 = tpu.memref_squeeze %dma_wait3A_721 : memref<1x32x1x128xi32, #tpu.memory_space<vmem_shared>> -> memref<32x128xi32, #tpu.memory_space<vmem_shared>>
      %dma_wait3A_723 = arith.constant 0 : i32
      %dma_wait3A_724 = arith.constant 0 : i32
      %dma_wait3A_725 = tpu.memref_slice %arg6[%dma_wait3A_714, %dma_wait3A_723, %dma_wait3A_724] : memref<4x32x128xi32, #tpu.memory_space<vmem>> -> memref<1x32x128xi32, #tpu.memory_space<vmem>>
      %dma_wait3A_726 = tpu.memref_squeeze %dma_wait3A_725 : memref<1x32x128xi32, #tpu.memory_space<vmem>> -> memref<32x128xi32, #tpu.memory_space<vmem>>
      %dma_wait3A_727 = arith.constant 0 : i32
      %dma_wait3A_728 = arith.constant 0 : i32
      %dma_wait3A_729 = tpu.memref_slice %arg8[%dma_wait3A_712, %dma_wait3A_727, %dma_wait3A_713, %dma_wait3A_728] : memref<2x32x8x128xi32, #tpu.memory_space<vmem_shared>> -> memref<1x32x1x128xi32, #tpu.memory_space<vmem_shared>>
      %dma_wait3A_730 = tpu.memref_squeeze %dma_wait3A_729 : memref<1x32x1x128xi32, #tpu.memory_space<vmem_shared>> -> memref<32x128xi32, #tpu.memory_space<vmem_shared>>
      tpu.wait_dma2 semaphore(%arg9 : memref<!tpu.dma_semaphore, #tpu.memory_space<semaphore_mem>>) src(%dma_wait3A_730 : memref<32x128xi32, #tpu.memory_space<vmem_shared>>) dst(%dma_wait3A_726 : memref<32x128xi32, #tpu.memory_space<vmem>>)
      %dma_wait3A_731 = arith.constant 0 : i32
      %dma_wait3A_732 = arith.constant 0 : i32
      %dma_wait3A_733 = arith.constant 0 : i32
      %dma_wait3A_734 = arith.constant 0 : i32
      %dma_wait3A_735 = arith.constant 0 : i32
      %dma_wait3A_736 = arith.constant 0 : i32
      %dma_wait3A_737 = tpu.memref_slice %arg7[%dma_wait3A_731, %dma_wait3A_735, %dma_wait3A_736] : memref<2x32x128xf32, #tpu.memory_space<vmem>> -> memref<1x32x128xf32, #tpu.memory_space<vmem>>
      %dma_wait3A_738 = tpu.memref_squeeze %dma_wait3A_737 : memref<1x32x128xf32, #tpu.memory_space<vmem>> -> memref<32x128xf32, #tpu.memory_space<vmem>>
      %dma_wait3A_739 = arith.constant 0 : i32
      %dma_wait3A_740 = arith.constant 0 : i32
      %dma_wait3A_741 = tpu.memref_slice %arg4[%dma_wait3A_732, %dma_wait3A_733, %dma_wait3A_739, %dma_wait3A_734, %dma_wait3A_740] : memref<200x8x32x8x128xf32, #tpu.memory_space<hbm>> -> memref<1x1x32x1x128xf32, #tpu.memory_space<hbm>>
      %dma_wait3A_742 = tpu.memref_squeeze %dma_wait3A_741 : memref<1x1x32x1x128xf32, #tpu.memory_space<hbm>> -> memref<32x128xf32, #tpu.memory_space<hbm>>
      %dma_wait3A_743 = arith.constant 0 : i32
      %dma_wait3A_744 = arith.constant 0 : i32
      %dma_wait3A_745 = tpu.memref_slice %arg4[%dma_wait3A_732, %dma_wait3A_733, %dma_wait3A_743, %dma_wait3A_734, %dma_wait3A_744] : memref<200x8x32x8x128xf32, #tpu.memory_space<hbm>> -> memref<1x1x32x1x128xf32, #tpu.memory_space<hbm>>
      %dma_wait3A_746 = tpu.memref_squeeze %dma_wait3A_745 : memref<1x1x32x1x128xf32, #tpu.memory_space<hbm>> -> memref<32x128xf32, #tpu.memory_space<hbm>>
      %dma_wait3A_747 = arith.constant 0 : i32
      %dma_wait3A_748 = arith.constant 0 : i32
      %dma_wait3A_749 = tpu.memref_slice %arg7[%dma_wait3A_731, %dma_wait3A_747, %dma_wait3A_748] : memref<2x32x128xf32, #tpu.memory_space<vmem>> -> memref<1x32x128xf32, #tpu.memory_space<vmem>>
      %dma_wait3A_750 = tpu.memref_squeeze %dma_wait3A_749 : memref<1x32x128xf32, #tpu.memory_space<vmem>> -> memref<32x128xf32, #tpu.memory_space<vmem>>
      tpu.wait_dma2 semaphore(%arg13 : memref<!tpu.dma_semaphore, #tpu.memory_space<semaphore_mem>>) src(%dma_wait3A_750 : memref<32x128xf32, #tpu.memory_space<vmem>>) dst(%dma_wait3A_746 : memref<32x128xf32, #tpu.memory_space<hbm>>)
      %parallel_loop3A_751 = arith.constant 0 : i32
      %parallel_loop3A_752 = arith.constant 4096 : i32
      %parallel_loop3A_753 = arith.constant 16 : i32
      scf.for %parallel_loop3A_1127 = %parallel_loop3A_751 to %parallel_loop3A_752 step %parallel_loop3A_753  : i32 {
        %parallel_loop3A_1128 = arith.constant 128 : i32
        %parallel_loop3A_1129 = arith.divsi %parallel_loop3A_1127, %parallel_loop3A_1128 : i32
        %parallel_loop3A_1130 = arith.constant 0 : i32
        %parallel_loop3A_1131 = arith.cmpi sgt, %parallel_loop3A_1127, %parallel_loop3A_1130 : i32
        %parallel_loop3A_1132 = arith.extui %parallel_loop3A_1131 : i1 to i32
        %parallel_loop3A_1133 = arith.constant 0 : i32
        %parallel_loop3A_1134 = arith.cmpi slt, %parallel_loop3A_1127, %parallel_loop3A_1133 : i32
        %parallel_loop3A_1135 = arith.extui %parallel_loop3A_1134 : i1 to i32
        %parallel_loop3A_1136 = arith.subi %parallel_loop3A_1132, %parallel_loop3A_1135 : i32
        %parallel_loop3A_1137 = arith.constant 0 : i32
        %parallel_loop3A_1138 = arith.cmpi sgt, %parallel_loop3A_1128, %parallel_loop3A_1137 : i32
        %parallel_loop3A_1139 = arith.extui %parallel_loop3A_1138 : i1 to i32
        %parallel_loop3A_1140 = arith.constant 0 : i32
        %parallel_loop3A_1141 = arith.cmpi slt, %parallel_loop3A_1128, %parallel_loop3A_1140 : i32
        %parallel_loop3A_1142 = arith.extui %parallel_loop3A_1141 : i1 to i32
        %parallel_loop3A_1143 = arith.subi %parallel_loop3A_1139, %parallel_loop3A_1142 : i32
        %parallel_loop3A_1144 = arith.cmpi ne, %parallel_loop3A_1136, %parallel_loop3A_1143 : i32
        %parallel_loop3A_1145 = arith.remsi %parallel_loop3A_1127, %parallel_loop3A_1128 : i32
        %parallel_loop3A_1146 = arith.constant 0 : i32
        %parallel_loop3A_1147 = arith.cmpi ne, %parallel_loop3A_1145, %parallel_loop3A_1146 : i32
        %parallel_loop3A_1148 = arith.andi %parallel_loop3A_1144, %parallel_loop3A_1147 : i1
        %parallel_loop3A_1149 = arith.constant 1 : i32
        %parallel_loop3A_1150 = arith.subi %parallel_loop3A_1129, %parallel_loop3A_1149 : i32
        %parallel_loop3A_1151 = arith.select %parallel_loop3A_1148, %parallel_loop3A_1150, %parallel_loop3A_1129 : i32
        %parallel_loop3A_1152 = arith.constant 128 : i32
        %parallel_loop3A_1153 = arith.constant 0 : i32
        %parallel_loop3A_1154 = arith.cmpi eq, %parallel_loop3A_1152, %parallel_loop3A_1153 : i32
        %parallel_loop3A_1155 = arith.constant 1 : i32
        %parallel_loop3A_1156 = arith.select %parallel_loop3A_1154, %parallel_loop3A_1155, %parallel_loop3A_1152 : i32
        %parallel_loop3A_1157 = arith.remsi %parallel_loop3A_1127, %parallel_loop3A_1156 : i32
        %parallel_loop3A_1158 = arith.constant 0 : i32
        %parallel_loop3A_1159 = arith.cmpi ne, %parallel_loop3A_1157, %parallel_loop3A_1158 : i32
        %parallel_loop3A_1160 = arith.constant 0 : i32
        %parallel_loop3A_1161 = arith.cmpi slt, %parallel_loop3A_1157, %parallel_loop3A_1160 : i32
        %parallel_loop3A_1162 = arith.constant 0 : i32
        %parallel_loop3A_1163 = arith.cmpi slt, %parallel_loop3A_1156, %parallel_loop3A_1162 : i32
        %parallel_loop3A_1164 = arith.xori %parallel_loop3A_1161, %parallel_loop3A_1163 : i1
        %parallel_loop3A_1165 = arith.andi %parallel_loop3A_1164, %parallel_loop3A_1159 : i1
        %parallel_loop3A_1166 = arith.addi %parallel_loop3A_1157, %parallel_loop3A_1156 : i32
        %parallel_loop3A_1167 = arith.select %parallel_loop3A_1165, %parallel_loop3A_1166, %parallel_loop3A_1157 : i32
        %parallel_loop3A_1168 = arith.constant 0 : i32
        %parallel_loop3A_1169 = arith.index_cast %parallel_loop3A_1168 : i32 to index
        %parallel_loop3A_1170 = arith.index_cast %parallel_loop3A_1151 : i32 to index
        %parallel_loop3A_1171 = arith.index_cast %parallel_loop3A_1167 : i32 to index
        %parallel_loop3A_1172 = tpu.vector_load %arg6[%parallel_loop3A_1169, %parallel_loop3A_1170, %parallel_loop3A_1171] {strides = array<i32>} : memref<4x32x128xi32, #tpu.memory_space<vmem>>, vector<16xi32>,
        %parallel_loop3A_1173 = arith.constant 7 : i32
        %parallel_loop3A_1174 = vector.broadcast %parallel_loop3A_1173 : i32 to vector<16xi32>
        %parallel_loop3A_1175 = arith.shrsi %parallel_loop3A_1172, %parallel_loop3A_1174 : vector<16xi32>
        %parallel_loop3A_1176 = arith.constant 127 : i32
        %parallel_loop3A_1177 = vector.broadcast %parallel_loop3A_1176 : i32 to vector<16xi32>
        %parallel_loop3A_1178 = arith.andi %parallel_loop3A_1172, %parallel_loop3A_1177 : vector<16xi32>
        %parallel_loop3A_1179 = tpu.vector_load_idx %arg5[%parallel_loop3A_1175, %parallel_loop3A_1178] : memref<782x128xf32, #tpu.memory_space<vmem>>[vector<16xi32>, vector<16xi32>], vector<16xf32>,
        %parallel_loop3A_1180 = arith.constant 128 : i32
        %parallel_loop3A_1181 = arith.divsi %parallel_loop3A_1127, %parallel_loop3A_1180 : i32
        %parallel_loop3A_1182 = arith.constant 0 : i32
        %parallel_loop3A_1183 = arith.cmpi sgt, %parallel_loop3A_1127, %parallel_loop3A_1182 : i32
        %parallel_loop3A_1184 = arith.extui %parallel_loop3A_1183 : i1 to i32
        %parallel_loop3A_1185 = arith.constant 0 : i32
        %parallel_loop3A_1186 = arith.cmpi slt, %parallel_loop3A_1127, %parallel_loop3A_1185 : i32
        %parallel_loop3A_1187 = arith.extui %parallel_loop3A_1186 : i1 to i32
        %parallel_loop3A_1188 = arith.subi %parallel_loop3A_1184, %parallel_loop3A_1187 : i32
        %parallel_loop3A_1189 = arith.constant 0 : i32
        %parallel_loop3A_1190 = arith.cmpi sgt, %parallel_loop3A_1180, %parallel_loop3A_1189 : i32
        %parallel_loop3A_1191 = arith.extui %parallel_loop3A_1190 : i1 to i32
        %parallel_loop3A_1192 = arith.constant 0 : i32
        %parallel_loop3A_1193 = arith.cmpi slt, %parallel_loop3A_1180, %parallel_loop3A_1192 : i32
        %parallel_loop3A_1194 = arith.extui %parallel_loop3A_1193 : i1 to i32
        %parallel_loop3A_1195 = arith.subi %parallel_loop3A_1191, %parallel_loop3A_1194 : i32
        %parallel_loop3A_1196 = arith.cmpi ne, %parallel_loop3A_1188, %parallel_loop3A_1195 : i32
        %parallel_loop3A_1197 = arith.remsi %parallel_loop3A_1127, %parallel_loop3A_1180 : i32
        %parallel_loop3A_1198 = arith.constant 0 : i32
        %parallel_loop3A_1199 = arith.cmpi ne, %parallel_loop3A_1197, %parallel_loop3A_1198 : i32
        %parallel_loop3A_1200 = arith.andi %parallel_loop3A_1196, %parallel_loop3A_1199 : i1
        %parallel_loop3A_1201 = arith.constant 1 : i32
        %parallel_loop3A_1202 = arith.subi %parallel_loop3A_1181, %parallel_loop3A_1201 : i32
        %parallel_loop3A_1203 = arith.select %parallel_loop3A_1200, %parallel_loop3A_1202, %parallel_loop3A_1181 : i32
        %parallel_loop3A_1204 = arith.constant 128 : i32
        %parallel_loop3A_1205 = arith.constant 0 : i32
        %parallel_loop3A_1206 = arith.cmpi eq, %parallel_loop3A_1204, %parallel_loop3A_1205 : i32
        %parallel_loop3A_1207 = arith.constant 1 : i32
        %parallel_loop3A_1208 = arith.select %parallel_loop3A_1206, %parallel_loop3A_1207, %parallel_loop3A_1204 : i32
        %parallel_loop3A_1209 = arith.remsi %parallel_loop3A_1127, %parallel_loop3A_1208 : i32
        %parallel_loop3A_1210 = arith.constant 0 : i32
        %parallel_loop3A_1211 = arith.cmpi ne, %parallel_loop3A_1209, %parallel_loop3A_1210 : i32
        %parallel_loop3A_1212 = arith.constant 0 : i32
        %parallel_loop3A_1213 = arith.cmpi slt, %parallel_loop3A_1209, %parallel_loop3A_1212 : i32
        %parallel_loop3A_1214 = arith.constant 0 : i32
        %parallel_loop3A_1215 = arith.cmpi slt, %parallel_loop3A_1208, %parallel_loop3A_1214 : i32
        %parallel_loop3A_1216 = arith.xori %parallel_loop3A_1213, %parallel_loop3A_1215 : i1
        %parallel_loop3A_1217 = arith.andi %parallel_loop3A_1216, %parallel_loop3A_1211 : i1
        %parallel_loop3A_1218 = arith.addi %parallel_loop3A_1209, %parallel_loop3A_1208 : i32
        %parallel_loop3A_1219 = arith.select %parallel_loop3A_1217, %parallel_loop3A_1218, %parallel_loop3A_1209 : i32
        %parallel_loop3A_1220 = arith.constant 0 : i32
        %parallel_loop3A_1221 = arith.index_cast %parallel_loop3A_1220 : i32 to index
        %parallel_loop3A_1222 = arith.index_cast %parallel_loop3A_1203 : i32 to index
        %parallel_loop3A_1223 = arith.index_cast %parallel_loop3A_1219 : i32 to index
        %parallel_loop3A_1224 = tpu.vector_load %arg7[%parallel_loop3A_1221, %parallel_loop3A_1222, %parallel_loop3A_1223] {strides = array<i32>} : memref<2x32x128xf32, #tpu.memory_space<vmem>>, vector<16xf32>,
        tpu.vector_store %arg7[%parallel_loop3A_1221, %parallel_loop3A_1222, %parallel_loop3A_1223], %parallel_loop3A_1179 {strides = array<i32>} : memref<2x32x128xf32, #tpu.memory_space<vmem>>, vector<16xf32>,
      } {sc.loop_unroll_factor = 16 : i64, sc.parallel_access}
      %jit3A_754 = arith.constant 8 : i32
      %div3A_755 = arith.divsi %add3A_5, %jit3A_754 : i32
      %sign3A_756 = arith.constant 0 : i32
      %sign3A_757 = arith.cmpi sgt, %add3A_5, %sign3A_756 : i32
      %sign3A_758 = arith.extui %sign3A_757 : i1 to i32
      %sign3A_759 = arith.constant 0 : i32
      %sign3A_760 = arith.cmpi slt, %add3A_5, %sign3A_759 : i32
      %sign3A_761 = arith.extui %sign3A_760 : i1 to i32
      %sign3A_762 = arith.subi %sign3A_758, %sign3A_761 : i32
      %sign3A_763 = arith.constant 0 : i32
      %sign3A_764 = arith.cmpi sgt, %jit3A_754, %sign3A_763 : i32
      %sign3A_765 = arith.extui %sign3A_764 : i1 to i32
      %sign3A_766 = arith.constant 0 : i32
      %sign3A_767 = arith.cmpi slt, %jit3A_754, %sign3A_766 : i32
      %sign3A_768 = arith.extui %sign3A_767 : i1 to i32
      %sign3A_769 = arith.subi %sign3A_765, %sign3A_768 : i32
      %ne3A_770 = arith.cmpi ne, %sign3A_762, %sign3A_769 : i32
      %rem3A_771 = arith.remsi %add3A_5, %jit3A_754 : i32
      %ne3A_772 = arith.constant 0 : i32
      %ne3A_773 = arith.cmpi ne, %rem3A_771, %ne3A_772 : i32
      %and3A_774 = arith.andi %ne3A_770, %ne3A_773 : i1
      %sub3A_775 = arith.constant 1 : i32
      %sub3A_776 = arith.subi %div3A_755, %sub3A_775 : i32
      %select_n3A_777 = arith.select %and3A_774, %sub3A_776, %div3A_755 : i32
      %jit3A_778 = arith.constant 8 : i32
      %eq3A_779 = arith.constant 0 : i32
      %eq3A_780 = arith.cmpi eq, %jit3A_778, %eq3A_779 : i32
      %jit3A_781 = arith.constant 1 : i32
      %select_n3A_782 = arith.select %eq3A_780, %jit3A_781, %jit3A_778 : i32
      %rem3A_783 = arith.remsi %add3A_5, %select_n3A_782 : i32
      %ne3A_784 = arith.constant 0 : i32
      %ne3A_785 = arith.cmpi ne, %rem3A_783, %ne3A_784 : i32
      %lt3A_786 = arith.constant 0 : i32
      %lt3A_787 = arith.cmpi slt, %rem3A_783, %lt3A_786 : i32
      %lt3A_788 = arith.constant 0 : i32
      %lt3A_789 = arith.cmpi slt, %select_n3A_782, %lt3A_788 : i32
      %ne3A_790 = arith.xori %lt3A_787, %lt3A_789 : i1
      %and3A_791 = arith.andi %ne3A_790, %ne3A_785 : i1
      %add3A_792 = arith.addi %rem3A_783, %select_n3A_782 : i32
      %select_n3A_793 = arith.select %and3A_791, %add3A_792, %rem3A_783 : i32
      %dma_start3A_794 = arith.constant 0 : i32
      %dma_start3A_795 = arith.constant 0 : i32
      %dma_start3A_796 = arith.constant 0 : i32
      %dma_start3A_797 = tpu.memref_slice %arg7[%dma_start3A_794, %dma_start3A_795, %dma_start3A_796] : memref<2x32x128xf32, #tpu.memory_space<vmem>> -> memref<1x32x128xf32, #tpu.memory_space<vmem>>
      %dma_start3A_798 = tpu.memref_squeeze %dma_start3A_797 : memref<1x32x128xf32, #tpu.memory_space<vmem>> -> memref<32x128xf32, #tpu.memory_space<vmem>>
      %dma_start3A_799 = arith.constant 0 : i32
      %dma_start3A_800 = arith.constant 0 : i32
      %dma_start3A_801 = tpu.memref_slice %arg4[%add3A_693, %select_n3A_777, %dma_start3A_799, %select_n3A_793, %dma_start3A_800] : memref<200x8x32x8x128xf32, #tpu.memory_space<hbm>> -> memref<1x1x32x1x128xf32, #tpu.memory_space<hbm>>
      %dma_start3A_802 = tpu.memref_squeeze %dma_start3A_801 : memref<1x1x32x1x128xf32, #tpu.memory_space<hbm>> -> memref<32x128xf32, #tpu.memory_space<hbm>>
      %dma_start3A_803 = arith.constant 0 : i32
      %dma_start3A_804 = arith.constant 0 : i32
      %dma_start3A_805 = tpu.memref_slice %arg4[%add3A_693, %select_n3A_777, %dma_start3A_803, %select_n3A_793, %dma_start3A_804] : memref<200x8x32x8x128xf32, #tpu.memory_space<hbm>> -> memref<1x1x32x1x128xf32, #tpu.memory_space<hbm>>
      %dma_start3A_806 = tpu.memref_squeeze %dma_start3A_805 : memref<1x1x32x1x128xf32, #tpu.memory_space<hbm>> -> memref<32x128xf32, #tpu.memory_space<hbm>>
      %dma_start3A_807 = arith.constant 0 : i32
      %dma_start3A_808 = arith.constant 0 : i32
      %dma_start3A_809 = tpu.memref_slice %arg7[%dma_start3A_794, %dma_start3A_807, %dma_start3A_808] : memref<2x32x128xf32, #tpu.memory_space<vmem>> -> memref<1x32x128xf32, #tpu.memory_space<vmem>>
      %dma_start3A_810 = tpu.memref_squeeze %dma_start3A_809 : memref<1x32x128xf32, #tpu.memory_space<vmem>> -> memref<32x128xf32, #tpu.memory_space<vmem>>
      tpu.enqueue_dma source(%dma_start3A_810 : memref<32x128xf32, #tpu.memory_space<vmem>>) target(%dma_start3A_806 : memref<32x128xf32, #tpu.memory_space<hbm>>) target_semaphore(%arg13 : memref<!tpu.dma_semaphore, #tpu.memory_space<semaphore_mem>>)
      %mul3A_811 = arith.constant 8 : i32
      %mul3A_812 = arith.muli %scan3A_176, %mul3A_811 : i32
      %add3A_813 = arith.constant 5 : i32
      %add3A_814 = arith.addi %mul3A_812, %add3A_813 : i32
      %dma_wait3A_815 = arith.constant 0 : i32
      %dma_wait3A_816 = arith.constant 0 : i32
      %dma_wait3A_817 = arith.constant 1 : i32
      %dma_wait3A_818 = arith.constant 0 : i32
      %dma_wait3A_819 = arith.constant 0 : i32
      %dma_wait3A_820 = tpu.memref_slice %arg6[%dma_wait3A_817, %dma_wait3A_818, %dma_wait3A_819] : memref<4x32x128xi32, #tpu.memory_space<vmem>> -> memref<1x32x128xi32, #tpu.memory_space<vmem>>
      %dma_wait3A_821 = tpu.memref_squeeze %dma_wait3A_820 : memref<1x32x128xi32, #tpu.memory_space<vmem>> -> memref<32x128xi32, #tpu.memory_space<vmem>>
      %dma_wait3A_822 = arith.constant 0 : i32
      %dma_wait3A_823 = arith.constant 0 : i32
      %dma_wait3A_824 = tpu.memref_slice %arg8[%dma_wait3A_815, %dma_wait3A_822, %dma_wait3A_816, %dma_wait3A_823] : memref<2x32x8x128xi32, #tpu.memory_space<vmem_shared>> -> memref<1x32x1x128xi32, #tpu.memory_space<vmem_shared>>
      %dma_wait3A_825 = tpu.memref_squeeze %dma_wait3A_824 : memref<1x32x1x128xi32, #tpu.memory_space<vmem_shared>> -> memref<32x128xi32, #tpu.memory_space<vmem_shared>>
      %dma_wait3A_826 = arith.constant 0 : i32
      %dma_wait3A_827 = arith.constant 0 : i32
      %dma_wait3A_828 = tpu.memref_slice %arg6[%dma_wait3A_817, %dma_wait3A_826, %dma_wait3A_827] : memref<4x32x128xi32, #tpu.memory_space<vmem>> -> memref<1x32x128xi32, #tpu.memory_space<vmem>>
      %dma_wait3A_829 = tpu.memref_squeeze %dma_wait3A_828 : memref<1x32x128xi32, #tpu.memory_space<vmem>> -> memref<32x128xi32, #tpu.memory_space<vmem>>
      %dma_wait3A_830 = arith.constant 0 : i32
      %dma_wait3A_831 = arith.constant 0 : i32
      %dma_wait3A_832 = tpu.memref_slice %arg8[%dma_wait3A_815, %dma_wait3A_830, %dma_wait3A_816, %dma_wait3A_831] : memref<2x32x8x128xi32, #tpu.memory_space<vmem_shared>> -> memref<1x32x1x128xi32, #tpu.memory_space<vmem_shared>>
      %dma_wait3A_833 = tpu.memref_squeeze %dma_wait3A_832 : memref<1x32x1x128xi32, #tpu.memory_space<vmem_shared>> -> memref<32x128xi32, #tpu.memory_space<vmem_shared>>
      tpu.wait_dma2 semaphore(%arg10 : memref<!tpu.dma_semaphore, #tpu.memory_space<semaphore_mem>>) src(%dma_wait3A_833 : memref<32x128xi32, #tpu.memory_space<vmem_shared>>) dst(%dma_wait3A_829 : memref<32x128xi32, #tpu.memory_space<vmem>>)
      %dma_wait3A_834 = arith.constant 1 : i32
      %dma_wait3A_835 = arith.constant 0 : i32
      %dma_wait3A_836 = arith.constant 0 : i32
      %dma_wait3A_837 = arith.constant 0 : i32
      %dma_wait3A_838 = arith.constant 0 : i32
      %dma_wait3A_839 = arith.constant 0 : i32
      %dma_wait3A_840 = tpu.memref_slice %arg7[%dma_wait3A_834, %dma_wait3A_838, %dma_wait3A_839] : memref<2x32x128xf32, #tpu.memory_space<vmem>> -> memref<1x32x128xf32, #tpu.memory_space<vmem>>
      %dma_wait3A_841 = tpu.memref_squeeze %dma_wait3A_840 : memref<1x32x128xf32, #tpu.memory_space<vmem>> -> memref<32x128xf32, #tpu.memory_space<vmem>>
      %dma_wait3A_842 = arith.constant 0 : i32
      %dma_wait3A_843 = arith.constant 0 : i32
      %dma_wait3A_844 = tpu.memref_slice %arg4[%dma_wait3A_835, %dma_wait3A_836, %dma_wait3A_842, %dma_wait3A_837, %dma_wait3A_843] : memref<200x8x32x8x128xf32, #tpu.memory_space<hbm>> -> memref<1x1x32x1x128xf32, #tpu.memory_space<hbm>>
      %dma_wait3A_845 = tpu.memref_squeeze %dma_wait3A_844 : memref<1x1x32x1x128xf32, #tpu.memory_space<hbm>> -> memref<32x128xf32, #tpu.memory_space<hbm>>
      %dma_wait3A_846 = arith.constant 0 : i32
      %dma_wait3A_847 = arith.constant 0 : i32
      %dma_wait3A_848 = tpu.memref_slice %arg4[%dma_wait3A_835, %dma_wait3A_836, %dma_wait3A_846, %dma_wait3A_837, %dma_wait3A_847] : memref<200x8x32x8x128xf32, #tpu.memory_space<hbm>> -> memref<1x1x32x1x128xf32, #tpu.memory_space<hbm>>
      %dma_wait3A_849 = tpu.memref_squeeze %dma_wait3A_848 : memref<1x1x32x1x128xf32, #tpu.memory_space<hbm>> -> memref<32x128xf32, #tpu.memory_space<hbm>>
      %dma_wait3A_850 = arith.constant 0 : i32
      %dma_wait3A_851 = arith.constant 0 : i32
      %dma_wait3A_852 = tpu.memref_slice %arg7[%dma_wait3A_834, %dma_wait3A_850, %dma_wait3A_851] : memref<2x32x128xf32, #tpu.memory_space<vmem>> -> memref<1x32x128xf32, #tpu.memory_space<vmem>>
      %dma_wait3A_853 = tpu.memref_squeeze %dma_wait3A_852 : memref<1x32x128xf32, #tpu.memory_space<vmem>> -> memref<32x128xf32, #tpu.memory_space<vmem>>
      tpu.wait_dma2 semaphore(%arg14 : memref<!tpu.dma_semaphore, #tpu.memory_space<semaphore_mem>>) src(%dma_wait3A_853 : memref<32x128xf32, #tpu.memory_space<vmem>>) dst(%dma_wait3A_849 : memref<32x128xf32, #tpu.memory_space<hbm>>)
      %parallel_loop3A_854 = arith.constant 0 : i32
      %parallel_loop3A_855 = arith.constant 4096 : i32
      %parallel_loop3A_856 = arith.constant 16 : i32
      scf.for %parallel_loop3A_1127 = %parallel_loop3A_854 to %parallel_loop3A_855 step %parallel_loop3A_856  : i32 {
        %parallel_loop3A_1128 = arith.constant 128 : i32
        %parallel_loop3A_1129 = arith.divsi %parallel_loop3A_1127, %parallel_loop3A_1128 : i32
        %parallel_loop3A_1130 = arith.constant 0 : i32
        %parallel_loop3A_1131 = arith.cmpi sgt, %parallel_loop3A_1127, %parallel_loop3A_1130 : i32
        %parallel_loop3A_1132 = arith.extui %parallel_loop3A_1131 : i1 to i32
        %parallel_loop3A_1133 = arith.constant 0 : i32
        %parallel_loop3A_1134 = arith.cmpi slt, %parallel_loop3A_1127, %parallel_loop3A_1133 : i32
        %parallel_loop3A_1135 = arith.extui %parallel_loop3A_1134 : i1 to i32
        %parallel_loop3A_1136 = arith.subi %parallel_loop3A_1132, %parallel_loop3A_1135 : i32
        %parallel_loop3A_1137 = arith.constant 0 : i32
        %parallel_loop3A_1138 = arith.cmpi sgt, %parallel_loop3A_1128, %parallel_loop3A_1137 : i32
        %parallel_loop3A_1139 = arith.extui %parallel_loop3A_1138 : i1 to i32
        %parallel_loop3A_1140 = arith.constant 0 : i32
        %parallel_loop3A_1141 = arith.cmpi slt, %parallel_loop3A_1128, %parallel_loop3A_1140 : i32
        %parallel_loop3A_1142 = arith.extui %parallel_loop3A_1141 : i1 to i32
        %parallel_loop3A_1143 = arith.subi %parallel_loop3A_1139, %parallel_loop3A_1142 : i32
        %parallel_loop3A_1144 = arith.cmpi ne, %parallel_loop3A_1136, %parallel_loop3A_1143 : i32
        %parallel_loop3A_1145 = arith.remsi %parallel_loop3A_1127, %parallel_loop3A_1128 : i32
        %parallel_loop3A_1146 = arith.constant 0 : i32
        %parallel_loop3A_1147 = arith.cmpi ne, %parallel_loop3A_1145, %parallel_loop3A_1146 : i32
        %parallel_loop3A_1148 = arith.andi %parallel_loop3A_1144, %parallel_loop3A_1147 : i1
        %parallel_loop3A_1149 = arith.constant 1 : i32
        %parallel_loop3A_1150 = arith.subi %parallel_loop3A_1129, %parallel_loop3A_1149 : i32
        %parallel_loop3A_1151 = arith.select %parallel_loop3A_1148, %parallel_loop3A_1150, %parallel_loop3A_1129 : i32
        %parallel_loop3A_1152 = arith.constant 128 : i32
        %parallel_loop3A_1153 = arith.constant 0 : i32
        %parallel_loop3A_1154 = arith.cmpi eq, %parallel_loop3A_1152, %parallel_loop3A_1153 : i32
        %parallel_loop3A_1155 = arith.constant 1 : i32
        %parallel_loop3A_1156 = arith.select %parallel_loop3A_1154, %parallel_loop3A_1155, %parallel_loop3A_1152 : i32
        %parallel_loop3A_1157 = arith.remsi %parallel_loop3A_1127, %parallel_loop3A_1156 : i32
        %parallel_loop3A_1158 = arith.constant 0 : i32
        %parallel_loop3A_1159 = arith.cmpi ne, %parallel_loop3A_1157, %parallel_loop3A_1158 : i32
        %parallel_loop3A_1160 = arith.constant 0 : i32
        %parallel_loop3A_1161 = arith.cmpi slt, %parallel_loop3A_1157, %parallel_loop3A_1160 : i32
        %parallel_loop3A_1162 = arith.constant 0 : i32
        %parallel_loop3A_1163 = arith.cmpi slt, %parallel_loop3A_1156, %parallel_loop3A_1162 : i32
        %parallel_loop3A_1164 = arith.xori %parallel_loop3A_1161, %parallel_loop3A_1163 : i1
        %parallel_loop3A_1165 = arith.andi %parallel_loop3A_1164, %parallel_loop3A_1159 : i1
        %parallel_loop3A_1166 = arith.addi %parallel_loop3A_1157, %parallel_loop3A_1156 : i32
        %parallel_loop3A_1167 = arith.select %parallel_loop3A_1165, %parallel_loop3A_1166, %parallel_loop3A_1157 : i32
        %parallel_loop3A_1168 = arith.constant 1 : i32
        %parallel_loop3A_1169 = arith.index_cast %parallel_loop3A_1168 : i32 to index
        %parallel_loop3A_1170 = arith.index_cast %parallel_loop3A_1151 : i32 to index
        %parallel_loop3A_1171 = arith.index_cast %parallel_loop3A_1167 : i32 to index
        %parallel_loop3A_1172 = tpu.vector_load %arg6[%parallel_loop3A_1169, %parallel_loop3A_1170, %parallel_loop3A_1171] {strides = array<i32>} : memref<4x32x128xi32, #tpu.memory_space<vmem>>, vector<16xi32>,
        %parallel_loop3A_1173 = arith.constant 7 : i32
        %parallel_loop3A_1174 = vector.broadcast %parallel_loop3A_1173 : i32 to vector<16xi32>
        %parallel_loop3A_1175 = arith.shrsi %parallel_loop3A_1172, %parallel_loop3A_1174 : vector<16xi32>
        %parallel_loop3A_1176 = arith.constant 127 : i32
        %parallel_loop3A_1177 = vector.broadcast %parallel_loop3A_1176 : i32 to vector<16xi32>
        %parallel_loop3A_1178 = arith.andi %parallel_loop3A_1172, %parallel_loop3A_1177 : vector<16xi32>
        %parallel_loop3A_1179 = tpu.vector_load_idx %arg5[%parallel_loop3A_1175, %parallel_loop3A_1178] : memref<782x128xf32, #tpu.memory_space<vmem>>[vector<16xi32>, vector<16xi32>], vector<16xf32>,
        %parallel_loop3A_1180 = arith.constant 128 : i32
        %parallel_loop3A_1181 = arith.divsi %parallel_loop3A_1127, %parallel_loop3A_1180 : i32
        %parallel_loop3A_1182 = arith.constant 0 : i32
        %parallel_loop3A_1183 = arith.cmpi sgt, %parallel_loop3A_1127, %parallel_loop3A_1182 : i32
        %parallel_loop3A_1184 = arith.extui %parallel_loop3A_1183 : i1 to i32
        %parallel_loop3A_1185 = arith.constant 0 : i32
        %parallel_loop3A_1186 = arith.cmpi slt, %parallel_loop3A_1127, %parallel_loop3A_1185 : i32
        %parallel_loop3A_1187 = arith.extui %parallel_loop3A_1186 : i1 to i32
        %parallel_loop3A_1188 = arith.subi %parallel_loop3A_1184, %parallel_loop3A_1187 : i32
        %parallel_loop3A_1189 = arith.constant 0 : i32
        %parallel_loop3A_1190 = arith.cmpi sgt, %parallel_loop3A_1180, %parallel_loop3A_1189 : i32
        %parallel_loop3A_1191 = arith.extui %parallel_loop3A_1190 : i1 to i32
        %parallel_loop3A_1192 = arith.constant 0 : i32
        %parallel_loop3A_1193 = arith.cmpi slt, %parallel_loop3A_1180, %parallel_loop3A_1192 : i32
        %parallel_loop3A_1194 = arith.extui %parallel_loop3A_1193 : i1 to i32
        %parallel_loop3A_1195 = arith.subi %parallel_loop3A_1191, %parallel_loop3A_1194 : i32
        %parallel_loop3A_1196 = arith.cmpi ne, %parallel_loop3A_1188, %parallel_loop3A_1195 : i32
        %parallel_loop3A_1197 = arith.remsi %parallel_loop3A_1127, %parallel_loop3A_1180 : i32
        %parallel_loop3A_1198 = arith.constant 0 : i32
        %parallel_loop3A_1199 = arith.cmpi ne, %parallel_loop3A_1197, %parallel_loop3A_1198 : i32
        %parallel_loop3A_1200 = arith.andi %parallel_loop3A_1196, %parallel_loop3A_1199 : i1
        %parallel_loop3A_1201 = arith.constant 1 : i32
        %parallel_loop3A_1202 = arith.subi %parallel_loop3A_1181, %parallel_loop3A_1201 : i32
        %parallel_loop3A_1203 = arith.select %parallel_loop3A_1200, %parallel_loop3A_1202, %parallel_loop3A_1181 : i32
        %parallel_loop3A_1204 = arith.constant 128 : i32
        %parallel_loop3A_1205 = arith.constant 0 : i32
        %parallel_loop3A_1206 = arith.cmpi eq, %parallel_loop3A_1204, %parallel_loop3A_1205 : i32
        %parallel_loop3A_1207 = arith.constant 1 : i32
        %parallel_loop3A_1208 = arith.select %parallel_loop3A_1206, %parallel_loop3A_1207, %parallel_loop3A_1204 : i32
        %parallel_loop3A_1209 = arith.remsi %parallel_loop3A_1127, %parallel_loop3A_1208 : i32
        %parallel_loop3A_1210 = arith.constant 0 : i32
        %parallel_loop3A_1211 = arith.cmpi ne, %parallel_loop3A_1209, %parallel_loop3A_1210 : i32
        %parallel_loop3A_1212 = arith.constant 0 : i32
        %parallel_loop3A_1213 = arith.cmpi slt, %parallel_loop3A_1209, %parallel_loop3A_1212 : i32
        %parallel_loop3A_1214 = arith.constant 0 : i32
        %parallel_loop3A_1215 = arith.cmpi slt, %parallel_loop3A_1208, %parallel_loop3A_1214 : i32
        %parallel_loop3A_1216 = arith.xori %parallel_loop3A_1213, %parallel_loop3A_1215 : i1
        %parallel_loop3A_1217 = arith.andi %parallel_loop3A_1216, %parallel_loop3A_1211 : i1
        %parallel_loop3A_1218 = arith.addi %parallel_loop3A_1209, %parallel_loop3A_1208 : i32
        %parallel_loop3A_1219 = arith.select %parallel_loop3A_1217, %parallel_loop3A_1218, %parallel_loop3A_1209 : i32
        %parallel_loop3A_1220 = arith.constant 1 : i32
        %parallel_loop3A_1221 = arith.index_cast %parallel_loop3A_1220 : i32 to index
        %parallel_loop3A_1222 = arith.index_cast %parallel_loop3A_1203 : i32 to index
        %parallel_loop3A_1223 = arith.index_cast %parallel_loop3A_1219 : i32 to index
        %parallel_loop3A_1224 = tpu.vector_load %arg7[%parallel_loop3A_1221, %parallel_loop3A_1222, %parallel_loop3A_1223] {strides = array<i32>} : memref<2x32x128xf32, #tpu.memory_space<vmem>>, vector<16xf32>,
        tpu.vector_store %arg7[%parallel_loop3A_1221, %parallel_loop3A_1222, %parallel_loop3A_1223], %parallel_loop3A_1179 {strides = array<i32>} : memref<2x32x128xf32, #tpu.memory_space<vmem>>, vector<16xf32>,
      } {sc.loop_unroll_factor = 16 : i64, sc.parallel_access}
      %jit3A_857 = arith.constant 8 : i32
      %div3A_858 = arith.divsi %add3A_5, %jit3A_857 : i32
      %sign3A_859 = arith.constant 0 : i32
      %sign3A_860 = arith.cmpi sgt, %add3A_5, %sign3A_859 : i32
      %sign3A_861 = arith.extui %sign3A_860 : i1 to i32
      %sign3A_862 = arith.constant 0 : i32
      %sign3A_863 = arith.cmpi slt, %add3A_5, %sign3A_862 : i32
      %sign3A_864 = arith.extui %sign3A_863 : i1 to i32
      %sign3A_865 = arith.subi %sign3A_861, %sign3A_864 : i32
      %sign3A_866 = arith.constant 0 : i32
      %sign3A_867 = arith.cmpi sgt, %jit3A_857, %sign3A_866 : i32
      %sign3A_868 = arith.extui %sign3A_867 : i1 to i32
      %sign3A_869 = arith.constant 0 : i32
      %sign3A_870 = arith.cmpi slt, %jit3A_857, %sign3A_869 : i32
      %sign3A_871 = arith.extui %sign3A_870 : i1 to i32
      %sign3A_872 = arith.subi %sign3A_868, %sign3A_871 : i32
      %ne3A_873 = arith.cmpi ne, %sign3A_865, %sign3A_872 : i32
      %rem3A_874 = arith.remsi %add3A_5, %jit3A_857 : i32
      %ne3A_875 = arith.constant 0 : i32
      %ne3A_876 = arith.cmpi ne, %rem3A_874, %ne3A_875 : i32
      %and3A_877 = arith.andi %ne3A_873, %ne3A_876 : i1
      %sub3A_878 = arith.constant 1 : i32
      %sub3A_879 = arith.subi %div3A_858, %sub3A_878 : i32
      %select_n3A_880 = arith.select %and3A_877, %sub3A_879, %div3A_858 : i32
      %jit3A_881 = arith.constant 8 : i32
      %eq3A_882 = arith.constant 0 : i32
      %eq3A_883 = arith.cmpi eq, %jit3A_881, %eq3A_882 : i32
      %jit3A_884 = arith.constant 1 : i32
      %select_n3A_885 = arith.select %eq3A_883, %jit3A_884, %jit3A_881 : i32
      %rem3A_886 = arith.remsi %add3A_5, %select_n3A_885 : i32
      %ne3A_887 = arith.constant 0 : i32
      %ne3A_888 = arith.cmpi ne, %rem3A_886, %ne3A_887 : i32
      %lt3A_889 = arith.constant 0 : i32
      %lt3A_890 = arith.cmpi slt, %rem3A_886, %lt3A_889 : i32
      %lt3A_891 = arith.constant 0 : i32
      %lt3A_892 = arith.cmpi slt, %select_n3A_885, %lt3A_891 : i32
      %ne3A_893 = arith.xori %lt3A_890, %lt3A_892 : i1
      %and3A_894 = arith.andi %ne3A_893, %ne3A_888 : i1
      %add3A_895 = arith.addi %rem3A_886, %select_n3A_885 : i32
      %select_n3A_896 = arith.select %and3A_894, %add3A_895, %rem3A_886 : i32
      %dma_start3A_897 = arith.constant 1 : i32
      %dma_start3A_898 = arith.constant 0 : i32
      %dma_start3A_899 = arith.constant 0 : i32
      %dma_start3A_900 = tpu.memref_slice %arg7[%dma_start3A_897, %dma_start3A_898, %dma_start3A_899] : memref<2x32x128xf32, #tpu.memory_space<vmem>> -> memref<1x32x128xf32, #tpu.memory_space<vmem>>
      %dma_start3A_901 = tpu.memref_squeeze %dma_start3A_900 : memref<1x32x128xf32, #tpu.memory_space<vmem>> -> memref<32x128xf32, #tpu.memory_space<vmem>>
      %dma_start3A_902 = arith.constant 0 : i32
      %dma_start3A_903 = arith.constant 0 : i32
      %dma_start3A_904 = tpu.memref_slice %arg4[%add3A_814, %select_n3A_880, %dma_start3A_902, %select_n3A_896, %dma_start3A_903] : memref<200x8x32x8x128xf32, #tpu.memory_space<hbm>> -> memref<1x1x32x1x128xf32, #tpu.memory_space<hbm>>
      %dma_start3A_905 = tpu.memref_squeeze %dma_start3A_904 : memref<1x1x32x1x128xf32, #tpu.memory_space<hbm>> -> memref<32x128xf32, #tpu.memory_space<hbm>>
      %dma_start3A_906 = arith.constant 0 : i32
      %dma_start3A_907 = arith.constant 0 : i32
      %dma_start3A_908 = tpu.memref_slice %arg4[%add3A_814, %select_n3A_880, %dma_start3A_906, %select_n3A_896, %dma_start3A_907] : memref<200x8x32x8x128xf32, #tpu.memory_space<hbm>> -> memref<1x1x32x1x128xf32, #tpu.memory_space<hbm>>
      %dma_start3A_909 = tpu.memref_squeeze %dma_start3A_908 : memref<1x1x32x1x128xf32, #tpu.memory_space<hbm>> -> memref<32x128xf32, #tpu.memory_space<hbm>>
      %dma_start3A_910 = arith.constant 0 : i32
      %dma_start3A_911 = arith.constant 0 : i32
      %dma_start3A_912 = tpu.memref_slice %arg7[%dma_start3A_897, %dma_start3A_910, %dma_start3A_911] : memref<2x32x128xf32, #tpu.memory_space<vmem>> -> memref<1x32x128xf32, #tpu.memory_space<vmem>>
      %dma_start3A_913 = tpu.memref_squeeze %dma_start3A_912 : memref<1x32x128xf32, #tpu.memory_space<vmem>> -> memref<32x128xf32, #tpu.memory_space<vmem>>
      tpu.enqueue_dma source(%dma_start3A_913 : memref<32x128xf32, #tpu.memory_space<vmem>>) target(%dma_start3A_909 : memref<32x128xf32, #tpu.memory_space<hbm>>) target_semaphore(%arg14 : memref<!tpu.dma_semaphore, #tpu.memory_space<semaphore_mem>>)
      %mul3A_914 = arith.constant 8 : i32
      %mul3A_915 = arith.muli %scan3A_176, %mul3A_914 : i32
      %add3A_916 = arith.constant 6 : i32
      %add3A_917 = arith.addi %mul3A_915, %add3A_916 : i32
      %dma_wait3A_918 = arith.constant 0 : i32
      %dma_wait3A_919 = arith.constant 0 : i32
      %dma_wait3A_920 = arith.constant 2 : i32
      %dma_wait3A_921 = arith.constant 0 : i32
      %dma_wait3A_922 = arith.constant 0 : i32
      %dma_wait3A_923 = tpu.memref_slice %arg6[%dma_wait3A_920, %dma_wait3A_921, %dma_wait3A_922] : memref<4x32x128xi32, #tpu.memory_space<vmem>> -> memref<1x32x128xi32, #tpu.memory_space<vmem>>
      %dma_wait3A_924 = tpu.memref_squeeze %dma_wait3A_923 : memref<1x32x128xi32, #tpu.memory_space<vmem>> -> memref<32x128xi32, #tpu.memory_space<vmem>>
      %dma_wait3A_925 = arith.constant 0 : i32
      %dma_wait3A_926 = arith.constant 0 : i32
      %dma_wait3A_927 = tpu.memref_slice %arg8[%dma_wait3A_918, %dma_wait3A_925, %dma_wait3A_919, %dma_wait3A_926] : memref<2x32x8x128xi32, #tpu.memory_space<vmem_shared>> -> memref<1x32x1x128xi32, #tpu.memory_space<vmem_shared>>
      %dma_wait3A_928 = tpu.memref_squeeze %dma_wait3A_927 : memref<1x32x1x128xi32, #tpu.memory_space<vmem_shared>> -> memref<32x128xi32, #tpu.memory_space<vmem_shared>>
      %dma_wait3A_929 = arith.constant 0 : i32
      %dma_wait3A_930 = arith.constant 0 : i32
      %dma_wait3A_931 = tpu.memref_slice %arg6[%dma_wait3A_920, %dma_wait3A_929, %dma_wait3A_930] : memref<4x32x128xi32, #tpu.memory_space<vmem>> -> memref<1x32x128xi32, #tpu.memory_space<vmem>>
      %dma_wait3A_932 = tpu.memref_squeeze %dma_wait3A_931 : memref<1x32x128xi32, #tpu.memory_space<vmem>> -> memref<32x128xi32, #tpu.memory_space<vmem>>
      %dma_wait3A_933 = arith.constant 0 : i32
      %dma_wait3A_934 = arith.constant 0 : i32
      %dma_wait3A_935 = tpu.memref_slice %arg8[%dma_wait3A_918, %dma_wait3A_933, %dma_wait3A_919, %dma_wait3A_934] : memref<2x32x8x128xi32, #tpu.memory_space<vmem_shared>> -> memref<1x32x1x128xi32, #tpu.memory_space<vmem_shared>>
      %dma_wait3A_936 = tpu.memref_squeeze %dma_wait3A_935 : memref<1x32x1x128xi32, #tpu.memory_space<vmem_shared>> -> memref<32x128xi32, #tpu.memory_space<vmem_shared>>
      tpu.wait_dma2 semaphore(%arg11 : memref<!tpu.dma_semaphore, #tpu.memory_space<semaphore_mem>>) src(%dma_wait3A_936 : memref<32x128xi32, #tpu.memory_space<vmem_shared>>) dst(%dma_wait3A_932 : memref<32x128xi32, #tpu.memory_space<vmem>>)
      %dma_wait3A_937 = arith.constant 0 : i32
      %dma_wait3A_938 = arith.constant 0 : i32
      %dma_wait3A_939 = arith.constant 0 : i32
      %dma_wait3A_940 = arith.constant 0 : i32
      %dma_wait3A_941 = arith.constant 0 : i32
      %dma_wait3A_942 = arith.constant 0 : i32
      %dma_wait3A_943 = tpu.memref_slice %arg7[%dma_wait3A_937, %dma_wait3A_941, %dma_wait3A_942] : memref<2x32x128xf32, #tpu.memory_space<vmem>> -> memref<1x32x128xf32, #tpu.memory_space<vmem>>
      %dma_wait3A_944 = tpu.memref_squeeze %dma_wait3A_943 : memref<1x32x128xf32, #tpu.memory_space<vmem>> -> memref<32x128xf32, #tpu.memory_space<vmem>>
      %dma_wait3A_945 = arith.constant 0 : i32
      %dma_wait3A_946 = arith.constant 0 : i32
      %dma_wait3A_947 = tpu.memref_slice %arg4[%dma_wait3A_938, %dma_wait3A_939, %dma_wait3A_945, %dma_wait3A_940, %dma_wait3A_946] : memref<200x8x32x8x128xf32, #tpu.memory_space<hbm>> -> memref<1x1x32x1x128xf32, #tpu.memory_space<hbm>>
      %dma_wait3A_948 = tpu.memref_squeeze %dma_wait3A_947 : memref<1x1x32x1x128xf32, #tpu.memory_space<hbm>> -> memref<32x128xf32, #tpu.memory_space<hbm>>
      %dma_wait3A_949 = arith.constant 0 : i32
      %dma_wait3A_950 = arith.constant 0 : i32
      %dma_wait3A_951 = tpu.memref_slice %arg4[%dma_wait3A_938, %dma_wait3A_939, %dma_wait3A_949, %dma_wait3A_940, %dma_wait3A_950] : memref<200x8x32x8x128xf32, #tpu.memory_space<hbm>> -> memref<1x1x32x1x128xf32, #tpu.memory_space<hbm>>
      %dma_wait3A_952 = tpu.memref_squeeze %dma_wait3A_951 : memref<1x1x32x1x128xf32, #tpu.memory_space<hbm>> -> memref<32x128xf32, #tpu.memory_space<hbm>>
      %dma_wait3A_953 = arith.constant 0 : i32
      %dma_wait3A_954 = arith.constant 0 : i32
      %dma_wait3A_955 = tpu.memref_slice %arg7[%dma_wait3A_937, %dma_wait3A_953, %dma_wait3A_954] : memref<2x32x128xf32, #tpu.memory_space<vmem>> -> memref<1x32x128xf32, #tpu.memory_space<vmem>>
      %dma_wait3A_956 = tpu.memref_squeeze %dma_wait3A_955 : memref<1x32x128xf32, #tpu.memory_space<vmem>> -> memref<32x128xf32, #tpu.memory_space<vmem>>
      tpu.wait_dma2 semaphore(%arg13 : memref<!tpu.dma_semaphore, #tpu.memory_space<semaphore_mem>>) src(%dma_wait3A_956 : memref<32x128xf32, #tpu.memory_space<vmem>>) dst(%dma_wait3A_952 : memref<32x128xf32, #tpu.memory_space<hbm>>)
      %parallel_loop3A_957 = arith.constant 0 : i32
      %parallel_loop3A_958 = arith.constant 4096 : i32
      %parallel_loop3A_959 = arith.constant 16 : i32
      scf.for %parallel_loop3A_1127 = %parallel_loop3A_957 to %parallel_loop3A_958 step %parallel_loop3A_959  : i32 {
        %parallel_loop3A_1128 = arith.constant 128 : i32
        %parallel_loop3A_1129 = arith.divsi %parallel_loop3A_1127, %parallel_loop3A_1128 : i32
        %parallel_loop3A_1130 = arith.constant 0 : i32
        %parallel_loop3A_1131 = arith.cmpi sgt, %parallel_loop3A_1127, %parallel_loop3A_1130 : i32
        %parallel_loop3A_1132 = arith.extui %parallel_loop3A_1131 : i1 to i32
        %parallel_loop3A_1133 = arith.constant 0 : i32
        %parallel_loop3A_1134 = arith.cmpi slt, %parallel_loop3A_1127, %parallel_loop3A_1133 : i32
        %parallel_loop3A_1135 = arith.extui %parallel_loop3A_1134 : i1 to i32
        %parallel_loop3A_1136 = arith.subi %parallel_loop3A_1132, %parallel_loop3A_1135 : i32
        %parallel_loop3A_1137 = arith.constant 0 : i32
        %parallel_loop3A_1138 = arith.cmpi sgt, %parallel_loop3A_1128, %parallel_loop3A_1137 : i32
        %parallel_loop3A_1139 = arith.extui %parallel_loop3A_1138 : i1 to i32
        %parallel_loop3A_1140 = arith.constant 0 : i32
        %parallel_loop3A_1141 = arith.cmpi slt, %parallel_loop3A_1128, %parallel_loop3A_1140 : i32
        %parallel_loop3A_1142 = arith.extui %parallel_loop3A_1141 : i1 to i32
        %parallel_loop3A_1143 = arith.subi %parallel_loop3A_1139, %parallel_loop3A_1142 : i32
        %parallel_loop3A_1144 = arith.cmpi ne, %parallel_loop3A_1136, %parallel_loop3A_1143 : i32
        %parallel_loop3A_1145 = arith.remsi %parallel_loop3A_1127, %parallel_loop3A_1128 : i32
        %parallel_loop3A_1146 = arith.constant 0 : i32
        %parallel_loop3A_1147 = arith.cmpi ne, %parallel_loop3A_1145, %parallel_loop3A_1146 : i32
        %parallel_loop3A_1148 = arith.andi %parallel_loop3A_1144, %parallel_loop3A_1147 : i1
        %parallel_loop3A_1149 = arith.constant 1 : i32
        %parallel_loop3A_1150 = arith.subi %parallel_loop3A_1129, %parallel_loop3A_1149 : i32
        %parallel_loop3A_1151 = arith.select %parallel_loop3A_1148, %parallel_loop3A_1150, %parallel_loop3A_1129 : i32
        %parallel_loop3A_1152 = arith.constant 128 : i32
        %parallel_loop3A_1153 = arith.constant 0 : i32
        %parallel_loop3A_1154 = arith.cmpi eq, %parallel_loop3A_1152, %parallel_loop3A_1153 : i32
        %parallel_loop3A_1155 = arith.constant 1 : i32
        %parallel_loop3A_1156 = arith.select %parallel_loop3A_1154, %parallel_loop3A_1155, %parallel_loop3A_1152 : i32
        %parallel_loop3A_1157 = arith.remsi %parallel_loop3A_1127, %parallel_loop3A_1156 : i32
        %parallel_loop3A_1158 = arith.constant 0 : i32
        %parallel_loop3A_1159 = arith.cmpi ne, %parallel_loop3A_1157, %parallel_loop3A_1158 : i32
        %parallel_loop3A_1160 = arith.constant 0 : i32
        %parallel_loop3A_1161 = arith.cmpi slt, %parallel_loop3A_1157, %parallel_loop3A_1160 : i32
        %parallel_loop3A_1162 = arith.constant 0 : i32
        %parallel_loop3A_1163 = arith.cmpi slt, %parallel_loop3A_1156, %parallel_loop3A_1162 : i32
        %parallel_loop3A_1164 = arith.xori %parallel_loop3A_1161, %parallel_loop3A_1163 : i1
        %parallel_loop3A_1165 = arith.andi %parallel_loop3A_1164, %parallel_loop3A_1159 : i1
        %parallel_loop3A_1166 = arith.addi %parallel_loop3A_1157, %parallel_loop3A_1156 : i32
        %parallel_loop3A_1167 = arith.select %parallel_loop3A_1165, %parallel_loop3A_1166, %parallel_loop3A_1157 : i32
        %parallel_loop3A_1168 = arith.constant 2 : i32
        %parallel_loop3A_1169 = arith.index_cast %parallel_loop3A_1168 : i32 to index
        %parallel_loop3A_1170 = arith.index_cast %parallel_loop3A_1151 : i32 to index
        %parallel_loop3A_1171 = arith.index_cast %parallel_loop3A_1167 : i32 to index
        %parallel_loop3A_1172 = tpu.vector_load %arg6[%parallel_loop3A_1169, %parallel_loop3A_1170, %parallel_loop3A_1171] {strides = array<i32>} : memref<4x32x128xi32, #tpu.memory_space<vmem>>, vector<16xi32>,
        %parallel_loop3A_1173 = arith.constant 7 : i32
        %parallel_loop3A_1174 = vector.broadcast %parallel_loop3A_1173 : i32 to vector<16xi32>
        %parallel_loop3A_1175 = arith.shrsi %parallel_loop3A_1172, %parallel_loop3A_1174 : vector<16xi32>
        %parallel_loop3A_1176 = arith.constant 127 : i32
        %parallel_loop3A_1177 = vector.broadcast %parallel_loop3A_1176 : i32 to vector<16xi32>
        %parallel_loop3A_1178 = arith.andi %parallel_loop3A_1172, %parallel_loop3A_1177 : vector<16xi32>
        %parallel_loop3A_1179 = tpu.vector_load_idx %arg5[%parallel_loop3A_1175, %parallel_loop3A_1178] : memref<782x128xf32, #tpu.memory_space<vmem>>[vector<16xi32>, vector<16xi32>], vector<16xf32>,
        %parallel_loop3A_1180 = arith.constant 128 : i32
        %parallel_loop3A_1181 = arith.divsi %parallel_loop3A_1127, %parallel_loop3A_1180 : i32
        %parallel_loop3A_1182 = arith.constant 0 : i32
        %parallel_loop3A_1183 = arith.cmpi sgt, %parallel_loop3A_1127, %parallel_loop3A_1182 : i32
        %parallel_loop3A_1184 = arith.extui %parallel_loop3A_1183 : i1 to i32
        %parallel_loop3A_1185 = arith.constant 0 : i32
        %parallel_loop3A_1186 = arith.cmpi slt, %parallel_loop3A_1127, %parallel_loop3A_1185 : i32
        %parallel_loop3A_1187 = arith.extui %parallel_loop3A_1186 : i1 to i32
        %parallel_loop3A_1188 = arith.subi %parallel_loop3A_1184, %parallel_loop3A_1187 : i32
        %parallel_loop3A_1189 = arith.constant 0 : i32
        %parallel_loop3A_1190 = arith.cmpi sgt, %parallel_loop3A_1180, %parallel_loop3A_1189 : i32
        %parallel_loop3A_1191 = arith.extui %parallel_loop3A_1190 : i1 to i32
        %parallel_loop3A_1192 = arith.constant 0 : i32
        %parallel_loop3A_1193 = arith.cmpi slt, %parallel_loop3A_1180, %parallel_loop3A_1192 : i32
        %parallel_loop3A_1194 = arith.extui %parallel_loop3A_1193 : i1 to i32
        %parallel_loop3A_1195 = arith.subi %parallel_loop3A_1191, %parallel_loop3A_1194 : i32
        %parallel_loop3A_1196 = arith.cmpi ne, %parallel_loop3A_1188, %parallel_loop3A_1195 : i32
        %parallel_loop3A_1197 = arith.remsi %parallel_loop3A_1127, %parallel_loop3A_1180 : i32
        %parallel_loop3A_1198 = arith.constant 0 : i32
        %parallel_loop3A_1199 = arith.cmpi ne, %parallel_loop3A_1197, %parallel_loop3A_1198 : i32
        %parallel_loop3A_1200 = arith.andi %parallel_loop3A_1196, %parallel_loop3A_1199 : i1
        %parallel_loop3A_1201 = arith.constant 1 : i32
        %parallel_loop3A_1202 = arith.subi %parallel_loop3A_1181, %parallel_loop3A_1201 : i32
        %parallel_loop3A_1203 = arith.select %parallel_loop3A_1200, %parallel_loop3A_1202, %parallel_loop3A_1181 : i32
        %parallel_loop3A_1204 = arith.constant 128 : i32
        %parallel_loop3A_1205 = arith.constant 0 : i32
        %parallel_loop3A_1206 = arith.cmpi eq, %parallel_loop3A_1204, %parallel_loop3A_1205 : i32
        %parallel_loop3A_1207 = arith.constant 1 : i32
        %parallel_loop3A_1208 = arith.select %parallel_loop3A_1206, %parallel_loop3A_1207, %parallel_loop3A_1204 : i32
        %parallel_loop3A_1209 = arith.remsi %parallel_loop3A_1127, %parallel_loop3A_1208 : i32
        %parallel_loop3A_1210 = arith.constant 0 : i32
        %parallel_loop3A_1211 = arith.cmpi ne, %parallel_loop3A_1209, %parallel_loop3A_1210 : i32
        %parallel_loop3A_1212 = arith.constant 0 : i32
        %parallel_loop3A_1213 = arith.cmpi slt, %parallel_loop3A_1209, %parallel_loop3A_1212 : i32
        %parallel_loop3A_1214 = arith.constant 0 : i32
        %parallel_loop3A_1215 = arith.cmpi slt, %parallel_loop3A_1208, %parallel_loop3A_1214 : i32
        %parallel_loop3A_1216 = arith.xori %parallel_loop3A_1213, %parallel_loop3A_1215 : i1
        %parallel_loop3A_1217 = arith.andi %parallel_loop3A_1216, %parallel_loop3A_1211 : i1
        %parallel_loop3A_1218 = arith.addi %parallel_loop3A_1209, %parallel_loop3A_1208 : i32
        %parallel_loop3A_1219 = arith.select %parallel_loop3A_1217, %parallel_loop3A_1218, %parallel_loop3A_1209 : i32
        %parallel_loop3A_1220 = arith.constant 0 : i32
        %parallel_loop3A_1221 = arith.index_cast %parallel_loop3A_1220 : i32 to index
        %parallel_loop3A_1222 = arith.index_cast %parallel_loop3A_1203 : i32 to index
        %parallel_loop3A_1223 = arith.index_cast %parallel_loop3A_1219 : i32 to index
        %parallel_loop3A_1224 = tpu.vector_load %arg7[%parallel_loop3A_1221, %parallel_loop3A_1222, %parallel_loop3A_1223] {strides = array<i32>} : memref<2x32x128xf32, #tpu.memory_space<vmem>>, vector<16xf32>,
        tpu.vector_store %arg7[%parallel_loop3A_1221, %parallel_loop3A_1222, %parallel_loop3A_1223], %parallel_loop3A_1179 {strides = array<i32>} : memref<2x32x128xf32, #tpu.memory_space<vmem>>, vector<16xf32>,
      } {sc.loop_unroll_factor = 16 : i64, sc.parallel_access}
      %jit3A_960 = arith.constant 8 : i32
      %div3A_961 = arith.divsi %add3A_5, %jit3A_960 : i32
      %sign3A_962 = arith.constant 0 : i32
      %sign3A_963 = arith.cmpi sgt, %add3A_5, %sign3A_962 : i32
      %sign3A_964 = arith.extui %sign3A_963 : i1 to i32
      %sign3A_965 = arith.constant 0 : i32
      %sign3A_966 = arith.cmpi slt, %add3A_5, %sign3A_965 : i32
      %sign3A_967 = arith.extui %sign3A_966 : i1 to i32
      %sign3A_968 = arith.subi %sign3A_964, %sign3A_967 : i32
      %sign3A_969 = arith.constant 0 : i32
      %sign3A_970 = arith.cmpi sgt, %jit3A_960, %sign3A_969 : i32
      %sign3A_971 = arith.extui %sign3A_970 : i1 to i32
      %sign3A_972 = arith.constant 0 : i32
      %sign3A_973 = arith.cmpi slt, %jit3A_960, %sign3A_972 : i32
      %sign3A_974 = arith.extui %sign3A_973 : i1 to i32
      %sign3A_975 = arith.subi %sign3A_971, %sign3A_974 : i32
      %ne3A_976 = arith.cmpi ne, %sign3A_968, %sign3A_975 : i32
      %rem3A_977 = arith.remsi %add3A_5, %jit3A_960 : i32
      %ne3A_978 = arith.constant 0 : i32
      %ne3A_979 = arith.cmpi ne, %rem3A_977, %ne3A_978 : i32
      %and3A_980 = arith.andi %ne3A_976, %ne3A_979 : i1
      %sub3A_981 = arith.constant 1 : i32
      %sub3A_982 = arith.subi %div3A_961, %sub3A_981 : i32
      %select_n3A_983 = arith.select %and3A_980, %sub3A_982, %div3A_961 : i32
      %jit3A_984 = arith.constant 8 : i32
      %eq3A_985 = arith.constant 0 : i32
      %eq3A_986 = arith.cmpi eq, %jit3A_984, %eq3A_985 : i32
      %jit3A_987 = arith.constant 1 : i32
      %select_n3A_988 = arith.select %eq3A_986, %jit3A_987, %jit3A_984 : i32
      %rem3A_989 = arith.remsi %add3A_5, %select_n3A_988 : i32
      %ne3A_990 = arith.constant 0 : i32
      %ne3A_991 = arith.cmpi ne, %rem3A_989, %ne3A_990 : i32
      %lt3A_992 = arith.constant 0 : i32
      %lt3A_993 = arith.cmpi slt, %rem3A_989, %lt3A_992 : i32
      %lt3A_994 = arith.constant 0 : i32
      %lt3A_995 = arith.cmpi slt, %select_n3A_988, %lt3A_994 : i32
      %ne3A_996 = arith.xori %lt3A_993, %lt3A_995 : i1
      %and3A_997 = arith.andi %ne3A_996, %ne3A_991 : i1
      %add3A_998 = arith.addi %rem3A_989, %select_n3A_988 : i32
      %select_n3A_999 = arith.select %and3A_997, %add3A_998, %rem3A_989 : i32
      %dma_start3A_1000 = arith.constant 0 : i32
      %dma_start3A_1001 = arith.constant 0 : i32
      %dma_start3A_1002 = arith.constant 0 : i32
      %dma_start3A_1003 = tpu.memref_slice %arg7[%dma_start3A_1000, %dma_start3A_1001, %dma_start3A_1002] : memref<2x32x128xf32, #tpu.memory_space<vmem>> -> memref<1x32x128xf32, #tpu.memory_space<vmem>>
      %dma_start3A_1004 = tpu.memref_squeeze %dma_start3A_1003 : memref<1x32x128xf32, #tpu.memory_space<vmem>> -> memref<32x128xf32, #tpu.memory_space<vmem>>
      %dma_start3A_1005 = arith.constant 0 : i32
      %dma_start3A_1006 = arith.constant 0 : i32
      %dma_start3A_1007 = tpu.memref_slice %arg4[%add3A_917, %select_n3A_983, %dma_start3A_1005, %select_n3A_999, %dma_start3A_1006] : memref<200x8x32x8x128xf32, #tpu.memory_space<hbm>> -> memref<1x1x32x1x128xf32, #tpu.memory_space<hbm>>
      %dma_start3A_1008 = tpu.memref_squeeze %dma_start3A_1007 : memref<1x1x32x1x128xf32, #tpu.memory_space<hbm>> -> memref<32x128xf32, #tpu.memory_space<hbm>>
      %dma_start3A_1009 = arith.constant 0 : i32
      %dma_start3A_1010 = arith.constant 0 : i32
      %dma_start3A_1011 = tpu.memref_slice %arg4[%add3A_917, %select_n3A_983, %dma_start3A_1009, %select_n3A_999, %dma_start3A_1010] : memref<200x8x32x8x128xf32, #tpu.memory_space<hbm>> -> memref<1x1x32x1x128xf32, #tpu.memory_space<hbm>>
      %dma_start3A_1012 = tpu.memref_squeeze %dma_start3A_1011 : memref<1x1x32x1x128xf32, #tpu.memory_space<hbm>> -> memref<32x128xf32, #tpu.memory_space<hbm>>
      %dma_start3A_1013 = arith.constant 0 : i32
      %dma_start3A_1014 = arith.constant 0 : i32
      %dma_start3A_1015 = tpu.memref_slice %arg7[%dma_start3A_1000, %dma_start3A_1013, %dma_start3A_1014] : memref<2x32x128xf32, #tpu.memory_space<vmem>> -> memref<1x32x128xf32, #tpu.memory_space<vmem>>
      %dma_start3A_1016 = tpu.memref_squeeze %dma_start3A_1015 : memref<1x32x128xf32, #tpu.memory_space<vmem>> -> memref<32x128xf32, #tpu.memory_space<vmem>>
      tpu.enqueue_dma source(%dma_start3A_1016 : memref<32x128xf32, #tpu.memory_space<vmem>>) target(%dma_start3A_1012 : memref<32x128xf32, #tpu.memory_space<hbm>>) target_semaphore(%arg13 : memref<!tpu.dma_semaphore, #tpu.memory_space<semaphore_mem>>)
      %mul3A_1017 = arith.constant 8 : i32
      %mul3A_1018 = arith.muli %scan3A_176, %mul3A_1017 : i32
      %add3A_1019 = arith.constant 7 : i32
      %add3A_1020 = arith.addi %mul3A_1018, %add3A_1019 : i32
      %dma_wait3A_1021 = arith.constant 0 : i32
      %dma_wait3A_1022 = arith.constant 0 : i32
      %dma_wait3A_1023 = arith.constant 3 : i32
      %dma_wait3A_1024 = arith.constant 0 : i32
      %dma_wait3A_1025 = arith.constant 0 : i32
      %dma_wait3A_1026 = tpu.memref_slice %arg6[%dma_wait3A_1023, %dma_wait3A_1024, %dma_wait3A_1025] : memref<4x32x128xi32, #tpu.memory_space<vmem>> -> memref<1x32x128xi32, #tpu.memory_space<vmem>>
      %dma_wait3A_1027 = tpu.memref_squeeze %dma_wait3A_1026 : memref<1x32x128xi32, #tpu.memory_space<vmem>> -> memref<32x128xi32, #tpu.memory_space<vmem>>
      %dma_wait3A_1028 = arith.constant 0 : i32
      %dma_wait3A_1029 = arith.constant 0 : i32
      %dma_wait3A_1030 = tpu.memref_slice %arg8[%dma_wait3A_1021, %dma_wait3A_1028, %dma_wait3A_1022, %dma_wait3A_1029] : memref<2x32x8x128xi32, #tpu.memory_space<vmem_shared>> -> memref<1x32x1x128xi32, #tpu.memory_space<vmem_shared>>
      %dma_wait3A_1031 = tpu.memref_squeeze %dma_wait3A_1030 : memref<1x32x1x128xi32, #tpu.memory_space<vmem_shared>> -> memref<32x128xi32, #tpu.memory_space<vmem_shared>>
      %dma_wait3A_1032 = arith.constant 0 : i32
      %dma_wait3A_1033 = arith.constant 0 : i32
      %dma_wait3A_1034 = tpu.memref_slice %arg6[%dma_wait3A_1023, %dma_wait3A_1032, %dma_wait3A_1033] : memref<4x32x128xi32, #tpu.memory_space<vmem>> -> memref<1x32x128xi32, #tpu.memory_space<vmem>>
      %dma_wait3A_1035 = tpu.memref_squeeze %dma_wait3A_1034 : memref<1x32x128xi32, #tpu.memory_space<vmem>> -> memref<32x128xi32, #tpu.memory_space<vmem>>
      %dma_wait3A_1036 = arith.constant 0 : i32
      %dma_wait3A_1037 = arith.constant 0 : i32
      %dma_wait3A_1038 = tpu.memref_slice %arg8[%dma_wait3A_1021, %dma_wait3A_1036, %dma_wait3A_1022, %dma_wait3A_1037] : memref<2x32x8x128xi32, #tpu.memory_space<vmem_shared>> -> memref<1x32x1x128xi32, #tpu.memory_space<vmem_shared>>
      %dma_wait3A_1039 = tpu.memref_squeeze %dma_wait3A_1038 : memref<1x32x1x128xi32, #tpu.memory_space<vmem_shared>> -> memref<32x128xi32, #tpu.memory_space<vmem_shared>>
      tpu.wait_dma2 semaphore(%arg12 : memref<!tpu.dma_semaphore, #tpu.memory_space<semaphore_mem>>) src(%dma_wait3A_1039 : memref<32x128xi32, #tpu.memory_space<vmem_shared>>) dst(%dma_wait3A_1035 : memref<32x128xi32, #tpu.memory_space<vmem>>)
      %dma_wait3A_1040 = arith.constant 1 : i32
      %dma_wait3A_1041 = arith.constant 0 : i32
      %dma_wait3A_1042 = arith.constant 0 : i32
      %dma_wait3A_1043 = arith.constant 0 : i32
      %dma_wait3A_1044 = arith.constant 0 : i32
      %dma_wait3A_1045 = arith.constant 0 : i32
      %dma_wait3A_1046 = tpu.memref_slice %arg7[%dma_wait3A_1040, %dma_wait3A_1044, %dma_wait3A_1045] : memref<2x32x128xf32, #tpu.memory_space<vmem>> -> memref<1x32x128xf32, #tpu.memory_space<vmem>>
      %dma_wait3A_1047 = tpu.memref_squeeze %dma_wait3A_1046 : memref<1x32x128xf32, #tpu.memory_space<vmem>> -> memref<32x128xf32, #tpu.memory_space<vmem>>
      %dma_wait3A_1048 = arith.constant 0 : i32
      %dma_wait3A_1049 = arith.constant 0 : i32
      %dma_wait3A_1050 = tpu.memref_slice %arg4[%dma_wait3A_1041, %dma_wait3A_1042, %dma_wait3A_1048, %dma_wait3A_1043, %dma_wait3A_1049] : memref<200x8x32x8x128xf32, #tpu.memory_space<hbm>> -> memref<1x1x32x1x128xf32, #tpu.memory_space<hbm>>
      %dma_wait3A_1051 = tpu.memref_squeeze %dma_wait3A_1050 : memref<1x1x32x1x128xf32, #tpu.memory_space<hbm>> -> memref<32x128xf32, #tpu.memory_space<hbm>>
      %dma_wait3A_1052 = arith.constant 0 : i32
      %dma_wait3A_1053 = arith.constant 0 : i32
      %dma_wait3A_1054 = tpu.memref_slice %arg4[%dma_wait3A_1041, %dma_wait3A_1042, %dma_wait3A_1052, %dma_wait3A_1043, %dma_wait3A_1053] : memref<200x8x32x8x128xf32, #tpu.memory_space<hbm>> -> memref<1x1x32x1x128xf32, #tpu.memory_space<hbm>>
      %dma_wait3A_1055 = tpu.memref_squeeze %dma_wait3A_1054 : memref<1x1x32x1x128xf32, #tpu.memory_space<hbm>> -> memref<32x128xf32, #tpu.memory_space<hbm>>
      %dma_wait3A_1056 = arith.constant 0 : i32
      %dma_wait3A_1057 = arith.constant 0 : i32
      %dma_wait3A_1058 = tpu.memref_slice %arg7[%dma_wait3A_1040, %dma_wait3A_1056, %dma_wait3A_1057] : memref<2x32x128xf32, #tpu.memory_space<vmem>> -> memref<1x32x128xf32, #tpu.memory_space<vmem>>
      %dma_wait3A_1059 = tpu.memref_squeeze %dma_wait3A_1058 : memref<1x32x128xf32, #tpu.memory_space<vmem>> -> memref<32x128xf32, #tpu.memory_space<vmem>>
      tpu.wait_dma2 semaphore(%arg14 : memref<!tpu.dma_semaphore, #tpu.memory_space<semaphore_mem>>) src(%dma_wait3A_1059 : memref<32x128xf32, #tpu.memory_space<vmem>>) dst(%dma_wait3A_1055 : memref<32x128xf32, #tpu.memory_space<hbm>>)
      %parallel_loop3A_1060 = arith.constant 0 : i32
      %parallel_loop3A_1061 = arith.constant 4096 : i32
      %parallel_loop3A_1062 = arith.constant 16 : i32
      scf.for %parallel_loop3A_1127 = %parallel_loop3A_1060 to %parallel_loop3A_1061 step %parallel_loop3A_1062  : i32 {
        %parallel_loop3A_1128 = arith.constant 128 : i32
        %parallel_loop3A_1129 = arith.divsi %parallel_loop3A_1127, %parallel_loop3A_1128 : i32
        %parallel_loop3A_1130 = arith.constant 0 : i32
        %parallel_loop3A_1131 = arith.cmpi sgt, %parallel_loop3A_1127, %parallel_loop3A_1130 : i32
        %parallel_loop3A_1132 = arith.extui %parallel_loop3A_1131 : i1 to i32
        %parallel_loop3A_1133 = arith.constant 0 : i32
        %parallel_loop3A_1134 = arith.cmpi slt, %parallel_loop3A_1127, %parallel_loop3A_1133 : i32
        %parallel_loop3A_1135 = arith.extui %parallel_loop3A_1134 : i1 to i32
        %parallel_loop3A_1136 = arith.subi %parallel_loop3A_1132, %parallel_loop3A_1135 : i32
        %parallel_loop3A_1137 = arith.constant 0 : i32
        %parallel_loop3A_1138 = arith.cmpi sgt, %parallel_loop3A_1128, %parallel_loop3A_1137 : i32
        %parallel_loop3A_1139 = arith.extui %parallel_loop3A_1138 : i1 to i32
        %parallel_loop3A_1140 = arith.constant 0 : i32
        %parallel_loop3A_1141 = arith.cmpi slt, %parallel_loop3A_1128, %parallel_loop3A_1140 : i32
        %parallel_loop3A_1142 = arith.extui %parallel_loop3A_1141 : i1 to i32
        %parallel_loop3A_1143 = arith.subi %parallel_loop3A_1139, %parallel_loop3A_1142 : i32
        %parallel_loop3A_1144 = arith.cmpi ne, %parallel_loop3A_1136, %parallel_loop3A_1143 : i32
        %parallel_loop3A_1145 = arith.remsi %parallel_loop3A_1127, %parallel_loop3A_1128 : i32
        %parallel_loop3A_1146 = arith.constant 0 : i32
        %parallel_loop3A_1147 = arith.cmpi ne, %parallel_loop3A_1145, %parallel_loop3A_1146 : i32
        %parallel_loop3A_1148 = arith.andi %parallel_loop3A_1144, %parallel_loop3A_1147 : i1
        %parallel_loop3A_1149 = arith.constant 1 : i32
        %parallel_loop3A_1150 = arith.subi %parallel_loop3A_1129, %parallel_loop3A_1149 : i32
        %parallel_loop3A_1151 = arith.select %parallel_loop3A_1148, %parallel_loop3A_1150, %parallel_loop3A_1129 : i32
        %parallel_loop3A_1152 = arith.constant 128 : i32
        %parallel_loop3A_1153 = arith.constant 0 : i32
        %parallel_loop3A_1154 = arith.cmpi eq, %parallel_loop3A_1152, %parallel_loop3A_1153 : i32
        %parallel_loop3A_1155 = arith.constant 1 : i32
        %parallel_loop3A_1156 = arith.select %parallel_loop3A_1154, %parallel_loop3A_1155, %parallel_loop3A_1152 : i32
        %parallel_loop3A_1157 = arith.remsi %parallel_loop3A_1127, %parallel_loop3A_1156 : i32
        %parallel_loop3A_1158 = arith.constant 0 : i32
        %parallel_loop3A_1159 = arith.cmpi ne, %parallel_loop3A_1157, %parallel_loop3A_1158 : i32
        %parallel_loop3A_1160 = arith.constant 0 : i32
        %parallel_loop3A_1161 = arith.cmpi slt, %parallel_loop3A_1157, %parallel_loop3A_1160 : i32
        %parallel_loop3A_1162 = arith.constant 0 : i32
        %parallel_loop3A_1163 = arith.cmpi slt, %parallel_loop3A_1156, %parallel_loop3A_1162 : i32
        %parallel_loop3A_1164 = arith.xori %parallel_loop3A_1161, %parallel_loop3A_1163 : i1
        %parallel_loop3A_1165 = arith.andi %parallel_loop3A_1164, %parallel_loop3A_1159 : i1
        %parallel_loop3A_1166 = arith.addi %parallel_loop3A_1157, %parallel_loop3A_1156 : i32
        %parallel_loop3A_1167 = arith.select %parallel_loop3A_1165, %parallel_loop3A_1166, %parallel_loop3A_1157 : i32
        %parallel_loop3A_1168 = arith.constant 3 : i32
        %parallel_loop3A_1169 = arith.index_cast %parallel_loop3A_1168 : i32 to index
        %parallel_loop3A_1170 = arith.index_cast %parallel_loop3A_1151 : i32 to index
        %parallel_loop3A_1171 = arith.index_cast %parallel_loop3A_1167 : i32 to index
        %parallel_loop3A_1172 = tpu.vector_load %arg6[%parallel_loop3A_1169, %parallel_loop3A_1170, %parallel_loop3A_1171] {strides = array<i32>} : memref<4x32x128xi32, #tpu.memory_space<vmem>>, vector<16xi32>,
        %parallel_loop3A_1173 = arith.constant 7 : i32
        %parallel_loop3A_1174 = vector.broadcast %parallel_loop3A_1173 : i32 to vector<16xi32>
        %parallel_loop3A_1175 = arith.shrsi %parallel_loop3A_1172, %parallel_loop3A_1174 : vector<16xi32>
        %parallel_loop3A_1176 = arith.constant 127 : i32
        %parallel_loop3A_1177 = vector.broadcast %parallel_loop3A_1176 : i32 to vector<16xi32>
        %parallel_loop3A_1178 = arith.andi %parallel_loop3A_1172, %parallel_loop3A_1177 : vector<16xi32>
        %parallel_loop3A_1179 = tpu.vector_load_idx %arg5[%parallel_loop3A_1175, %parallel_loop3A_1178] : memref<782x128xf32, #tpu.memory_space<vmem>>[vector<16xi32>, vector<16xi32>], vector<16xf32>,
        %parallel_loop3A_1180 = arith.constant 128 : i32
        %parallel_loop3A_1181 = arith.divsi %parallel_loop3A_1127, %parallel_loop3A_1180 : i32
        %parallel_loop3A_1182 = arith.constant 0 : i32
        %parallel_loop3A_1183 = arith.cmpi sgt, %parallel_loop3A_1127, %parallel_loop3A_1182 : i32
        %parallel_loop3A_1184 = arith.extui %parallel_loop3A_1183 : i1 to i32
        %parallel_loop3A_1185 = arith.constant 0 : i32
        %parallel_loop3A_1186 = arith.cmpi slt, %parallel_loop3A_1127, %parallel_loop3A_1185 : i32
        %parallel_loop3A_1187 = arith.extui %parallel_loop3A_1186 : i1 to i32
        %parallel_loop3A_1188 = arith.subi %parallel_loop3A_1184, %parallel_loop3A_1187 : i32
        %parallel_loop3A_1189 = arith.constant 0 : i32
        %parallel_loop3A_1190 = arith.cmpi sgt, %parallel_loop3A_1180, %parallel_loop3A_1189 : i32
        %parallel_loop3A_1191 = arith.extui %parallel_loop3A_1190 : i1 to i32
        %parallel_loop3A_1192 = arith.constant 0 : i32
        %parallel_loop3A_1193 = arith.cmpi slt, %parallel_loop3A_1180, %parallel_loop3A_1192 : i32
        %parallel_loop3A_1194 = arith.extui %parallel_loop3A_1193 : i1 to i32
        %parallel_loop3A_1195 = arith.subi %parallel_loop3A_1191, %parallel_loop3A_1194 : i32
        %parallel_loop3A_1196 = arith.cmpi ne, %parallel_loop3A_1188, %parallel_loop3A_1195 : i32
        %parallel_loop3A_1197 = arith.remsi %parallel_loop3A_1127, %parallel_loop3A_1180 : i32
        %parallel_loop3A_1198 = arith.constant 0 : i32
        %parallel_loop3A_1199 = arith.cmpi ne, %parallel_loop3A_1197, %parallel_loop3A_1198 : i32
        %parallel_loop3A_1200 = arith.andi %parallel_loop3A_1196, %parallel_loop3A_1199 : i1
        %parallel_loop3A_1201 = arith.constant 1 : i32
        %parallel_loop3A_1202 = arith.subi %parallel_loop3A_1181, %parallel_loop3A_1201 : i32
        %parallel_loop3A_1203 = arith.select %parallel_loop3A_1200, %parallel_loop3A_1202, %parallel_loop3A_1181 : i32
        %parallel_loop3A_1204 = arith.constant 128 : i32
        %parallel_loop3A_1205 = arith.constant 0 : i32
        %parallel_loop3A_1206 = arith.cmpi eq, %parallel_loop3A_1204, %parallel_loop3A_1205 : i32
        %parallel_loop3A_1207 = arith.constant 1 : i32
        %parallel_loop3A_1208 = arith.select %parallel_loop3A_1206, %parallel_loop3A_1207, %parallel_loop3A_1204 : i32
        %parallel_loop3A_1209 = arith.remsi %parallel_loop3A_1127, %parallel_loop3A_1208 : i32
        %parallel_loop3A_1210 = arith.constant 0 : i32
        %parallel_loop3A_1211 = arith.cmpi ne, %parallel_loop3A_1209, %parallel_loop3A_1210 : i32
        %parallel_loop3A_1212 = arith.constant 0 : i32
        %parallel_loop3A_1213 = arith.cmpi slt, %parallel_loop3A_1209, %parallel_loop3A_1212 : i32
        %parallel_loop3A_1214 = arith.constant 0 : i32
        %parallel_loop3A_1215 = arith.cmpi slt, %parallel_loop3A_1208, %parallel_loop3A_1214 : i32
        %parallel_loop3A_1216 = arith.xori %parallel_loop3A_1213, %parallel_loop3A_1215 : i1
        %parallel_loop3A_1217 = arith.andi %parallel_loop3A_1216, %parallel_loop3A_1211 : i1
        %parallel_loop3A_1218 = arith.addi %parallel_loop3A_1209, %parallel_loop3A_1208 : i32
        %parallel_loop3A_1219 = arith.select %parallel_loop3A_1217, %parallel_loop3A_1218, %parallel_loop3A_1209 : i32
        %parallel_loop3A_1220 = arith.constant 1 : i32
        %parallel_loop3A_1221 = arith.index_cast %parallel_loop3A_1220 : i32 to index
        %parallel_loop3A_1222 = arith.index_cast %parallel_loop3A_1203 : i32 to index
        %parallel_loop3A_1223 = arith.index_cast %parallel_loop3A_1219 : i32 to index
        %parallel_loop3A_1224 = tpu.vector_load %arg7[%parallel_loop3A_1221, %parallel_loop3A_1222, %parallel_loop3A_1223] {strides = array<i32>} : memref<2x32x128xf32, #tpu.memory_space<vmem>>, vector<16xf32>,
        tpu.vector_store %arg7[%parallel_loop3A_1221, %parallel_loop3A_1222, %parallel_loop3A_1223], %parallel_loop3A_1179 {strides = array<i32>} : memref<2x32x128xf32, #tpu.memory_space<vmem>>, vector<16xf32>,
      } {sc.loop_unroll_factor = 16 : i64, sc.parallel_access}
      %jit3A_1063 = arith.constant 8 : i32
      %div3A_1064 = arith.divsi %add3A_5, %jit3A_1063 : i32
      %sign3A_1065 = arith.constant 0 : i32
      %sign3A_1066 = arith.cmpi sgt, %add3A_5, %sign3A_1065 : i32
      %sign3A_1067 = arith.extui %sign3A_1066 : i1 to i32
      %sign3A_1068 = arith.constant 0 : i32
      %sign3A_1069 = arith.cmpi slt, %add3A_5, %sign3A_1068 : i32
      %sign3A_1070 = arith.extui %sign3A_1069 : i1 to i32
      %sign3A_1071 = arith.subi %sign3A_1067, %sign3A_1070 : i32
      %sign3A_1072 = arith.constant 0 : i32
      %sign3A_1073 = arith.cmpi sgt, %jit3A_1063, %sign3A_1072 : i32
      %sign3A_1074 = arith.extui %sign3A_1073 : i1 to i32
      %sign3A_1075 = arith.constant 0 : i32
      %sign3A_1076 = arith.cmpi slt, %jit3A_1063, %sign3A_1075 : i32
      %sign3A_1077 = arith.extui %sign3A_1076 : i1 to i32
      %sign3A_1078 = arith.subi %sign3A_1074, %sign3A_1077 : i32
      %ne3A_1079 = arith.cmpi ne, %sign3A_1071, %sign3A_1078 : i32
      %rem3A_1080 = arith.remsi %add3A_5, %jit3A_1063 : i32
      %ne3A_1081 = arith.constant 0 : i32
      %ne3A_1082 = arith.cmpi ne, %rem3A_1080, %ne3A_1081 : i32
      %and3A_1083 = arith.andi %ne3A_1079, %ne3A_1082 : i1
      %sub3A_1084 = arith.constant 1 : i32
      %sub3A_1085 = arith.subi %div3A_1064, %sub3A_1084 : i32
      %select_n3A_1086 = arith.select %and3A_1083, %sub3A_1085, %div3A_1064 : i32
      %jit3A_1087 = arith.constant 8 : i32
      %eq3A_1088 = arith.constant 0 : i32
      %eq3A_1089 = arith.cmpi eq, %jit3A_1087, %eq3A_1088 : i32
      %jit3A_1090 = arith.constant 1 : i32
      %select_n3A_1091 = arith.select %eq3A_1089, %jit3A_1090, %jit3A_1087 : i32
      %rem3A_1092 = arith.remsi %add3A_5, %select_n3A_1091 : i32
      %ne3A_1093 = arith.constant 0 : i32
      %ne3A_1094 = arith.cmpi ne, %rem3A_1092, %ne3A_1093 : i32
      %lt3A_1095 = arith.constant 0 : i32
      %lt3A_1096 = arith.cmpi slt, %rem3A_1092, %lt3A_1095 : i32
      %lt3A_1097 = arith.constant 0 : i32
      %lt3A_1098 = arith.cmpi slt, %select_n3A_1091, %lt3A_1097 : i32
      %ne3A_1099 = arith.xori %lt3A_1096, %lt3A_1098 : i1
      %and3A_1100 = arith.andi %ne3A_1099, %ne3A_1094 : i1
      %add3A_1101 = arith.addi %rem3A_1092, %select_n3A_1091 : i32
      %select_n3A_1102 = arith.select %and3A_1100, %add3A_1101, %rem3A_1092 : i32
      %dma_start3A_1103 = arith.constant 1 : i32
      %dma_start3A_1104 = arith.constant 0 : i32
      %dma_start3A_1105 = arith.constant 0 : i32
      %dma_start3A_1106 = tpu.memref_slice %arg7[%dma_start3A_1103, %dma_start3A_1104, %dma_start3A_1105] : memref<2x32x128xf32, #tpu.memory_space<vmem>> -> memref<1x32x128xf32, #tpu.memory_space<vmem>>
      %dma_start3A_1107 = tpu.memref_squeeze %dma_start3A_1106 : memref<1x32x128xf32, #tpu.memory_space<vmem>> -> memref<32x128xf32, #tpu.memory_space<vmem>>
      %dma_start3A_1108 = arith.constant 0 : i32
      %dma_start3A_1109 = arith.constant 0 : i32
      %dma_start3A_1110 = tpu.memref_slice %arg4[%add3A_1020, %select_n3A_1086, %dma_start3A_1108, %select_n3A_1102, %dma_start3A_1109] : memref<200x8x32x8x128xf32, #tpu.memory_space<hbm>> -> memref<1x1x32x1x128xf32, #tpu.memory_space<hbm>>
      %dma_start3A_1111 = tpu.memref_squeeze %dma_start3A_1110 : memref<1x1x32x1x128xf32, #tpu.memory_space<hbm>> -> memref<32x128xf32, #tpu.memory_space<hbm>>
      %dma_start3A_1112 = arith.constant 0 : i32
      %dma_start3A_1113 = arith.constant 0 : i32
      %dma_start3A_1114 = tpu.memref_slice %arg4[%add3A_1020, %select_n3A_1086, %dma_start3A_1112, %select_n3A_1102, %dma_start3A_1113] : memref<200x8x32x8x128xf32, #tpu.memory_space<hbm>> -> memref<1x1x32x1x128xf32, #tpu.memory_space<hbm>>
      %dma_start3A_1115 = tpu.memref_squeeze %dma_start3A_1114 : memref<1x1x32x1x128xf32, #tpu.memory_space<hbm>> -> memref<32x128xf32, #tpu.memory_space<hbm>>
      %dma_start3A_1116 = arith.constant 0 : i32
      %dma_start3A_1117 = arith.constant 0 : i32
      %dma_start3A_1118 = tpu.memref_slice %arg7[%dma_start3A_1103, %dma_start3A_1116, %dma_start3A_1117] : memref<2x32x128xf32, #tpu.memory_space<vmem>> -> memref<1x32x128xf32, #tpu.memory_space<vmem>>
      %dma_start3A_1119 = tpu.memref_squeeze %dma_start3A_1118 : memref<1x32x128xf32, #tpu.memory_space<vmem>> -> memref<32x128xf32, #tpu.memory_space<vmem>>
      tpu.enqueue_dma source(%dma_start3A_1119 : memref<32x128xf32, #tpu.memory_space<vmem>>) target(%dma_start3A_1115 : memref<32x128xf32, #tpu.memory_space<hbm>>) target_semaphore(%arg14 : memref<!tpu.dma_semaphore, #tpu.memory_space<semaphore_mem>>)
      %lt3A_1120 = arith.constant 24 : i32
      %lt3A_1121 = arith.cmpi slt, %scan3A_176, %lt3A_1120 : i32
      %and3A_1122 = arith.andi %eq3A_1, %lt3A_1121 : i1
      %convert_element_type3A_1123 = arith.extui %and3A_1122 : i1 to i32
      %cond3A_1124 = arith.constant 0 : i32
      %cond3A_1125 = arith.cmpi ne, %convert_element_type3A_1123, %cond3A_1124 : i32
      scf.if %cond3A_1125 {
        %dma_wait3A_1127 = arith.constant 0 : i32
        %dma_wait3A_1128 = arith.constant 0 : i32
        %dma_wait3A_1129 = arith.constant 0 : i32
        %dma_wait3A_1130 = arith.constant 0 : i32
        %dma_wait3A_1131 = arith.constant 0 : i32
        %dma_wait3A_1132 = tpu.memref_slice %arg8[%dma_wait3A_1128, %dma_wait3A_1129, %dma_wait3A_1130, %dma_wait3A_1131] : memref<2x32x8x128xi32, #tpu.memory_space<vmem_shared>> -> memref<1x32x8x128xi32, #tpu.memory_space<vmem_shared>>
        %dma_wait3A_1133 = tpu.memref_squeeze %dma_wait3A_1132 : memref<1x32x8x128xi32, #tpu.memory_space<vmem_shared>> -> memref<32x8x128xi32, #tpu.memory_space<vmem_shared>>
        %dma_wait3A_1134 = arith.constant 0 : i32
        %dma_wait3A_1135 = arith.constant 0 : i32
        %dma_wait3A_1136 = arith.constant 0 : i32
        %dma_wait3A_1137 = tpu.memref_slice %arg3[%dma_wait3A_1127, %dma_wait3A_1134, %dma_wait3A_1135, %dma_wait3A_1136] : memref<25x32x8x128xi32, #tpu.memory_space<hbm>> -> memref<1x32x8x128xi32, #tpu.memory_space<hbm>>
        %dma_wait3A_1138 = tpu.memref_squeeze %dma_wait3A_1137 : memref<1x32x8x128xi32, #tpu.memory_space<hbm>> -> memref<32x8x128xi32, #tpu.memory_space<hbm>>
        tpu.wait_dma2 semaphore(%arg15 : memref<!tpu.dma_semaphore, #tpu.memory_space<semaphore_mem>>) src(%dma_wait3A_1138 : memref<32x8x128xi32, #tpu.memory_space<hbm>>) dst(%dma_wait3A_1133 : memref<32x8x128xi32, #tpu.memory_space<vmem_shared>>)
      } else {
      }
      %barrier3A_1126 = arith.constant 0 : index
      tpu.barrier barrier_id(%barrier3A_1126)
    }
    %scan3A_42 = arith.constant 25 : i32
    %dma_wait3A = arith.constant 0 : i32
    %dma_wait3A_43 = arith.constant 0 : i32
    %dma_wait3A_44 = arith.constant 0 : i32
    %dma_wait3A_45 = arith.constant 0 : i32
    %dma_wait3A_46 = arith.constant 0 : i32
    %dma_wait3A_47 = arith.constant 0 : i32
    %dma_wait3A_48 = tpu.memref_slice %arg7[%dma_wait3A, %dma_wait3A_46, %dma_wait3A_47] : memref<2x32x128xf32, #tpu.memory_space<vmem>> -> memref<1x32x128xf32, #tpu.memory_space<vmem>>
    %dma_wait3A_49 = tpu.memref_squeeze %dma_wait3A_48 : memref<1x32x128xf32, #tpu.memory_space<vmem>> -> memref<32x128xf32, #tpu.memory_space<vmem>>
    %dma_wait3A_50 = arith.constant 0 : i32
    %dma_wait3A_51 = arith.constant 0 : i32
    %dma_wait3A_52 = tpu.memref_slice %arg4[%dma_wait3A_43, %dma_wait3A_44, %dma_wait3A_50, %dma_wait3A_45, %dma_wait3A_51] : memref<200x8x32x8x128xf32, #tpu.memory_space<hbm>> -> memref<1x1x32x1x128xf32, #tpu.memory_space<hbm>>
    %dma_wait3A_53 = tpu.memref_squeeze %dma_wait3A_52 : memref<1x1x32x1x128xf32, #tpu.memory_space<hbm>> -> memref<32x128xf32, #tpu.memory_space<hbm>>
    %dma_wait3A_54 = arith.constant 0 : i32
    %dma_wait3A_55 = arith.constant 0 : i32
    %dma_wait3A_56 = tpu.memref_slice %arg4[%dma_wait3A_43, %dma_wait3A_44, %dma_wait3A_54, %dma_wait3A_45, %dma_wait3A_55] : memref<200x8x32x8x128xf32, #tpu.memory_space<hbm>> -> memref<1x1x32x1x128xf32, #tpu.memory_space<hbm>>
    %dma_wait3A_57 = tpu.memref_squeeze %dma_wait3A_56 : memref<1x1x32x1x128xf32, #tpu.memory_space<hbm>> -> memref<32x128xf32, #tpu.memory_space<hbm>>
    %dma_wait3A_58 = arith.constant 0 : i32
    %dma_wait3A_59 = arith.constant 0 : i32
    %dma_wait3A_60 = tpu.memref_slice %arg7[%dma_wait3A, %dma_wait3A_58, %dma_wait3A_59] : memref<2x32x128xf32, #tpu.memory_space<vmem>> -> memref<1x32x128xf32, #tpu.memory_space<vmem>>
    %dma_wait3A_61 = tpu.memref_squeeze %dma_wait3A_60 : memref<1x32x128xf32, #tpu.memory_space<vmem>> -> memref<32x128xf32, #tpu.memory_space<vmem>>
    tpu.wait_dma2 semaphore(%arg13 : memref<!tpu.dma_semaphore, #tpu.memory_space<semaphore_mem>>) src(%dma_wait3A_61 : memref<32x128xf32, #tpu.memory_space<vmem>>) dst(%dma_wait3A_57 : memref<32x128xf32, #tpu.memory_space<hbm>>)
    %dma_wait3A_62 = arith.constant 1 : i32
    %dma_wait3A_63 = arith.constant 0 : i32
    %dma_wait3A_64 = arith.constant 0 : i32
    %dma_wait3A_65 = arith.constant 0 : i32
    %dma_wait3A_66 = arith.constant 0 : i32
    %dma_wait3A_67 = arith.constant 0 : i32
    %dma_wait3A_68 = tpu.memref_slice %arg7[%dma_wait3A_62, %dma_wait3A_66, %dma_wait3A_67] : memref<2x32x128xf32, #tpu.memory_space<vmem>> -> memref<1x32x128xf32, #tpu.memory_space<vmem>>
    %dma_wait3A_69 = tpu.memref_squeeze %dma_wait3A_68 : memref<1x32x128xf32, #tpu.memory_space<vmem>> -> memref<32x128xf32, #tpu.memory_space<vmem>>
    %dma_wait3A_70 = arith.constant 0 : i32
    %dma_wait3A_71 = arith.constant 0 : i32
    %dma_wait3A_72 = tpu.memref_slice %arg4[%dma_wait3A_63, %dma_wait3A_64, %dma_wait3A_70, %dma_wait3A_65, %dma_wait3A_71] : memref<200x8x32x8x128xf32, #tpu.memory_space<hbm>> -> memref<1x1x32x1x128xf32, #tpu.memory_space<hbm>>
    %dma_wait3A_73 = tpu.memref_squeeze %dma_wait3A_72 : memref<1x1x32x1x128xf32, #tpu.memory_space<hbm>> -> memref<32x128xf32, #tpu.memory_space<hbm>>
    %dma_wait3A_74 = arith.constant 0 : i32
    %dma_wait3A_75 = arith.constant 0 : i32
    %dma_wait3A_76 = tpu.memref_slice %arg4[%dma_wait3A_63, %dma_wait3A_64, %dma_wait3A_74, %dma_wait3A_65, %dma_wait3A_75] : memref<200x8x32x8x128xf32, #tpu.memory_space<hbm>> -> memref<1x1x32x1x128xf32, #tpu.memory_space<hbm>>
    %dma_wait3A_77 = tpu.memref_squeeze %dma_wait3A_76 : memref<1x1x32x1x128xf32, #tpu.memory_space<hbm>> -> memref<32x128xf32, #tpu.memory_space<hbm>>
    %dma_wait3A_78 = arith.constant 0 : i32
    %dma_wait3A_79 = arith.constant 0 : i32
    %dma_wait3A_80 = tpu.memref_slice %arg7[%dma_wait3A_62, %dma_wait3A_78, %dma_wait3A_79] : memref<2x32x128xf32, #tpu.memory_space<vmem>> -> memref<1x32x128xf32, #tpu.memory_space<vmem>>
    %dma_wait3A_81 = tpu.memref_squeeze %dma_wait3A_80 : memref<1x32x128xf32, #tpu.memory_space<vmem>> -> memref<32x128xf32, #tpu.memory_space<vmem>>
    tpu.wait_dma2 semaphore(%arg14 : memref<!tpu.dma_semaphore, #tpu.memory_space<semaphore_mem>>) src(%dma_wait3A_81 : memref<32x128xf32, #tpu.memory_space<vmem>>) dst(%dma_wait3A_77 : memref<32x128xf32, #tpu.memory_space<hbm>>)
    %mul3A_82 = arith.constant 2 : i32
    %mul3A_83 = arith.muli %add3A, %mul3A_82 : i32
    %add3A_84 = arith.constant 1 : i32
    %add3A_85 = arith.addi %mul3A_83, %add3A_84 : i32
    %jit3A_86 = arith.constant 8 : i32
    %div3A_87 = arith.divsi %add3A_85, %jit3A_86 : i32
    %sign3A_88 = arith.constant 0 : i32
    %sign3A_89 = arith.cmpi sgt, %add3A_85, %sign3A_88 : i32
    %sign3A_90 = arith.extui %sign3A_89 : i1 to i32
    %sign3A_91 = arith.constant 0 : i32
    %sign3A_92 = arith.cmpi slt, %add3A_85, %sign3A_91 : i32
    %sign3A_93 = arith.extui %sign3A_92 : i1 to i32
    %sign3A_94 = arith.subi %sign3A_90, %sign3A_93 : i32
    %sign3A_95 = arith.constant 0 : i32
    %sign3A_96 = arith.cmpi sgt, %jit3A_86, %sign3A_95 : i32
    %sign3A_97 = arith.extui %sign3A_96 : i1 to i32
    %sign3A_98 = arith.constant 0 : i32
    %sign3A_99 = arith.cmpi slt, %jit3A_86, %sign3A_98 : i32
    %sign3A_100 = arith.extui %sign3A_99 : i1 to i32
    %sign3A_101 = arith.subi %sign3A_97, %sign3A_100 : i32
    %ne3A_102 = arith.cmpi ne, %sign3A_94, %sign3A_101 : i32
    %rem3A_103 = arith.remsi %add3A_85, %jit3A_86 : i32
    %ne3A_104 = arith.constant 0 : i32
    %ne3A_105 = arith.cmpi ne, %rem3A_103, %ne3A_104 : i32
    %and3A_106 = arith.andi %ne3A_102, %ne3A_105 : i1
    %sub3A_107 = arith.constant 1 : i32
    %sub3A_108 = arith.subi %div3A_87, %sub3A_107 : i32
    %select_n3A_109 = arith.select %and3A_106, %sub3A_108, %div3A_87 : i32
    %jit3A_110 = arith.constant 8 : i32
    %eq3A_111 = arith.constant 0 : i32
    %eq3A_112 = arith.cmpi eq, %jit3A_110, %eq3A_111 : i32
    %jit3A_113 = arith.constant 1 : i32
    %select_n3A_114 = arith.select %eq3A_112, %jit3A_113, %jit3A_110 : i32
    %rem3A_115 = arith.remsi %add3A_85, %select_n3A_114 : i32
    %ne3A_116 = arith.constant 0 : i32
    %ne3A_117 = arith.cmpi ne, %rem3A_115, %ne3A_116 : i32
    %lt3A_118 = arith.constant 0 : i32
    %lt3A_119 = arith.cmpi slt, %rem3A_115, %lt3A_118 : i32
    %lt3A_120 = arith.constant 0 : i32
    %lt3A_121 = arith.cmpi slt, %select_n3A_114, %lt3A_120 : i32
    %ne3A_122 = arith.xori %lt3A_119, %lt3A_121 : i1
    %and3A_123 = arith.andi %ne3A_122, %ne3A_117 : i1
    %add3A_124 = arith.addi %rem3A_115, %select_n3A_114 : i32
    %select_n3A_125 = arith.select %and3A_123, %add3A_124, %rem3A_115 : i32
    "tpu.region"() ({
      %run_scoped3A = tpu.sem_alloc : memref<!tpu.dma_semaphore, #tpu.memory_space<semaphore_mem>>
      %dma_start3A = arith.constant 0 : i32
      %dma_start3A_176 = arith.constant 0 : i32
      %dma_start3A_177 = tpu.memref_slice %arg2[%select_n3A_109, %dma_start3A, %select_n3A_125, %dma_start3A_176] : memref<8x782x8x128xf32, #tpu.memory_space<hbm>> -> memref<1x782x1x128xf32, #tpu.memory_space<hbm>>
      %dma_start3A_178 = tpu.memref_squeeze %dma_start3A_177 : memref<1x782x1x128xf32, #tpu.memory_space<hbm>> -> memref<782x128xf32, #tpu.memory_space<hbm>>
      %dma_start3A_179 = arith.constant 0 : i32
      %dma_start3A_180 = arith.constant 0 : i32
      %dma_start3A_181 = tpu.memref_slice %arg2[%select_n3A_109, %dma_start3A_179, %select_n3A_125, %dma_start3A_180] : memref<8x782x8x128xf32, #tpu.memory_space<hbm>> -> memref<1x782x1x128xf32, #tpu.memory_space<hbm>>
      %dma_start3A_182 = tpu.memref_squeeze %dma_start3A_181 : memref<1x782x1x128xf32, #tpu.memory_space<hbm>> -> memref<782x128xf32, #tpu.memory_space<hbm>>
      tpu.enqueue_dma source(%dma_start3A_182 : memref<782x128xf32, #tpu.memory_space<hbm>>) target(%arg5 : memref<782x128xf32, #tpu.memory_space<vmem>>) target_semaphore(%run_scoped3A : memref<!tpu.dma_semaphore, #tpu.memory_space<semaphore_mem>>)
      %dma_wait3A_183 = arith.constant 0 : i32
      %dma_wait3A_184 = arith.constant 0 : i32
      %dma_wait3A_185 = tpu.memref_slice %arg2[%select_n3A_109, %dma_wait3A_183, %select_n3A_125, %dma_wait3A_184] : memref<8x782x8x128xf32, #tpu.memory_space<hbm>> -> memref<1x782x1x128xf32, #tpu.memory_space<hbm>>
      %dma_wait3A_186 = tpu.memref_squeeze %dma_wait3A_185 : memref<1x782x1x128xf32, #tpu.memory_space<hbm>> -> memref<782x128xf32, #tpu.memory_space<hbm>>
      %dma_wait3A_187 = arith.constant 0 : i32
      %dma_wait3A_188 = arith.constant 0 : i32
      %dma_wait3A_189 = tpu.memref_slice %arg2[%select_n3A_109, %dma_wait3A_187, %select_n3A_125, %dma_wait3A_188] : memref<8x782x8x128xf32, #tpu.memory_space<hbm>> -> memref<1x782x1x128xf32, #tpu.memory_space<hbm>>
      %dma_wait3A_190 = tpu.memref_squeeze %dma_wait3A_189 : memref<1x782x1x128xf32, #tpu.memory_space<hbm>> -> memref<782x128xf32, #tpu.memory_space<hbm>>
      tpu.wait_dma2 semaphore(%run_scoped3A : memref<!tpu.dma_semaphore, #tpu.memory_space<semaphore_mem>>) src(%dma_wait3A_190 : memref<782x128xf32, #tpu.memory_space<hbm>>) dst(%arg5 : memref<782x128xf32, #tpu.memory_space<vmem>>)
      tpu.yield
    }) : () -> ()
    %convert_element_type3A_126 = arith.extui %eq3A_1 : i1 to i32
    %cond3A_127 = arith.constant 0 : i32
    %cond3A_128 = arith.cmpi ne, %convert_element_type3A_126, %cond3A_127 : i32
    scf.if %cond3A_128 {
      %dma_start3A = arith.constant 0 : i32
      %dma_start3A_176 = arith.constant 0 : i32
      %dma_start3A_177 = arith.constant 0 : i32
      %dma_start3A_178 = arith.constant 0 : i32
      %dma_start3A_179 = arith.constant 0 : i32
      %dma_start3A_180 = tpu.memref_slice %arg8[%dma_start3A_176, %dma_start3A_177, %dma_start3A_178, %dma_start3A_179] : memref<2x32x8x128xi32, #tpu.memory_space<vmem_shared>> -> memref<1x32x8x128xi32, #tpu.memory_space<vmem_shared>>
      %dma_start3A_181 = tpu.memref_squeeze %dma_start3A_180 : memref<1x32x8x128xi32, #tpu.memory_space<vmem_shared>> -> memref<32x8x128xi32, #tpu.memory_space<vmem_shared>>
      %dma_start3A_182 = arith.constant 0 : i32
      %dma_start3A_183 = arith.constant 0 : i32
      %dma_start3A_184 = arith.constant 0 : i32
      %dma_start3A_185 = tpu.memref_slice %arg3[%dma_start3A, %dma_start3A_182, %dma_start3A_183, %dma_start3A_184] : memref<25x32x8x128xi32, #tpu.memory_space<hbm>> -> memref<1x32x8x128xi32, #tpu.memory_space<hbm>>
      %dma_start3A_186 = tpu.memref_squeeze %dma_start3A_185 : memref<1x32x8x128xi32, #tpu.memory_space<hbm>> -> memref<32x8x128xi32, #tpu.memory_space<hbm>>
      tpu.enqueue_dma source(%dma_start3A_186 : memref<32x8x128xi32, #tpu.memory_space<hbm>>) target(%dma_start3A_181 : memref<32x8x128xi32, #tpu.memory_space<vmem_shared>>) target_semaphore(%arg15 : memref<!tpu.dma_semaphore, #tpu.memory_space<semaphore_mem>>)
      %dma_wait3A_187 = arith.constant 0 : i32
      %dma_wait3A_188 = arith.constant 0 : i32
      %dma_wait3A_189 = arith.constant 0 : i32
      %dma_wait3A_190 = arith.constant 0 : i32
      %dma_wait3A_191 = arith.constant 0 : i32
      %dma_wait3A_192 = tpu.memref_slice %arg8[%dma_wait3A_188, %dma_wait3A_189, %dma_wait3A_190, %dma_wait3A_191] : memref<2x32x8x128xi32, #tpu.memory_space<vmem_shared>> -> memref<1x32x8x128xi32, #tpu.memory_space<vmem_shared>>
      %dma_wait3A_193 = tpu.memref_squeeze %dma_wait3A_192 : memref<1x32x8x128xi32, #tpu.memory_space<vmem_shared>> -> memref<32x8x128xi32, #tpu.memory_space<vmem_shared>>
      %dma_wait3A_194 = arith.constant 0 : i32
      %dma_wait3A_195 = arith.constant 0 : i32
      %dma_wait3A_196 = arith.constant 0 : i32
      %dma_wait3A_197 = tpu.memref_slice %arg3[%dma_wait3A_187, %dma_wait3A_194, %dma_wait3A_195, %dma_wait3A_196] : memref<25x32x8x128xi32, #tpu.memory_space<hbm>> -> memref<1x32x8x128xi32, #tpu.memory_space<hbm>>
      %dma_wait3A_198 = tpu.memref_squeeze %dma_wait3A_197 : memref<1x32x8x128xi32, #tpu.memory_space<hbm>> -> memref<32x8x128xi32, #tpu.memory_space<hbm>>
      tpu.wait_dma2 semaphore(%arg15 : memref<!tpu.dma_semaphore, #tpu.memory_space<semaphore_mem>>) src(%dma_wait3A_198 : memref<32x8x128xi32, #tpu.memory_space<hbm>>) dst(%dma_wait3A_193 : memref<32x8x128xi32, #tpu.memory_space<vmem_shared>>)
    } else {
    }
    %barrier3A_129 = arith.constant 0 : index
    tpu.barrier barrier_id(%barrier3A_129)
    %scan3A_130 = arith.constant 0 : i32
    %scan3A_131 = arith.constant 0 : i32
    %scan3A_132 = arith.constant 25 : i32
    %scan3A_133 = arith.addi %scan3A_131, %scan3A_132 : i32
    %scan3A_134 = arith.constant 1 : i32
    scf.for %scan3A_176 = %scan3A_131 to %scan3A_133 step %scan3A_134  : i32 {
      %rem3A_177 = arith.constant 2 : i32
      %rem3A_178 = arith.remsi %scan3A_176, %rem3A_177 : i32
      %lt3A_179 = arith.constant 24 : i32
      %lt3A_180 = arith.cmpi slt, %scan3A_176, %lt3A_179 : i32
      %and3A_181 = arith.andi %eq3A_1, %lt3A_180 : i1
      %convert_element_type3A_182 = arith.extui %and3A_181 : i1 to i32
      %cond3A_183 = arith.constant 0 : i32
      %cond3A_184 = arith.cmpi ne, %convert_element_type3A_182, %cond3A_183 : i32
      scf.if %cond3A_184 {
        %add3A_1127 = arith.constant 1 : i32
        %add3A_1128 = arith.addi %scan3A_176, %add3A_1127 : i32
        %sub3A_1129 = arith.constant 1 : i32
        %sub3A_1130 = arith.subi %sub3A_1129, %rem3A_178 : i32
        %dma_start3A_1131 = arith.constant 0 : i32
        %dma_start3A_1132 = arith.constant 0 : i32
        %dma_start3A_1133 = arith.constant 0 : i32
        %dma_start3A_1134 = tpu.memref_slice %arg8[%sub3A_1130, %dma_start3A_1131, %dma_start3A_1132, %dma_start3A_1133] : memref<2x32x8x128xi32, #tpu.memory_space<vmem_shared>> -> memref<1x32x8x128xi32, #tpu.memory_space<vmem_shared>>
        %dma_start3A_1135 = tpu.memref_squeeze %dma_start3A_1134 : memref<1x32x8x128xi32, #tpu.memory_space<vmem_shared>> -> memref<32x8x128xi32, #tpu.memory_space<vmem_shared>>
        %dma_start3A_1136 = arith.constant 0 : i32
        %dma_start3A_1137 = arith.constant 0 : i32
        %dma_start3A_1138 = arith.constant 0 : i32
        %dma_start3A_1139 = tpu.memref_slice %arg3[%add3A_1128, %dma_start3A_1136, %dma_start3A_1137, %dma_start3A_1138] : memref<25x32x8x128xi32, #tpu.memory_space<hbm>> -> memref<1x32x8x128xi32, #tpu.memory_space<hbm>>
        %dma_start3A_1140 = tpu.memref_squeeze %dma_start3A_1139 : memref<1x32x8x128xi32, #tpu.memory_space<hbm>> -> memref<32x8x128xi32, #tpu.memory_space<hbm>>
        tpu.enqueue_dma source(%dma_start3A_1140 : memref<32x8x128xi32, #tpu.memory_space<hbm>>) target(%dma_start3A_1135 : memref<32x8x128xi32, #tpu.memory_space<vmem_shared>>) target_semaphore(%arg15 : memref<!tpu.dma_semaphore, #tpu.memory_space<semaphore_mem>>)
      } else {
      }
      %dma_start3A = arith.constant 0 : i32
      %dma_start3A_185 = arith.constant 0 : i32
      %dma_start3A_186 = arith.constant 0 : i32
      %dma_start3A_187 = arith.constant 0 : i32
      %dma_start3A_188 = tpu.memref_slice %arg6[%dma_start3A_185, %dma_start3A_186, %dma_start3A_187] : memref<4x32x128xi32, #tpu.memory_space<vmem>> -> memref<1x32x128xi32, #tpu.memory_space<vmem>>
      %dma_start3A_189 = tpu.memref_squeeze %dma_start3A_188 : memref<1x32x128xi32, #tpu.memory_space<vmem>> -> memref<32x128xi32, #tpu.memory_space<vmem>>
      %dma_start3A_190 = arith.constant 0 : i32
      %dma_start3A_191 = arith.constant 0 : i32
      %dma_start3A_192 = tpu.memref_slice %arg8[%rem3A_178, %dma_start3A_190, %dma_start3A, %dma_start3A_191] : memref<2x32x8x128xi32, #tpu.memory_space<vmem_shared>> -> memref<1x32x1x128xi32, #tpu.memory_space<vmem_shared>>
      %dma_start3A_193 = tpu.memref_squeeze %dma_start3A_192 : memref<1x32x1x128xi32, #tpu.memory_space<vmem_shared>> -> memref<32x128xi32, #tpu.memory_space<vmem_shared>>
      %dma_start3A_194 = arith.constant 0 : i32
      %dma_start3A_195 = arith.constant 0 : i32
      %dma_start3A_196 = tpu.memref_slice %arg6[%dma_start3A_185, %dma_start3A_194, %dma_start3A_195] : memref<4x32x128xi32, #tpu.memory_space<vmem>> -> memref<1x32x128xi32, #tpu.memory_space<vmem>>
      %dma_start3A_197 = tpu.memref_squeeze %dma_start3A_196 : memref<1x32x128xi32, #tpu.memory_space<vmem>> -> memref<32x128xi32, #tpu.memory_space<vmem>>
      %dma_start3A_198 = arith.constant 0 : i32
      %dma_start3A_199 = arith.constant 0 : i32
      %dma_start3A_200 = tpu.memref_slice %arg8[%rem3A_178, %dma_start3A_198, %dma_start3A, %dma_start3A_199] : memref<2x32x8x128xi32, #tpu.memory_space<vmem_shared>> -> memref<1x32x1x128xi32, #tpu.memory_space<vmem_shared>>
      %dma_start3A_201 = tpu.memref_squeeze %dma_start3A_200 : memref<1x32x1x128xi32, #tpu.memory_space<vmem_shared>> -> memref<32x128xi32, #tpu.memory_space<vmem_shared>>
      tpu.enqueue_dma source(%dma_start3A_201 : memref<32x128xi32, #tpu.memory_space<vmem_shared>>) target(%dma_start3A_197 : memref<32x128xi32, #tpu.memory_space<vmem>>) target_semaphore(%arg9 : memref<!tpu.dma_semaphore, #tpu.memory_space<semaphore_mem>>)
      %dma_start3A_202 = arith.constant 1 : i32
      %dma_start3A_203 = arith.constant 1 : i32
      %dma_start3A_204 = arith.constant 0 : i32
      %dma_start3A_205 = arith.constant 0 : i32
      %dma_start3A_206 = tpu.memref_slice %arg6[%dma_start3A_203, %dma_start3A_204, %dma_start3A_205] : memref<4x32x128xi32, #tpu.memory_space<vmem>> -> memref<1x32x128xi32, #tpu.memory_space<vmem>>
      %dma_start3A_207 = tpu.memref_squeeze %dma_start3A_206 : memref<1x32x128xi32, #tpu.memory_space<vmem>> -> memref<32x128xi32, #tpu.memory_space<vmem>>
      %dma_start3A_208 = arith.constant 0 : i32
      %dma_start3A_209 = arith.constant 0 : i32
      %dma_start3A_210 = tpu.memref_slice %arg8[%rem3A_178, %dma_start3A_208, %dma_start3A_202, %dma_start3A_209] : memref<2x32x8x128xi32, #tpu.memory_space<vmem_shared>> -> memref<1x32x1x128xi32, #tpu.memory_space<vmem_shared>>
      %dma_start3A_211 = tpu.memref_squeeze %dma_start3A_210 : memref<1x32x1x128xi32, #tpu.memory_space<vmem_shared>> -> memref<32x128xi32, #tpu.memory_space<vmem_shared>>
      %dma_start3A_212 = arith.constant 0 : i32
      %dma_start3A_213 = arith.constant 0 : i32
      %dma_start3A_214 = tpu.memref_slice %arg6[%dma_start3A_203, %dma_start3A_212, %dma_start3A_213] : memref<4x32x128xi32, #tpu.memory_space<vmem>> -> memref<1x32x128xi32, #tpu.memory_space<vmem>>
      %dma_start3A_215 = tpu.memref_squeeze %dma_start3A_214 : memref<1x32x128xi32, #tpu.memory_space<vmem>> -> memref<32x128xi32, #tpu.memory_space<vmem>>
      %dma_start3A_216 = arith.constant 0 : i32
      %dma_start3A_217 = arith.constant 0 : i32
      %dma_start3A_218 = tpu.memref_slice %arg8[%rem3A_178, %dma_start3A_216, %dma_start3A_202, %dma_start3A_217] : memref<2x32x8x128xi32, #tpu.memory_space<vmem_shared>> -> memref<1x32x1x128xi32, #tpu.memory_space<vmem_shared>>
      %dma_start3A_219 = tpu.memref_squeeze %dma_start3A_218 : memref<1x32x1x128xi32, #tpu.memory_space<vmem_shared>> -> memref<32x128xi32, #tpu.memory_space<vmem_shared>>
      tpu.enqueue_dma source(%dma_start3A_219 : memref<32x128xi32, #tpu.memory_space<vmem_shared>>) target(%dma_start3A_215 : memref<32x128xi32, #tpu.memory_space<vmem>>) target_semaphore(%arg10 : memref<!tpu.dma_semaphore, #tpu.memory_space<semaphore_mem>>)
      %dma_start3A_220 = arith.constant 2 : i32
      %dma_start3A_221 = arith.constant 2 : i32
      %dma_start3A_222 = arith.constant 0 : i32
      %dma_start3A_223 = arith.constant 0 : i32
      %dma_start3A_224 = tpu.memref_slice %arg6[%dma_start3A_221, %dma_start3A_222, %dma_start3A_223] : memref<4x32x128xi32, #tpu.memory_space<vmem>> -> memref<1x32x128xi32, #tpu.memory_space<vmem>>
      %dma_start3A_225 = tpu.memref_squeeze %dma_start3A_224 : memref<1x32x128xi32, #tpu.memory_space<vmem>> -> memref<32x128xi32, #tpu.memory_space<vmem>>
      %dma_start3A_226 = arith.constant 0 : i32
      %dma_start3A_227 = arith.constant 0 : i32
      %dma_start3A_228 = tpu.memref_slice %arg8[%rem3A_178, %dma_start3A_226, %dma_start3A_220, %dma_start3A_227] : memref<2x32x8x128xi32, #tpu.memory_space<vmem_shared>> -> memref<1x32x1x128xi32, #tpu.memory_space<vmem_shared>>
      %dma_start3A_229 = tpu.memref_squeeze %dma_start3A_228 : memref<1x32x1x128xi32, #tpu.memory_space<vmem_shared>> -> memref<32x128xi32, #tpu.memory_space<vmem_shared>>
      %dma_start3A_230 = arith.constant 0 : i32
      %dma_start3A_231 = arith.constant 0 : i32
      %dma_start3A_232 = tpu.memref_slice %arg6[%dma_start3A_221, %dma_start3A_230, %dma_start3A_231] : memref<4x32x128xi32, #tpu.memory_space<vmem>> -> memref<1x32x128xi32, #tpu.memory_space<vmem>>
      %dma_start3A_233 = tpu.memref_squeeze %dma_start3A_232 : memref<1x32x128xi32, #tpu.memory_space<vmem>> -> memref<32x128xi32, #tpu.memory_space<vmem>>
      %dma_start3A_234 = arith.constant 0 : i32
      %dma_start3A_235 = arith.constant 0 : i32
      %dma_start3A_236 = tpu.memref_slice %arg8[%rem3A_178, %dma_start3A_234, %dma_start3A_220, %dma_start3A_235] : memref<2x32x8x128xi32, #tpu.memory_space<vmem_shared>> -> memref<1x32x1x128xi32, #tpu.memory_space<vmem_shared>>
      %dma_start3A_237 = tpu.memref_squeeze %dma_start3A_236 : memref<1x32x1x128xi32, #tpu.memory_space<vmem_shared>> -> memref<32x128xi32, #tpu.memory_space<vmem_shared>>
      tpu.enqueue_dma source(%dma_start3A_237 : memref<32x128xi32, #tpu.memory_space<vmem_shared>>) target(%dma_start3A_233 : memref<32x128xi32, #tpu.memory_space<vmem>>) target_semaphore(%arg11 : memref<!tpu.dma_semaphore, #tpu.memory_space<semaphore_mem>>)
      %mul3A_238 = arith.constant 8 : i32
      %mul3A_239 = arith.muli %scan3A_176, %mul3A_238 : i32
      %add3A_240 = arith.constant 0 : i32
      %add3A_241 = arith.addi %mul3A_239, %add3A_240 : i32
      %dma_start3A_242 = arith.constant 3 : i32
      %dma_start3A_243 = arith.constant 3 : i32
      %dma_start3A_244 = arith.constant 0 : i32
      %dma_start3A_245 = arith.constant 0 : i32
      %dma_start3A_246 = tpu.memref_slice %arg6[%dma_start3A_243, %dma_start3A_244, %dma_start3A_245] : memref<4x32x128xi32, #tpu.memory_space<vmem>> -> memref<1x32x128xi32, #tpu.memory_space<vmem>>
      %dma_start3A_247 = tpu.memref_squeeze %dma_start3A_246 : memref<1x32x128xi32, #tpu.memory_space<vmem>> -> memref<32x128xi32, #tpu.memory_space<vmem>>
      %dma_start3A_248 = arith.constant 0 : i32
      %dma_start3A_249 = arith.constant 0 : i32
      %dma_start3A_250 = tpu.memref_slice %arg8[%rem3A_178, %dma_start3A_248, %dma_start3A_242, %dma_start3A_249] : memref<2x32x8x128xi32, #tpu.memory_space<vmem_shared>> -> memref<1x32x1x128xi32, #tpu.memory_space<vmem_shared>>
      %dma_start3A_251 = tpu.memref_squeeze %dma_start3A_250 : memref<1x32x1x128xi32, #tpu.memory_space<vmem_shared>> -> memref<32x128xi32, #tpu.memory_space<vmem_shared>>
      %dma_start3A_252 = arith.constant 0 : i32
      %dma_start3A_253 = arith.constant 0 : i32
      %dma_start3A_254 = tpu.memref_slice %arg6[%dma_start3A_243, %dma_start3A_252, %dma_start3A_253] : memref<4x32x128xi32, #tpu.memory_space<vmem>> -> memref<1x32x128xi32, #tpu.memory_space<vmem>>
      %dma_start3A_255 = tpu.memref_squeeze %dma_start3A_254 : memref<1x32x128xi32, #tpu.memory_space<vmem>> -> memref<32x128xi32, #tpu.memory_space<vmem>>
      %dma_start3A_256 = arith.constant 0 : i32
      %dma_start3A_257 = arith.constant 0 : i32
      %dma_start3A_258 = tpu.memref_slice %arg8[%rem3A_178, %dma_start3A_256, %dma_start3A_242, %dma_start3A_257] : memref<2x32x8x128xi32, #tpu.memory_space<vmem_shared>> -> memref<1x32x1x128xi32, #tpu.memory_space<vmem_shared>>
      %dma_start3A_259 = tpu.memref_squeeze %dma_start3A_258 : memref<1x32x1x128xi32, #tpu.memory_space<vmem_shared>> -> memref<32x128xi32, #tpu.memory_space<vmem_shared>>
      tpu.enqueue_dma source(%dma_start3A_259 : memref<32x128xi32, #tpu.memory_space<vmem_shared>>) target(%dma_start3A_255 : memref<32x128xi32, #tpu.memory_space<vmem>>) target_semaphore(%arg12 : memref<!tpu.dma_semaphore, #tpu.memory_space<semaphore_mem>>)
      %dma_wait3A_260 = arith.constant 0 : i32
      %dma_wait3A_261 = arith.constant 0 : i32
      %dma_wait3A_262 = arith.constant 0 : i32
      %dma_wait3A_263 = arith.constant 0 : i32
      %dma_wait3A_264 = arith.constant 0 : i32
      %dma_wait3A_265 = tpu.memref_slice %arg6[%dma_wait3A_262, %dma_wait3A_263, %dma_wait3A_264] : memref<4x32x128xi32, #tpu.memory_space<vmem>> -> memref<1x32x128xi32, #tpu.memory_space<vmem>>
      %dma_wait3A_266 = tpu.memref_squeeze %dma_wait3A_265 : memref<1x32x128xi32, #tpu.memory_space<vmem>> -> memref<32x128xi32, #tpu.memory_space<vmem>>
      %dma_wait3A_267 = arith.constant 0 : i32
      %dma_wait3A_268 = arith.constant 0 : i32
      %dma_wait3A_269 = tpu.memref_slice %arg8[%dma_wait3A_260, %dma_wait3A_267, %dma_wait3A_261, %dma_wait3A_268] : memref<2x32x8x128xi32, #tpu.memory_space<vmem_shared>> -> memref<1x32x1x128xi32, #tpu.memory_space<vmem_shared>>
      %dma_wait3A_270 = tpu.memref_squeeze %dma_wait3A_269 : memref<1x32x1x128xi32, #tpu.memory_space<vmem_shared>> -> memref<32x128xi32, #tpu.memory_space<vmem_shared>>
      %dma_wait3A_271 = arith.constant 0 : i32
      %dma_wait3A_272 = arith.constant 0 : i32
      %dma_wait3A_273 = tpu.memref_slice %arg6[%dma_wait3A_262, %dma_wait3A_271, %dma_wait3A_272] : memref<4x32x128xi32, #tpu.memory_space<vmem>> -> memref<1x32x128xi32, #tpu.memory_space<vmem>>
      %dma_wait3A_274 = tpu.memref_squeeze %dma_wait3A_273 : memref<1x32x128xi32, #tpu.memory_space<vmem>> -> memref<32x128xi32, #tpu.memory_space<vmem>>
      %dma_wait3A_275 = arith.constant 0 : i32
      %dma_wait3A_276 = arith.constant 0 : i32
      %dma_wait3A_277 = tpu.memref_slice %arg8[%dma_wait3A_260, %dma_wait3A_275, %dma_wait3A_261, %dma_wait3A_276] : memref<2x32x8x128xi32, #tpu.memory_space<vmem_shared>> -> memref<1x32x1x128xi32, #tpu.memory_space<vmem_shared>>
      %dma_wait3A_278 = tpu.memref_squeeze %dma_wait3A_277 : memref<1x32x1x128xi32, #tpu.memory_space<vmem_shared>> -> memref<32x128xi32, #tpu.memory_space<vmem_shared>>
      tpu.wait_dma2 semaphore(%arg9 : memref<!tpu.dma_semaphore, #tpu.memory_space<semaphore_mem>>) src(%dma_wait3A_278 : memref<32x128xi32, #tpu.memory_space<vmem_shared>>) dst(%dma_wait3A_274 : memref<32x128xi32, #tpu.memory_space<vmem>>)
      %ge3A = arith.constant 1 : i32
      %ge3A_279 = arith.cmpi sge, %scan3A_176, %ge3A : i32
      %convert_element_type3A_280 = arith.extui %ge3A_279 : i1 to i32
      %cond3A_281 = arith.constant 0 : i32
      %cond3A_282 = arith.cmpi ne, %convert_element_type3A_280, %cond3A_281 : i32
      scf.if %cond3A_282 {
        %dma_wait3A_1127 = arith.constant 0 : i32
        %dma_wait3A_1128 = arith.constant 0 : i32
        %dma_wait3A_1129 = arith.constant 0 : i32
        %dma_wait3A_1130 = arith.constant 0 : i32
        %dma_wait3A_1131 = arith.constant 0 : i32
        %dma_wait3A_1132 = arith.constant 0 : i32
        %dma_wait3A_1133 = tpu.memref_slice %arg7[%dma_wait3A_1127, %dma_wait3A_1131, %dma_wait3A_1132] : memref<2x32x128xf32, #tpu.memory_space<vmem>> -> memref<1x32x128xf32, #tpu.memory_space<vmem>>
        %dma_wait3A_1134 = tpu.memref_squeeze %dma_wait3A_1133 : memref<1x32x128xf32, #tpu.memory_space<vmem>> -> memref<32x128xf32, #tpu.memory_space<vmem>>
        %dma_wait3A_1135 = arith.constant 0 : i32
        %dma_wait3A_1136 = arith.constant 0 : i32
        %dma_wait3A_1137 = tpu.memref_slice %arg4[%dma_wait3A_1128, %dma_wait3A_1129, %dma_wait3A_1135, %dma_wait3A_1130, %dma_wait3A_1136] : memref<200x8x32x8x128xf32, #tpu.memory_space<hbm>> -> memref<1x1x32x1x128xf32, #tpu.memory_space<hbm>>
        %dma_wait3A_1138 = tpu.memref_squeeze %dma_wait3A_1137 : memref<1x1x32x1x128xf32, #tpu.memory_space<hbm>> -> memref<32x128xf32, #tpu.memory_space<hbm>>
        %dma_wait3A_1139 = arith.constant 0 : i32
        %dma_wait3A_1140 = arith.constant 0 : i32
        %dma_wait3A_1141 = tpu.memref_slice %arg4[%dma_wait3A_1128, %dma_wait3A_1129, %dma_wait3A_1139, %dma_wait3A_1130, %dma_wait3A_1140] : memref<200x8x32x8x128xf32, #tpu.memory_space<hbm>> -> memref<1x1x32x1x128xf32, #tpu.memory_space<hbm>>
        %dma_wait3A_1142 = tpu.memref_squeeze %dma_wait3A_1141 : memref<1x1x32x1x128xf32, #tpu.memory_space<hbm>> -> memref<32x128xf32, #tpu.memory_space<hbm>>
        %dma_wait3A_1143 = arith.constant 0 : i32
        %dma_wait3A_1144 = arith.constant 0 : i32
        %dma_wait3A_1145 = tpu.memref_slice %arg7[%dma_wait3A_1127, %dma_wait3A_1143, %dma_wait3A_1144] : memref<2x32x128xf32, #tpu.memory_space<vmem>> -> memref<1x32x128xf32, #tpu.memory_space<vmem>>
        %dma_wait3A_1146 = tpu.memref_squeeze %dma_wait3A_1145 : memref<1x32x128xf32, #tpu.memory_space<vmem>> -> memref<32x128xf32, #tpu.memory_space<vmem>>
        tpu.wait_dma2 semaphore(%arg13 : memref<!tpu.dma_semaphore, #tpu.memory_space<semaphore_mem>>) src(%dma_wait3A_1146 : memref<32x128xf32, #tpu.memory_space<vmem>>) dst(%dma_wait3A_1142 : memref<32x128xf32, #tpu.memory_space<hbm>>)
      } else {
      }
      %parallel_loop3A = arith.constant 0 : i32
      %parallel_loop3A_283 = arith.constant 4096 : i32
      %parallel_loop3A_284 = arith.constant 16 : i32
      scf.for %parallel_loop3A_1127 = %parallel_loop3A to %parallel_loop3A_283 step %parallel_loop3A_284  : i32 {
        %parallel_loop3A_1128 = arith.constant 128 : i32
        %parallel_loop3A_1129 = arith.divsi %parallel_loop3A_1127, %parallel_loop3A_1128 : i32
        %parallel_loop3A_1130 = arith.constant 0 : i32
        %parallel_loop3A_1131 = arith.cmpi sgt, %parallel_loop3A_1127, %parallel_loop3A_1130 : i32
        %parallel_loop3A_1132 = arith.extui %parallel_loop3A_1131 : i1 to i32
        %parallel_loop3A_1133 = arith.constant 0 : i32
        %parallel_loop3A_1134 = arith.cmpi slt, %parallel_loop3A_1127, %parallel_loop3A_1133 : i32
        %parallel_loop3A_1135 = arith.extui %parallel_loop3A_1134 : i1 to i32
        %parallel_loop3A_1136 = arith.subi %parallel_loop3A_1132, %parallel_loop3A_1135 : i32
        %parallel_loop3A_1137 = arith.constant 0 : i32
        %parallel_loop3A_1138 = arith.cmpi sgt, %parallel_loop3A_1128, %parallel_loop3A_1137 : i32
        %parallel_loop3A_1139 = arith.extui %parallel_loop3A_1138 : i1 to i32
        %parallel_loop3A_1140 = arith.constant 0 : i32
        %parallel_loop3A_1141 = arith.cmpi slt, %parallel_loop3A_1128, %parallel_loop3A_1140 : i32
        %parallel_loop3A_1142 = arith.extui %parallel_loop3A_1141 : i1 to i32
        %parallel_loop3A_1143 = arith.subi %parallel_loop3A_1139, %parallel_loop3A_1142 : i32
        %parallel_loop3A_1144 = arith.cmpi ne, %parallel_loop3A_1136, %parallel_loop3A_1143 : i32
        %parallel_loop3A_1145 = arith.remsi %parallel_loop3A_1127, %parallel_loop3A_1128 : i32
        %parallel_loop3A_1146 = arith.constant 0 : i32
        %parallel_loop3A_1147 = arith.cmpi ne, %parallel_loop3A_1145, %parallel_loop3A_1146 : i32
        %parallel_loop3A_1148 = arith.andi %parallel_loop3A_1144, %parallel_loop3A_1147 : i1
        %parallel_loop3A_1149 = arith.constant 1 : i32
        %parallel_loop3A_1150 = arith.subi %parallel_loop3A_1129, %parallel_loop3A_1149 : i32
        %parallel_loop3A_1151 = arith.select %parallel_loop3A_1148, %parallel_loop3A_1150, %parallel_loop3A_1129 : i32
        %parallel_loop3A_1152 = arith.constant 128 : i32
        %parallel_loop3A_1153 = arith.constant 0 : i32
        %parallel_loop3A_1154 = arith.cmpi eq, %parallel_loop3A_1152, %parallel_loop3A_1153 : i32
        %parallel_loop3A_1155 = arith.constant 1 : i32
        %parallel_loop3A_1156 = arith.select %parallel_loop3A_1154, %parallel_loop3A_1155, %parallel_loop3A_1152 : i32
        %parallel_loop3A_1157 = arith.remsi %parallel_loop3A_1127, %parallel_loop3A_1156 : i32
        %parallel_loop3A_1158 = arith.constant 0 : i32
        %parallel_loop3A_1159 = arith.cmpi ne, %parallel_loop3A_1157, %parallel_loop3A_1158 : i32
        %parallel_loop3A_1160 = arith.constant 0 : i32
        %parallel_loop3A_1161 = arith.cmpi slt, %parallel_loop3A_1157, %parallel_loop3A_1160 : i32
        %parallel_loop3A_1162 = arith.constant 0 : i32
        %parallel_loop3A_1163 = arith.cmpi slt, %parallel_loop3A_1156, %parallel_loop3A_1162 : i32
        %parallel_loop3A_1164 = arith.xori %parallel_loop3A_1161, %parallel_loop3A_1163 : i1
        %parallel_loop3A_1165 = arith.andi %parallel_loop3A_1164, %parallel_loop3A_1159 : i1
        %parallel_loop3A_1166 = arith.addi %parallel_loop3A_1157, %parallel_loop3A_1156 : i32
        %parallel_loop3A_1167 = arith.select %parallel_loop3A_1165, %parallel_loop3A_1166, %parallel_loop3A_1157 : i32
        %parallel_loop3A_1168 = arith.constant 0 : i32
        %parallel_loop3A_1169 = arith.index_cast %parallel_loop3A_1168 : i32 to index
        %parallel_loop3A_1170 = arith.index_cast %parallel_loop3A_1151 : i32 to index
        %parallel_loop3A_1171 = arith.index_cast %parallel_loop3A_1167 : i32 to index
        %parallel_loop3A_1172 = tpu.vector_load %arg6[%parallel_loop3A_1169, %parallel_loop3A_1170, %parallel_loop3A_1171] {strides = array<i32>} : memref<4x32x128xi32, #tpu.memory_space<vmem>>, vector<16xi32>,
        %parallel_loop3A_1173 = arith.constant 7 : i32
        %parallel_loop3A_1174 = vector.broadcast %parallel_loop3A_1173 : i32 to vector<16xi32>
        %parallel_loop3A_1175 = arith.shrsi %parallel_loop3A_1172, %parallel_loop3A_1174 : vector<16xi32>
        %parallel_loop3A_1176 = arith.constant 127 : i32
        %parallel_loop3A_1177 = vector.broadcast %parallel_loop3A_1176 : i32 to vector<16xi32>
        %parallel_loop3A_1178 = arith.andi %parallel_loop3A_1172, %parallel_loop3A_1177 : vector<16xi32>
        %parallel_loop3A_1179 = tpu.vector_load_idx %arg5[%parallel_loop3A_1175, %parallel_loop3A_1178] : memref<782x128xf32, #tpu.memory_space<vmem>>[vector<16xi32>, vector<16xi32>], vector<16xf32>,
        %parallel_loop3A_1180 = arith.constant 128 : i32
        %parallel_loop3A_1181 = arith.divsi %parallel_loop3A_1127, %parallel_loop3A_1180 : i32
        %parallel_loop3A_1182 = arith.constant 0 : i32
        %parallel_loop3A_1183 = arith.cmpi sgt, %parallel_loop3A_1127, %parallel_loop3A_1182 : i32
        %parallel_loop3A_1184 = arith.extui %parallel_loop3A_1183 : i1 to i32
        %parallel_loop3A_1185 = arith.constant 0 : i32
        %parallel_loop3A_1186 = arith.cmpi slt, %parallel_loop3A_1127, %parallel_loop3A_1185 : i32
        %parallel_loop3A_1187 = arith.extui %parallel_loop3A_1186 : i1 to i32
        %parallel_loop3A_1188 = arith.subi %parallel_loop3A_1184, %parallel_loop3A_1187 : i32
        %parallel_loop3A_1189 = arith.constant 0 : i32
        %parallel_loop3A_1190 = arith.cmpi sgt, %parallel_loop3A_1180, %parallel_loop3A_1189 : i32
        %parallel_loop3A_1191 = arith.extui %parallel_loop3A_1190 : i1 to i32
        %parallel_loop3A_1192 = arith.constant 0 : i32
        %parallel_loop3A_1193 = arith.cmpi slt, %parallel_loop3A_1180, %parallel_loop3A_1192 : i32
        %parallel_loop3A_1194 = arith.extui %parallel_loop3A_1193 : i1 to i32
        %parallel_loop3A_1195 = arith.subi %parallel_loop3A_1191, %parallel_loop3A_1194 : i32
        %parallel_loop3A_1196 = arith.cmpi ne, %parallel_loop3A_1188, %parallel_loop3A_1195 : i32
        %parallel_loop3A_1197 = arith.remsi %parallel_loop3A_1127, %parallel_loop3A_1180 : i32
        %parallel_loop3A_1198 = arith.constant 0 : i32
        %parallel_loop3A_1199 = arith.cmpi ne, %parallel_loop3A_1197, %parallel_loop3A_1198 : i32
        %parallel_loop3A_1200 = arith.andi %parallel_loop3A_1196, %parallel_loop3A_1199 : i1
        %parallel_loop3A_1201 = arith.constant 1 : i32
        %parallel_loop3A_1202 = arith.subi %parallel_loop3A_1181, %parallel_loop3A_1201 : i32
        %parallel_loop3A_1203 = arith.select %parallel_loop3A_1200, %parallel_loop3A_1202, %parallel_loop3A_1181 : i32
        %parallel_loop3A_1204 = arith.constant 128 : i32
        %parallel_loop3A_1205 = arith.constant 0 : i32
        %parallel_loop3A_1206 = arith.cmpi eq, %parallel_loop3A_1204, %parallel_loop3A_1205 : i32
        %parallel_loop3A_1207 = arith.constant 1 : i32
        %parallel_loop3A_1208 = arith.select %parallel_loop3A_1206, %parallel_loop3A_1207, %parallel_loop3A_1204 : i32
        %parallel_loop3A_1209 = arith.remsi %parallel_loop3A_1127, %parallel_loop3A_1208 : i32
        %parallel_loop3A_1210 = arith.constant 0 : i32
        %parallel_loop3A_1211 = arith.cmpi ne, %parallel_loop3A_1209, %parallel_loop3A_1210 : i32
        %parallel_loop3A_1212 = arith.constant 0 : i32
        %parallel_loop3A_1213 = arith.cmpi slt, %parallel_loop3A_1209, %parallel_loop3A_1212 : i32
        %parallel_loop3A_1214 = arith.constant 0 : i32
        %parallel_loop3A_1215 = arith.cmpi slt, %parallel_loop3A_1208, %parallel_loop3A_1214 : i32
        %parallel_loop3A_1216 = arith.xori %parallel_loop3A_1213, %parallel_loop3A_1215 : i1
        %parallel_loop3A_1217 = arith.andi %parallel_loop3A_1216, %parallel_loop3A_1211 : i1
        %parallel_loop3A_1218 = arith.addi %parallel_loop3A_1209, %parallel_loop3A_1208 : i32
        %parallel_loop3A_1219 = arith.select %parallel_loop3A_1217, %parallel_loop3A_1218, %parallel_loop3A_1209 : i32
        %parallel_loop3A_1220 = arith.constant 0 : i32
        %parallel_loop3A_1221 = arith.index_cast %parallel_loop3A_1220 : i32 to index
        %parallel_loop3A_1222 = arith.index_cast %parallel_loop3A_1203 : i32 to index
        %parallel_loop3A_1223 = arith.index_cast %parallel_loop3A_1219 : i32 to index
        %parallel_loop3A_1224 = tpu.vector_load %arg7[%parallel_loop3A_1221, %parallel_loop3A_1222, %parallel_loop3A_1223] {strides = array<i32>} : memref<2x32x128xf32, #tpu.memory_space<vmem>>, vector<16xf32>,
        tpu.vector_store %arg7[%parallel_loop3A_1221, %parallel_loop3A_1222, %parallel_loop3A_1223], %parallel_loop3A_1179 {strides = array<i32>} : memref<2x32x128xf32, #tpu.memory_space<vmem>>, vector<16xf32>,
      } {sc.loop_unroll_factor = 16 : i64, sc.parallel_access}
      %jit3A_285 = arith.constant 8 : i32
      %div3A_286 = arith.divsi %add3A_85, %jit3A_285 : i32
      %sign3A_287 = arith.constant 0 : i32
      %sign3A_288 = arith.cmpi sgt, %add3A_85, %sign3A_287 : i32
      %sign3A_289 = arith.extui %sign3A_288 : i1 to i32
      %sign3A_290 = arith.constant 0 : i32
      %sign3A_291 = arith.cmpi slt, %add3A_85, %sign3A_290 : i32
      %sign3A_292 = arith.extui %sign3A_291 : i1 to i32
      %sign3A_293 = arith.subi %sign3A_289, %sign3A_292 : i32
      %sign3A_294 = arith.constant 0 : i32
      %sign3A_295 = arith.cmpi sgt, %jit3A_285, %sign3A_294 : i32
      %sign3A_296 = arith.extui %sign3A_295 : i1 to i32
      %sign3A_297 = arith.constant 0 : i32
      %sign3A_298 = arith.cmpi slt, %jit3A_285, %sign3A_297 : i32
      %sign3A_299 = arith.extui %sign3A_298 : i1 to i32
      %sign3A_300 = arith.subi %sign3A_296, %sign3A_299 : i32
      %ne3A_301 = arith.cmpi ne, %sign3A_293, %sign3A_300 : i32
      %rem3A_302 = arith.remsi %add3A_85, %jit3A_285 : i32
      %ne3A_303 = arith.constant 0 : i32
      %ne3A_304 = arith.cmpi ne, %rem3A_302, %ne3A_303 : i32
      %and3A_305 = arith.andi %ne3A_301, %ne3A_304 : i1
      %sub3A_306 = arith.constant 1 : i32
      %sub3A_307 = arith.subi %div3A_286, %sub3A_306 : i32
      %select_n3A_308 = arith.select %and3A_305, %sub3A_307, %div3A_286 : i32
      %jit3A_309 = arith.constant 8 : i32
      %eq3A_310 = arith.constant 0 : i32
      %eq3A_311 = arith.cmpi eq, %jit3A_309, %eq3A_310 : i32
      %jit3A_312 = arith.constant 1 : i32
      %select_n3A_313 = arith.select %eq3A_311, %jit3A_312, %jit3A_309 : i32
      %rem3A_314 = arith.remsi %add3A_85, %select_n3A_313 : i32
      %ne3A_315 = arith.constant 0 : i32
      %ne3A_316 = arith.cmpi ne, %rem3A_314, %ne3A_315 : i32
      %lt3A_317 = arith.constant 0 : i32
      %lt3A_318 = arith.cmpi slt, %rem3A_314, %lt3A_317 : i32
      %lt3A_319 = arith.constant 0 : i32
      %lt3A_320 = arith.cmpi slt, %select_n3A_313, %lt3A_319 : i32
      %ne3A_321 = arith.xori %lt3A_318, %lt3A_320 : i1
      %and3A_322 = arith.andi %ne3A_321, %ne3A_316 : i1
      %add3A_323 = arith.addi %rem3A_314, %select_n3A_313 : i32
      %select_n3A_324 = arith.select %and3A_322, %add3A_323, %rem3A_314 : i32
      %dma_start3A_325 = arith.constant 0 : i32
      %dma_start3A_326 = arith.constant 0 : i32
      %dma_start3A_327 = arith.constant 0 : i32
      %dma_start3A_328 = tpu.memref_slice %arg7[%dma_start3A_325, %dma_start3A_326, %dma_start3A_327] : memref<2x32x128xf32, #tpu.memory_space<vmem>> -> memref<1x32x128xf32, #tpu.memory_space<vmem>>
      %dma_start3A_329 = tpu.memref_squeeze %dma_start3A_328 : memref<1x32x128xf32, #tpu.memory_space<vmem>> -> memref<32x128xf32, #tpu.memory_space<vmem>>
      %dma_start3A_330 = arith.constant 0 : i32
      %dma_start3A_331 = arith.constant 0 : i32
      %dma_start3A_332 = tpu.memref_slice %arg4[%add3A_241, %select_n3A_308, %dma_start3A_330, %select_n3A_324, %dma_start3A_331] : memref<200x8x32x8x128xf32, #tpu.memory_space<hbm>> -> memref<1x1x32x1x128xf32, #tpu.memory_space<hbm>>
      %dma_start3A_333 = tpu.memref_squeeze %dma_start3A_332 : memref<1x1x32x1x128xf32, #tpu.memory_space<hbm>> -> memref<32x128xf32, #tpu.memory_space<hbm>>
      %dma_start3A_334 = arith.constant 0 : i32
      %dma_start3A_335 = arith.constant 0 : i32
      %dma_start3A_336 = tpu.memref_slice %arg4[%add3A_241, %select_n3A_308, %dma_start3A_334, %select_n3A_324, %dma_start3A_335] : memref<200x8x32x8x128xf32, #tpu.memory_space<hbm>> -> memref<1x1x32x1x128xf32, #tpu.memory_space<hbm>>
      %dma_start3A_337 = tpu.memref_squeeze %dma_start3A_336 : memref<1x1x32x1x128xf32, #tpu.memory_space<hbm>> -> memref<32x128xf32, #tpu.memory_space<hbm>>
      %dma_start3A_338 = arith.constant 0 : i32
      %dma_start3A_339 = arith.constant 0 : i32
      %dma_start3A_340 = tpu.memref_slice %arg7[%dma_start3A_325, %dma_start3A_338, %dma_start3A_339] : memref<2x32x128xf32, #tpu.memory_space<vmem>> -> memref<1x32x128xf32, #tpu.memory_space<vmem>>
      %dma_start3A_341 = tpu.memref_squeeze %dma_start3A_340 : memref<1x32x128xf32, #tpu.memory_space<vmem>> -> memref<32x128xf32, #tpu.memory_space<vmem>>
      tpu.enqueue_dma source(%dma_start3A_341 : memref<32x128xf32, #tpu.memory_space<vmem>>) target(%dma_start3A_337 : memref<32x128xf32, #tpu.memory_space<hbm>>) target_semaphore(%arg13 : memref<!tpu.dma_semaphore, #tpu.memory_space<semaphore_mem>>)
      %mul3A_342 = arith.constant 8 : i32
      %mul3A_343 = arith.muli %scan3A_176, %mul3A_342 : i32
      %add3A_344 = arith.constant 1 : i32
      %add3A_345 = arith.addi %mul3A_343, %add3A_344 : i32
      %dma_start3A_346 = arith.constant 4 : i32
      %dma_start3A_347 = arith.constant 0 : i32
      %dma_start3A_348 = arith.constant 0 : i32
      %dma_start3A_349 = arith.constant 0 : i32
      %dma_start3A_350 = tpu.memref_slice %arg6[%dma_start3A_347, %dma_start3A_348, %dma_start3A_349] : memref<4x32x128xi32, #tpu.memory_space<vmem>> -> memref<1x32x128xi32, #tpu.memory_space<vmem>>
      %dma_start3A_351 = tpu.memref_squeeze %dma_start3A_350 : memref<1x32x128xi32, #tpu.memory_space<vmem>> -> memref<32x128xi32, #tpu.memory_space<vmem>>
      %dma_start3A_352 = arith.constant 0 : i32
      %dma_start3A_353 = arith.constant 0 : i32
      %dma_start3A_354 = tpu.memref_slice %arg8[%rem3A_178, %dma_start3A_352, %dma_start3A_346, %dma_start3A_353] : memref<2x32x8x128xi32, #tpu.memory_space<vmem_shared>> -> memref<1x32x1x128xi32, #tpu.memory_space<vmem_shared>>
      %dma_start3A_355 = tpu.memref_squeeze %dma_start3A_354 : memref<1x32x1x128xi32, #tpu.memory_space<vmem_shared>> -> memref<32x128xi32, #tpu.memory_space<vmem_shared>>
      %dma_start3A_356 = arith.constant 0 : i32
      %dma_start3A_357 = arith.constant 0 : i32
      %dma_start3A_358 = tpu.memref_slice %arg6[%dma_start3A_347, %dma_start3A_356, %dma_start3A_357] : memref<4x32x128xi32, #tpu.memory_space<vmem>> -> memref<1x32x128xi32, #tpu.memory_space<vmem>>
      %dma_start3A_359 = tpu.memref_squeeze %dma_start3A_358 : memref<1x32x128xi32, #tpu.memory_space<vmem>> -> memref<32x128xi32, #tpu.memory_space<vmem>>
      %dma_start3A_360 = arith.constant 0 : i32
      %dma_start3A_361 = arith.constant 0 : i32
      %dma_start3A_362 = tpu.memref_slice %arg8[%rem3A_178, %dma_start3A_360, %dma_start3A_346, %dma_start3A_361] : memref<2x32x8x128xi32, #tpu.memory_space<vmem_shared>> -> memref<1x32x1x128xi32, #tpu.memory_space<vmem_shared>>
      %dma_start3A_363 = tpu.memref_squeeze %dma_start3A_362 : memref<1x32x1x128xi32, #tpu.memory_space<vmem_shared>> -> memref<32x128xi32, #tpu.memory_space<vmem_shared>>
      tpu.enqueue_dma source(%dma_start3A_363 : memref<32x128xi32, #tpu.memory_space<vmem_shared>>) target(%dma_start3A_359 : memref<32x128xi32, #tpu.memory_space<vmem>>) target_semaphore(%arg9 : memref<!tpu.dma_semaphore, #tpu.memory_space<semaphore_mem>>)
      %dma_wait3A_364 = arith.constant 0 : i32
      %dma_wait3A_365 = arith.constant 0 : i32
      %dma_wait3A_366 = arith.constant 1 : i32
      %dma_wait3A_367 = arith.constant 0 : i32
      %dma_wait3A_368 = arith.constant 0 : i32
      %dma_wait3A_369 = tpu.memref_slice %arg6[%dma_wait3A_366, %dma_wait3A_367, %dma_wait3A_368] : memref<4x32x128xi32, #tpu.memory_space<vmem>> -> memref<1x32x128xi32, #tpu.memory_space<vmem>>
      %dma_wait3A_370 = tpu.memref_squeeze %dma_wait3A_369 : memref<1x32x128xi32, #tpu.memory_space<vmem>> -> memref<32x128xi32, #tpu.memory_space<vmem>>
      %dma_wait3A_371 = arith.constant 0 : i32
      %dma_wait3A_372 = arith.constant 0 : i32
      %dma_wait3A_373 = tpu.memref_slice %arg8[%dma_wait3A_364, %dma_wait3A_371, %dma_wait3A_365, %dma_wait3A_372] : memref<2x32x8x128xi32, #tpu.memory_space<vmem_shared>> -> memref<1x32x1x128xi32, #tpu.memory_space<vmem_shared>>
      %dma_wait3A_374 = tpu.memref_squeeze %dma_wait3A_373 : memref<1x32x1x128xi32, #tpu.memory_space<vmem_shared>> -> memref<32x128xi32, #tpu.memory_space<vmem_shared>>
      %dma_wait3A_375 = arith.constant 0 : i32
      %dma_wait3A_376 = arith.constant 0 : i32
      %dma_wait3A_377 = tpu.memref_slice %arg6[%dma_wait3A_366, %dma_wait3A_375, %dma_wait3A_376] : memref<4x32x128xi32, #tpu.memory_space<vmem>> -> memref<1x32x128xi32, #tpu.memory_space<vmem>>
      %dma_wait3A_378 = tpu.memref_squeeze %dma_wait3A_377 : memref<1x32x128xi32, #tpu.memory_space<vmem>> -> memref<32x128xi32, #tpu.memory_space<vmem>>
      %dma_wait3A_379 = arith.constant 0 : i32
      %dma_wait3A_380 = arith.constant 0 : i32
      %dma_wait3A_381 = tpu.memref_slice %arg8[%dma_wait3A_364, %dma_wait3A_379, %dma_wait3A_365, %dma_wait3A_380] : memref<2x32x8x128xi32, #tpu.memory_space<vmem_shared>> -> memref<1x32x1x128xi32, #tpu.memory_space<vmem_shared>>
      %dma_wait3A_382 = tpu.memref_squeeze %dma_wait3A_381 : memref<1x32x1x128xi32, #tpu.memory_space<vmem_shared>> -> memref<32x128xi32, #tpu.memory_space<vmem_shared>>
      tpu.wait_dma2 semaphore(%arg10 : memref<!tpu.dma_semaphore, #tpu.memory_space<semaphore_mem>>) src(%dma_wait3A_382 : memref<32x128xi32, #tpu.memory_space<vmem_shared>>) dst(%dma_wait3A_378 : memref<32x128xi32, #tpu.memory_space<vmem>>)
      %ge3A_383 = arith.constant 1 : i32
      %ge3A_384 = arith.cmpi sge, %scan3A_176, %ge3A_383 : i32
      %convert_element_type3A_385 = arith.extui %ge3A_384 : i1 to i32
      %cond3A_386 = arith.constant 0 : i32
      %cond3A_387 = arith.cmpi ne, %convert_element_type3A_385, %cond3A_386 : i32
      scf.if %cond3A_387 {
        %dma_wait3A_1127 = arith.constant 1 : i32
        %dma_wait3A_1128 = arith.constant 0 : i32
        %dma_wait3A_1129 = arith.constant 0 : i32
        %dma_wait3A_1130 = arith.constant 0 : i32
        %dma_wait3A_1131 = arith.constant 0 : i32
        %dma_wait3A_1132 = arith.constant 0 : i32
        %dma_wait3A_1133 = tpu.memref_slice %arg7[%dma_wait3A_1127, %dma_wait3A_1131, %dma_wait3A_1132] : memref<2x32x128xf32, #tpu.memory_space<vmem>> -> memref<1x32x128xf32, #tpu.memory_space<vmem>>
        %dma_wait3A_1134 = tpu.memref_squeeze %dma_wait3A_1133 : memref<1x32x128xf32, #tpu.memory_space<vmem>> -> memref<32x128xf32, #tpu.memory_space<vmem>>
        %dma_wait3A_1135 = arith.constant 0 : i32
        %dma_wait3A_1136 = arith.constant 0 : i32
        %dma_wait3A_1137 = tpu.memref_slice %arg4[%dma_wait3A_1128, %dma_wait3A_1129, %dma_wait3A_1135, %dma_wait3A_1130, %dma_wait3A_1136] : memref<200x8x32x8x128xf32, #tpu.memory_space<hbm>> -> memref<1x1x32x1x128xf32, #tpu.memory_space<hbm>>
        %dma_wait3A_1138 = tpu.memref_squeeze %dma_wait3A_1137 : memref<1x1x32x1x128xf32, #tpu.memory_space<hbm>> -> memref<32x128xf32, #tpu.memory_space<hbm>>
        %dma_wait3A_1139 = arith.constant 0 : i32
        %dma_wait3A_1140 = arith.constant 0 : i32
        %dma_wait3A_1141 = tpu.memref_slice %arg4[%dma_wait3A_1128, %dma_wait3A_1129, %dma_wait3A_1139, %dma_wait3A_1130, %dma_wait3A_1140] : memref<200x8x32x8x128xf32, #tpu.memory_space<hbm>> -> memref<1x1x32x1x128xf32, #tpu.memory_space<hbm>>
        %dma_wait3A_1142 = tpu.memref_squeeze %dma_wait3A_1141 : memref<1x1x32x1x128xf32, #tpu.memory_space<hbm>> -> memref<32x128xf32, #tpu.memory_space<hbm>>
        %dma_wait3A_1143 = arith.constant 0 : i32
        %dma_wait3A_1144 = arith.constant 0 : i32
        %dma_wait3A_1145 = tpu.memref_slice %arg7[%dma_wait3A_1127, %dma_wait3A_1143, %dma_wait3A_1144] : memref<2x32x128xf32, #tpu.memory_space<vmem>> -> memref<1x32x128xf32, #tpu.memory_space<vmem>>
        %dma_wait3A_1146 = tpu.memref_squeeze %dma_wait3A_1145 : memref<1x32x128xf32, #tpu.memory_space<vmem>> -> memref<32x128xf32, #tpu.memory_space<vmem>>
        tpu.wait_dma2 semaphore(%arg14 : memref<!tpu.dma_semaphore, #tpu.memory_space<semaphore_mem>>) src(%dma_wait3A_1146 : memref<32x128xf32, #tpu.memory_space<vmem>>) dst(%dma_wait3A_1142 : memref<32x128xf32, #tpu.memory_space<hbm>>)
      } else {
      }
      %parallel_loop3A_388 = arith.constant 0 : i32
      %parallel_loop3A_389 = arith.constant 4096 : i32
      %parallel_loop3A_390 = arith.constant 16 : i32
      scf.for %parallel_loop3A_1127 = %parallel_loop3A_388 to %parallel_loop3A_389 step %parallel_loop3A_390  : i32 {
        %parallel_loop3A_1128 = arith.constant 128 : i32
        %parallel_loop3A_1129 = arith.divsi %parallel_loop3A_1127, %parallel_loop3A_1128 : i32
        %parallel_loop3A_1130 = arith.constant 0 : i32
        %parallel_loop3A_1131 = arith.cmpi sgt, %parallel_loop3A_1127, %parallel_loop3A_1130 : i32
        %parallel_loop3A_1132 = arith.extui %parallel_loop3A_1131 : i1 to i32
        %parallel_loop3A_1133 = arith.constant 0 : i32
        %parallel_loop3A_1134 = arith.cmpi slt, %parallel_loop3A_1127, %parallel_loop3A_1133 : i32
        %parallel_loop3A_1135 = arith.extui %parallel_loop3A_1134 : i1 to i32
        %parallel_loop3A_1136 = arith.subi %parallel_loop3A_1132, %parallel_loop3A_1135 : i32
        %parallel_loop3A_1137 = arith.constant 0 : i32
        %parallel_loop3A_1138 = arith.cmpi sgt, %parallel_loop3A_1128, %parallel_loop3A_1137 : i32
        %parallel_loop3A_1139 = arith.extui %parallel_loop3A_1138 : i1 to i32
        %parallel_loop3A_1140 = arith.constant 0 : i32
        %parallel_loop3A_1141 = arith.cmpi slt, %parallel_loop3A_1128, %parallel_loop3A_1140 : i32
        %parallel_loop3A_1142 = arith.extui %parallel_loop3A_1141 : i1 to i32
        %parallel_loop3A_1143 = arith.subi %parallel_loop3A_1139, %parallel_loop3A_1142 : i32
        %parallel_loop3A_1144 = arith.cmpi ne, %parallel_loop3A_1136, %parallel_loop3A_1143 : i32
        %parallel_loop3A_1145 = arith.remsi %parallel_loop3A_1127, %parallel_loop3A_1128 : i32
        %parallel_loop3A_1146 = arith.constant 0 : i32
        %parallel_loop3A_1147 = arith.cmpi ne, %parallel_loop3A_1145, %parallel_loop3A_1146 : i32
        %parallel_loop3A_1148 = arith.andi %parallel_loop3A_1144, %parallel_loop3A_1147 : i1
        %parallel_loop3A_1149 = arith.constant 1 : i32
        %parallel_loop3A_1150 = arith.subi %parallel_loop3A_1129, %parallel_loop3A_1149 : i32
        %parallel_loop3A_1151 = arith.select %parallel_loop3A_1148, %parallel_loop3A_1150, %parallel_loop3A_1129 : i32
        %parallel_loop3A_1152 = arith.constant 128 : i32
        %parallel_loop3A_1153 = arith.constant 0 : i32
        %parallel_loop3A_1154 = arith.cmpi eq, %parallel_loop3A_1152, %parallel_loop3A_1153 : i32
        %parallel_loop3A_1155 = arith.constant 1 : i32
        %parallel_loop3A_1156 = arith.select %parallel_loop3A_1154, %parallel_loop3A_1155, %parallel_loop3A_1152 : i32
        %parallel_loop3A_1157 = arith.remsi %parallel_loop3A_1127, %parallel_loop3A_1156 : i32
        %parallel_loop3A_1158 = arith.constant 0 : i32
        %parallel_loop3A_1159 = arith.cmpi ne, %parallel_loop3A_1157, %parallel_loop3A_1158 : i32
        %parallel_loop3A_1160 = arith.constant 0 : i32
        %parallel_loop3A_1161 = arith.cmpi slt, %parallel_loop3A_1157, %parallel_loop3A_1160 : i32
        %parallel_loop3A_1162 = arith.constant 0 : i32
        %parallel_loop3A_1163 = arith.cmpi slt, %parallel_loop3A_1156, %parallel_loop3A_1162 : i32
        %parallel_loop3A_1164 = arith.xori %parallel_loop3A_1161, %parallel_loop3A_1163 : i1
        %parallel_loop3A_1165 = arith.andi %parallel_loop3A_1164, %parallel_loop3A_1159 : i1
        %parallel_loop3A_1166 = arith.addi %parallel_loop3A_1157, %parallel_loop3A_1156 : i32
        %parallel_loop3A_1167 = arith.select %parallel_loop3A_1165, %parallel_loop3A_1166, %parallel_loop3A_1157 : i32
        %parallel_loop3A_1168 = arith.constant 1 : i32
        %parallel_loop3A_1169 = arith.index_cast %parallel_loop3A_1168 : i32 to index
        %parallel_loop3A_1170 = arith.index_cast %parallel_loop3A_1151 : i32 to index
        %parallel_loop3A_1171 = arith.index_cast %parallel_loop3A_1167 : i32 to index
        %parallel_loop3A_1172 = tpu.vector_load %arg6[%parallel_loop3A_1169, %parallel_loop3A_1170, %parallel_loop3A_1171] {strides = array<i32>} : memref<4x32x128xi32, #tpu.memory_space<vmem>>, vector<16xi32>,
        %parallel_loop3A_1173 = arith.constant 7 : i32
        %parallel_loop3A_1174 = vector.broadcast %parallel_loop3A_1173 : i32 to vector<16xi32>
        %parallel_loop3A_1175 = arith.shrsi %parallel_loop3A_1172, %parallel_loop3A_1174 : vector<16xi32>
        %parallel_loop3A_1176 = arith.constant 127 : i32
        %parallel_loop3A_1177 = vector.broadcast %parallel_loop3A_1176 : i32 to vector<16xi32>
        %parallel_loop3A_1178 = arith.andi %parallel_loop3A_1172, %parallel_loop3A_1177 : vector<16xi32>
        %parallel_loop3A_1179 = tpu.vector_load_idx %arg5[%parallel_loop3A_1175, %parallel_loop3A_1178] : memref<782x128xf32, #tpu.memory_space<vmem>>[vector<16xi32>, vector<16xi32>], vector<16xf32>,
        %parallel_loop3A_1180 = arith.constant 128 : i32
        %parallel_loop3A_1181 = arith.divsi %parallel_loop3A_1127, %parallel_loop3A_1180 : i32
        %parallel_loop3A_1182 = arith.constant 0 : i32
        %parallel_loop3A_1183 = arith.cmpi sgt, %parallel_loop3A_1127, %parallel_loop3A_1182 : i32
        %parallel_loop3A_1184 = arith.extui %parallel_loop3A_1183 : i1 to i32
        %parallel_loop3A_1185 = arith.constant 0 : i32
        %parallel_loop3A_1186 = arith.cmpi slt, %parallel_loop3A_1127, %parallel_loop3A_1185 : i32
        %parallel_loop3A_1187 = arith.extui %parallel_loop3A_1186 : i1 to i32
        %parallel_loop3A_1188 = arith.subi %parallel_loop3A_1184, %parallel_loop3A_1187 : i32
        %parallel_loop3A_1189 = arith.constant 0 : i32
        %parallel_loop3A_1190 = arith.cmpi sgt, %parallel_loop3A_1180, %parallel_loop3A_1189 : i32
        %parallel_loop3A_1191 = arith.extui %parallel_loop3A_1190 : i1 to i32
        %parallel_loop3A_1192 = arith.constant 0 : i32
        %parallel_loop3A_1193 = arith.cmpi slt, %parallel_loop3A_1180, %parallel_loop3A_1192 : i32
        %parallel_loop3A_1194 = arith.extui %parallel_loop3A_1193 : i1 to i32
        %parallel_loop3A_1195 = arith.subi %parallel_loop3A_1191, %parallel_loop3A_1194 : i32
        %parallel_loop3A_1196 = arith.cmpi ne, %parallel_loop3A_1188, %parallel_loop3A_1195 : i32
        %parallel_loop3A_1197 = arith.remsi %parallel_loop3A_1127, %parallel_loop3A_1180 : i32
        %parallel_loop3A_1198 = arith.constant 0 : i32
        %parallel_loop3A_1199 = arith.cmpi ne, %parallel_loop3A_1197, %parallel_loop3A_1198 : i32
        %parallel_loop3A_1200 = arith.andi %parallel_loop3A_1196, %parallel_loop3A_1199 : i1
        %parallel_loop3A_1201 = arith.constant 1 : i32
        %parallel_loop3A_1202 = arith.subi %parallel_loop3A_1181, %parallel_loop3A_1201 : i32
        %parallel_loop3A_1203 = arith.select %parallel_loop3A_1200, %parallel_loop3A_1202, %parallel_loop3A_1181 : i32
        %parallel_loop3A_1204 = arith.constant 128 : i32
        %parallel_loop3A_1205 = arith.constant 0 : i32
        %parallel_loop3A_1206 = arith.cmpi eq, %parallel_loop3A_1204, %parallel_loop3A_1205 : i32
        %parallel_loop3A_1207 = arith.constant 1 : i32
        %parallel_loop3A_1208 = arith.select %parallel_loop3A_1206, %parallel_loop3A_1207, %parallel_loop3A_1204 : i32
        %parallel_loop3A_1209 = arith.remsi %parallel_loop3A_1127, %parallel_loop3A_1208 : i32
        %parallel_loop3A_1210 = arith.constant 0 : i32
        %parallel_loop3A_1211 = arith.cmpi ne, %parallel_loop3A_1209, %parallel_loop3A_1210 : i32
        %parallel_loop3A_1212 = arith.constant 0 : i32
        %parallel_loop3A_1213 = arith.cmpi slt, %parallel_loop3A_1209, %parallel_loop3A_1212 : i32
        %parallel_loop3A_1214 = arith.constant 0 : i32
        %parallel_loop3A_1215 = arith.cmpi slt, %parallel_loop3A_1208, %parallel_loop3A_1214 : i32
        %parallel_loop3A_1216 = arith.xori %parallel_loop3A_1213, %parallel_loop3A_1215 : i1
        %parallel_loop3A_1217 = arith.andi %parallel_loop3A_1216, %parallel_loop3A_1211 : i1
        %parallel_loop3A_1218 = arith.addi %parallel_loop3A_1209, %parallel_loop3A_1208 : i32
        %parallel_loop3A_1219 = arith.select %parallel_loop3A_1217, %parallel_loop3A_1218, %parallel_loop3A_1209 : i32
        %parallel_loop3A_1220 = arith.constant 1 : i32
        %parallel_loop3A_1221 = arith.index_cast %parallel_loop3A_1220 : i32 to index
        %parallel_loop3A_1222 = arith.index_cast %parallel_loop3A_1203 : i32 to index
        %parallel_loop3A_1223 = arith.index_cast %parallel_loop3A_1219 : i32 to index
        %parallel_loop3A_1224 = tpu.vector_load %arg7[%parallel_loop3A_1221, %parallel_loop3A_1222, %parallel_loop3A_1223] {strides = array<i32>} : memref<2x32x128xf32, #tpu.memory_space<vmem>>, vector<16xf32>,
        tpu.vector_store %arg7[%parallel_loop3A_1221, %parallel_loop3A_1222, %parallel_loop3A_1223], %parallel_loop3A_1179 {strides = array<i32>} : memref<2x32x128xf32, #tpu.memory_space<vmem>>, vector<16xf32>,
      } {sc.loop_unroll_factor = 16 : i64, sc.parallel_access}
      %jit3A_391 = arith.constant 8 : i32
      %div3A_392 = arith.divsi %add3A_85, %jit3A_391 : i32
      %sign3A_393 = arith.constant 0 : i32
      %sign3A_394 = arith.cmpi sgt, %add3A_85, %sign3A_393 : i32
      %sign3A_395 = arith.extui %sign3A_394 : i1 to i32
      %sign3A_396 = arith.constant 0 : i32
      %sign3A_397 = arith.cmpi slt, %add3A_85, %sign3A_396 : i32
      %sign3A_398 = arith.extui %sign3A_397 : i1 to i32
      %sign3A_399 = arith.subi %sign3A_395, %sign3A_398 : i32
      %sign3A_400 = arith.constant 0 : i32
      %sign3A_401 = arith.cmpi sgt, %jit3A_391, %sign3A_400 : i32
      %sign3A_402 = arith.extui %sign3A_401 : i1 to i32
      %sign3A_403 = arith.constant 0 : i32
      %sign3A_404 = arith.cmpi slt, %jit3A_391, %sign3A_403 : i32
      %sign3A_405 = arith.extui %sign3A_404 : i1 to i32
      %sign3A_406 = arith.subi %sign3A_402, %sign3A_405 : i32
      %ne3A_407 = arith.cmpi ne, %sign3A_399, %sign3A_406 : i32
      %rem3A_408 = arith.remsi %add3A_85, %jit3A_391 : i32
      %ne3A_409 = arith.constant 0 : i32
      %ne3A_410 = arith.cmpi ne, %rem3A_408, %ne3A_409 : i32
      %and3A_411 = arith.andi %ne3A_407, %ne3A_410 : i1
      %sub3A_412 = arith.constant 1 : i32
      %sub3A_413 = arith.subi %div3A_392, %sub3A_412 : i32
      %select_n3A_414 = arith.select %and3A_411, %sub3A_413, %div3A_392 : i32
      %jit3A_415 = arith.constant 8 : i32
      %eq3A_416 = arith.constant 0 : i32
      %eq3A_417 = arith.cmpi eq, %jit3A_415, %eq3A_416 : i32
      %jit3A_418 = arith.constant 1 : i32
      %select_n3A_419 = arith.select %eq3A_417, %jit3A_418, %jit3A_415 : i32
      %rem3A_420 = arith.remsi %add3A_85, %select_n3A_419 : i32
      %ne3A_421 = arith.constant 0 : i32
      %ne3A_422 = arith.cmpi ne, %rem3A_420, %ne3A_421 : i32
      %lt3A_423 = arith.constant 0 : i32
      %lt3A_424 = arith.cmpi slt, %rem3A_420, %lt3A_423 : i32
      %lt3A_425 = arith.constant 0 : i32
      %lt3A_426 = arith.cmpi slt, %select_n3A_419, %lt3A_425 : i32
      %ne3A_427 = arith.xori %lt3A_424, %lt3A_426 : i1
      %and3A_428 = arith.andi %ne3A_427, %ne3A_422 : i1
      %add3A_429 = arith.addi %rem3A_420, %select_n3A_419 : i32
      %select_n3A_430 = arith.select %and3A_428, %add3A_429, %rem3A_420 : i32
      %dma_start3A_431 = arith.constant 1 : i32
      %dma_start3A_432 = arith.constant 0 : i32
      %dma_start3A_433 = arith.constant 0 : i32
      %dma_start3A_434 = tpu.memref_slice %arg7[%dma_start3A_431, %dma_start3A_432, %dma_start3A_433] : memref<2x32x128xf32, #tpu.memory_space<vmem>> -> memref<1x32x128xf32, #tpu.memory_space<vmem>>
      %dma_start3A_435 = tpu.memref_squeeze %dma_start3A_434 : memref<1x32x128xf32, #tpu.memory_space<vmem>> -> memref<32x128xf32, #tpu.memory_space<vmem>>
      %dma_start3A_436 = arith.constant 0 : i32
      %dma_start3A_437 = arith.constant 0 : i32
      %dma_start3A_438 = tpu.memref_slice %arg4[%add3A_345, %select_n3A_414, %dma_start3A_436, %select_n3A_430, %dma_start3A_437] : memref<200x8x32x8x128xf32, #tpu.memory_space<hbm>> -> memref<1x1x32x1x128xf32, #tpu.memory_space<hbm>>
      %dma_start3A_439 = tpu.memref_squeeze %dma_start3A_438 : memref<1x1x32x1x128xf32, #tpu.memory_space<hbm>> -> memref<32x128xf32, #tpu.memory_space<hbm>>
      %dma_start3A_440 = arith.constant 0 : i32
      %dma_start3A_441 = arith.constant 0 : i32
      %dma_start3A_442 = tpu.memref_slice %arg4[%add3A_345, %select_n3A_414, %dma_start3A_440, %select_n3A_430, %dma_start3A_441] : memref<200x8x32x8x128xf32, #tpu.memory_space<hbm>> -> memref<1x1x32x1x128xf32, #tpu.memory_space<hbm>>
      %dma_start3A_443 = tpu.memref_squeeze %dma_start3A_442 : memref<1x1x32x1x128xf32, #tpu.memory_space<hbm>> -> memref<32x128xf32, #tpu.memory_space<hbm>>
      %dma_start3A_444 = arith.constant 0 : i32
      %dma_start3A_445 = arith.constant 0 : i32
      %dma_start3A_446 = tpu.memref_slice %arg7[%dma_start3A_431, %dma_start3A_444, %dma_start3A_445] : memref<2x32x128xf32, #tpu.memory_space<vmem>> -> memref<1x32x128xf32, #tpu.memory_space<vmem>>
      %dma_start3A_447 = tpu.memref_squeeze %dma_start3A_446 : memref<1x32x128xf32, #tpu.memory_space<vmem>> -> memref<32x128xf32, #tpu.memory_space<vmem>>
      tpu.enqueue_dma source(%dma_start3A_447 : memref<32x128xf32, #tpu.memory_space<vmem>>) target(%dma_start3A_443 : memref<32x128xf32, #tpu.memory_space<hbm>>) target_semaphore(%arg14 : memref<!tpu.dma_semaphore, #tpu.memory_space<semaphore_mem>>)
      %mul3A_448 = arith.constant 8 : i32
      %mul3A_449 = arith.muli %scan3A_176, %mul3A_448 : i32
      %add3A_450 = arith.constant 2 : i32
      %add3A_451 = arith.addi %mul3A_449, %add3A_450 : i32
      %dma_start3A_452 = arith.constant 5 : i32
      %dma_start3A_453 = arith.constant 1 : i32
      %dma_start3A_454 = arith.constant 0 : i32
      %dma_start3A_455 = arith.constant 0 : i32
      %dma_start3A_456 = tpu.memref_slice %arg6[%dma_start3A_453, %dma_start3A_454, %dma_start3A_455] : memref<4x32x128xi32, #tpu.memory_space<vmem>> -> memref<1x32x128xi32, #tpu.memory_space<vmem>>
      %dma_start3A_457 = tpu.memref_squeeze %dma_start3A_456 : memref<1x32x128xi32, #tpu.memory_space<vmem>> -> memref<32x128xi32, #tpu.memory_space<vmem>>
      %dma_start3A_458 = arith.constant 0 : i32
      %dma_start3A_459 = arith.constant 0 : i32
      %dma_start3A_460 = tpu.memref_slice %arg8[%rem3A_178, %dma_start3A_458, %dma_start3A_452, %dma_start3A_459] : memref<2x32x8x128xi32, #tpu.memory_space<vmem_shared>> -> memref<1x32x1x128xi32, #tpu.memory_space<vmem_shared>>
      %dma_start3A_461 = tpu.memref_squeeze %dma_start3A_460 : memref<1x32x1x128xi32, #tpu.memory_space<vmem_shared>> -> memref<32x128xi32, #tpu.memory_space<vmem_shared>>
      %dma_start3A_462 = arith.constant 0 : i32
      %dma_start3A_463 = arith.constant 0 : i32
      %dma_start3A_464 = tpu.memref_slice %arg6[%dma_start3A_453, %dma_start3A_462, %dma_start3A_463] : memref<4x32x128xi32, #tpu.memory_space<vmem>> -> memref<1x32x128xi32, #tpu.memory_space<vmem>>
      %dma_start3A_465 = tpu.memref_squeeze %dma_start3A_464 : memref<1x32x128xi32, #tpu.memory_space<vmem>> -> memref<32x128xi32, #tpu.memory_space<vmem>>
      %dma_start3A_466 = arith.constant 0 : i32
      %dma_start3A_467 = arith.constant 0 : i32
      %dma_start3A_468 = tpu.memref_slice %arg8[%rem3A_178, %dma_start3A_466, %dma_start3A_452, %dma_start3A_467] : memref<2x32x8x128xi32, #tpu.memory_space<vmem_shared>> -> memref<1x32x1x128xi32, #tpu.memory_space<vmem_shared>>
      %dma_start3A_469 = tpu.memref_squeeze %dma_start3A_468 : memref<1x32x1x128xi32, #tpu.memory_space<vmem_shared>> -> memref<32x128xi32, #tpu.memory_space<vmem_shared>>
      tpu.enqueue_dma source(%dma_start3A_469 : memref<32x128xi32, #tpu.memory_space<vmem_shared>>) target(%dma_start3A_465 : memref<32x128xi32, #tpu.memory_space<vmem>>) target_semaphore(%arg10 : memref<!tpu.dma_semaphore, #tpu.memory_space<semaphore_mem>>)
      %dma_wait3A_470 = arith.constant 0 : i32
      %dma_wait3A_471 = arith.constant 0 : i32
      %dma_wait3A_472 = arith.constant 2 : i32
      %dma_wait3A_473 = arith.constant 0 : i32
      %dma_wait3A_474 = arith.constant 0 : i32
      %dma_wait3A_475 = tpu.memref_slice %arg6[%dma_wait3A_472, %dma_wait3A_473, %dma_wait3A_474] : memref<4x32x128xi32, #tpu.memory_space<vmem>> -> memref<1x32x128xi32, #tpu.memory_space<vmem>>
      %dma_wait3A_476 = tpu.memref_squeeze %dma_wait3A_475 : memref<1x32x128xi32, #tpu.memory_space<vmem>> -> memref<32x128xi32, #tpu.memory_space<vmem>>
      %dma_wait3A_477 = arith.constant 0 : i32
      %dma_wait3A_478 = arith.constant 0 : i32
      %dma_wait3A_479 = tpu.memref_slice %arg8[%dma_wait3A_470, %dma_wait3A_477, %dma_wait3A_471, %dma_wait3A_478] : memref<2x32x8x128xi32, #tpu.memory_space<vmem_shared>> -> memref<1x32x1x128xi32, #tpu.memory_space<vmem_shared>>
      %dma_wait3A_480 = tpu.memref_squeeze %dma_wait3A_479 : memref<1x32x1x128xi32, #tpu.memory_space<vmem_shared>> -> memref<32x128xi32, #tpu.memory_space<vmem_shared>>
      %dma_wait3A_481 = arith.constant 0 : i32
      %dma_wait3A_482 = arith.constant 0 : i32
      %dma_wait3A_483 = tpu.memref_slice %arg6[%dma_wait3A_472, %dma_wait3A_481, %dma_wait3A_482] : memref<4x32x128xi32, #tpu.memory_space<vmem>> -> memref<1x32x128xi32, #tpu.memory_space<vmem>>
      %dma_wait3A_484 = tpu.memref_squeeze %dma_wait3A_483 : memref<1x32x128xi32, #tpu.memory_space<vmem>> -> memref<32x128xi32, #tpu.memory_space<vmem>>
      %dma_wait3A_485 = arith.constant 0 : i32
      %dma_wait3A_486 = arith.constant 0 : i32
      %dma_wait3A_487 = tpu.memref_slice %arg8[%dma_wait3A_470, %dma_wait3A_485, %dma_wait3A_471, %dma_wait3A_486] : memref<2x32x8x128xi32, #tpu.memory_space<vmem_shared>> -> memref<1x32x1x128xi32, #tpu.memory_space<vmem_shared>>
      %dma_wait3A_488 = tpu.memref_squeeze %dma_wait3A_487 : memref<1x32x1x128xi32, #tpu.memory_space<vmem_shared>> -> memref<32x128xi32, #tpu.memory_space<vmem_shared>>
      tpu.wait_dma2 semaphore(%arg11 : memref<!tpu.dma_semaphore, #tpu.memory_space<semaphore_mem>>) src(%dma_wait3A_488 : memref<32x128xi32, #tpu.memory_space<vmem_shared>>) dst(%dma_wait3A_484 : memref<32x128xi32, #tpu.memory_space<vmem>>)
      %dma_wait3A_489 = arith.constant 0 : i32
      %dma_wait3A_490 = arith.constant 0 : i32
      %dma_wait3A_491 = arith.constant 0 : i32
      %dma_wait3A_492 = arith.constant 0 : i32
      %dma_wait3A_493 = arith.constant 0 : i32
      %dma_wait3A_494 = arith.constant 0 : i32
      %dma_wait3A_495 = tpu.memref_slice %arg7[%dma_wait3A_489, %dma_wait3A_493, %dma_wait3A_494] : memref<2x32x128xf32, #tpu.memory_space<vmem>> -> memref<1x32x128xf32, #tpu.memory_space<vmem>>
      %dma_wait3A_496 = tpu.memref_squeeze %dma_wait3A_495 : memref<1x32x128xf32, #tpu.memory_space<vmem>> -> memref<32x128xf32, #tpu.memory_space<vmem>>
      %dma_wait3A_497 = arith.constant 0 : i32
      %dma_wait3A_498 = arith.constant 0 : i32
      %dma_wait3A_499 = tpu.memref_slice %arg4[%dma_wait3A_490, %dma_wait3A_491, %dma_wait3A_497, %dma_wait3A_492, %dma_wait3A_498] : memref<200x8x32x8x128xf32, #tpu.memory_space<hbm>> -> memref<1x1x32x1x128xf32, #tpu.memory_space<hbm>>
      %dma_wait3A_500 = tpu.memref_squeeze %dma_wait3A_499 : memref<1x1x32x1x128xf32, #tpu.memory_space<hbm>> -> memref<32x128xf32, #tpu.memory_space<hbm>>
      %dma_wait3A_501 = arith.constant 0 : i32
      %dma_wait3A_502 = arith.constant 0 : i32
      %dma_wait3A_503 = tpu.memref_slice %arg4[%dma_wait3A_490, %dma_wait3A_491, %dma_wait3A_501, %dma_wait3A_492, %dma_wait3A_502] : memref<200x8x32x8x128xf32, #tpu.memory_space<hbm>> -> memref<1x1x32x1x128xf32, #tpu.memory_space<hbm>>
      %dma_wait3A_504 = tpu.memref_squeeze %dma_wait3A_503 : memref<1x1x32x1x128xf32, #tpu.memory_space<hbm>> -> memref<32x128xf32, #tpu.memory_space<hbm>>
      %dma_wait3A_505 = arith.constant 0 : i32
      %dma_wait3A_506 = arith.constant 0 : i32
      %dma_wait3A_507 = tpu.memref_slice %arg7[%dma_wait3A_489, %dma_wait3A_505, %dma_wait3A_506] : memref<2x32x128xf32, #tpu.memory_space<vmem>> -> memref<1x32x128xf32, #tpu.memory_space<vmem>>
      %dma_wait3A_508 = tpu.memref_squeeze %dma_wait3A_507 : memref<1x32x128xf32, #tpu.memory_space<vmem>> -> memref<32x128xf32, #tpu.memory_space<vmem>>
      tpu.wait_dma2 semaphore(%arg13 : memref<!tpu.dma_semaphore, #tpu.memory_space<semaphore_mem>>) src(%dma_wait3A_508 : memref<32x128xf32, #tpu.memory_space<vmem>>) dst(%dma_wait3A_504 : memref<32x128xf32, #tpu.memory_space<hbm>>)
      %parallel_loop3A_509 = arith.constant 0 : i32
      %parallel_loop3A_510 = arith.constant 4096 : i32
      %parallel_loop3A_511 = arith.constant 16 : i32
      scf.for %parallel_loop3A_1127 = %parallel_loop3A_509 to %parallel_loop3A_510 step %parallel_loop3A_511  : i32 {
        %parallel_loop3A_1128 = arith.constant 128 : i32
        %parallel_loop3A_1129 = arith.divsi %parallel_loop3A_1127, %parallel_loop3A_1128 : i32
        %parallel_loop3A_1130 = arith.constant 0 : i32
        %parallel_loop3A_1131 = arith.cmpi sgt, %parallel_loop3A_1127, %parallel_loop3A_1130 : i32
        %parallel_loop3A_1132 = arith.extui %parallel_loop3A_1131 : i1 to i32
        %parallel_loop3A_1133 = arith.constant 0 : i32
        %parallel_loop3A_1134 = arith.cmpi slt, %parallel_loop3A_1127, %parallel_loop3A_1133 : i32
        %parallel_loop3A_1135 = arith.extui %parallel_loop3A_1134 : i1 to i32
        %parallel_loop3A_1136 = arith.subi %parallel_loop3A_1132, %parallel_loop3A_1135 : i32
        %parallel_loop3A_1137 = arith.constant 0 : i32
        %parallel_loop3A_1138 = arith.cmpi sgt, %parallel_loop3A_1128, %parallel_loop3A_1137 : i32
        %parallel_loop3A_1139 = arith.extui %parallel_loop3A_1138 : i1 to i32
        %parallel_loop3A_1140 = arith.constant 0 : i32
        %parallel_loop3A_1141 = arith.cmpi slt, %parallel_loop3A_1128, %parallel_loop3A_1140 : i32
        %parallel_loop3A_1142 = arith.extui %parallel_loop3A_1141 : i1 to i32
        %parallel_loop3A_1143 = arith.subi %parallel_loop3A_1139, %parallel_loop3A_1142 : i32
        %parallel_loop3A_1144 = arith.cmpi ne, %parallel_loop3A_1136, %parallel_loop3A_1143 : i32
        %parallel_loop3A_1145 = arith.remsi %parallel_loop3A_1127, %parallel_loop3A_1128 : i32
        %parallel_loop3A_1146 = arith.constant 0 : i32
        %parallel_loop3A_1147 = arith.cmpi ne, %parallel_loop3A_1145, %parallel_loop3A_1146 : i32
        %parallel_loop3A_1148 = arith.andi %parallel_loop3A_1144, %parallel_loop3A_1147 : i1
        %parallel_loop3A_1149 = arith.constant 1 : i32
        %parallel_loop3A_1150 = arith.subi %parallel_loop3A_1129, %parallel_loop3A_1149 : i32
        %parallel_loop3A_1151 = arith.select %parallel_loop3A_1148, %parallel_loop3A_1150, %parallel_loop3A_1129 : i32
        %parallel_loop3A_1152 = arith.constant 128 : i32
        %parallel_loop3A_1153 = arith.constant 0 : i32
        %parallel_loop3A_1154 = arith.cmpi eq, %parallel_loop3A_1152, %parallel_loop3A_1153 : i32
        %parallel_loop3A_1155 = arith.constant 1 : i32
        %parallel_loop3A_1156 = arith.select %parallel_loop3A_1154, %parallel_loop3A_1155, %parallel_loop3A_1152 : i32
        %parallel_loop3A_1157 = arith.remsi %parallel_loop3A_1127, %parallel_loop3A_1156 : i32
        %parallel_loop3A_1158 = arith.constant 0 : i32
        %parallel_loop3A_1159 = arith.cmpi ne, %parallel_loop3A_1157, %parallel_loop3A_1158 : i32
        %parallel_loop3A_1160 = arith.constant 0 : i32
        %parallel_loop3A_1161 = arith.cmpi slt, %parallel_loop3A_1157, %parallel_loop3A_1160 : i32
        %parallel_loop3A_1162 = arith.constant 0 : i32
        %parallel_loop3A_1163 = arith.cmpi slt, %parallel_loop3A_1156, %parallel_loop3A_1162 : i32
        %parallel_loop3A_1164 = arith.xori %parallel_loop3A_1161, %parallel_loop3A_1163 : i1
        %parallel_loop3A_1165 = arith.andi %parallel_loop3A_1164, %parallel_loop3A_1159 : i1
        %parallel_loop3A_1166 = arith.addi %parallel_loop3A_1157, %parallel_loop3A_1156 : i32
        %parallel_loop3A_1167 = arith.select %parallel_loop3A_1165, %parallel_loop3A_1166, %parallel_loop3A_1157 : i32
        %parallel_loop3A_1168 = arith.constant 2 : i32
        %parallel_loop3A_1169 = arith.index_cast %parallel_loop3A_1168 : i32 to index
        %parallel_loop3A_1170 = arith.index_cast %parallel_loop3A_1151 : i32 to index
        %parallel_loop3A_1171 = arith.index_cast %parallel_loop3A_1167 : i32 to index
        %parallel_loop3A_1172 = tpu.vector_load %arg6[%parallel_loop3A_1169, %parallel_loop3A_1170, %parallel_loop3A_1171] {strides = array<i32>} : memref<4x32x128xi32, #tpu.memory_space<vmem>>, vector<16xi32>,
        %parallel_loop3A_1173 = arith.constant 7 : i32
        %parallel_loop3A_1174 = vector.broadcast %parallel_loop3A_1173 : i32 to vector<16xi32>
        %parallel_loop3A_1175 = arith.shrsi %parallel_loop3A_1172, %parallel_loop3A_1174 : vector<16xi32>
        %parallel_loop3A_1176 = arith.constant 127 : i32
        %parallel_loop3A_1177 = vector.broadcast %parallel_loop3A_1176 : i32 to vector<16xi32>
        %parallel_loop3A_1178 = arith.andi %parallel_loop3A_1172, %parallel_loop3A_1177 : vector<16xi32>
        %parallel_loop3A_1179 = tpu.vector_load_idx %arg5[%parallel_loop3A_1175, %parallel_loop3A_1178] : memref<782x128xf32, #tpu.memory_space<vmem>>[vector<16xi32>, vector<16xi32>], vector<16xf32>,
        %parallel_loop3A_1180 = arith.constant 128 : i32
        %parallel_loop3A_1181 = arith.divsi %parallel_loop3A_1127, %parallel_loop3A_1180 : i32
        %parallel_loop3A_1182 = arith.constant 0 : i32
        %parallel_loop3A_1183 = arith.cmpi sgt, %parallel_loop3A_1127, %parallel_loop3A_1182 : i32
        %parallel_loop3A_1184 = arith.extui %parallel_loop3A_1183 : i1 to i32
        %parallel_loop3A_1185 = arith.constant 0 : i32
        %parallel_loop3A_1186 = arith.cmpi slt, %parallel_loop3A_1127, %parallel_loop3A_1185 : i32
        %parallel_loop3A_1187 = arith.extui %parallel_loop3A_1186 : i1 to i32
        %parallel_loop3A_1188 = arith.subi %parallel_loop3A_1184, %parallel_loop3A_1187 : i32
        %parallel_loop3A_1189 = arith.constant 0 : i32
        %parallel_loop3A_1190 = arith.cmpi sgt, %parallel_loop3A_1180, %parallel_loop3A_1189 : i32
        %parallel_loop3A_1191 = arith.extui %parallel_loop3A_1190 : i1 to i32
        %parallel_loop3A_1192 = arith.constant 0 : i32
        %parallel_loop3A_1193 = arith.cmpi slt, %parallel_loop3A_1180, %parallel_loop3A_1192 : i32
        %parallel_loop3A_1194 = arith.extui %parallel_loop3A_1193 : i1 to i32
        %parallel_loop3A_1195 = arith.subi %parallel_loop3A_1191, %parallel_loop3A_1194 : i32
        %parallel_loop3A_1196 = arith.cmpi ne, %parallel_loop3A_1188, %parallel_loop3A_1195 : i32
        %parallel_loop3A_1197 = arith.remsi %parallel_loop3A_1127, %parallel_loop3A_1180 : i32
        %parallel_loop3A_1198 = arith.constant 0 : i32
        %parallel_loop3A_1199 = arith.cmpi ne, %parallel_loop3A_1197, %parallel_loop3A_1198 : i32
        %parallel_loop3A_1200 = arith.andi %parallel_loop3A_1196, %parallel_loop3A_1199 : i1
        %parallel_loop3A_1201 = arith.constant 1 : i32
        %parallel_loop3A_1202 = arith.subi %parallel_loop3A_1181, %parallel_loop3A_1201 : i32
        %parallel_loop3A_1203 = arith.select %parallel_loop3A_1200, %parallel_loop3A_1202, %parallel_loop3A_1181 : i32
        %parallel_loop3A_1204 = arith.constant 128 : i32
        %parallel_loop3A_1205 = arith.constant 0 : i32
        %parallel_loop3A_1206 = arith.cmpi eq, %parallel_loop3A_1204, %parallel_loop3A_1205 : i32
        %parallel_loop3A_1207 = arith.constant 1 : i32
        %parallel_loop3A_1208 = arith.select %parallel_loop3A_1206, %parallel_loop3A_1207, %parallel_loop3A_1204 : i32
        %parallel_loop3A_1209 = arith.remsi %parallel_loop3A_1127, %parallel_loop3A_1208 : i32
        %parallel_loop3A_1210 = arith.constant 0 : i32
        %parallel_loop3A_1211 = arith.cmpi ne, %parallel_loop3A_1209, %parallel_loop3A_1210 : i32
        %parallel_loop3A_1212 = arith.constant 0 : i32
        %parallel_loop3A_1213 = arith.cmpi slt, %parallel_loop3A_1209, %parallel_loop3A_1212 : i32
        %parallel_loop3A_1214 = arith.constant 0 : i32
        %parallel_loop3A_1215 = arith.cmpi slt, %parallel_loop3A_1208, %parallel_loop3A_1214 : i32
        %parallel_loop3A_1216 = arith.xori %parallel_loop3A_1213, %parallel_loop3A_1215 : i1
        %parallel_loop3A_1217 = arith.andi %parallel_loop3A_1216, %parallel_loop3A_1211 : i1
        %parallel_loop3A_1218 = arith.addi %parallel_loop3A_1209, %parallel_loop3A_1208 : i32
        %parallel_loop3A_1219 = arith.select %parallel_loop3A_1217, %parallel_loop3A_1218, %parallel_loop3A_1209 : i32
        %parallel_loop3A_1220 = arith.constant 0 : i32
        %parallel_loop3A_1221 = arith.index_cast %parallel_loop3A_1220 : i32 to index
        %parallel_loop3A_1222 = arith.index_cast %parallel_loop3A_1203 : i32 to index
        %parallel_loop3A_1223 = arith.index_cast %parallel_loop3A_1219 : i32 to index
        %parallel_loop3A_1224 = tpu.vector_load %arg7[%parallel_loop3A_1221, %parallel_loop3A_1222, %parallel_loop3A_1223] {strides = array<i32>} : memref<2x32x128xf32, #tpu.memory_space<vmem>>, vector<16xf32>,
        tpu.vector_store %arg7[%parallel_loop3A_1221, %parallel_loop3A_1222, %parallel_loop3A_1223], %parallel_loop3A_1179 {strides = array<i32>} : memref<2x32x128xf32, #tpu.memory_space<vmem>>, vector<16xf32>,
      } {sc.loop_unroll_factor = 16 : i64, sc.parallel_access}
      %jit3A_512 = arith.constant 8 : i32
      %div3A_513 = arith.divsi %add3A_85, %jit3A_512 : i32
      %sign3A_514 = arith.constant 0 : i32
      %sign3A_515 = arith.cmpi sgt, %add3A_85, %sign3A_514 : i32
      %sign3A_516 = arith.extui %sign3A_515 : i1 to i32
      %sign3A_517 = arith.constant 0 : i32
      %sign3A_518 = arith.cmpi slt, %add3A_85, %sign3A_517 : i32
      %sign3A_519 = arith.extui %sign3A_518 : i1 to i32
      %sign3A_520 = arith.subi %sign3A_516, %sign3A_519 : i32
      %sign3A_521 = arith.constant 0 : i32
      %sign3A_522 = arith.cmpi sgt, %jit3A_512, %sign3A_521 : i32
      %sign3A_523 = arith.extui %sign3A_522 : i1 to i32
      %sign3A_524 = arith.constant 0 : i32
      %sign3A_525 = arith.cmpi slt, %jit3A_512, %sign3A_524 : i32
      %sign3A_526 = arith.extui %sign3A_525 : i1 to i32
      %sign3A_527 = arith.subi %sign3A_523, %sign3A_526 : i32
      %ne3A_528 = arith.cmpi ne, %sign3A_520, %sign3A_527 : i32
      %rem3A_529 = arith.remsi %add3A_85, %jit3A_512 : i32
      %ne3A_530 = arith.constant 0 : i32
      %ne3A_531 = arith.cmpi ne, %rem3A_529, %ne3A_530 : i32
      %and3A_532 = arith.andi %ne3A_528, %ne3A_531 : i1
      %sub3A_533 = arith.constant 1 : i32
      %sub3A_534 = arith.subi %div3A_513, %sub3A_533 : i32
      %select_n3A_535 = arith.select %and3A_532, %sub3A_534, %div3A_513 : i32
      %jit3A_536 = arith.constant 8 : i32
      %eq3A_537 = arith.constant 0 : i32
      %eq3A_538 = arith.cmpi eq, %jit3A_536, %eq3A_537 : i32
      %jit3A_539 = arith.constant 1 : i32
      %select_n3A_540 = arith.select %eq3A_538, %jit3A_539, %jit3A_536 : i32
      %rem3A_541 = arith.remsi %add3A_85, %select_n3A_540 : i32
      %ne3A_542 = arith.constant 0 : i32
      %ne3A_543 = arith.cmpi ne, %rem3A_541, %ne3A_542 : i32
      %lt3A_544 = arith.constant 0 : i32
      %lt3A_545 = arith.cmpi slt, %rem3A_541, %lt3A_544 : i32
      %lt3A_546 = arith.constant 0 : i32
      %lt3A_547 = arith.cmpi slt, %select_n3A_540, %lt3A_546 : i32
      %ne3A_548 = arith.xori %lt3A_545, %lt3A_547 : i1
      %and3A_549 = arith.andi %ne3A_548, %ne3A_543 : i1
      %add3A_550 = arith.addi %rem3A_541, %select_n3A_540 : i32
      %select_n3A_551 = arith.select %and3A_549, %add3A_550, %rem3A_541 : i32
      %dma_start3A_552 = arith.constant 0 : i32
      %dma_start3A_553 = arith.constant 0 : i32
      %dma_start3A_554 = arith.constant 0 : i32
      %dma_start3A_555 = tpu.memref_slice %arg7[%dma_start3A_552, %dma_start3A_553, %dma_start3A_554] : memref<2x32x128xf32, #tpu.memory_space<vmem>> -> memref<1x32x128xf32, #tpu.memory_space<vmem>>
      %dma_start3A_556 = tpu.memref_squeeze %dma_start3A_555 : memref<1x32x128xf32, #tpu.memory_space<vmem>> -> memref<32x128xf32, #tpu.memory_space<vmem>>
      %dma_start3A_557 = arith.constant 0 : i32
      %dma_start3A_558 = arith.constant 0 : i32
      %dma_start3A_559 = tpu.memref_slice %arg4[%add3A_451, %select_n3A_535, %dma_start3A_557, %select_n3A_551, %dma_start3A_558] : memref<200x8x32x8x128xf32, #tpu.memory_space<hbm>> -> memref<1x1x32x1x128xf32, #tpu.memory_space<hbm>>
      %dma_start3A_560 = tpu.memref_squeeze %dma_start3A_559 : memref<1x1x32x1x128xf32, #tpu.memory_space<hbm>> -> memref<32x128xf32, #tpu.memory_space<hbm>>
      %dma_start3A_561 = arith.constant 0 : i32
      %dma_start3A_562 = arith.constant 0 : i32
      %dma_start3A_563 = tpu.memref_slice %arg4[%add3A_451, %select_n3A_535, %dma_start3A_561, %select_n3A_551, %dma_start3A_562] : memref<200x8x32x8x128xf32, #tpu.memory_space<hbm>> -> memref<1x1x32x1x128xf32, #tpu.memory_space<hbm>>
      %dma_start3A_564 = tpu.memref_squeeze %dma_start3A_563 : memref<1x1x32x1x128xf32, #tpu.memory_space<hbm>> -> memref<32x128xf32, #tpu.memory_space<hbm>>
      %dma_start3A_565 = arith.constant 0 : i32
      %dma_start3A_566 = arith.constant 0 : i32
      %dma_start3A_567 = tpu.memref_slice %arg7[%dma_start3A_552, %dma_start3A_565, %dma_start3A_566] : memref<2x32x128xf32, #tpu.memory_space<vmem>> -> memref<1x32x128xf32, #tpu.memory_space<vmem>>
      %dma_start3A_568 = tpu.memref_squeeze %dma_start3A_567 : memref<1x32x128xf32, #tpu.memory_space<vmem>> -> memref<32x128xf32, #tpu.memory_space<vmem>>
      tpu.enqueue_dma source(%dma_start3A_568 : memref<32x128xf32, #tpu.memory_space<vmem>>) target(%dma_start3A_564 : memref<32x128xf32, #tpu.memory_space<hbm>>) target_semaphore(%arg13 : memref<!tpu.dma_semaphore, #tpu.memory_space<semaphore_mem>>)
      %mul3A_569 = arith.constant 8 : i32
      %mul3A_570 = arith.muli %scan3A_176, %mul3A_569 : i32
      %add3A_571 = arith.constant 3 : i32
      %add3A_572 = arith.addi %mul3A_570, %add3A_571 : i32
      %dma_start3A_573 = arith.constant 6 : i32
      %dma_start3A_574 = arith.constant 2 : i32
      %dma_start3A_575 = arith.constant 0 : i32
      %dma_start3A_576 = arith.constant 0 : i32
      %dma_start3A_577 = tpu.memref_slice %arg6[%dma_start3A_574, %dma_start3A_575, %dma_start3A_576] : memref<4x32x128xi32, #tpu.memory_space<vmem>> -> memref<1x32x128xi32, #tpu.memory_space<vmem>>
      %dma_start3A_578 = tpu.memref_squeeze %dma_start3A_577 : memref<1x32x128xi32, #tpu.memory_space<vmem>> -> memref<32x128xi32, #tpu.memory_space<vmem>>
      %dma_start3A_579 = arith.constant 0 : i32
      %dma_start3A_580 = arith.constant 0 : i32
      %dma_start3A_581 = tpu.memref_slice %arg8[%rem3A_178, %dma_start3A_579, %dma_start3A_573, %dma_start3A_580] : memref<2x32x8x128xi32, #tpu.memory_space<vmem_shared>> -> memref<1x32x1x128xi32, #tpu.memory_space<vmem_shared>>
      %dma_start3A_582 = tpu.memref_squeeze %dma_start3A_581 : memref<1x32x1x128xi32, #tpu.memory_space<vmem_shared>> -> memref<32x128xi32, #tpu.memory_space<vmem_shared>>
      %dma_start3A_583 = arith.constant 0 : i32
      %dma_start3A_584 = arith.constant 0 : i32
      %dma_start3A_585 = tpu.memref_slice %arg6[%dma_start3A_574, %dma_start3A_583, %dma_start3A_584] : memref<4x32x128xi32, #tpu.memory_space<vmem>> -> memref<1x32x128xi32, #tpu.memory_space<vmem>>
      %dma_start3A_586 = tpu.memref_squeeze %dma_start3A_585 : memref<1x32x128xi32, #tpu.memory_space<vmem>> -> memref<32x128xi32, #tpu.memory_space<vmem>>
      %dma_start3A_587 = arith.constant 0 : i32
      %dma_start3A_588 = arith.constant 0 : i32
      %dma_start3A_589 = tpu.memref_slice %arg8[%rem3A_178, %dma_start3A_587, %dma_start3A_573, %dma_start3A_588] : memref<2x32x8x128xi32, #tpu.memory_space<vmem_shared>> -> memref<1x32x1x128xi32, #tpu.memory_space<vmem_shared>>
      %dma_start3A_590 = tpu.memref_squeeze %dma_start3A_589 : memref<1x32x1x128xi32, #tpu.memory_space<vmem_shared>> -> memref<32x128xi32, #tpu.memory_space<vmem_shared>>
      tpu.enqueue_dma source(%dma_start3A_590 : memref<32x128xi32, #tpu.memory_space<vmem_shared>>) target(%dma_start3A_586 : memref<32x128xi32, #tpu.memory_space<vmem>>) target_semaphore(%arg11 : memref<!tpu.dma_semaphore, #tpu.memory_space<semaphore_mem>>)
      %dma_wait3A_591 = arith.constant 0 : i32
      %dma_wait3A_592 = arith.constant 0 : i32
      %dma_wait3A_593 = arith.constant 3 : i32
      %dma_wait3A_594 = arith.constant 0 : i32
      %dma_wait3A_595 = arith.constant 0 : i32
      %dma_wait3A_596 = tpu.memref_slice %arg6[%dma_wait3A_593, %dma_wait3A_594, %dma_wait3A_595] : memref<4x32x128xi32, #tpu.memory_space<vmem>> -> memref<1x32x128xi32, #tpu.memory_space<vmem>>
      %dma_wait3A_597 = tpu.memref_squeeze %dma_wait3A_596 : memref<1x32x128xi32, #tpu.memory_space<vmem>> -> memref<32x128xi32, #tpu.memory_space<vmem>>
      %dma_wait3A_598 = arith.constant 0 : i32
      %dma_wait3A_599 = arith.constant 0 : i32
      %dma_wait3A_600 = tpu.memref_slice %arg8[%dma_wait3A_591, %dma_wait3A_598, %dma_wait3A_592, %dma_wait3A_599] : memref<2x32x8x128xi32, #tpu.memory_space<vmem_shared>> -> memref<1x32x1x128xi32, #tpu.memory_space<vmem_shared>>
      %dma_wait3A_601 = tpu.memref_squeeze %dma_wait3A_600 : memref<1x32x1x128xi32, #tpu.memory_space<vmem_shared>> -> memref<32x128xi32, #tpu.memory_space<vmem_shared>>
      %dma_wait3A_602 = arith.constant 0 : i32
      %dma_wait3A_603 = arith.constant 0 : i32
      %dma_wait3A_604 = tpu.memref_slice %arg6[%dma_wait3A_593, %dma_wait3A_602, %dma_wait3A_603] : memref<4x32x128xi32, #tpu.memory_space<vmem>> -> memref<1x32x128xi32, #tpu.memory_space<vmem>>
      %dma_wait3A_605 = tpu.memref_squeeze %dma_wait3A_604 : memref<1x32x128xi32, #tpu.memory_space<vmem>> -> memref<32x128xi32, #tpu.memory_space<vmem>>
      %dma_wait3A_606 = arith.constant 0 : i32
      %dma_wait3A_607 = arith.constant 0 : i32
      %dma_wait3A_608 = tpu.memref_slice %arg8[%dma_wait3A_591, %dma_wait3A_606, %dma_wait3A_592, %dma_wait3A_607] : memref<2x32x8x128xi32, #tpu.memory_space<vmem_shared>> -> memref<1x32x1x128xi32, #tpu.memory_space<vmem_shared>>
      %dma_wait3A_609 = tpu.memref_squeeze %dma_wait3A_608 : memref<1x32x1x128xi32, #tpu.memory_space<vmem_shared>> -> memref<32x128xi32, #tpu.memory_space<vmem_shared>>
      tpu.wait_dma2 semaphore(%arg12 : memref<!tpu.dma_semaphore, #tpu.memory_space<semaphore_mem>>) src(%dma_wait3A_609 : memref<32x128xi32, #tpu.memory_space<vmem_shared>>) dst(%dma_wait3A_605 : memref<32x128xi32, #tpu.memory_space<vmem>>)
      %dma_wait3A_610 = arith.constant 1 : i32
      %dma_wait3A_611 = arith.constant 0 : i32
      %dma_wait3A_612 = arith.constant 0 : i32
      %dma_wait3A_613 = arith.constant 0 : i32
      %dma_wait3A_614 = arith.constant 0 : i32
      %dma_wait3A_615 = arith.constant 0 : i32
      %dma_wait3A_616 = tpu.memref_slice %arg7[%dma_wait3A_610, %dma_wait3A_614, %dma_wait3A_615] : memref<2x32x128xf32, #tpu.memory_space<vmem>> -> memref<1x32x128xf32, #tpu.memory_space<vmem>>
      %dma_wait3A_617 = tpu.memref_squeeze %dma_wait3A_616 : memref<1x32x128xf32, #tpu.memory_space<vmem>> -> memref<32x128xf32, #tpu.memory_space<vmem>>
      %dma_wait3A_618 = arith.constant 0 : i32
      %dma_wait3A_619 = arith.constant 0 : i32
      %dma_wait3A_620 = tpu.memref_slice %arg4[%dma_wait3A_611, %dma_wait3A_612, %dma_wait3A_618, %dma_wait3A_613, %dma_wait3A_619] : memref<200x8x32x8x128xf32, #tpu.memory_space<hbm>> -> memref<1x1x32x1x128xf32, #tpu.memory_space<hbm>>
      %dma_wait3A_621 = tpu.memref_squeeze %dma_wait3A_620 : memref<1x1x32x1x128xf32, #tpu.memory_space<hbm>> -> memref<32x128xf32, #tpu.memory_space<hbm>>
      %dma_wait3A_622 = arith.constant 0 : i32
      %dma_wait3A_623 = arith.constant 0 : i32
      %dma_wait3A_624 = tpu.memref_slice %arg4[%dma_wait3A_611, %dma_wait3A_612, %dma_wait3A_622, %dma_wait3A_613, %dma_wait3A_623] : memref<200x8x32x8x128xf32, #tpu.memory_space<hbm>> -> memref<1x1x32x1x128xf32, #tpu.memory_space<hbm>>
      %dma_wait3A_625 = tpu.memref_squeeze %dma_wait3A_624 : memref<1x1x32x1x128xf32, #tpu.memory_space<hbm>> -> memref<32x128xf32, #tpu.memory_space<hbm>>
      %dma_wait3A_626 = arith.constant 0 : i32
      %dma_wait3A_627 = arith.constant 0 : i32
      %dma_wait3A_628 = tpu.memref_slice %arg7[%dma_wait3A_610, %dma_wait3A_626, %dma_wait3A_627] : memref<2x32x128xf32, #tpu.memory_space<vmem>> -> memref<1x32x128xf32, #tpu.memory_space<vmem>>
      %dma_wait3A_629 = tpu.memref_squeeze %dma_wait3A_628 : memref<1x32x128xf32, #tpu.memory_space<vmem>> -> memref<32x128xf32, #tpu.memory_space<vmem>>
      tpu.wait_dma2 semaphore(%arg14 : memref<!tpu.dma_semaphore, #tpu.memory_space<semaphore_mem>>) src(%dma_wait3A_629 : memref<32x128xf32, #tpu.memory_space<vmem>>) dst(%dma_wait3A_625 : memref<32x128xf32, #tpu.memory_space<hbm>>)
      %parallel_loop3A_630 = arith.constant 0 : i32
      %parallel_loop3A_631 = arith.constant 4096 : i32
      %parallel_loop3A_632 = arith.constant 16 : i32
      scf.for %parallel_loop3A_1127 = %parallel_loop3A_630 to %parallel_loop3A_631 step %parallel_loop3A_632  : i32 {
        %parallel_loop3A_1128 = arith.constant 128 : i32
        %parallel_loop3A_1129 = arith.divsi %parallel_loop3A_1127, %parallel_loop3A_1128 : i32
        %parallel_loop3A_1130 = arith.constant 0 : i32
        %parallel_loop3A_1131 = arith.cmpi sgt, %parallel_loop3A_1127, %parallel_loop3A_1130 : i32
        %parallel_loop3A_1132 = arith.extui %parallel_loop3A_1131 : i1 to i32
        %parallel_loop3A_1133 = arith.constant 0 : i32
        %parallel_loop3A_1134 = arith.cmpi slt, %parallel_loop3A_1127, %parallel_loop3A_1133 : i32
        %parallel_loop3A_1135 = arith.extui %parallel_loop3A_1134 : i1 to i32
        %parallel_loop3A_1136 = arith.subi %parallel_loop3A_1132, %parallel_loop3A_1135 : i32
        %parallel_loop3A_1137 = arith.constant 0 : i32
        %parallel_loop3A_1138 = arith.cmpi sgt, %parallel_loop3A_1128, %parallel_loop3A_1137 : i32
        %parallel_loop3A_1139 = arith.extui %parallel_loop3A_1138 : i1 to i32
        %parallel_loop3A_1140 = arith.constant 0 : i32
        %parallel_loop3A_1141 = arith.cmpi slt, %parallel_loop3A_1128, %parallel_loop3A_1140 : i32
        %parallel_loop3A_1142 = arith.extui %parallel_loop3A_1141 : i1 to i32
        %parallel_loop3A_1143 = arith.subi %parallel_loop3A_1139, %parallel_loop3A_1142 : i32
        %parallel_loop3A_1144 = arith.cmpi ne, %parallel_loop3A_1136, %parallel_loop3A_1143 : i32
        %parallel_loop3A_1145 = arith.remsi %parallel_loop3A_1127, %parallel_loop3A_1128 : i32
        %parallel_loop3A_1146 = arith.constant 0 : i32
        %parallel_loop3A_1147 = arith.cmpi ne, %parallel_loop3A_1145, %parallel_loop3A_1146 : i32
        %parallel_loop3A_1148 = arith.andi %parallel_loop3A_1144, %parallel_loop3A_1147 : i1
        %parallel_loop3A_1149 = arith.constant 1 : i32
        %parallel_loop3A_1150 = arith.subi %parallel_loop3A_1129, %parallel_loop3A_1149 : i32
        %parallel_loop3A_1151 = arith.select %parallel_loop3A_1148, %parallel_loop3A_1150, %parallel_loop3A_1129 : i32
        %parallel_loop3A_1152 = arith.constant 128 : i32
        %parallel_loop3A_1153 = arith.constant 0 : i32
        %parallel_loop3A_1154 = arith.cmpi eq, %parallel_loop3A_1152, %parallel_loop3A_1153 : i32
        %parallel_loop3A_1155 = arith.constant 1 : i32
        %parallel_loop3A_1156 = arith.select %parallel_loop3A_1154, %parallel_loop3A_1155, %parallel_loop3A_1152 : i32
        %parallel_loop3A_1157 = arith.remsi %parallel_loop3A_1127, %parallel_loop3A_1156 : i32
        %parallel_loop3A_1158 = arith.constant 0 : i32
        %parallel_loop3A_1159 = arith.cmpi ne, %parallel_loop3A_1157, %parallel_loop3A_1158 : i32
        %parallel_loop3A_1160 = arith.constant 0 : i32
        %parallel_loop3A_1161 = arith.cmpi slt, %parallel_loop3A_1157, %parallel_loop3A_1160 : i32
        %parallel_loop3A_1162 = arith.constant 0 : i32
        %parallel_loop3A_1163 = arith.cmpi slt, %parallel_loop3A_1156, %parallel_loop3A_1162 : i32
        %parallel_loop3A_1164 = arith.xori %parallel_loop3A_1161, %parallel_loop3A_1163 : i1
        %parallel_loop3A_1165 = arith.andi %parallel_loop3A_1164, %parallel_loop3A_1159 : i1
        %parallel_loop3A_1166 = arith.addi %parallel_loop3A_1157, %parallel_loop3A_1156 : i32
        %parallel_loop3A_1167 = arith.select %parallel_loop3A_1165, %parallel_loop3A_1166, %parallel_loop3A_1157 : i32
        %parallel_loop3A_1168 = arith.constant 3 : i32
        %parallel_loop3A_1169 = arith.index_cast %parallel_loop3A_1168 : i32 to index
        %parallel_loop3A_1170 = arith.index_cast %parallel_loop3A_1151 : i32 to index
        %parallel_loop3A_1171 = arith.index_cast %parallel_loop3A_1167 : i32 to index
        %parallel_loop3A_1172 = tpu.vector_load %arg6[%parallel_loop3A_1169, %parallel_loop3A_1170, %parallel_loop3A_1171] {strides = array<i32>} : memref<4x32x128xi32, #tpu.memory_space<vmem>>, vector<16xi32>,
        %parallel_loop3A_1173 = arith.constant 7 : i32
        %parallel_loop3A_1174 = vector.broadcast %parallel_loop3A_1173 : i32 to vector<16xi32>
        %parallel_loop3A_1175 = arith.shrsi %parallel_loop3A_1172, %parallel_loop3A_1174 : vector<16xi32>
        %parallel_loop3A_1176 = arith.constant 127 : i32
        %parallel_loop3A_1177 = vector.broadcast %parallel_loop3A_1176 : i32 to vector<16xi32>
        %parallel_loop3A_1178 = arith.andi %parallel_loop3A_1172, %parallel_loop3A_1177 : vector<16xi32>
        %parallel_loop3A_1179 = tpu.vector_load_idx %arg5[%parallel_loop3A_1175, %parallel_loop3A_1178] : memref<782x128xf32, #tpu.memory_space<vmem>>[vector<16xi32>, vector<16xi32>], vector<16xf32>,
        %parallel_loop3A_1180 = arith.constant 128 : i32
        %parallel_loop3A_1181 = arith.divsi %parallel_loop3A_1127, %parallel_loop3A_1180 : i32
        %parallel_loop3A_1182 = arith.constant 0 : i32
        %parallel_loop3A_1183 = arith.cmpi sgt, %parallel_loop3A_1127, %parallel_loop3A_1182 : i32
        %parallel_loop3A_1184 = arith.extui %parallel_loop3A_1183 : i1 to i32
        %parallel_loop3A_1185 = arith.constant 0 : i32
        %parallel_loop3A_1186 = arith.cmpi slt, %parallel_loop3A_1127, %parallel_loop3A_1185 : i32
        %parallel_loop3A_1187 = arith.extui %parallel_loop3A_1186 : i1 to i32
        %parallel_loop3A_1188 = arith.subi %parallel_loop3A_1184, %parallel_loop3A_1187 : i32
        %parallel_loop3A_1189 = arith.constant 0 : i32
        %parallel_loop3A_1190 = arith.cmpi sgt, %parallel_loop3A_1180, %parallel_loop3A_1189 : i32
        %parallel_loop3A_1191 = arith.extui %parallel_loop3A_1190 : i1 to i32
        %parallel_loop3A_1192 = arith.constant 0 : i32
        %parallel_loop3A_1193 = arith.cmpi slt, %parallel_loop3A_1180, %parallel_loop3A_1192 : i32
        %parallel_loop3A_1194 = arith.extui %parallel_loop3A_1193 : i1 to i32
        %parallel_loop3A_1195 = arith.subi %parallel_loop3A_1191, %parallel_loop3A_1194 : i32
        %parallel_loop3A_1196 = arith.cmpi ne, %parallel_loop3A_1188, %parallel_loop3A_1195 : i32
        %parallel_loop3A_1197 = arith.remsi %parallel_loop3A_1127, %parallel_loop3A_1180 : i32
        %parallel_loop3A_1198 = arith.constant 0 : i32
        %parallel_loop3A_1199 = arith.cmpi ne, %parallel_loop3A_1197, %parallel_loop3A_1198 : i32
        %parallel_loop3A_1200 = arith.andi %parallel_loop3A_1196, %parallel_loop3A_1199 : i1
        %parallel_loop3A_1201 = arith.constant 1 : i32
        %parallel_loop3A_1202 = arith.subi %parallel_loop3A_1181, %parallel_loop3A_1201 : i32
        %parallel_loop3A_1203 = arith.select %parallel_loop3A_1200, %parallel_loop3A_1202, %parallel_loop3A_1181 : i32
        %parallel_loop3A_1204 = arith.constant 128 : i32
        %parallel_loop3A_1205 = arith.constant 0 : i32
        %parallel_loop3A_1206 = arith.cmpi eq, %parallel_loop3A_1204, %parallel_loop3A_1205 : i32
        %parallel_loop3A_1207 = arith.constant 1 : i32
        %parallel_loop3A_1208 = arith.select %parallel_loop3A_1206, %parallel_loop3A_1207, %parallel_loop3A_1204 : i32
        %parallel_loop3A_1209 = arith.remsi %parallel_loop3A_1127, %parallel_loop3A_1208 : i32
        %parallel_loop3A_1210 = arith.constant 0 : i32
        %parallel_loop3A_1211 = arith.cmpi ne, %parallel_loop3A_1209, %parallel_loop3A_1210 : i32
        %parallel_loop3A_1212 = arith.constant 0 : i32
        %parallel_loop3A_1213 = arith.cmpi slt, %parallel_loop3A_1209, %parallel_loop3A_1212 : i32
        %parallel_loop3A_1214 = arith.constant 0 : i32
        %parallel_loop3A_1215 = arith.cmpi slt, %parallel_loop3A_1208, %parallel_loop3A_1214 : i32
        %parallel_loop3A_1216 = arith.xori %parallel_loop3A_1213, %parallel_loop3A_1215 : i1
        %parallel_loop3A_1217 = arith.andi %parallel_loop3A_1216, %parallel_loop3A_1211 : i1
        %parallel_loop3A_1218 = arith.addi %parallel_loop3A_1209, %parallel_loop3A_1208 : i32
        %parallel_loop3A_1219 = arith.select %parallel_loop3A_1217, %parallel_loop3A_1218, %parallel_loop3A_1209 : i32
        %parallel_loop3A_1220 = arith.constant 1 : i32
        %parallel_loop3A_1221 = arith.index_cast %parallel_loop3A_1220 : i32 to index
        %parallel_loop3A_1222 = arith.index_cast %parallel_loop3A_1203 : i32 to index
        %parallel_loop3A_1223 = arith.index_cast %parallel_loop3A_1219 : i32 to index
        %parallel_loop3A_1224 = tpu.vector_load %arg7[%parallel_loop3A_1221, %parallel_loop3A_1222, %parallel_loop3A_1223] {strides = array<i32>} : memref<2x32x128xf32, #tpu.memory_space<vmem>>, vector<16xf32>,
        tpu.vector_store %arg7[%parallel_loop3A_1221, %parallel_loop3A_1222, %parallel_loop3A_1223], %parallel_loop3A_1179 {strides = array<i32>} : memref<2x32x128xf32, #tpu.memory_space<vmem>>, vector<16xf32>,
      } {sc.loop_unroll_factor = 16 : i64, sc.parallel_access}
      %jit3A_633 = arith.constant 8 : i32
      %div3A_634 = arith.divsi %add3A_85, %jit3A_633 : i32
      %sign3A_635 = arith.constant 0 : i32
      %sign3A_636 = arith.cmpi sgt, %add3A_85, %sign3A_635 : i32
      %sign3A_637 = arith.extui %sign3A_636 : i1 to i32
      %sign3A_638 = arith.constant 0 : i32
      %sign3A_639 = arith.cmpi slt, %add3A_85, %sign3A_638 : i32
      %sign3A_640 = arith.extui %sign3A_639 : i1 to i32
      %sign3A_641 = arith.subi %sign3A_637, %sign3A_640 : i32
      %sign3A_642 = arith.constant 0 : i32
      %sign3A_643 = arith.cmpi sgt, %jit3A_633, %sign3A_642 : i32
      %sign3A_644 = arith.extui %sign3A_643 : i1 to i32
      %sign3A_645 = arith.constant 0 : i32
      %sign3A_646 = arith.cmpi slt, %jit3A_633, %sign3A_645 : i32
      %sign3A_647 = arith.extui %sign3A_646 : i1 to i32
      %sign3A_648 = arith.subi %sign3A_644, %sign3A_647 : i32
      %ne3A_649 = arith.cmpi ne, %sign3A_641, %sign3A_648 : i32
      %rem3A_650 = arith.remsi %add3A_85, %jit3A_633 : i32
      %ne3A_651 = arith.constant 0 : i32
      %ne3A_652 = arith.cmpi ne, %rem3A_650, %ne3A_651 : i32
      %and3A_653 = arith.andi %ne3A_649, %ne3A_652 : i1
      %sub3A_654 = arith.constant 1 : i32
      %sub3A_655 = arith.subi %div3A_634, %sub3A_654 : i32
      %select_n3A_656 = arith.select %and3A_653, %sub3A_655, %div3A_634 : i32
      %jit3A_657 = arith.constant 8 : i32
      %eq3A_658 = arith.constant 0 : i32
      %eq3A_659 = arith.cmpi eq, %jit3A_657, %eq3A_658 : i32
      %jit3A_660 = arith.constant 1 : i32
      %select_n3A_661 = arith.select %eq3A_659, %jit3A_660, %jit3A_657 : i32
      %rem3A_662 = arith.remsi %add3A_85, %select_n3A_661 : i32
      %ne3A_663 = arith.constant 0 : i32
      %ne3A_664 = arith.cmpi ne, %rem3A_662, %ne3A_663 : i32
      %lt3A_665 = arith.constant 0 : i32
      %lt3A_666 = arith.cmpi slt, %rem3A_662, %lt3A_665 : i32
      %lt3A_667 = arith.constant 0 : i32
      %lt3A_668 = arith.cmpi slt, %select_n3A_661, %lt3A_667 : i32
      %ne3A_669 = arith.xori %lt3A_666, %lt3A_668 : i1
      %and3A_670 = arith.andi %ne3A_669, %ne3A_664 : i1
      %add3A_671 = arith.addi %rem3A_662, %select_n3A_661 : i32
      %select_n3A_672 = arith.select %and3A_670, %add3A_671, %rem3A_662 : i32
      %dma_start3A_673 = arith.constant 1 : i32
      %dma_start3A_674 = arith.constant 0 : i32
      %dma_start3A_675 = arith.constant 0 : i32
      %dma_start3A_676 = tpu.memref_slice %arg7[%dma_start3A_673, %dma_start3A_674, %dma_start3A_675] : memref<2x32x128xf32, #tpu.memory_space<vmem>> -> memref<1x32x128xf32, #tpu.memory_space<vmem>>
      %dma_start3A_677 = tpu.memref_squeeze %dma_start3A_676 : memref<1x32x128xf32, #tpu.memory_space<vmem>> -> memref<32x128xf32, #tpu.memory_space<vmem>>
      %dma_start3A_678 = arith.constant 0 : i32
      %dma_start3A_679 = arith.constant 0 : i32
      %dma_start3A_680 = tpu.memref_slice %arg4[%add3A_572, %select_n3A_656, %dma_start3A_678, %select_n3A_672, %dma_start3A_679] : memref<200x8x32x8x128xf32, #tpu.memory_space<hbm>> -> memref<1x1x32x1x128xf32, #tpu.memory_space<hbm>>
      %dma_start3A_681 = tpu.memref_squeeze %dma_start3A_680 : memref<1x1x32x1x128xf32, #tpu.memory_space<hbm>> -> memref<32x128xf32, #tpu.memory_space<hbm>>
      %dma_start3A_682 = arith.constant 0 : i32
      %dma_start3A_683 = arith.constant 0 : i32
      %dma_start3A_684 = tpu.memref_slice %arg4[%add3A_572, %select_n3A_656, %dma_start3A_682, %select_n3A_672, %dma_start3A_683] : memref<200x8x32x8x128xf32, #tpu.memory_space<hbm>> -> memref<1x1x32x1x128xf32, #tpu.memory_space<hbm>>
      %dma_start3A_685 = tpu.memref_squeeze %dma_start3A_684 : memref<1x1x32x1x128xf32, #tpu.memory_space<hbm>> -> memref<32x128xf32, #tpu.memory_space<hbm>>
      %dma_start3A_686 = arith.constant 0 : i32
      %dma_start3A_687 = arith.constant 0 : i32
      %dma_start3A_688 = tpu.memref_slice %arg7[%dma_start3A_673, %dma_start3A_686, %dma_start3A_687] : memref<2x32x128xf32, #tpu.memory_space<vmem>> -> memref<1x32x128xf32, #tpu.memory_space<vmem>>
      %dma_start3A_689 = tpu.memref_squeeze %dma_start3A_688 : memref<1x32x128xf32, #tpu.memory_space<vmem>> -> memref<32x128xf32, #tpu.memory_space<vmem>>
      tpu.enqueue_dma source(%dma_start3A_689 : memref<32x128xf32, #tpu.memory_space<vmem>>) target(%dma_start3A_685 : memref<32x128xf32, #tpu.memory_space<hbm>>) target_semaphore(%arg14 : memref<!tpu.dma_semaphore, #tpu.memory_space<semaphore_mem>>)
      %mul3A_690 = arith.constant 8 : i32
      %mul3A_691 = arith.muli %scan3A_176, %mul3A_690 : i32
      %add3A_692 = arith.constant 4 : i32
      %add3A_693 = arith.addi %mul3A_691, %add3A_692 : i32
      %dma_start3A_694 = arith.constant 7 : i32
      %dma_start3A_695 = arith.constant 3 : i32
      %dma_start3A_696 = arith.constant 0 : i32
      %dma_start3A_697 = arith.constant 0 : i32
      %dma_start3A_698 = tpu.memref_slice %arg6[%dma_start3A_695, %dma_start3A_696, %dma_start3A_697] : memref<4x32x128xi32, #tpu.memory_space<vmem>> -> memref<1x32x128xi32, #tpu.memory_space<vmem>>
      %dma_start3A_699 = tpu.memref_squeeze %dma_start3A_698 : memref<1x32x128xi32, #tpu.memory_space<vmem>> -> memref<32x128xi32, #tpu.memory_space<vmem>>
      %dma_start3A_700 = arith.constant 0 : i32
      %dma_start3A_701 = arith.constant 0 : i32
      %dma_start3A_702 = tpu.memref_slice %arg8[%rem3A_178, %dma_start3A_700, %dma_start3A_694, %dma_start3A_701] : memref<2x32x8x128xi32, #tpu.memory_space<vmem_shared>> -> memref<1x32x1x128xi32, #tpu.memory_space<vmem_shared>>
      %dma_start3A_703 = tpu.memref_squeeze %dma_start3A_702 : memref<1x32x1x128xi32, #tpu.memory_space<vmem_shared>> -> memref<32x128xi32, #tpu.memory_space<vmem_shared>>
      %dma_start3A_704 = arith.constant 0 : i32
      %dma_start3A_705 = arith.constant 0 : i32
      %dma_start3A_706 = tpu.memref_slice %arg6[%dma_start3A_695, %dma_start3A_704, %dma_start3A_705] : memref<4x32x128xi32, #tpu.memory_space<vmem>> -> memref<1x32x128xi32, #tpu.memory_space<vmem>>
      %dma_start3A_707 = tpu.memref_squeeze %dma_start3A_706 : memref<1x32x128xi32, #tpu.memory_space<vmem>> -> memref<32x128xi32, #tpu.memory_space<vmem>>
      %dma_start3A_708 = arith.constant 0 : i32
      %dma_start3A_709 = arith.constant 0 : i32
      %dma_start3A_710 = tpu.memref_slice %arg8[%rem3A_178, %dma_start3A_708, %dma_start3A_694, %dma_start3A_709] : memref<2x32x8x128xi32, #tpu.memory_space<vmem_shared>> -> memref<1x32x1x128xi32, #tpu.memory_space<vmem_shared>>
      %dma_start3A_711 = tpu.memref_squeeze %dma_start3A_710 : memref<1x32x1x128xi32, #tpu.memory_space<vmem_shared>> -> memref<32x128xi32, #tpu.memory_space<vmem_shared>>
      tpu.enqueue_dma source(%dma_start3A_711 : memref<32x128xi32, #tpu.memory_space<vmem_shared>>) target(%dma_start3A_707 : memref<32x128xi32, #tpu.memory_space<vmem>>) target_semaphore(%arg12 : memref<!tpu.dma_semaphore, #tpu.memory_space<semaphore_mem>>)
      %dma_wait3A_712 = arith.constant 0 : i32
      %dma_wait3A_713 = arith.constant 0 : i32
      %dma_wait3A_714 = arith.constant 0 : i32
      %dma_wait3A_715 = arith.constant 0 : i32
      %dma_wait3A_716 = arith.constant 0 : i32
      %dma_wait3A_717 = tpu.memref_slice %arg6[%dma_wait3A_714, %dma_wait3A_715, %dma_wait3A_716] : memref<4x32x128xi32, #tpu.memory_space<vmem>> -> memref<1x32x128xi32, #tpu.memory_space<vmem>>
      %dma_wait3A_718 = tpu.memref_squeeze %dma_wait3A_717 : memref<1x32x128xi32, #tpu.memory_space<vmem>> -> memref<32x128xi32, #tpu.memory_space<vmem>>
      %dma_wait3A_719 = arith.constant 0 : i32
      %dma_wait3A_720 = arith.constant 0 : i32
      %dma_wait3A_721 = tpu.memref_slice %arg8[%dma_wait3A_712, %dma_wait3A_719, %dma_wait3A_713, %dma_wait3A_720] : memref<2x32x8x128xi32, #tpu.memory_space<vmem_shared>> -> memref<1x32x1x128xi32, #tpu.memory_space<vmem_shared>>
      %dma_wait3A_722 = tpu.memref_squeeze %dma_wait3A_721 : memref<1x32x1x128xi32, #tpu.memory_space<vmem_shared>> -> memref<32x128xi32, #tpu.memory_space<vmem_shared>>
      %dma_wait3A_723 = arith.constant 0 : i32
      %dma_wait3A_724 = arith.constant 0 : i32
      %dma_wait3A_725 = tpu.memref_slice %arg6[%dma_wait3A_714, %dma_wait3A_723, %dma_wait3A_724] : memref<4x32x128xi32, #tpu.memory_space<vmem>> -> memref<1x32x128xi32, #tpu.memory_space<vmem>>
      %dma_wait3A_726 = tpu.memref_squeeze %dma_wait3A_725 : memref<1x32x128xi32, #tpu.memory_space<vmem>> -> memref<32x128xi32, #tpu.memory_space<vmem>>
      %dma_wait3A_727 = arith.constant 0 : i32
      %dma_wait3A_728 = arith.constant 0 : i32
      %dma_wait3A_729 = tpu.memref_slice %arg8[%dma_wait3A_712, %dma_wait3A_727, %dma_wait3A_713, %dma_wait3A_728] : memref<2x32x8x128xi32, #tpu.memory_space<vmem_shared>> -> memref<1x32x1x128xi32, #tpu.memory_space<vmem_shared>>
      %dma_wait3A_730 = tpu.memref_squeeze %dma_wait3A_729 : memref<1x32x1x128xi32, #tpu.memory_space<vmem_shared>> -> memref<32x128xi32, #tpu.memory_space<vmem_shared>>
      tpu.wait_dma2 semaphore(%arg9 : memref<!tpu.dma_semaphore, #tpu.memory_space<semaphore_mem>>) src(%dma_wait3A_730 : memref<32x128xi32, #tpu.memory_space<vmem_shared>>) dst(%dma_wait3A_726 : memref<32x128xi32, #tpu.memory_space<vmem>>)
      %dma_wait3A_731 = arith.constant 0 : i32
      %dma_wait3A_732 = arith.constant 0 : i32
      %dma_wait3A_733 = arith.constant 0 : i32
      %dma_wait3A_734 = arith.constant 0 : i32
      %dma_wait3A_735 = arith.constant 0 : i32
      %dma_wait3A_736 = arith.constant 0 : i32
      %dma_wait3A_737 = tpu.memref_slice %arg7[%dma_wait3A_731, %dma_wait3A_735, %dma_wait3A_736] : memref<2x32x128xf32, #tpu.memory_space<vmem>> -> memref<1x32x128xf32, #tpu.memory_space<vmem>>
      %dma_wait3A_738 = tpu.memref_squeeze %dma_wait3A_737 : memref<1x32x128xf32, #tpu.memory_space<vmem>> -> memref<32x128xf32, #tpu.memory_space<vmem>>
      %dma_wait3A_739 = arith.constant 0 : i32
      %dma_wait3A_740 = arith.constant 0 : i32
      %dma_wait3A_741 = tpu.memref_slice %arg4[%dma_wait3A_732, %dma_wait3A_733, %dma_wait3A_739, %dma_wait3A_734, %dma_wait3A_740] : memref<200x8x32x8x128xf32, #tpu.memory_space<hbm>> -> memref<1x1x32x1x128xf32, #tpu.memory_space<hbm>>
      %dma_wait3A_742 = tpu.memref_squeeze %dma_wait3A_741 : memref<1x1x32x1x128xf32, #tpu.memory_space<hbm>> -> memref<32x128xf32, #tpu.memory_space<hbm>>
      %dma_wait3A_743 = arith.constant 0 : i32
      %dma_wait3A_744 = arith.constant 0 : i32
      %dma_wait3A_745 = tpu.memref_slice %arg4[%dma_wait3A_732, %dma_wait3A_733, %dma_wait3A_743, %dma_wait3A_734, %dma_wait3A_744] : memref<200x8x32x8x128xf32, #tpu.memory_space<hbm>> -> memref<1x1x32x1x128xf32, #tpu.memory_space<hbm>>
      %dma_wait3A_746 = tpu.memref_squeeze %dma_wait3A_745 : memref<1x1x32x1x128xf32, #tpu.memory_space<hbm>> -> memref<32x128xf32, #tpu.memory_space<hbm>>
      %dma_wait3A_747 = arith.constant 0 : i32
      %dma_wait3A_748 = arith.constant 0 : i32
      %dma_wait3A_749 = tpu.memref_slice %arg7[%dma_wait3A_731, %dma_wait3A_747, %dma_wait3A_748] : memref<2x32x128xf32, #tpu.memory_space<vmem>> -> memref<1x32x128xf32, #tpu.memory_space<vmem>>
      %dma_wait3A_750 = tpu.memref_squeeze %dma_wait3A_749 : memref<1x32x128xf32, #tpu.memory_space<vmem>> -> memref<32x128xf32, #tpu.memory_space<vmem>>
      tpu.wait_dma2 semaphore(%arg13 : memref<!tpu.dma_semaphore, #tpu.memory_space<semaphore_mem>>) src(%dma_wait3A_750 : memref<32x128xf32, #tpu.memory_space<vmem>>) dst(%dma_wait3A_746 : memref<32x128xf32, #tpu.memory_space<hbm>>)
      %parallel_loop3A_751 = arith.constant 0 : i32
      %parallel_loop3A_752 = arith.constant 4096 : i32
      %parallel_loop3A_753 = arith.constant 16 : i32
      scf.for %parallel_loop3A_1127 = %parallel_loop3A_751 to %parallel_loop3A_752 step %parallel_loop3A_753  : i32 {
        %parallel_loop3A_1128 = arith.constant 128 : i32
        %parallel_loop3A_1129 = arith.divsi %parallel_loop3A_1127, %parallel_loop3A_1128 : i32
        %parallel_loop3A_1130 = arith.constant 0 : i32
        %parallel_loop3A_1131 = arith.cmpi sgt, %parallel_loop3A_1127, %parallel_loop3A_1130 : i32
        %parallel_loop3A_1132 = arith.extui %parallel_loop3A_1131 : i1 to i32
        %parallel_loop3A_1133 = arith.constant 0 : i32
        %parallel_loop3A_1134 = arith.cmpi slt, %parallel_loop3A_1127, %parallel_loop3A_1133 : i32
        %parallel_loop3A_1135 = arith.extui %parallel_loop3A_1134 : i1 to i32
        %parallel_loop3A_1136 = arith.subi %parallel_loop3A_1132, %parallel_loop3A_1135 : i32
        %parallel_loop3A_1137 = arith.constant 0 : i32
        %parallel_loop3A_1138 = arith.cmpi sgt, %parallel_loop3A_1128, %parallel_loop3A_1137 : i32
        %parallel_loop3A_1139 = arith.extui %parallel_loop3A_1138 : i1 to i32
        %parallel_loop3A_1140 = arith.constant 0 : i32
        %parallel_loop3A_1141 = arith.cmpi slt, %parallel_loop3A_1128, %parallel_loop3A_1140 : i32
        %parallel_loop3A_1142 = arith.extui %parallel_loop3A_1141 : i1 to i32
        %parallel_loop3A_1143 = arith.subi %parallel_loop3A_1139, %parallel_loop3A_1142 : i32
        %parallel_loop3A_1144 = arith.cmpi ne, %parallel_loop3A_1136, %parallel_loop3A_1143 : i32
        %parallel_loop3A_1145 = arith.remsi %parallel_loop3A_1127, %parallel_loop3A_1128 : i32
        %parallel_loop3A_1146 = arith.constant 0 : i32
        %parallel_loop3A_1147 = arith.cmpi ne, %parallel_loop3A_1145, %parallel_loop3A_1146 : i32
        %parallel_loop3A_1148 = arith.andi %parallel_loop3A_1144, %parallel_loop3A_1147 : i1
        %parallel_loop3A_1149 = arith.constant 1 : i32
        %parallel_loop3A_1150 = arith.subi %parallel_loop3A_1129, %parallel_loop3A_1149 : i32
        %parallel_loop3A_1151 = arith.select %parallel_loop3A_1148, %parallel_loop3A_1150, %parallel_loop3A_1129 : i32
        %parallel_loop3A_1152 = arith.constant 128 : i32
        %parallel_loop3A_1153 = arith.constant 0 : i32
        %parallel_loop3A_1154 = arith.cmpi eq, %parallel_loop3A_1152, %parallel_loop3A_1153 : i32
        %parallel_loop3A_1155 = arith.constant 1 : i32
        %parallel_loop3A_1156 = arith.select %parallel_loop3A_1154, %parallel_loop3A_1155, %parallel_loop3A_1152 : i32
        %parallel_loop3A_1157 = arith.remsi %parallel_loop3A_1127, %parallel_loop3A_1156 : i32
        %parallel_loop3A_1158 = arith.constant 0 : i32
        %parallel_loop3A_1159 = arith.cmpi ne, %parallel_loop3A_1157, %parallel_loop3A_1158 : i32
        %parallel_loop3A_1160 = arith.constant 0 : i32
        %parallel_loop3A_1161 = arith.cmpi slt, %parallel_loop3A_1157, %parallel_loop3A_1160 : i32
        %parallel_loop3A_1162 = arith.constant 0 : i32
        %parallel_loop3A_1163 = arith.cmpi slt, %parallel_loop3A_1156, %parallel_loop3A_1162 : i32
        %parallel_loop3A_1164 = arith.xori %parallel_loop3A_1161, %parallel_loop3A_1163 : i1
        %parallel_loop3A_1165 = arith.andi %parallel_loop3A_1164, %parallel_loop3A_1159 : i1
        %parallel_loop3A_1166 = arith.addi %parallel_loop3A_1157, %parallel_loop3A_1156 : i32
        %parallel_loop3A_1167 = arith.select %parallel_loop3A_1165, %parallel_loop3A_1166, %parallel_loop3A_1157 : i32
        %parallel_loop3A_1168 = arith.constant 0 : i32
        %parallel_loop3A_1169 = arith.index_cast %parallel_loop3A_1168 : i32 to index
        %parallel_loop3A_1170 = arith.index_cast %parallel_loop3A_1151 : i32 to index
        %parallel_loop3A_1171 = arith.index_cast %parallel_loop3A_1167 : i32 to index
        %parallel_loop3A_1172 = tpu.vector_load %arg6[%parallel_loop3A_1169, %parallel_loop3A_1170, %parallel_loop3A_1171] {strides = array<i32>} : memref<4x32x128xi32, #tpu.memory_space<vmem>>, vector<16xi32>,
        %parallel_loop3A_1173 = arith.constant 7 : i32
        %parallel_loop3A_1174 = vector.broadcast %parallel_loop3A_1173 : i32 to vector<16xi32>
        %parallel_loop3A_1175 = arith.shrsi %parallel_loop3A_1172, %parallel_loop3A_1174 : vector<16xi32>
        %parallel_loop3A_1176 = arith.constant 127 : i32
        %parallel_loop3A_1177 = vector.broadcast %parallel_loop3A_1176 : i32 to vector<16xi32>
        %parallel_loop3A_1178 = arith.andi %parallel_loop3A_1172, %parallel_loop3A_1177 : vector<16xi32>
        %parallel_loop3A_1179 = tpu.vector_load_idx %arg5[%parallel_loop3A_1175, %parallel_loop3A_1178] : memref<782x128xf32, #tpu.memory_space<vmem>>[vector<16xi32>, vector<16xi32>], vector<16xf32>,
        %parallel_loop3A_1180 = arith.constant 128 : i32
        %parallel_loop3A_1181 = arith.divsi %parallel_loop3A_1127, %parallel_loop3A_1180 : i32
        %parallel_loop3A_1182 = arith.constant 0 : i32
        %parallel_loop3A_1183 = arith.cmpi sgt, %parallel_loop3A_1127, %parallel_loop3A_1182 : i32
        %parallel_loop3A_1184 = arith.extui %parallel_loop3A_1183 : i1 to i32
        %parallel_loop3A_1185 = arith.constant 0 : i32
        %parallel_loop3A_1186 = arith.cmpi slt, %parallel_loop3A_1127, %parallel_loop3A_1185 : i32
        %parallel_loop3A_1187 = arith.extui %parallel_loop3A_1186 : i1 to i32
        %parallel_loop3A_1188 = arith.subi %parallel_loop3A_1184, %parallel_loop3A_1187 : i32
        %parallel_loop3A_1189 = arith.constant 0 : i32
        %parallel_loop3A_1190 = arith.cmpi sgt, %parallel_loop3A_1180, %parallel_loop3A_1189 : i32
        %parallel_loop3A_1191 = arith.extui %parallel_loop3A_1190 : i1 to i32
        %parallel_loop3A_1192 = arith.constant 0 : i32
        %parallel_loop3A_1193 = arith.cmpi slt, %parallel_loop3A_1180, %parallel_loop3A_1192 : i32
        %parallel_loop3A_1194 = arith.extui %parallel_loop3A_1193 : i1 to i32
        %parallel_loop3A_1195 = arith.subi %parallel_loop3A_1191, %parallel_loop3A_1194 : i32
        %parallel_loop3A_1196 = arith.cmpi ne, %parallel_loop3A_1188, %parallel_loop3A_1195 : i32
        %parallel_loop3A_1197 = arith.remsi %parallel_loop3A_1127, %parallel_loop3A_1180 : i32
        %parallel_loop3A_1198 = arith.constant 0 : i32
        %parallel_loop3A_1199 = arith.cmpi ne, %parallel_loop3A_1197, %parallel_loop3A_1198 : i32
        %parallel_loop3A_1200 = arith.andi %parallel_loop3A_1196, %parallel_loop3A_1199 : i1
        %parallel_loop3A_1201 = arith.constant 1 : i32
        %parallel_loop3A_1202 = arith.subi %parallel_loop3A_1181, %parallel_loop3A_1201 : i32
        %parallel_loop3A_1203 = arith.select %parallel_loop3A_1200, %parallel_loop3A_1202, %parallel_loop3A_1181 : i32
        %parallel_loop3A_1204 = arith.constant 128 : i32
        %parallel_loop3A_1205 = arith.constant 0 : i32
        %parallel_loop3A_1206 = arith.cmpi eq, %parallel_loop3A_1204, %parallel_loop3A_1205 : i32
        %parallel_loop3A_1207 = arith.constant 1 : i32
        %parallel_loop3A_1208 = arith.select %parallel_loop3A_1206, %parallel_loop3A_1207, %parallel_loop3A_1204 : i32
        %parallel_loop3A_1209 = arith.remsi %parallel_loop3A_1127, %parallel_loop3A_1208 : i32
        %parallel_loop3A_1210 = arith.constant 0 : i32
        %parallel_loop3A_1211 = arith.cmpi ne, %parallel_loop3A_1209, %parallel_loop3A_1210 : i32
        %parallel_loop3A_1212 = arith.constant 0 : i32
        %parallel_loop3A_1213 = arith.cmpi slt, %parallel_loop3A_1209, %parallel_loop3A_1212 : i32
        %parallel_loop3A_1214 = arith.constant 0 : i32
        %parallel_loop3A_1215 = arith.cmpi slt, %parallel_loop3A_1208, %parallel_loop3A_1214 : i32
        %parallel_loop3A_1216 = arith.xori %parallel_loop3A_1213, %parallel_loop3A_1215 : i1
        %parallel_loop3A_1217 = arith.andi %parallel_loop3A_1216, %parallel_loop3A_1211 : i1
        %parallel_loop3A_1218 = arith.addi %parallel_loop3A_1209, %parallel_loop3A_1208 : i32
        %parallel_loop3A_1219 = arith.select %parallel_loop3A_1217, %parallel_loop3A_1218, %parallel_loop3A_1209 : i32
        %parallel_loop3A_1220 = arith.constant 0 : i32
        %parallel_loop3A_1221 = arith.index_cast %parallel_loop3A_1220 : i32 to index
        %parallel_loop3A_1222 = arith.index_cast %parallel_loop3A_1203 : i32 to index
        %parallel_loop3A_1223 = arith.index_cast %parallel_loop3A_1219 : i32 to index
        %parallel_loop3A_1224 = tpu.vector_load %arg7[%parallel_loop3A_1221, %parallel_loop3A_1222, %parallel_loop3A_1223] {strides = array<i32>} : memref<2x32x128xf32, #tpu.memory_space<vmem>>, vector<16xf32>,
        tpu.vector_store %arg7[%parallel_loop3A_1221, %parallel_loop3A_1222, %parallel_loop3A_1223], %parallel_loop3A_1179 {strides = array<i32>} : memref<2x32x128xf32, #tpu.memory_space<vmem>>, vector<16xf32>,
      } {sc.loop_unroll_factor = 16 : i64, sc.parallel_access}
      %jit3A_754 = arith.constant 8 : i32
      %div3A_755 = arith.divsi %add3A_85, %jit3A_754 : i32
      %sign3A_756 = arith.constant 0 : i32
      %sign3A_757 = arith.cmpi sgt, %add3A_85, %sign3A_756 : i32
      %sign3A_758 = arith.extui %sign3A_757 : i1 to i32
      %sign3A_759 = arith.constant 0 : i32
      %sign3A_760 = arith.cmpi slt, %add3A_85, %sign3A_759 : i32
      %sign3A_761 = arith.extui %sign3A_760 : i1 to i32
      %sign3A_762 = arith.subi %sign3A_758, %sign3A_761 : i32
      %sign3A_763 = arith.constant 0 : i32
      %sign3A_764 = arith.cmpi sgt, %jit3A_754, %sign3A_763 : i32
      %sign3A_765 = arith.extui %sign3A_764 : i1 to i32
      %sign3A_766 = arith.constant 0 : i32
      %sign3A_767 = arith.cmpi slt, %jit3A_754, %sign3A_766 : i32
      %sign3A_768 = arith.extui %sign3A_767 : i1 to i32
      %sign3A_769 = arith.subi %sign3A_765, %sign3A_768 : i32
      %ne3A_770 = arith.cmpi ne, %sign3A_762, %sign3A_769 : i32
      %rem3A_771 = arith.remsi %add3A_85, %jit3A_754 : i32
      %ne3A_772 = arith.constant 0 : i32
      %ne3A_773 = arith.cmpi ne, %rem3A_771, %ne3A_772 : i32
      %and3A_774 = arith.andi %ne3A_770, %ne3A_773 : i1
      %sub3A_775 = arith.constant 1 : i32
      %sub3A_776 = arith.subi %div3A_755, %sub3A_775 : i32
      %select_n3A_777 = arith.select %and3A_774, %sub3A_776, %div3A_755 : i32
      %jit3A_778 = arith.constant 8 : i32
      %eq3A_779 = arith.constant 0 : i32
      %eq3A_780 = arith.cmpi eq, %jit3A_778, %eq3A_779 : i32
      %jit3A_781 = arith.constant 1 : i32
      %select_n3A_782 = arith.select %eq3A_780, %jit3A_781, %jit3A_778 : i32
      %rem3A_783 = arith.remsi %add3A_85, %select_n3A_782 : i32
      %ne3A_784 = arith.constant 0 : i32
      %ne3A_785 = arith.cmpi ne, %rem3A_783, %ne3A_784 : i32
      %lt3A_786 = arith.constant 0 : i32
      %lt3A_787 = arith.cmpi slt, %rem3A_783, %lt3A_786 : i32
      %lt3A_788 = arith.constant 0 : i32
      %lt3A_789 = arith.cmpi slt, %select_n3A_782, %lt3A_788 : i32
      %ne3A_790 = arith.xori %lt3A_787, %lt3A_789 : i1
      %and3A_791 = arith.andi %ne3A_790, %ne3A_785 : i1
      %add3A_792 = arith.addi %rem3A_783, %select_n3A_782 : i32
      %select_n3A_793 = arith.select %and3A_791, %add3A_792, %rem3A_783 : i32
      %dma_start3A_794 = arith.constant 0 : i32
      %dma_start3A_795 = arith.constant 0 : i32
      %dma_start3A_796 = arith.constant 0 : i32
      %dma_start3A_797 = tpu.memref_slice %arg7[%dma_start3A_794, %dma_start3A_795, %dma_start3A_796] : memref<2x32x128xf32, #tpu.memory_space<vmem>> -> memref<1x32x128xf32, #tpu.memory_space<vmem>>
      %dma_start3A_798 = tpu.memref_squeeze %dma_start3A_797 : memref<1x32x128xf32, #tpu.memory_space<vmem>> -> memref<32x128xf32, #tpu.memory_space<vmem>>
      %dma_start3A_799 = arith.constant 0 : i32
      %dma_start3A_800 = arith.constant 0 : i32
      %dma_start3A_801 = tpu.memref_slice %arg4[%add3A_693, %select_n3A_777, %dma_start3A_799, %select_n3A_793, %dma_start3A_800] : memref<200x8x32x8x128xf32, #tpu.memory_space<hbm>> -> memref<1x1x32x1x128xf32, #tpu.memory_space<hbm>>
      %dma_start3A_802 = tpu.memref_squeeze %dma_start3A_801 : memref<1x1x32x1x128xf32, #tpu.memory_space<hbm>> -> memref<32x128xf32, #tpu.memory_space<hbm>>
      %dma_start3A_803 = arith.constant 0 : i32
      %dma_start3A_804 = arith.constant 0 : i32
      %dma_start3A_805 = tpu.memref_slice %arg4[%add3A_693, %select_n3A_777, %dma_start3A_803, %select_n3A_793, %dma_start3A_804] : memref<200x8x32x8x128xf32, #tpu.memory_space<hbm>> -> memref<1x1x32x1x128xf32, #tpu.memory_space<hbm>>
      %dma_start3A_806 = tpu.memref_squeeze %dma_start3A_805 : memref<1x1x32x1x128xf32, #tpu.memory_space<hbm>> -> memref<32x128xf32, #tpu.memory_space<hbm>>
      %dma_start3A_807 = arith.constant 0 : i32
      %dma_start3A_808 = arith.constant 0 : i32
      %dma_start3A_809 = tpu.memref_slice %arg7[%dma_start3A_794, %dma_start3A_807, %dma_start3A_808] : memref<2x32x128xf32, #tpu.memory_space<vmem>> -> memref<1x32x128xf32, #tpu.memory_space<vmem>>
      %dma_start3A_810 = tpu.memref_squeeze %dma_start3A_809 : memref<1x32x128xf32, #tpu.memory_space<vmem>> -> memref<32x128xf32, #tpu.memory_space<vmem>>
      tpu.enqueue_dma source(%dma_start3A_810 : memref<32x128xf32, #tpu.memory_space<vmem>>) target(%dma_start3A_806 : memref<32x128xf32, #tpu.memory_space<hbm>>) target_semaphore(%arg13 : memref<!tpu.dma_semaphore, #tpu.memory_space<semaphore_mem>>)
      %mul3A_811 = arith.constant 8 : i32
      %mul3A_812 = arith.muli %scan3A_176, %mul3A_811 : i32
      %add3A_813 = arith.constant 5 : i32
      %add3A_814 = arith.addi %mul3A_812, %add3A_813 : i32
      %dma_wait3A_815 = arith.constant 0 : i32
      %dma_wait3A_816 = arith.constant 0 : i32
      %dma_wait3A_817 = arith.constant 1 : i32
      %dma_wait3A_818 = arith.constant 0 : i32
      %dma_wait3A_819 = arith.constant 0 : i32
      %dma_wait3A_820 = tpu.memref_slice %arg6[%dma_wait3A_817, %dma_wait3A_818, %dma_wait3A_819] : memref<4x32x128xi32, #tpu.memory_space<vmem>> -> memref<1x32x128xi32, #tpu.memory_space<vmem>>
      %dma_wait3A_821 = tpu.memref_squeeze %dma_wait3A_820 : memref<1x32x128xi32, #tpu.memory_space<vmem>> -> memref<32x128xi32, #tpu.memory_space<vmem>>
      %dma_wait3A_822 = arith.constant 0 : i32
      %dma_wait3A_823 = arith.constant 0 : i32
      %dma_wait3A_824 = tpu.memref_slice %arg8[%dma_wait3A_815, %dma_wait3A_822, %dma_wait3A_816, %dma_wait3A_823] : memref<2x32x8x128xi32, #tpu.memory_space<vmem_shared>> -> memref<1x32x1x128xi32, #tpu.memory_space<vmem_shared>>
      %dma_wait3A_825 = tpu.memref_squeeze %dma_wait3A_824 : memref<1x32x1x128xi32, #tpu.memory_space<vmem_shared>> -> memref<32x128xi32, #tpu.memory_space<vmem_shared>>
      %dma_wait3A_826 = arith.constant 0 : i32
      %dma_wait3A_827 = arith.constant 0 : i32
      %dma_wait3A_828 = tpu.memref_slice %arg6[%dma_wait3A_817, %dma_wait3A_826, %dma_wait3A_827] : memref<4x32x128xi32, #tpu.memory_space<vmem>> -> memref<1x32x128xi32, #tpu.memory_space<vmem>>
      %dma_wait3A_829 = tpu.memref_squeeze %dma_wait3A_828 : memref<1x32x128xi32, #tpu.memory_space<vmem>> -> memref<32x128xi32, #tpu.memory_space<vmem>>
      %dma_wait3A_830 = arith.constant 0 : i32
      %dma_wait3A_831 = arith.constant 0 : i32
      %dma_wait3A_832 = tpu.memref_slice %arg8[%dma_wait3A_815, %dma_wait3A_830, %dma_wait3A_816, %dma_wait3A_831] : memref<2x32x8x128xi32, #tpu.memory_space<vmem_shared>> -> memref<1x32x1x128xi32, #tpu.memory_space<vmem_shared>>
      %dma_wait3A_833 = tpu.memref_squeeze %dma_wait3A_832 : memref<1x32x1x128xi32, #tpu.memory_space<vmem_shared>> -> memref<32x128xi32, #tpu.memory_space<vmem_shared>>
      tpu.wait_dma2 semaphore(%arg10 : memref<!tpu.dma_semaphore, #tpu.memory_space<semaphore_mem>>) src(%dma_wait3A_833 : memref<32x128xi32, #tpu.memory_space<vmem_shared>>) dst(%dma_wait3A_829 : memref<32x128xi32, #tpu.memory_space<vmem>>)
      %dma_wait3A_834 = arith.constant 1 : i32
      %dma_wait3A_835 = arith.constant 0 : i32
      %dma_wait3A_836 = arith.constant 0 : i32
      %dma_wait3A_837 = arith.constant 0 : i32
      %dma_wait3A_838 = arith.constant 0 : i32
      %dma_wait3A_839 = arith.constant 0 : i32
      %dma_wait3A_840 = tpu.memref_slice %arg7[%dma_wait3A_834, %dma_wait3A_838, %dma_wait3A_839] : memref<2x32x128xf32, #tpu.memory_space<vmem>> -> memref<1x32x128xf32, #tpu.memory_space<vmem>>
      %dma_wait3A_841 = tpu.memref_squeeze %dma_wait3A_840 : memref<1x32x128xf32, #tpu.memory_space<vmem>> -> memref<32x128xf32, #tpu.memory_space<vmem>>
      %dma_wait3A_842 = arith.constant 0 : i32
      %dma_wait3A_843 = arith.constant 0 : i32
      %dma_wait3A_844 = tpu.memref_slice %arg4[%dma_wait3A_835, %dma_wait3A_836, %dma_wait3A_842, %dma_wait3A_837, %dma_wait3A_843] : memref<200x8x32x8x128xf32, #tpu.memory_space<hbm>> -> memref<1x1x32x1x128xf32, #tpu.memory_space<hbm>>
      %dma_wait3A_845 = tpu.memref_squeeze %dma_wait3A_844 : memref<1x1x32x1x128xf32, #tpu.memory_space<hbm>> -> memref<32x128xf32, #tpu.memory_space<hbm>>
      %dma_wait3A_846 = arith.constant 0 : i32
      %dma_wait3A_847 = arith.constant 0 : i32
      %dma_wait3A_848 = tpu.memref_slice %arg4[%dma_wait3A_835, %dma_wait3A_836, %dma_wait3A_846, %dma_wait3A_837, %dma_wait3A_847] : memref<200x8x32x8x128xf32, #tpu.memory_space<hbm>> -> memref<1x1x32x1x128xf32, #tpu.memory_space<hbm>>
      %dma_wait3A_849 = tpu.memref_squeeze %dma_wait3A_848 : memref<1x1x32x1x128xf32, #tpu.memory_space<hbm>> -> memref<32x128xf32, #tpu.memory_space<hbm>>
      %dma_wait3A_850 = arith.constant 0 : i32
      %dma_wait3A_851 = arith.constant 0 : i32
      %dma_wait3A_852 = tpu.memref_slice %arg7[%dma_wait3A_834, %dma_wait3A_850, %dma_wait3A_851] : memref<2x32x128xf32, #tpu.memory_space<vmem>> -> memref<1x32x128xf32, #tpu.memory_space<vmem>>
      %dma_wait3A_853 = tpu.memref_squeeze %dma_wait3A_852 : memref<1x32x128xf32, #tpu.memory_space<vmem>> -> memref<32x128xf32, #tpu.memory_space<vmem>>
      tpu.wait_dma2 semaphore(%arg14 : memref<!tpu.dma_semaphore, #tpu.memory_space<semaphore_mem>>) src(%dma_wait3A_853 : memref<32x128xf32, #tpu.memory_space<vmem>>) dst(%dma_wait3A_849 : memref<32x128xf32, #tpu.memory_space<hbm>>)
      %parallel_loop3A_854 = arith.constant 0 : i32
      %parallel_loop3A_855 = arith.constant 4096 : i32
      %parallel_loop3A_856 = arith.constant 16 : i32
      scf.for %parallel_loop3A_1127 = %parallel_loop3A_854 to %parallel_loop3A_855 step %parallel_loop3A_856  : i32 {
        %parallel_loop3A_1128 = arith.constant 128 : i32
        %parallel_loop3A_1129 = arith.divsi %parallel_loop3A_1127, %parallel_loop3A_1128 : i32
        %parallel_loop3A_1130 = arith.constant 0 : i32
        %parallel_loop3A_1131 = arith.cmpi sgt, %parallel_loop3A_1127, %parallel_loop3A_1130 : i32
        %parallel_loop3A_1132 = arith.extui %parallel_loop3A_1131 : i1 to i32
        %parallel_loop3A_1133 = arith.constant 0 : i32
        %parallel_loop3A_1134 = arith.cmpi slt, %parallel_loop3A_1127, %parallel_loop3A_1133 : i32
        %parallel_loop3A_1135 = arith.extui %parallel_loop3A_1134 : i1 to i32
        %parallel_loop3A_1136 = arith.subi %parallel_loop3A_1132, %parallel_loop3A_1135 : i32
        %parallel_loop3A_1137 = arith.constant 0 : i32
        %parallel_loop3A_1138 = arith.cmpi sgt, %parallel_loop3A_1128, %parallel_loop3A_1137 : i32
        %parallel_loop3A_1139 = arith.extui %parallel_loop3A_1138 : i1 to i32
        %parallel_loop3A_1140 = arith.constant 0 : i32
        %parallel_loop3A_1141 = arith.cmpi slt, %parallel_loop3A_1128, %parallel_loop3A_1140 : i32
        %parallel_loop3A_1142 = arith.extui %parallel_loop3A_1141 : i1 to i32
        %parallel_loop3A_1143 = arith.subi %parallel_loop3A_1139, %parallel_loop3A_1142 : i32
        %parallel_loop3A_1144 = arith.cmpi ne, %parallel_loop3A_1136, %parallel_loop3A_1143 : i32
        %parallel_loop3A_1145 = arith.remsi %parallel_loop3A_1127, %parallel_loop3A_1128 : i32
        %parallel_loop3A_1146 = arith.constant 0 : i32
        %parallel_loop3A_1147 = arith.cmpi ne, %parallel_loop3A_1145, %parallel_loop3A_1146 : i32
        %parallel_loop3A_1148 = arith.andi %parallel_loop3A_1144, %parallel_loop3A_1147 : i1
        %parallel_loop3A_1149 = arith.constant 1 : i32
        %parallel_loop3A_1150 = arith.subi %parallel_loop3A_1129, %parallel_loop3A_1149 : i32
        %parallel_loop3A_1151 = arith.select %parallel_loop3A_1148, %parallel_loop3A_1150, %parallel_loop3A_1129 : i32
        %parallel_loop3A_1152 = arith.constant 128 : i32
        %parallel_loop3A_1153 = arith.constant 0 : i32
        %parallel_loop3A_1154 = arith.cmpi eq, %parallel_loop3A_1152, %parallel_loop3A_1153 : i32
        %parallel_loop3A_1155 = arith.constant 1 : i32
        %parallel_loop3A_1156 = arith.select %parallel_loop3A_1154, %parallel_loop3A_1155, %parallel_loop3A_1152 : i32
        %parallel_loop3A_1157 = arith.remsi %parallel_loop3A_1127, %parallel_loop3A_1156 : i32
        %parallel_loop3A_1158 = arith.constant 0 : i32
        %parallel_loop3A_1159 = arith.cmpi ne, %parallel_loop3A_1157, %parallel_loop3A_1158 : i32
        %parallel_loop3A_1160 = arith.constant 0 : i32
        %parallel_loop3A_1161 = arith.cmpi slt, %parallel_loop3A_1157, %parallel_loop3A_1160 : i32
        %parallel_loop3A_1162 = arith.constant 0 : i32
        %parallel_loop3A_1163 = arith.cmpi slt, %parallel_loop3A_1156, %parallel_loop3A_1162 : i32
        %parallel_loop3A_1164 = arith.xori %parallel_loop3A_1161, %parallel_loop3A_1163 : i1
        %parallel_loop3A_1165 = arith.andi %parallel_loop3A_1164, %parallel_loop3A_1159 : i1
        %parallel_loop3A_1166 = arith.addi %parallel_loop3A_1157, %parallel_loop3A_1156 : i32
        %parallel_loop3A_1167 = arith.select %parallel_loop3A_1165, %parallel_loop3A_1166, %parallel_loop3A_1157 : i32
        %parallel_loop3A_1168 = arith.constant 1 : i32
        %parallel_loop3A_1169 = arith.index_cast %parallel_loop3A_1168 : i32 to index
        %parallel_loop3A_1170 = arith.index_cast %parallel_loop3A_1151 : i32 to index
        %parallel_loop3A_1171 = arith.index_cast %parallel_loop3A_1167 : i32 to index
        %parallel_loop3A_1172 = tpu.vector_load %arg6[%parallel_loop3A_1169, %parallel_loop3A_1170, %parallel_loop3A_1171] {strides = array<i32>} : memref<4x32x128xi32, #tpu.memory_space<vmem>>, vector<16xi32>,
        %parallel_loop3A_1173 = arith.constant 7 : i32
        %parallel_loop3A_1174 = vector.broadcast %parallel_loop3A_1173 : i32 to vector<16xi32>
        %parallel_loop3A_1175 = arith.shrsi %parallel_loop3A_1172, %parallel_loop3A_1174 : vector<16xi32>
        %parallel_loop3A_1176 = arith.constant 127 : i32
        %parallel_loop3A_1177 = vector.broadcast %parallel_loop3A_1176 : i32 to vector<16xi32>
        %parallel_loop3A_1178 = arith.andi %parallel_loop3A_1172, %parallel_loop3A_1177 : vector<16xi32>
        %parallel_loop3A_1179 = tpu.vector_load_idx %arg5[%parallel_loop3A_1175, %parallel_loop3A_1178] : memref<782x128xf32, #tpu.memory_space<vmem>>[vector<16xi32>, vector<16xi32>], vector<16xf32>,
        %parallel_loop3A_1180 = arith.constant 128 : i32
        %parallel_loop3A_1181 = arith.divsi %parallel_loop3A_1127, %parallel_loop3A_1180 : i32
        %parallel_loop3A_1182 = arith.constant 0 : i32
        %parallel_loop3A_1183 = arith.cmpi sgt, %parallel_loop3A_1127, %parallel_loop3A_1182 : i32
        %parallel_loop3A_1184 = arith.extui %parallel_loop3A_1183 : i1 to i32
        %parallel_loop3A_1185 = arith.constant 0 : i32
        %parallel_loop3A_1186 = arith.cmpi slt, %parallel_loop3A_1127, %parallel_loop3A_1185 : i32
        %parallel_loop3A_1187 = arith.extui %parallel_loop3A_1186 : i1 to i32
        %parallel_loop3A_1188 = arith.subi %parallel_loop3A_1184, %parallel_loop3A_1187 : i32
        %parallel_loop3A_1189 = arith.constant 0 : i32
        %parallel_loop3A_1190 = arith.cmpi sgt, %parallel_loop3A_1180, %parallel_loop3A_1189 : i32
        %parallel_loop3A_1191 = arith.extui %parallel_loop3A_1190 : i1 to i32
        %parallel_loop3A_1192 = arith.constant 0 : i32
        %parallel_loop3A_1193 = arith.cmpi slt, %parallel_loop3A_1180, %parallel_loop3A_1192 : i32
        %parallel_loop3A_1194 = arith.extui %parallel_loop3A_1193 : i1 to i32
        %parallel_loop3A_1195 = arith.subi %parallel_loop3A_1191, %parallel_loop3A_1194 : i32
        %parallel_loop3A_1196 = arith.cmpi ne, %parallel_loop3A_1188, %parallel_loop3A_1195 : i32
        %parallel_loop3A_1197 = arith.remsi %parallel_loop3A_1127, %parallel_loop3A_1180 : i32
        %parallel_loop3A_1198 = arith.constant 0 : i32
        %parallel_loop3A_1199 = arith.cmpi ne, %parallel_loop3A_1197, %parallel_loop3A_1198 : i32
        %parallel_loop3A_1200 = arith.andi %parallel_loop3A_1196, %parallel_loop3A_1199 : i1
        %parallel_loop3A_1201 = arith.constant 1 : i32
        %parallel_loop3A_1202 = arith.subi %parallel_loop3A_1181, %parallel_loop3A_1201 : i32
        %parallel_loop3A_1203 = arith.select %parallel_loop3A_1200, %parallel_loop3A_1202, %parallel_loop3A_1181 : i32
        %parallel_loop3A_1204 = arith.constant 128 : i32
        %parallel_loop3A_1205 = arith.constant 0 : i32
        %parallel_loop3A_1206 = arith.cmpi eq, %parallel_loop3A_1204, %parallel_loop3A_1205 : i32
        %parallel_loop3A_1207 = arith.constant 1 : i32
        %parallel_loop3A_1208 = arith.select %parallel_loop3A_1206, %parallel_loop3A_1207, %parallel_loop3A_1204 : i32
        %parallel_loop3A_1209 = arith.remsi %parallel_loop3A_1127, %parallel_loop3A_1208 : i32
        %parallel_loop3A_1210 = arith.constant 0 : i32
        %parallel_loop3A_1211 = arith.cmpi ne, %parallel_loop3A_1209, %parallel_loop3A_1210 : i32
        %parallel_loop3A_1212 = arith.constant 0 : i32
        %parallel_loop3A_1213 = arith.cmpi slt, %parallel_loop3A_1209, %parallel_loop3A_1212 : i32
        %parallel_loop3A_1214 = arith.constant 0 : i32
        %parallel_loop3A_1215 = arith.cmpi slt, %parallel_loop3A_1208, %parallel_loop3A_1214 : i32
        %parallel_loop3A_1216 = arith.xori %parallel_loop3A_1213, %parallel_loop3A_1215 : i1
        %parallel_loop3A_1217 = arith.andi %parallel_loop3A_1216, %parallel_loop3A_1211 : i1
        %parallel_loop3A_1218 = arith.addi %parallel_loop3A_1209, %parallel_loop3A_1208 : i32
        %parallel_loop3A_1219 = arith.select %parallel_loop3A_1217, %parallel_loop3A_1218, %parallel_loop3A_1209 : i32
        %parallel_loop3A_1220 = arith.constant 1 : i32
        %parallel_loop3A_1221 = arith.index_cast %parallel_loop3A_1220 : i32 to index
        %parallel_loop3A_1222 = arith.index_cast %parallel_loop3A_1203 : i32 to index
        %parallel_loop3A_1223 = arith.index_cast %parallel_loop3A_1219 : i32 to index
        %parallel_loop3A_1224 = tpu.vector_load %arg7[%parallel_loop3A_1221, %parallel_loop3A_1222, %parallel_loop3A_1223] {strides = array<i32>} : memref<2x32x128xf32, #tpu.memory_space<vmem>>, vector<16xf32>,
        tpu.vector_store %arg7[%parallel_loop3A_1221, %parallel_loop3A_1222, %parallel_loop3A_1223], %parallel_loop3A_1179 {strides = array<i32>} : memref<2x32x128xf32, #tpu.memory_space<vmem>>, vector<16xf32>,
      } {sc.loop_unroll_factor = 16 : i64, sc.parallel_access}
      %jit3A_857 = arith.constant 8 : i32
      %div3A_858 = arith.divsi %add3A_85, %jit3A_857 : i32
      %sign3A_859 = arith.constant 0 : i32
      %sign3A_860 = arith.cmpi sgt, %add3A_85, %sign3A_859 : i32
      %sign3A_861 = arith.extui %sign3A_860 : i1 to i32
      %sign3A_862 = arith.constant 0 : i32
      %sign3A_863 = arith.cmpi slt, %add3A_85, %sign3A_862 : i32
      %sign3A_864 = arith.extui %sign3A_863 : i1 to i32
      %sign3A_865 = arith.subi %sign3A_861, %sign3A_864 : i32
      %sign3A_866 = arith.constant 0 : i32
      %sign3A_867 = arith.cmpi sgt, %jit3A_857, %sign3A_866 : i32
      %sign3A_868 = arith.extui %sign3A_867 : i1 to i32
      %sign3A_869 = arith.constant 0 : i32
      %sign3A_870 = arith.cmpi slt, %jit3A_857, %sign3A_869 : i32
      %sign3A_871 = arith.extui %sign3A_870 : i1 to i32
      %sign3A_872 = arith.subi %sign3A_868, %sign3A_871 : i32
      %ne3A_873 = arith.cmpi ne, %sign3A_865, %sign3A_872 : i32
      %rem3A_874 = arith.remsi %add3A_85, %jit3A_857 : i32
      %ne3A_875 = arith.constant 0 : i32
      %ne3A_876 = arith.cmpi ne, %rem3A_874, %ne3A_875 : i32
      %and3A_877 = arith.andi %ne3A_873, %ne3A_876 : i1
      %sub3A_878 = arith.constant 1 : i32
      %sub3A_879 = arith.subi %div3A_858, %sub3A_878 : i32
      %select_n3A_880 = arith.select %and3A_877, %sub3A_879, %div3A_858 : i32
      %jit3A_881 = arith.constant 8 : i32
      %eq3A_882 = arith.constant 0 : i32
      %eq3A_883 = arith.cmpi eq, %jit3A_881, %eq3A_882 : i32
      %jit3A_884 = arith.constant 1 : i32
      %select_n3A_885 = arith.select %eq3A_883, %jit3A_884, %jit3A_881 : i32
      %rem3A_886 = arith.remsi %add3A_85, %select_n3A_885 : i32
      %ne3A_887 = arith.constant 0 : i32
      %ne3A_888 = arith.cmpi ne, %rem3A_886, %ne3A_887 : i32
      %lt3A_889 = arith.constant 0 : i32
      %lt3A_890 = arith.cmpi slt, %rem3A_886, %lt3A_889 : i32
      %lt3A_891 = arith.constant 0 : i32
      %lt3A_892 = arith.cmpi slt, %select_n3A_885, %lt3A_891 : i32
      %ne3A_893 = arith.xori %lt3A_890, %lt3A_892 : i1
      %and3A_894 = arith.andi %ne3A_893, %ne3A_888 : i1
      %add3A_895 = arith.addi %rem3A_886, %select_n3A_885 : i32
      %select_n3A_896 = arith.select %and3A_894, %add3A_895, %rem3A_886 : i32
      %dma_start3A_897 = arith.constant 1 : i32
      %dma_start3A_898 = arith.constant 0 : i32
      %dma_start3A_899 = arith.constant 0 : i32
      %dma_start3A_900 = tpu.memref_slice %arg7[%dma_start3A_897, %dma_start3A_898, %dma_start3A_899] : memref<2x32x128xf32, #tpu.memory_space<vmem>> -> memref<1x32x128xf32, #tpu.memory_space<vmem>>
      %dma_start3A_901 = tpu.memref_squeeze %dma_start3A_900 : memref<1x32x128xf32, #tpu.memory_space<vmem>> -> memref<32x128xf32, #tpu.memory_space<vmem>>
      %dma_start3A_902 = arith.constant 0 : i32
      %dma_start3A_903 = arith.constant 0 : i32
      %dma_start3A_904 = tpu.memref_slice %arg4[%add3A_814, %select_n3A_880, %dma_start3A_902, %select_n3A_896, %dma_start3A_903] : memref<200x8x32x8x128xf32, #tpu.memory_space<hbm>> -> memref<1x1x32x1x128xf32, #tpu.memory_space<hbm>>
      %dma_start3A_905 = tpu.memref_squeeze %dma_start3A_904 : memref<1x1x32x1x128xf32, #tpu.memory_space<hbm>> -> memref<32x128xf32, #tpu.memory_space<hbm>>
      %dma_start3A_906 = arith.constant 0 : i32
      %dma_start3A_907 = arith.constant 0 : i32
      %dma_start3A_908 = tpu.memref_slice %arg4[%add3A_814, %select_n3A_880, %dma_start3A_906, %select_n3A_896, %dma_start3A_907] : memref<200x8x32x8x128xf32, #tpu.memory_space<hbm>> -> memref<1x1x32x1x128xf32, #tpu.memory_space<hbm>>
      %dma_start3A_909 = tpu.memref_squeeze %dma_start3A_908 : memref<1x1x32x1x128xf32, #tpu.memory_space<hbm>> -> memref<32x128xf32, #tpu.memory_space<hbm>>
      %dma_start3A_910 = arith.constant 0 : i32
      %dma_start3A_911 = arith.constant 0 : i32
      %dma_start3A_912 = tpu.memref_slice %arg7[%dma_start3A_897, %dma_start3A_910, %dma_start3A_911] : memref<2x32x128xf32, #tpu.memory_space<vmem>> -> memref<1x32x128xf32, #tpu.memory_space<vmem>>
      %dma_start3A_913 = tpu.memref_squeeze %dma_start3A_912 : memref<1x32x128xf32, #tpu.memory_space<vmem>> -> memref<32x128xf32, #tpu.memory_space<vmem>>
      tpu.enqueue_dma source(%dma_start3A_913 : memref<32x128xf32, #tpu.memory_space<vmem>>) target(%dma_start3A_909 : memref<32x128xf32, #tpu.memory_space<hbm>>) target_semaphore(%arg14 : memref<!tpu.dma_semaphore, #tpu.memory_space<semaphore_mem>>)
      %mul3A_914 = arith.constant 8 : i32
      %mul3A_915 = arith.muli %scan3A_176, %mul3A_914 : i32
      %add3A_916 = arith.constant 6 : i32
      %add3A_917 = arith.addi %mul3A_915, %add3A_916 : i32
      %dma_wait3A_918 = arith.constant 0 : i32
      %dma_wait3A_919 = arith.constant 0 : i32
      %dma_wait3A_920 = arith.constant 2 : i32
      %dma_wait3A_921 = arith.constant 0 : i32
      %dma_wait3A_922 = arith.constant 0 : i32
      %dma_wait3A_923 = tpu.memref_slice %arg6[%dma_wait3A_920, %dma_wait3A_921, %dma_wait3A_922] : memref<4x32x128xi32, #tpu.memory_space<vmem>> -> memref<1x32x128xi32, #tpu.memory_space<vmem>>
      %dma_wait3A_924 = tpu.memref_squeeze %dma_wait3A_923 : memref<1x32x128xi32, #tpu.memory_space<vmem>> -> memref<32x128xi32, #tpu.memory_space<vmem>>
      %dma_wait3A_925 = arith.constant 0 : i32
      %dma_wait3A_926 = arith.constant 0 : i32
      %dma_wait3A_927 = tpu.memref_slice %arg8[%dma_wait3A_918, %dma_wait3A_925, %dma_wait3A_919, %dma_wait3A_926] : memref<2x32x8x128xi32, #tpu.memory_space<vmem_shared>> -> memref<1x32x1x128xi32, #tpu.memory_space<vmem_shared>>
      %dma_wait3A_928 = tpu.memref_squeeze %dma_wait3A_927 : memref<1x32x1x128xi32, #tpu.memory_space<vmem_shared>> -> memref<32x128xi32, #tpu.memory_space<vmem_shared>>
      %dma_wait3A_929 = arith.constant 0 : i32
      %dma_wait3A_930 = arith.constant 0 : i32
      %dma_wait3A_931 = tpu.memref_slice %arg6[%dma_wait3A_920, %dma_wait3A_929, %dma_wait3A_930] : memref<4x32x128xi32, #tpu.memory_space<vmem>> -> memref<1x32x128xi32, #tpu.memory_space<vmem>>
      %dma_wait3A_932 = tpu.memref_squeeze %dma_wait3A_931 : memref<1x32x128xi32, #tpu.memory_space<vmem>> -> memref<32x128xi32, #tpu.memory_space<vmem>>
      %dma_wait3A_933 = arith.constant 0 : i32
      %dma_wait3A_934 = arith.constant 0 : i32
      %dma_wait3A_935 = tpu.memref_slice %arg8[%dma_wait3A_918, %dma_wait3A_933, %dma_wait3A_919, %dma_wait3A_934] : memref<2x32x8x128xi32, #tpu.memory_space<vmem_shared>> -> memref<1x32x1x128xi32, #tpu.memory_space<vmem_shared>>
      %dma_wait3A_936 = tpu.memref_squeeze %dma_wait3A_935 : memref<1x32x1x128xi32, #tpu.memory_space<vmem_shared>> -> memref<32x128xi32, #tpu.memory_space<vmem_shared>>
      tpu.wait_dma2 semaphore(%arg11 : memref<!tpu.dma_semaphore, #tpu.memory_space<semaphore_mem>>) src(%dma_wait3A_936 : memref<32x128xi32, #tpu.memory_space<vmem_shared>>) dst(%dma_wait3A_932 : memref<32x128xi32, #tpu.memory_space<vmem>>)
      %dma_wait3A_937 = arith.constant 0 : i32
      %dma_wait3A_938 = arith.constant 0 : i32
      %dma_wait3A_939 = arith.constant 0 : i32
      %dma_wait3A_940 = arith.constant 0 : i32
      %dma_wait3A_941 = arith.constant 0 : i32
      %dma_wait3A_942 = arith.constant 0 : i32
      %dma_wait3A_943 = tpu.memref_slice %arg7[%dma_wait3A_937, %dma_wait3A_941, %dma_wait3A_942] : memref<2x32x128xf32, #tpu.memory_space<vmem>> -> memref<1x32x128xf32, #tpu.memory_space<vmem>>
      %dma_wait3A_944 = tpu.memref_squeeze %dma_wait3A_943 : memref<1x32x128xf32, #tpu.memory_space<vmem>> -> memref<32x128xf32, #tpu.memory_space<vmem>>
      %dma_wait3A_945 = arith.constant 0 : i32
      %dma_wait3A_946 = arith.constant 0 : i32
      %dma_wait3A_947 = tpu.memref_slice %arg4[%dma_wait3A_938, %dma_wait3A_939, %dma_wait3A_945, %dma_wait3A_940, %dma_wait3A_946] : memref<200x8x32x8x128xf32, #tpu.memory_space<hbm>> -> memref<1x1x32x1x128xf32, #tpu.memory_space<hbm>>
      %dma_wait3A_948 = tpu.memref_squeeze %dma_wait3A_947 : memref<1x1x32x1x128xf32, #tpu.memory_space<hbm>> -> memref<32x128xf32, #tpu.memory_space<hbm>>
      %dma_wait3A_949 = arith.constant 0 : i32
      %dma_wait3A_950 = arith.constant 0 : i32
      %dma_wait3A_951 = tpu.memref_slice %arg4[%dma_wait3A_938, %dma_wait3A_939, %dma_wait3A_949, %dma_wait3A_940, %dma_wait3A_950] : memref<200x8x32x8x128xf32, #tpu.memory_space<hbm>> -> memref<1x1x32x1x128xf32, #tpu.memory_space<hbm>>
      %dma_wait3A_952 = tpu.memref_squeeze %dma_wait3A_951 : memref<1x1x32x1x128xf32, #tpu.memory_space<hbm>> -> memref<32x128xf32, #tpu.memory_space<hbm>>
      %dma_wait3A_953 = arith.constant 0 : i32
      %dma_wait3A_954 = arith.constant 0 : i32
      %dma_wait3A_955 = tpu.memref_slice %arg7[%dma_wait3A_937, %dma_wait3A_953, %dma_wait3A_954] : memref<2x32x128xf32, #tpu.memory_space<vmem>> -> memref<1x32x128xf32, #tpu.memory_space<vmem>>
      %dma_wait3A_956 = tpu.memref_squeeze %dma_wait3A_955 : memref<1x32x128xf32, #tpu.memory_space<vmem>> -> memref<32x128xf32, #tpu.memory_space<vmem>>
      tpu.wait_dma2 semaphore(%arg13 : memref<!tpu.dma_semaphore, #tpu.memory_space<semaphore_mem>>) src(%dma_wait3A_956 : memref<32x128xf32, #tpu.memory_space<vmem>>) dst(%dma_wait3A_952 : memref<32x128xf32, #tpu.memory_space<hbm>>)
      %parallel_loop3A_957 = arith.constant 0 : i32
      %parallel_loop3A_958 = arith.constant 4096 : i32
      %parallel_loop3A_959 = arith.constant 16 : i32
      scf.for %parallel_loop3A_1127 = %parallel_loop3A_957 to %parallel_loop3A_958 step %parallel_loop3A_959  : i32 {
        %parallel_loop3A_1128 = arith.constant 128 : i32
        %parallel_loop3A_1129 = arith.divsi %parallel_loop3A_1127, %parallel_loop3A_1128 : i32
        %parallel_loop3A_1130 = arith.constant 0 : i32
        %parallel_loop3A_1131 = arith.cmpi sgt, %parallel_loop3A_1127, %parallel_loop3A_1130 : i32
        %parallel_loop3A_1132 = arith.extui %parallel_loop3A_1131 : i1 to i32
        %parallel_loop3A_1133 = arith.constant 0 : i32
        %parallel_loop3A_1134 = arith.cmpi slt, %parallel_loop3A_1127, %parallel_loop3A_1133 : i32
        %parallel_loop3A_1135 = arith.extui %parallel_loop3A_1134 : i1 to i32
        %parallel_loop3A_1136 = arith.subi %parallel_loop3A_1132, %parallel_loop3A_1135 : i32
        %parallel_loop3A_1137 = arith.constant 0 : i32
        %parallel_loop3A_1138 = arith.cmpi sgt, %parallel_loop3A_1128, %parallel_loop3A_1137 : i32
        %parallel_loop3A_1139 = arith.extui %parallel_loop3A_1138 : i1 to i32
        %parallel_loop3A_1140 = arith.constant 0 : i32
        %parallel_loop3A_1141 = arith.cmpi slt, %parallel_loop3A_1128, %parallel_loop3A_1140 : i32
        %parallel_loop3A_1142 = arith.extui %parallel_loop3A_1141 : i1 to i32
        %parallel_loop3A_1143 = arith.subi %parallel_loop3A_1139, %parallel_loop3A_1142 : i32
        %parallel_loop3A_1144 = arith.cmpi ne, %parallel_loop3A_1136, %parallel_loop3A_1143 : i32
        %parallel_loop3A_1145 = arith.remsi %parallel_loop3A_1127, %parallel_loop3A_1128 : i32
        %parallel_loop3A_1146 = arith.constant 0 : i32
        %parallel_loop3A_1147 = arith.cmpi ne, %parallel_loop3A_1145, %parallel_loop3A_1146 : i32
        %parallel_loop3A_1148 = arith.andi %parallel_loop3A_1144, %parallel_loop3A_1147 : i1
        %parallel_loop3A_1149 = arith.constant 1 : i32
        %parallel_loop3A_1150 = arith.subi %parallel_loop3A_1129, %parallel_loop3A_1149 : i32
        %parallel_loop3A_1151 = arith.select %parallel_loop3A_1148, %parallel_loop3A_1150, %parallel_loop3A_1129 : i32
        %parallel_loop3A_1152 = arith.constant 128 : i32
        %parallel_loop3A_1153 = arith.constant 0 : i32
        %parallel_loop3A_1154 = arith.cmpi eq, %parallel_loop3A_1152, %parallel_loop3A_1153 : i32
        %parallel_loop3A_1155 = arith.constant 1 : i32
        %parallel_loop3A_1156 = arith.select %parallel_loop3A_1154, %parallel_loop3A_1155, %parallel_loop3A_1152 : i32
        %parallel_loop3A_1157 = arith.remsi %parallel_loop3A_1127, %parallel_loop3A_1156 : i32
        %parallel_loop3A_1158 = arith.constant 0 : i32
        %parallel_loop3A_1159 = arith.cmpi ne, %parallel_loop3A_1157, %parallel_loop3A_1158 : i32
        %parallel_loop3A_1160 = arith.constant 0 : i32
        %parallel_loop3A_1161 = arith.cmpi slt, %parallel_loop3A_1157, %parallel_loop3A_1160 : i32
        %parallel_loop3A_1162 = arith.constant 0 : i32
        %parallel_loop3A_1163 = arith.cmpi slt, %parallel_loop3A_1156, %parallel_loop3A_1162 : i32
        %parallel_loop3A_1164 = arith.xori %parallel_loop3A_1161, %parallel_loop3A_1163 : i1
        %parallel_loop3A_1165 = arith.andi %parallel_loop3A_1164, %parallel_loop3A_1159 : i1
        %parallel_loop3A_1166 = arith.addi %parallel_loop3A_1157, %parallel_loop3A_1156 : i32
        %parallel_loop3A_1167 = arith.select %parallel_loop3A_1165, %parallel_loop3A_1166, %parallel_loop3A_1157 : i32
        %parallel_loop3A_1168 = arith.constant 2 : i32
        %parallel_loop3A_1169 = arith.index_cast %parallel_loop3A_1168 : i32 to index
        %parallel_loop3A_1170 = arith.index_cast %parallel_loop3A_1151 : i32 to index
        %parallel_loop3A_1171 = arith.index_cast %parallel_loop3A_1167 : i32 to index
        %parallel_loop3A_1172 = tpu.vector_load %arg6[%parallel_loop3A_1169, %parallel_loop3A_1170, %parallel_loop3A_1171] {strides = array<i32>} : memref<4x32x128xi32, #tpu.memory_space<vmem>>, vector<16xi32>,
        %parallel_loop3A_1173 = arith.constant 7 : i32
        %parallel_loop3A_1174 = vector.broadcast %parallel_loop3A_1173 : i32 to vector<16xi32>
        %parallel_loop3A_1175 = arith.shrsi %parallel_loop3A_1172, %parallel_loop3A_1174 : vector<16xi32>
        %parallel_loop3A_1176 = arith.constant 127 : i32
        %parallel_loop3A_1177 = vector.broadcast %parallel_loop3A_1176 : i32 to vector<16xi32>
        %parallel_loop3A_1178 = arith.andi %parallel_loop3A_1172, %parallel_loop3A_1177 : vector<16xi32>
        %parallel_loop3A_1179 = tpu.vector_load_idx %arg5[%parallel_loop3A_1175, %parallel_loop3A_1178] : memref<782x128xf32, #tpu.memory_space<vmem>>[vector<16xi32>, vector<16xi32>], vector<16xf32>,
        %parallel_loop3A_1180 = arith.constant 128 : i32
        %parallel_loop3A_1181 = arith.divsi %parallel_loop3A_1127, %parallel_loop3A_1180 : i32
        %parallel_loop3A_1182 = arith.constant 0 : i32
        %parallel_loop3A_1183 = arith.cmpi sgt, %parallel_loop3A_1127, %parallel_loop3A_1182 : i32
        %parallel_loop3A_1184 = arith.extui %parallel_loop3A_1183 : i1 to i32
        %parallel_loop3A_1185 = arith.constant 0 : i32
        %parallel_loop3A_1186 = arith.cmpi slt, %parallel_loop3A_1127, %parallel_loop3A_1185 : i32
        %parallel_loop3A_1187 = arith.extui %parallel_loop3A_1186 : i1 to i32
        %parallel_loop3A_1188 = arith.subi %parallel_loop3A_1184, %parallel_loop3A_1187 : i32
        %parallel_loop3A_1189 = arith.constant 0 : i32
        %parallel_loop3A_1190 = arith.cmpi sgt, %parallel_loop3A_1180, %parallel_loop3A_1189 : i32
        %parallel_loop3A_1191 = arith.extui %parallel_loop3A_1190 : i1 to i32
        %parallel_loop3A_1192 = arith.constant 0 : i32
        %parallel_loop3A_1193 = arith.cmpi slt, %parallel_loop3A_1180, %parallel_loop3A_1192 : i32
        %parallel_loop3A_1194 = arith.extui %parallel_loop3A_1193 : i1 to i32
        %parallel_loop3A_1195 = arith.subi %parallel_loop3A_1191, %parallel_loop3A_1194 : i32
        %parallel_loop3A_1196 = arith.cmpi ne, %parallel_loop3A_1188, %parallel_loop3A_1195 : i32
        %parallel_loop3A_1197 = arith.remsi %parallel_loop3A_1127, %parallel_loop3A_1180 : i32
        %parallel_loop3A_1198 = arith.constant 0 : i32
        %parallel_loop3A_1199 = arith.cmpi ne, %parallel_loop3A_1197, %parallel_loop3A_1198 : i32
        %parallel_loop3A_1200 = arith.andi %parallel_loop3A_1196, %parallel_loop3A_1199 : i1
        %parallel_loop3A_1201 = arith.constant 1 : i32
        %parallel_loop3A_1202 = arith.subi %parallel_loop3A_1181, %parallel_loop3A_1201 : i32
        %parallel_loop3A_1203 = arith.select %parallel_loop3A_1200, %parallel_loop3A_1202, %parallel_loop3A_1181 : i32
        %parallel_loop3A_1204 = arith.constant 128 : i32
        %parallel_loop3A_1205 = arith.constant 0 : i32
        %parallel_loop3A_1206 = arith.cmpi eq, %parallel_loop3A_1204, %parallel_loop3A_1205 : i32
        %parallel_loop3A_1207 = arith.constant 1 : i32
        %parallel_loop3A_1208 = arith.select %parallel_loop3A_1206, %parallel_loop3A_1207, %parallel_loop3A_1204 : i32
        %parallel_loop3A_1209 = arith.remsi %parallel_loop3A_1127, %parallel_loop3A_1208 : i32
        %parallel_loop3A_1210 = arith.constant 0 : i32
        %parallel_loop3A_1211 = arith.cmpi ne, %parallel_loop3A_1209, %parallel_loop3A_1210 : i32
        %parallel_loop3A_1212 = arith.constant 0 : i32
        %parallel_loop3A_1213 = arith.cmpi slt, %parallel_loop3A_1209, %parallel_loop3A_1212 : i32
        %parallel_loop3A_1214 = arith.constant 0 : i32
        %parallel_loop3A_1215 = arith.cmpi slt, %parallel_loop3A_1208, %parallel_loop3A_1214 : i32
        %parallel_loop3A_1216 = arith.xori %parallel_loop3A_1213, %parallel_loop3A_1215 : i1
        %parallel_loop3A_1217 = arith.andi %parallel_loop3A_1216, %parallel_loop3A_1211 : i1
        %parallel_loop3A_1218 = arith.addi %parallel_loop3A_1209, %parallel_loop3A_1208 : i32
        %parallel_loop3A_1219 = arith.select %parallel_loop3A_1217, %parallel_loop3A_1218, %parallel_loop3A_1209 : i32
        %parallel_loop3A_1220 = arith.constant 0 : i32
        %parallel_loop3A_1221 = arith.index_cast %parallel_loop3A_1220 : i32 to index
        %parallel_loop3A_1222 = arith.index_cast %parallel_loop3A_1203 : i32 to index
        %parallel_loop3A_1223 = arith.index_cast %parallel_loop3A_1219 : i32 to index
        %parallel_loop3A_1224 = tpu.vector_load %arg7[%parallel_loop3A_1221, %parallel_loop3A_1222, %parallel_loop3A_1223] {strides = array<i32>} : memref<2x32x128xf32, #tpu.memory_space<vmem>>, vector<16xf32>,
        tpu.vector_store %arg7[%parallel_loop3A_1221, %parallel_loop3A_1222, %parallel_loop3A_1223], %parallel_loop3A_1179 {strides = array<i32>} : memref<2x32x128xf32, #tpu.memory_space<vmem>>, vector<16xf32>,
      } {sc.loop_unroll_factor = 16 : i64, sc.parallel_access}
      %jit3A_960 = arith.constant 8 : i32
      %div3A_961 = arith.divsi %add3A_85, %jit3A_960 : i32
      %sign3A_962 = arith.constant 0 : i32
      %sign3A_963 = arith.cmpi sgt, %add3A_85, %sign3A_962 : i32
      %sign3A_964 = arith.extui %sign3A_963 : i1 to i32
      %sign3A_965 = arith.constant 0 : i32
      %sign3A_966 = arith.cmpi slt, %add3A_85, %sign3A_965 : i32
      %sign3A_967 = arith.extui %sign3A_966 : i1 to i32
      %sign3A_968 = arith.subi %sign3A_964, %sign3A_967 : i32
      %sign3A_969 = arith.constant 0 : i32
      %sign3A_970 = arith.cmpi sgt, %jit3A_960, %sign3A_969 : i32
      %sign3A_971 = arith.extui %sign3A_970 : i1 to i32
      %sign3A_972 = arith.constant 0 : i32
      %sign3A_973 = arith.cmpi slt, %jit3A_960, %sign3A_972 : i32
      %sign3A_974 = arith.extui %sign3A_973 : i1 to i32
      %sign3A_975 = arith.subi %sign3A_971, %sign3A_974 : i32
      %ne3A_976 = arith.cmpi ne, %sign3A_968, %sign3A_975 : i32
      %rem3A_977 = arith.remsi %add3A_85, %jit3A_960 : i32
      %ne3A_978 = arith.constant 0 : i32
      %ne3A_979 = arith.cmpi ne, %rem3A_977, %ne3A_978 : i32
      %and3A_980 = arith.andi %ne3A_976, %ne3A_979 : i1
      %sub3A_981 = arith.constant 1 : i32
      %sub3A_982 = arith.subi %div3A_961, %sub3A_981 : i32
      %select_n3A_983 = arith.select %and3A_980, %sub3A_982, %div3A_961 : i32
      %jit3A_984 = arith.constant 8 : i32
      %eq3A_985 = arith.constant 0 : i32
      %eq3A_986 = arith.cmpi eq, %jit3A_984, %eq3A_985 : i32
      %jit3A_987 = arith.constant 1 : i32
      %select_n3A_988 = arith.select %eq3A_986, %jit3A_987, %jit3A_984 : i32
      %rem3A_989 = arith.remsi %add3A_85, %select_n3A_988 : i32
      %ne3A_990 = arith.constant 0 : i32
      %ne3A_991 = arith.cmpi ne, %rem3A_989, %ne3A_990 : i32
      %lt3A_992 = arith.constant 0 : i32
      %lt3A_993 = arith.cmpi slt, %rem3A_989, %lt3A_992 : i32
      %lt3A_994 = arith.constant 0 : i32
      %lt3A_995 = arith.cmpi slt, %select_n3A_988, %lt3A_994 : i32
      %ne3A_996 = arith.xori %lt3A_993, %lt3A_995 : i1
      %and3A_997 = arith.andi %ne3A_996, %ne3A_991 : i1
      %add3A_998 = arith.addi %rem3A_989, %select_n3A_988 : i32
      %select_n3A_999 = arith.select %and3A_997, %add3A_998, %rem3A_989 : i32
      %dma_start3A_1000 = arith.constant 0 : i32
      %dma_start3A_1001 = arith.constant 0 : i32
      %dma_start3A_1002 = arith.constant 0 : i32
      %dma_start3A_1003 = tpu.memref_slice %arg7[%dma_start3A_1000, %dma_start3A_1001, %dma_start3A_1002] : memref<2x32x128xf32, #tpu.memory_space<vmem>> -> memref<1x32x128xf32, #tpu.memory_space<vmem>>
      %dma_start3A_1004 = tpu.memref_squeeze %dma_start3A_1003 : memref<1x32x128xf32, #tpu.memory_space<vmem>> -> memref<32x128xf32, #tpu.memory_space<vmem>>
      %dma_start3A_1005 = arith.constant 0 : i32
      %dma_start3A_1006 = arith.constant 0 : i32
      %dma_start3A_1007 = tpu.memref_slice %arg4[%add3A_917, %select_n3A_983, %dma_start3A_1005, %select_n3A_999, %dma_start3A_1006] : memref<200x8x32x8x128xf32, #tpu.memory_space<hbm>> -> memref<1x1x32x1x128xf32, #tpu.memory_space<hbm>>
      %dma_start3A_1008 = tpu.memref_squeeze %dma_start3A_1007 : memref<1x1x32x1x128xf32, #tpu.memory_space<hbm>> -> memref<32x128xf32, #tpu.memory_space<hbm>>
      %dma_start3A_1009 = arith.constant 0 : i32
      %dma_start3A_1010 = arith.constant 0 : i32
      %dma_start3A_1011 = tpu.memref_slice %arg4[%add3A_917, %select_n3A_983, %dma_start3A_1009, %select_n3A_999, %dma_start3A_1010] : memref<200x8x32x8x128xf32, #tpu.memory_space<hbm>> -> memref<1x1x32x1x128xf32, #tpu.memory_space<hbm>>
      %dma_start3A_1012 = tpu.memref_squeeze %dma_start3A_1011 : memref<1x1x32x1x128xf32, #tpu.memory_space<hbm>> -> memref<32x128xf32, #tpu.memory_space<hbm>>
      %dma_start3A_1013 = arith.constant 0 : i32
      %dma_start3A_1014 = arith.constant 0 : i32
      %dma_start3A_1015 = tpu.memref_slice %arg7[%dma_start3A_1000, %dma_start3A_1013, %dma_start3A_1014] : memref<2x32x128xf32, #tpu.memory_space<vmem>> -> memref<1x32x128xf32, #tpu.memory_space<vmem>>
      %dma_start3A_1016 = tpu.memref_squeeze %dma_start3A_1015 : memref<1x32x128xf32, #tpu.memory_space<vmem>> -> memref<32x128xf32, #tpu.memory_space<vmem>>
      tpu.enqueue_dma source(%dma_start3A_1016 : memref<32x128xf32, #tpu.memory_space<vmem>>) target(%dma_start3A_1012 : memref<32x128xf32, #tpu.memory_space<hbm>>) target_semaphore(%arg13 : memref<!tpu.dma_semaphore, #tpu.memory_space<semaphore_mem>>)
      %mul3A_1017 = arith.constant 8 : i32
      %mul3A_1018 = arith.muli %scan3A_176, %mul3A_1017 : i32
      %add3A_1019 = arith.constant 7 : i32
      %add3A_1020 = arith.addi %mul3A_1018, %add3A_1019 : i32
      %dma_wait3A_1021 = arith.constant 0 : i32
      %dma_wait3A_1022 = arith.constant 0 : i32
      %dma_wait3A_1023 = arith.constant 3 : i32
      %dma_wait3A_1024 = arith.constant 0 : i32
      %dma_wait3A_1025 = arith.constant 0 : i32
      %dma_wait3A_1026 = tpu.memref_slice %arg6[%dma_wait3A_1023, %dma_wait3A_1024, %dma_wait3A_1025] : memref<4x32x128xi32, #tpu.memory_space<vmem>> -> memref<1x32x128xi32, #tpu.memory_space<vmem>>
      %dma_wait3A_1027 = tpu.memref_squeeze %dma_wait3A_1026 : memref<1x32x128xi32, #tpu.memory_space<vmem>> -> memref<32x128xi32, #tpu.memory_space<vmem>>
      %dma_wait3A_1028 = arith.constant 0 : i32
      %dma_wait3A_1029 = arith.constant 0 : i32
      %dma_wait3A_1030 = tpu.memref_slice %arg8[%dma_wait3A_1021, %dma_wait3A_1028, %dma_wait3A_1022, %dma_wait3A_1029] : memref<2x32x8x128xi32, #tpu.memory_space<vmem_shared>> -> memref<1x32x1x128xi32, #tpu.memory_space<vmem_shared>>
      %dma_wait3A_1031 = tpu.memref_squeeze %dma_wait3A_1030 : memref<1x32x1x128xi32, #tpu.memory_space<vmem_shared>> -> memref<32x128xi32, #tpu.memory_space<vmem_shared>>
      %dma_wait3A_1032 = arith.constant 0 : i32
      %dma_wait3A_1033 = arith.constant 0 : i32
      %dma_wait3A_1034 = tpu.memref_slice %arg6[%dma_wait3A_1023, %dma_wait3A_1032, %dma_wait3A_1033] : memref<4x32x128xi32, #tpu.memory_space<vmem>> -> memref<1x32x128xi32, #tpu.memory_space<vmem>>
      %dma_wait3A_1035 = tpu.memref_squeeze %dma_wait3A_1034 : memref<1x32x128xi32, #tpu.memory_space<vmem>> -> memref<32x128xi32, #tpu.memory_space<vmem>>
      %dma_wait3A_1036 = arith.constant 0 : i32
      %dma_wait3A_1037 = arith.constant 0 : i32
      %dma_wait3A_1038 = tpu.memref_slice %arg8[%dma_wait3A_1021, %dma_wait3A_1036, %dma_wait3A_1022, %dma_wait3A_1037] : memref<2x32x8x128xi32, #tpu.memory_space<vmem_shared>> -> memref<1x32x1x128xi32, #tpu.memory_space<vmem_shared>>
      %dma_wait3A_1039 = tpu.memref_squeeze %dma_wait3A_1038 : memref<1x32x1x128xi32, #tpu.memory_space<vmem_shared>> -> memref<32x128xi32, #tpu.memory_space<vmem_shared>>
      tpu.wait_dma2 semaphore(%arg12 : memref<!tpu.dma_semaphore, #tpu.memory_space<semaphore_mem>>) src(%dma_wait3A_1039 : memref<32x128xi32, #tpu.memory_space<vmem_shared>>) dst(%dma_wait3A_1035 : memref<32x128xi32, #tpu.memory_space<vmem>>)
      %dma_wait3A_1040 = arith.constant 1 : i32
      %dma_wait3A_1041 = arith.constant 0 : i32
      %dma_wait3A_1042 = arith.constant 0 : i32
      %dma_wait3A_1043 = arith.constant 0 : i32
      %dma_wait3A_1044 = arith.constant 0 : i32
      %dma_wait3A_1045 = arith.constant 0 : i32
      %dma_wait3A_1046 = tpu.memref_slice %arg7[%dma_wait3A_1040, %dma_wait3A_1044, %dma_wait3A_1045] : memref<2x32x128xf32, #tpu.memory_space<vmem>> -> memref<1x32x128xf32, #tpu.memory_space<vmem>>
      %dma_wait3A_1047 = tpu.memref_squeeze %dma_wait3A_1046 : memref<1x32x128xf32, #tpu.memory_space<vmem>> -> memref<32x128xf32, #tpu.memory_space<vmem>>
      %dma_wait3A_1048 = arith.constant 0 : i32
      %dma_wait3A_1049 = arith.constant 0 : i32
      %dma_wait3A_1050 = tpu.memref_slice %arg4[%dma_wait3A_1041, %dma_wait3A_1042, %dma_wait3A_1048, %dma_wait3A_1043, %dma_wait3A_1049] : memref<200x8x32x8x128xf32, #tpu.memory_space<hbm>> -> memref<1x1x32x1x128xf32, #tpu.memory_space<hbm>>
      %dma_wait3A_1051 = tpu.memref_squeeze %dma_wait3A_1050 : memref<1x1x32x1x128xf32, #tpu.memory_space<hbm>> -> memref<32x128xf32, #tpu.memory_space<hbm>>
      %dma_wait3A_1052 = arith.constant 0 : i32
      %dma_wait3A_1053 = arith.constant 0 : i32
      %dma_wait3A_1054 = tpu.memref_slice %arg4[%dma_wait3A_1041, %dma_wait3A_1042, %dma_wait3A_1052, %dma_wait3A_1043, %dma_wait3A_1053] : memref<200x8x32x8x128xf32, #tpu.memory_space<hbm>> -> memref<1x1x32x1x128xf32, #tpu.memory_space<hbm>>
      %dma_wait3A_1055 = tpu.memref_squeeze %dma_wait3A_1054 : memref<1x1x32x1x128xf32, #tpu.memory_space<hbm>> -> memref<32x128xf32, #tpu.memory_space<hbm>>
      %dma_wait3A_1056 = arith.constant 0 : i32
      %dma_wait3A_1057 = arith.constant 0 : i32
      %dma_wait3A_1058 = tpu.memref_slice %arg7[%dma_wait3A_1040, %dma_wait3A_1056, %dma_wait3A_1057] : memref<2x32x128xf32, #tpu.memory_space<vmem>> -> memref<1x32x128xf32, #tpu.memory_space<vmem>>
      %dma_wait3A_1059 = tpu.memref_squeeze %dma_wait3A_1058 : memref<1x32x128xf32, #tpu.memory_space<vmem>> -> memref<32x128xf32, #tpu.memory_space<vmem>>
      tpu.wait_dma2 semaphore(%arg14 : memref<!tpu.dma_semaphore, #tpu.memory_space<semaphore_mem>>) src(%dma_wait3A_1059 : memref<32x128xf32, #tpu.memory_space<vmem>>) dst(%dma_wait3A_1055 : memref<32x128xf32, #tpu.memory_space<hbm>>)
      %parallel_loop3A_1060 = arith.constant 0 : i32
      %parallel_loop3A_1061 = arith.constant 4096 : i32
      %parallel_loop3A_1062 = arith.constant 16 : i32
      scf.for %parallel_loop3A_1127 = %parallel_loop3A_1060 to %parallel_loop3A_1061 step %parallel_loop3A_1062  : i32 {
        %parallel_loop3A_1128 = arith.constant 128 : i32
        %parallel_loop3A_1129 = arith.divsi %parallel_loop3A_1127, %parallel_loop3A_1128 : i32
        %parallel_loop3A_1130 = arith.constant 0 : i32
        %parallel_loop3A_1131 = arith.cmpi sgt, %parallel_loop3A_1127, %parallel_loop3A_1130 : i32
        %parallel_loop3A_1132 = arith.extui %parallel_loop3A_1131 : i1 to i32
        %parallel_loop3A_1133 = arith.constant 0 : i32
        %parallel_loop3A_1134 = arith.cmpi slt, %parallel_loop3A_1127, %parallel_loop3A_1133 : i32
        %parallel_loop3A_1135 = arith.extui %parallel_loop3A_1134 : i1 to i32
        %parallel_loop3A_1136 = arith.subi %parallel_loop3A_1132, %parallel_loop3A_1135 : i32
        %parallel_loop3A_1137 = arith.constant 0 : i32
        %parallel_loop3A_1138 = arith.cmpi sgt, %parallel_loop3A_1128, %parallel_loop3A_1137 : i32
        %parallel_loop3A_1139 = arith.extui %parallel_loop3A_1138 : i1 to i32
        %parallel_loop3A_1140 = arith.constant 0 : i32
        %parallel_loop3A_1141 = arith.cmpi slt, %parallel_loop3A_1128, %parallel_loop3A_1140 : i32
        %parallel_loop3A_1142 = arith.extui %parallel_loop3A_1141 : i1 to i32
        %parallel_loop3A_1143 = arith.subi %parallel_loop3A_1139, %parallel_loop3A_1142 : i32
        %parallel_loop3A_1144 = arith.cmpi ne, %parallel_loop3A_1136, %parallel_loop3A_1143 : i32
        %parallel_loop3A_1145 = arith.remsi %parallel_loop3A_1127, %parallel_loop3A_1128 : i32
        %parallel_loop3A_1146 = arith.constant 0 : i32
        %parallel_loop3A_1147 = arith.cmpi ne, %parallel_loop3A_1145, %parallel_loop3A_1146 : i32
        %parallel_loop3A_1148 = arith.andi %parallel_loop3A_1144, %parallel_loop3A_1147 : i1
        %parallel_loop3A_1149 = arith.constant 1 : i32
        %parallel_loop3A_1150 = arith.subi %parallel_loop3A_1129, %parallel_loop3A_1149 : i32
        %parallel_loop3A_1151 = arith.select %parallel_loop3A_1148, %parallel_loop3A_1150, %parallel_loop3A_1129 : i32
        %parallel_loop3A_1152 = arith.constant 128 : i32
        %parallel_loop3A_1153 = arith.constant 0 : i32
        %parallel_loop3A_1154 = arith.cmpi eq, %parallel_loop3A_1152, %parallel_loop3A_1153 : i32
        %parallel_loop3A_1155 = arith.constant 1 : i32
        %parallel_loop3A_1156 = arith.select %parallel_loop3A_1154, %parallel_loop3A_1155, %parallel_loop3A_1152 : i32
        %parallel_loop3A_1157 = arith.remsi %parallel_loop3A_1127, %parallel_loop3A_1156 : i32
        %parallel_loop3A_1158 = arith.constant 0 : i32
        %parallel_loop3A_1159 = arith.cmpi ne, %parallel_loop3A_1157, %parallel_loop3A_1158 : i32
        %parallel_loop3A_1160 = arith.constant 0 : i32
        %parallel_loop3A_1161 = arith.cmpi slt, %parallel_loop3A_1157, %parallel_loop3A_1160 : i32
        %parallel_loop3A_1162 = arith.constant 0 : i32
        %parallel_loop3A_1163 = arith.cmpi slt, %parallel_loop3A_1156, %parallel_loop3A_1162 : i32
        %parallel_loop3A_1164 = arith.xori %parallel_loop3A_1161, %parallel_loop3A_1163 : i1
        %parallel_loop3A_1165 = arith.andi %parallel_loop3A_1164, %parallel_loop3A_1159 : i1
        %parallel_loop3A_1166 = arith.addi %parallel_loop3A_1157, %parallel_loop3A_1156 : i32
        %parallel_loop3A_1167 = arith.select %parallel_loop3A_1165, %parallel_loop3A_1166, %parallel_loop3A_1157 : i32
        %parallel_loop3A_1168 = arith.constant 3 : i32
        %parallel_loop3A_1169 = arith.index_cast %parallel_loop3A_1168 : i32 to index
        %parallel_loop3A_1170 = arith.index_cast %parallel_loop3A_1151 : i32 to index
        %parallel_loop3A_1171 = arith.index_cast %parallel_loop3A_1167 : i32 to index
        %parallel_loop3A_1172 = tpu.vector_load %arg6[%parallel_loop3A_1169, %parallel_loop3A_1170, %parallel_loop3A_1171] {strides = array<i32>} : memref<4x32x128xi32, #tpu.memory_space<vmem>>, vector<16xi32>,
        %parallel_loop3A_1173 = arith.constant 7 : i32
        %parallel_loop3A_1174 = vector.broadcast %parallel_loop3A_1173 : i32 to vector<16xi32>
        %parallel_loop3A_1175 = arith.shrsi %parallel_loop3A_1172, %parallel_loop3A_1174 : vector<16xi32>
        %parallel_loop3A_1176 = arith.constant 127 : i32
        %parallel_loop3A_1177 = vector.broadcast %parallel_loop3A_1176 : i32 to vector<16xi32>
        %parallel_loop3A_1178 = arith.andi %parallel_loop3A_1172, %parallel_loop3A_1177 : vector<16xi32>
        %parallel_loop3A_1179 = tpu.vector_load_idx %arg5[%parallel_loop3A_1175, %parallel_loop3A_1178] : memref<782x128xf32, #tpu.memory_space<vmem>>[vector<16xi32>, vector<16xi32>], vector<16xf32>,
        %parallel_loop3A_1180 = arith.constant 128 : i32
        %parallel_loop3A_1181 = arith.divsi %parallel_loop3A_1127, %parallel_loop3A_1180 : i32
        %parallel_loop3A_1182 = arith.constant 0 : i32
        %parallel_loop3A_1183 = arith.cmpi sgt, %parallel_loop3A_1127, %parallel_loop3A_1182 : i32
        %parallel_loop3A_1184 = arith.extui %parallel_loop3A_1183 : i1 to i32
        %parallel_loop3A_1185 = arith.constant 0 : i32
        %parallel_loop3A_1186 = arith.cmpi slt, %parallel_loop3A_1127, %parallel_loop3A_1185 : i32
        %parallel_loop3A_1187 = arith.extui %parallel_loop3A_1186 : i1 to i32
        %parallel_loop3A_1188 = arith.subi %parallel_loop3A_1184, %parallel_loop3A_1187 : i32
        %parallel_loop3A_1189 = arith.constant 0 : i32
        %parallel_loop3A_1190 = arith.cmpi sgt, %parallel_loop3A_1180, %parallel_loop3A_1189 : i32
        %parallel_loop3A_1191 = arith.extui %parallel_loop3A_1190 : i1 to i32
        %parallel_loop3A_1192 = arith.constant 0 : i32
        %parallel_loop3A_1193 = arith.cmpi slt, %parallel_loop3A_1180, %parallel_loop3A_1192 : i32
        %parallel_loop3A_1194 = arith.extui %parallel_loop3A_1193 : i1 to i32
        %parallel_loop3A_1195 = arith.subi %parallel_loop3A_1191, %parallel_loop3A_1194 : i32
        %parallel_loop3A_1196 = arith.cmpi ne, %parallel_loop3A_1188, %parallel_loop3A_1195 : i32
        %parallel_loop3A_1197 = arith.remsi %parallel_loop3A_1127, %parallel_loop3A_1180 : i32
        %parallel_loop3A_1198 = arith.constant 0 : i32
        %parallel_loop3A_1199 = arith.cmpi ne, %parallel_loop3A_1197, %parallel_loop3A_1198 : i32
        %parallel_loop3A_1200 = arith.andi %parallel_loop3A_1196, %parallel_loop3A_1199 : i1
        %parallel_loop3A_1201 = arith.constant 1 : i32
        %parallel_loop3A_1202 = arith.subi %parallel_loop3A_1181, %parallel_loop3A_1201 : i32
        %parallel_loop3A_1203 = arith.select %parallel_loop3A_1200, %parallel_loop3A_1202, %parallel_loop3A_1181 : i32
        %parallel_loop3A_1204 = arith.constant 128 : i32
        %parallel_loop3A_1205 = arith.constant 0 : i32
        %parallel_loop3A_1206 = arith.cmpi eq, %parallel_loop3A_1204, %parallel_loop3A_1205 : i32
        %parallel_loop3A_1207 = arith.constant 1 : i32
        %parallel_loop3A_1208 = arith.select %parallel_loop3A_1206, %parallel_loop3A_1207, %parallel_loop3A_1204 : i32
        %parallel_loop3A_1209 = arith.remsi %parallel_loop3A_1127, %parallel_loop3A_1208 : i32
        %parallel_loop3A_1210 = arith.constant 0 : i32
        %parallel_loop3A_1211 = arith.cmpi ne, %parallel_loop3A_1209, %parallel_loop3A_1210 : i32
        %parallel_loop3A_1212 = arith.constant 0 : i32
        %parallel_loop3A_1213 = arith.cmpi slt, %parallel_loop3A_1209, %parallel_loop3A_1212 : i32
        %parallel_loop3A_1214 = arith.constant 0 : i32
        %parallel_loop3A_1215 = arith.cmpi slt, %parallel_loop3A_1208, %parallel_loop3A_1214 : i32
        %parallel_loop3A_1216 = arith.xori %parallel_loop3A_1213, %parallel_loop3A_1215 : i1
        %parallel_loop3A_1217 = arith.andi %parallel_loop3A_1216, %parallel_loop3A_1211 : i1
        %parallel_loop3A_1218 = arith.addi %parallel_loop3A_1209, %parallel_loop3A_1208 : i32
        %parallel_loop3A_1219 = arith.select %parallel_loop3A_1217, %parallel_loop3A_1218, %parallel_loop3A_1209 : i32
        %parallel_loop3A_1220 = arith.constant 1 : i32
        %parallel_loop3A_1221 = arith.index_cast %parallel_loop3A_1220 : i32 to index
        %parallel_loop3A_1222 = arith.index_cast %parallel_loop3A_1203 : i32 to index
        %parallel_loop3A_1223 = arith.index_cast %parallel_loop3A_1219 : i32 to index
        %parallel_loop3A_1224 = tpu.vector_load %arg7[%parallel_loop3A_1221, %parallel_loop3A_1222, %parallel_loop3A_1223] {strides = array<i32>} : memref<2x32x128xf32, #tpu.memory_space<vmem>>, vector<16xf32>,
        tpu.vector_store %arg7[%parallel_loop3A_1221, %parallel_loop3A_1222, %parallel_loop3A_1223], %parallel_loop3A_1179 {strides = array<i32>} : memref<2x32x128xf32, #tpu.memory_space<vmem>>, vector<16xf32>,
      } {sc.loop_unroll_factor = 16 : i64, sc.parallel_access}
      %jit3A_1063 = arith.constant 8 : i32
      %div3A_1064 = arith.divsi %add3A_85, %jit3A_1063 : i32
      %sign3A_1065 = arith.constant 0 : i32
      %sign3A_1066 = arith.cmpi sgt, %add3A_85, %sign3A_1065 : i32
      %sign3A_1067 = arith.extui %sign3A_1066 : i1 to i32
      %sign3A_1068 = arith.constant 0 : i32
      %sign3A_1069 = arith.cmpi slt, %add3A_85, %sign3A_1068 : i32
      %sign3A_1070 = arith.extui %sign3A_1069 : i1 to i32
      %sign3A_1071 = arith.subi %sign3A_1067, %sign3A_1070 : i32
      %sign3A_1072 = arith.constant 0 : i32
      %sign3A_1073 = arith.cmpi sgt, %jit3A_1063, %sign3A_1072 : i32
      %sign3A_1074 = arith.extui %sign3A_1073 : i1 to i32
      %sign3A_1075 = arith.constant 0 : i32
      %sign3A_1076 = arith.cmpi slt, %jit3A_1063, %sign3A_1075 : i32
      %sign3A_1077 = arith.extui %sign3A_1076 : i1 to i32
      %sign3A_1078 = arith.subi %sign3A_1074, %sign3A_1077 : i32
      %ne3A_1079 = arith.cmpi ne, %sign3A_1071, %sign3A_1078 : i32
      %rem3A_1080 = arith.remsi %add3A_85, %jit3A_1063 : i32
      %ne3A_1081 = arith.constant 0 : i32
      %ne3A_1082 = arith.cmpi ne, %rem3A_1080, %ne3A_1081 : i32
      %and3A_1083 = arith.andi %ne3A_1079, %ne3A_1082 : i1
      %sub3A_1084 = arith.constant 1 : i32
      %sub3A_1085 = arith.subi %div3A_1064, %sub3A_1084 : i32
      %select_n3A_1086 = arith.select %and3A_1083, %sub3A_1085, %div3A_1064 : i32
      %jit3A_1087 = arith.constant 8 : i32
      %eq3A_1088 = arith.constant 0 : i32
      %eq3A_1089 = arith.cmpi eq, %jit3A_1087, %eq3A_1088 : i32
      %jit3A_1090 = arith.constant 1 : i32
      %select_n3A_1091 = arith.select %eq3A_1089, %jit3A_1090, %jit3A_1087 : i32
      %rem3A_1092 = arith.remsi %add3A_85, %select_n3A_1091 : i32
      %ne3A_1093 = arith.constant 0 : i32
      %ne3A_1094 = arith.cmpi ne, %rem3A_1092, %ne3A_1093 : i32
      %lt3A_1095 = arith.constant 0 : i32
      %lt3A_1096 = arith.cmpi slt, %rem3A_1092, %lt3A_1095 : i32
      %lt3A_1097 = arith.constant 0 : i32
      %lt3A_1098 = arith.cmpi slt, %select_n3A_1091, %lt3A_1097 : i32
      %ne3A_1099 = arith.xori %lt3A_1096, %lt3A_1098 : i1
      %and3A_1100 = arith.andi %ne3A_1099, %ne3A_1094 : i1
      %add3A_1101 = arith.addi %rem3A_1092, %select_n3A_1091 : i32
      %select_n3A_1102 = arith.select %and3A_1100, %add3A_1101, %rem3A_1092 : i32
      %dma_start3A_1103 = arith.constant 1 : i32
      %dma_start3A_1104 = arith.constant 0 : i32
      %dma_start3A_1105 = arith.constant 0 : i32
      %dma_start3A_1106 = tpu.memref_slice %arg7[%dma_start3A_1103, %dma_start3A_1104, %dma_start3A_1105] : memref<2x32x128xf32, #tpu.memory_space<vmem>> -> memref<1x32x128xf32, #tpu.memory_space<vmem>>
      %dma_start3A_1107 = tpu.memref_squeeze %dma_start3A_1106 : memref<1x32x128xf32, #tpu.memory_space<vmem>> -> memref<32x128xf32, #tpu.memory_space<vmem>>
      %dma_start3A_1108 = arith.constant 0 : i32
      %dma_start3A_1109 = arith.constant 0 : i32
      %dma_start3A_1110 = tpu.memref_slice %arg4[%add3A_1020, %select_n3A_1086, %dma_start3A_1108, %select_n3A_1102, %dma_start3A_1109] : memref<200x8x32x8x128xf32, #tpu.memory_space<hbm>> -> memref<1x1x32x1x128xf32, #tpu.memory_space<hbm>>
      %dma_start3A_1111 = tpu.memref_squeeze %dma_start3A_1110 : memref<1x1x32x1x128xf32, #tpu.memory_space<hbm>> -> memref<32x128xf32, #tpu.memory_space<hbm>>
      %dma_start3A_1112 = arith.constant 0 : i32
      %dma_start3A_1113 = arith.constant 0 : i32
      %dma_start3A_1114 = tpu.memref_slice %arg4[%add3A_1020, %select_n3A_1086, %dma_start3A_1112, %select_n3A_1102, %dma_start3A_1113] : memref<200x8x32x8x128xf32, #tpu.memory_space<hbm>> -> memref<1x1x32x1x128xf32, #tpu.memory_space<hbm>>
      %dma_start3A_1115 = tpu.memref_squeeze %dma_start3A_1114 : memref<1x1x32x1x128xf32, #tpu.memory_space<hbm>> -> memref<32x128xf32, #tpu.memory_space<hbm>>
      %dma_start3A_1116 = arith.constant 0 : i32
      %dma_start3A_1117 = arith.constant 0 : i32
      %dma_start3A_1118 = tpu.memref_slice %arg7[%dma_start3A_1103, %dma_start3A_1116, %dma_start3A_1117] : memref<2x32x128xf32, #tpu.memory_space<vmem>> -> memref<1x32x128xf32, #tpu.memory_space<vmem>>
      %dma_start3A_1119 = tpu.memref_squeeze %dma_start3A_1118 : memref<1x32x128xf32, #tpu.memory_space<vmem>> -> memref<32x128xf32, #tpu.memory_space<vmem>>
      tpu.enqueue_dma source(%dma_start3A_1119 : memref<32x128xf32, #tpu.memory_space<vmem>>) target(%dma_start3A_1115 : memref<32x128xf32, #tpu.memory_space<hbm>>) target_semaphore(%arg14 : memref<!tpu.dma_semaphore, #tpu.memory_space<semaphore_mem>>)
      %lt3A_1120 = arith.constant 24 : i32
      %lt3A_1121 = arith.cmpi slt, %scan3A_176, %lt3A_1120 : i32
      %and3A_1122 = arith.andi %eq3A_1, %lt3A_1121 : i1
      %convert_element_type3A_1123 = arith.extui %and3A_1122 : i1 to i32
      %cond3A_1124 = arith.constant 0 : i32
      %cond3A_1125 = arith.cmpi ne, %convert_element_type3A_1123, %cond3A_1124 : i32
      scf.if %cond3A_1125 {
        %dma_wait3A_1127 = arith.constant 0 : i32
        %dma_wait3A_1128 = arith.constant 0 : i32
        %dma_wait3A_1129 = arith.constant 0 : i32
        %dma_wait3A_1130 = arith.constant 0 : i32
        %dma_wait3A_1131 = arith.constant 0 : i32
        %dma_wait3A_1132 = tpu.memref_slice %arg8[%dma_wait3A_1128, %dma_wait3A_1129, %dma_wait3A_1130, %dma_wait3A_1131] : memref<2x32x8x128xi32, #tpu.memory_space<vmem_shared>> -> memref<1x32x8x128xi32, #tpu.memory_space<vmem_shared>>
        %dma_wait3A_1133 = tpu.memref_squeeze %dma_wait3A_1132 : memref<1x32x8x128xi32, #tpu.memory_space<vmem_shared>> -> memref<32x8x128xi32, #tpu.memory_space<vmem_shared>>
        %dma_wait3A_1134 = arith.constant 0 : i32
        %dma_wait3A_1135 = arith.constant 0 : i32
        %dma_wait3A_1136 = arith.constant 0 : i32
        %dma_wait3A_1137 = tpu.memref_slice %arg3[%dma_wait3A_1127, %dma_wait3A_1134, %dma_wait3A_1135, %dma_wait3A_1136] : memref<25x32x8x128xi32, #tpu.memory_space<hbm>> -> memref<1x32x8x128xi32, #tpu.memory_space<hbm>>
        %dma_wait3A_1138 = tpu.memref_squeeze %dma_wait3A_1137 : memref<1x32x8x128xi32, #tpu.memory_space<hbm>> -> memref<32x8x128xi32, #tpu.memory_space<hbm>>
        tpu.wait_dma2 semaphore(%arg15 : memref<!tpu.dma_semaphore, #tpu.memory_space<semaphore_mem>>) src(%dma_wait3A_1138 : memref<32x8x128xi32, #tpu.memory_space<hbm>>) dst(%dma_wait3A_1133 : memref<32x8x128xi32, #tpu.memory_space<vmem_shared>>)
      } else {
      }
      %barrier3A_1126 = arith.constant 0 : index
      tpu.barrier barrier_id(%barrier3A_1126)
    }
    %scan3A_135 = arith.constant 25 : i32
    %dma_wait3A_136 = arith.constant 0 : i32
    %dma_wait3A_137 = arith.constant 0 : i32
    %dma_wait3A_138 = arith.constant 0 : i32
    %dma_wait3A_139 = arith.constant 0 : i32
    %dma_wait3A_140 = arith.constant 0 : i32
    %dma_wait3A_141 = arith.constant 0 : i32
    %dma_wait3A_142 = tpu.memref_slice %arg7[%dma_wait3A_136, %dma_wait3A_140, %dma_wait3A_141] : memref<2x32x128xf32, #tpu.memory_space<vmem>> -> memref<1x32x128xf32, #tpu.memory_space<vmem>>
    %dma_wait3A_143 = tpu.memref_squeeze %dma_wait3A_142 : memref<1x32x128xf32, #tpu.memory_space<vmem>> -> memref<32x128xf32, #tpu.memory_space<vmem>>
    %dma_wait3A_144 = arith.constant 0 : i32
    %dma_wait3A_145 = arith.constant 0 : i32
    %dma_wait3A_146 = tpu.memref_slice %arg4[%dma_wait3A_137, %dma_wait3A_138, %dma_wait3A_144, %dma_wait3A_139, %dma_wait3A_145] : memref<200x8x32x8x128xf32, #tpu.memory_space<hbm>> -> memref<1x1x32x1x128xf32, #tpu.memory_space<hbm>>
    %dma_wait3A_147 = tpu.memref_squeeze %dma_wait3A_146 : memref<1x1x32x1x128xf32, #tpu.memory_space<hbm>> -> memref<32x128xf32, #tpu.memory_space<hbm>>
    %dma_wait3A_148 = arith.constant 0 : i32
    %dma_wait3A_149 = arith.constant 0 : i32
    %dma_wait3A_150 = tpu.memref_slice %arg4[%dma_wait3A_137, %dma_wait3A_138, %dma_wait3A_148, %dma_wait3A_139, %dma_wait3A_149] : memref<200x8x32x8x128xf32, #tpu.memory_space<hbm>> -> memref<1x1x32x1x128xf32, #tpu.memory_space<hbm>>
    %dma_wait3A_151 = tpu.memref_squeeze %dma_wait3A_150 : memref<1x1x32x1x128xf32, #tpu.memory_space<hbm>> -> memref<32x128xf32, #tpu.memory_space<hbm>>
    %dma_wait3A_152 = arith.constant 0 : i32
    %dma_wait3A_153 = arith.constant 0 : i32
    %dma_wait3A_154 = tpu.memref_slice %arg7[%dma_wait3A_136, %dma_wait3A_152, %dma_wait3A_153] : memref<2x32x128xf32, #tpu.memory_space<vmem>> -> memref<1x32x128xf32, #tpu.memory_space<vmem>>
    %dma_wait3A_155 = tpu.memref_squeeze %dma_wait3A_154 : memref<1x32x128xf32, #tpu.memory_space<vmem>> -> memref<32x128xf32, #tpu.memory_space<vmem>>
    tpu.wait_dma2 semaphore(%arg13 : memref<!tpu.dma_semaphore, #tpu.memory_space<semaphore_mem>>) src(%dma_wait3A_155 : memref<32x128xf32, #tpu.memory_space<vmem>>) dst(%dma_wait3A_151 : memref<32x128xf32, #tpu.memory_space<hbm>>)
    %dma_wait3A_156 = arith.constant 1 : i32
    %dma_wait3A_157 = arith.constant 0 : i32
    %dma_wait3A_158 = arith.constant 0 : i32
    %dma_wait3A_159 = arith.constant 0 : i32
    %dma_wait3A_160 = arith.constant 0 : i32
    %dma_wait3A_161 = arith.constant 0 : i32
    %dma_wait3A_162 = tpu.memref_slice %arg7[%dma_wait3A_156, %dma_wait3A_160, %dma_wait3A_161] : memref<2x32x128xf32, #tpu.memory_space<vmem>> -> memref<1x32x128xf32, #tpu.memory_space<vmem>>
    %dma_wait3A_163 = tpu.memref_squeeze %dma_wait3A_162 : memref<1x32x128xf32, #tpu.memory_space<vmem>> -> memref<32x128xf32, #tpu.memory_space<vmem>>
    %dma_wait3A_164 = arith.constant 0 : i32
    %dma_wait3A_165 = arith.constant 0 : i32
    %dma_wait3A_166 = tpu.memref_slice %arg4[%dma_wait3A_157, %dma_wait3A_158, %dma_wait3A_164, %dma_wait3A_159, %dma_wait3A_165] : memref<200x8x32x8x128xf32, #tpu.memory_space<hbm>> -> memref<1x1x32x1x128xf32, #tpu.memory_space<hbm>>
    %dma_wait3A_167 = tpu.memref_squeeze %dma_wait3A_166 : memref<1x1x32x1x128xf32, #tpu.memory_space<hbm>> -> memref<32x128xf32, #tpu.memory_space<hbm>>
    %dma_wait3A_168 = arith.constant 0 : i32
    %dma_wait3A_169 = arith.constant 0 : i32
    %dma_wait3A_170 = tpu.memref_slice %arg4[%dma_wait3A_157, %dma_wait3A_158, %dma_wait3A_168, %dma_wait3A_159, %dma_wait3A_169] : memref<200x8x32x8x128xf32, #tpu.memory_space<hbm>> -> memref<1x1x32x1x128xf32, #tpu.memory_space<hbm>>
    %dma_wait3A_171 = tpu.memref_squeeze %dma_wait3A_170 : memref<1x1x32x1x128xf32, #tpu.memory_space<hbm>> -> memref<32x128xf32, #tpu.memory_space<hbm>>
    %dma_wait3A_172 = arith.constant 0 : i32
    %dma_wait3A_173 = arith.constant 0 : i32
    %dma_wait3A_174 = tpu.memref_slice %arg7[%dma_wait3A_156, %dma_wait3A_172, %dma_wait3A_173] : memref<2x32x128xf32, #tpu.memory_space<vmem>> -> memref<1x32x128xf32, #tpu.memory_space<vmem>>
    %dma_wait3A_175 = tpu.memref_squeeze %dma_wait3A_174 : memref<1x32x128xf32, #tpu.memory_space<vmem>> -> memref<32x128xf32, #tpu.memory_space<vmem>>
    tpu.wait_dma2 semaphore(%arg14 : memref<!tpu.dma_semaphore, #tpu.memory_space<semaphore_mem>>) src(%dma_wait3A_175 : memref<32x128xf32, #tpu.memory_space<vmem>>) dst(%dma_wait3A_171 : memref<32x128xf32, #tpu.memory_space<hbm>>)
    return
  }
}

module attributes {stable_mosaic.version = 14 : i64} {
  func.func @_scale_pad_block(%arg0: i32, %arg1: memref<8x100000xf32, #tpu.memory_space<vmem>>, %arg2: memref<8x100096xf32, #tpu.memory_space<vmem>>) attributes {dimension_semantics = [#tpu.dimension_semantics<arbitrary>], iteration_bounds = array<i64: 8>, scalar_prefetch = 0 : i64, scratch_operands = 0 : i64, tpu.core_type = #tpu.core_type<tc>, window_params = [{transform_indices = @transform_0, window_bounds = array<i64: 8, 100000>}, {transform_indices = @transform_1, window_bounds = array<i64: 8, 100096>}]} {
    %get3A = arith.constant 0 : index
    %get3A_0 = arith.constant 0 : index
    %get3A_1 = vector.load %arg1[%get3A, %get3A_0] : memref<8x100000xf32, #tpu.memory_space<vmem>>, vector<8x100000xf32>
    %mul3A = arith.constant 316.227753 : f32
    %mul3A_2 = vector.broadcast %mul3A : f32 to vector<8x100000xf32>
    %mul3A_3 = arith.mulf %get3A_1, %mul3A_2 : vector<8x100000xf32>
    %swap3A = arith.constant 0 : index
    %swap3A_4 = arith.constant 0 : index
    %swap3A_5 = vector.load %arg2[%swap3A, %swap3A_4] : memref<8x100096xf32, #tpu.memory_space<vmem>>, vector<8x100000xf32>
    tpu.vector_store %arg2[%swap3A, %swap3A_4], %mul3A_3 {strides = array<i32>} : memref<8x100096xf32, #tpu.memory_space<vmem>>, vector<8x100000xf32>,
    return
  }
  func.func @transform_0(%arg0: i32) -> (i32, i32) {
    %c0_i32 = arith.constant 0 : i32
    %c0_i32_0 = arith.constant 0 : i32
    return %arg0, %c0_i32 : i32, i32
  }
  func.func @transform_1(%arg0: i32) -> (i32, i32) {
    %c0_i32 = arith.constant 0 : i32
    %c0_i32_0 = arith.constant 0 : i32
    return %arg0, %c0_i32 : i32, i32
  }
}

</mosaic_0001>

<sc_bundles>
// kernel: kernel.4.cloned.1.call-start
scs
__scs_entry_jumppad:
0x0: {  	(pc) =	sbr.rel $0x88, $3  }
0x1: {  	(tag) =	ssettag $0x0;
	lr =	simm.s32 $0x1  }
0x2: {  	[smem:$0x3F9F] =	sst lr;
	_ =	strace $0xD0000000  }
0x3: {  	_ = 	snop  }
0x4: {  	_ = 	snop  }
0x5: {  	_ = 	snop  }
0x6: {  	_ = 	snop  }
0x7: {  	_ = 	snop  }
__scs_overlays_trampoline_lowered:
0x8: {  	[smem:$0x3FAE] =	sst s0  }
0x9: {  	[smem:$0x3FAF] =	sst s1  }
0xa: {  	[smem:$0x3FB0] =	sst s2  }
0xb: {  	[smem:$0x3FB1] =	sst s3  }
0xc: {  	[smem:$0x3FB2] =	sst s4  }
0xd: {  	[smem:$0x3FB3] =	sst s5  }
0xe: {  	[smem:$0x3FB4] =	sst s6  }
0xf: {  	[smem:$0x3FB5] =	sst s7  }
0x10: {  	[smem:$0x3FB6] =	sst s8  }
0x11: {  	[smem:$0x3FB7] =	sst s9;
	s0 =	simm.s32 @!p0 $0x0  }
0x12: {  	s1 =	sld [smem:$0x3F9D];
	s0 =	simm.s32 @p0 $0x1  }
0x13: {  	[smem:$0x3FB8] =	sst s0;
	s0 =	simm.s32 @!p1 $0x0  }
0x14: {  	s2 =	sld [smem:$0x3F9C];
	s0 =	simm.s32 @p1 $0x1  }
0x15: {  	[smem:$0x3FB9] =	sst s0;
	s0 =	simm.s32 @!p2 $0x0  }
0x16: {  	s3 =	sld [smem:$0x3FDB];
	s0 =	simm.s32 @p2 $0x1  }
0x17: {  	s4 =	simm.s32 $0x1BF5;
	[smem:$0x3FBB] =	sst s0  }
0x18: {  	s0 =	sld [smem:$0x3F9E];
	_ =	swait.ge [sflag:s4], $0x0  }
0x19: {  	s7 =	sld [smem:$0x3F9F]  }
0x1a: {  	s8 =	sadd.s32 $0xFFFFE003, lr  }
0x1b: {  	s9 =	sadd.s32 $0xFFFFFEF7, lr;
	s5 =	simm.s32 $0xFFFFFFFF;
	p2 =	slt.u32 s8, $0xFFFFF086  }
0x1c: {  	p1 =	slt.u32 s9, $0xF7A;
	s5 =	simm.s32 @!p2 $0x0  }
0x1d: {  	s5 =	simm.s32 @p1 $0x1;
	p0 =	seq.s32 s7, s2  }
0x1e: {  	s7 =	smul.u32 @!p0 $0xF7A, s2;
	p2 =	seq.s32 @!p0 s5, $0x0  }
0x1f: {  	s9 =	smul.u32 $0xF7A, s1;
	s8 =	simm.s32 @!p0 $0x1BF5;
	p2 =	por !p2, p0  }
0x20: {  	[sflag:s8] =	ssyncset.s32 @!p0 $0xFFFFF086;
	s6 =	sadd.s32 @!p0 s3, s7;
	s7 =	simm.s32 @!p0 $0x108  }
0x21: {  	s3 =	sadd.s32 s3, s9;
	s6 =	sadd.s32 @!p0 $0x88, s6;
	s7 =	simm.s32 @p2 $0x1082  }
0x22: {  	[simem:s7], [sflag:s8] =	dma.local @!p0 [hbm:s6], $0xF7A  }
0x23: {  	s9 =	sor.u32 $0xD0000000, s2;
	s6 =	simm.s32 $0x108;
	_ =	swait.ge @!p0 [sflag:s8], $0x0  }
0x24: {  	s3 =	sadd.s32 $0x88, s3;
	s6 =	simm.s32 @!p1 $0x1082;
	[sflag:s4] =	ssyncset.s32 $0xFFFFF086  }
0x25: {  	[simem:s6], [sflag:s4] =	dma.local [hbm:s3], $0xF7A  }
0x26: {  	[smem:$0x3F9F] =	sst s1;
	(tag) =	ssettag s2;
	_ =	strace s9  }
0x27: {  	s1 =	sld [smem:$0x3FAF]  }
0x28: {  	s2 =	sld [smem:$0x3FB0]  }
0x29: {  	s4 =	sld [smem:$0x3FB2]  }
0x2a: {  	p0 =	seq.s32 s5, $0x0;
	s5 =	sld [smem:$0x3FB3]  }
0x2b: {  	s6 =	sld [smem:$0x3FB4]  }
0x2c: {  	s7 =	sld [smem:$0x3FB5]  }
0x2d: {  	s3 =	simm.s32 $0x108;
	s8 =	sld [smem:$0x3FB6]  }
0x2e: {  	s3 =	simm.s32 @!p0 $0x1082;
	s9 =	sld [smem:$0x3FB7]  }
0x2f: {  	lr =	sadd.s32 s0, s3;
	s0 =	sld [smem:$0x3FAE]  }
0x30: {  	s3 =	sld [smem:$0x3FB1]  }
0x31: {  	[smem:$0x3FBA] =	sst s10  }
0x32: {  	s10 =	sld [smem:$0x3FB8];
	_ =	sdelay $0x3  }
0x33: {  	p0 =	seq.s32 s10, $0x1;
	s10 =	sld [smem:$0x3FBA];
	_ =	sdelay $0x3  }
0x34: {  	[smem:$0x3FBA] =	sst s10  }
0x35: {  	s10 =	sld [smem:$0x3FB9];
	_ =	sdelay $0x3  }
0x36: {  	p1 =	seq.s32 s10, $0x1;
	s10 =	sld [smem:$0x3FBA];
	_ =	sdelay $0x3  }
0x37: {  	[smem:$0x3FBA] =	sst s10  }
0x38: {  	s10 =	sld [smem:$0x3FBB]  }
0x39: {  	_ = 	snop;
	(pc) =	sbr.ind lr, $3  }
0x3a: {  	_ = 	snop  }
0x3b: {  	_ = 	snop  }
0x3c: {  	p2 =	seq.s32 s10, $0x1;
	s10 =	sld [smem:$0x3FBA]  }
0x3d: {  	_ =	shalt  }
0x3e: {  	_ =	shalt  }
0x3f: {  	_ =	shalt  }
0x40: {  	_ =	shalt  }
0x41: {  	_ =	shalt  }
0x42: {  	_ =	shalt  }
0x43: {  	_ =	shalt  }
0x44: {  	_ =	shalt  }
0x45: {  	_ =	shalt  }
0x46: {  	_ =	shalt  }
0x47: {  	_ =	shalt  }
0x48: {  	_ =	shalt  }
0x49: {  	_ =	shalt  }
0x4a: {  	_ =	shalt  }
0x4b: {  	_ =	shalt  }
0x4c: {  	_ =	shalt  }
0x4d: {  	_ =	shalt  }
0x4e: {  	_ =	shalt  }
0x4f: {  	_ =	shalt  }
0x50: {  	_ =	shalt  }
0x51: {  	_ =	shalt  }
0x52: {  	_ =	shalt  }
0x53: {  	_ =	shalt  }
0x54: {  	_ =	shalt  }
0x55: {  	_ =	shalt  }
0x56: {  	_ =	shalt  }
0x57: {  	_ =	shalt  }
0x58: {  	_ =	shalt  }
0x59: {  	_ =	shalt  }
0x5a: {  	_ =	shalt  }
0x5b: {  	_ =	shalt  }
0x5c: {  	_ =	shalt  }
0x5d: {  	_ =	shalt  }
0x5e: {  	_ =	shalt  }
0x5f: {  	_ =	shalt  }
0x60: {  	_ =	shalt  }
0x61: {  	_ =	shalt  }
0x62: {  	_ =	shalt  }
0x63: {  	_ =	shalt  }
0x64: {  	_ =	shalt  }
0x65: {  	_ =	shalt  }
0x66: {  	_ =	shalt  }
0x67: {  	_ =	shalt  }
0x68: {  	_ =	shalt  }
0x69: {  	_ =	shalt  }
0x6a: {  	_ =	shalt  }
0x6b: {  	_ =	shalt  }
0x6c: {  	_ =	shalt  }
0x6d: {  	_ =	shalt  }
0x6e: {  	_ =	shalt  }
0x6f: {  	_ =	shalt  }
0x70: {  	_ =	shalt  }
0x71: {  	_ =	shalt  }
0x72: {  	_ =	shalt  }
0x73: {  	_ =	shalt  }
0x74: {  	_ =	shalt  }
0x75: {  	_ =	shalt  }
0x76: {  	_ =	shalt  }
0x77: {  	_ =	shalt  }
0x78: {  	_ =	shalt  }
0x79: {  	_ =	shalt  }
0x7a: {  	_ =	shalt  }
0x7b: {  	_ =	shalt  }
0x7c: {  	_ =	shalt  }
0x7d: {  	_ =	shalt  }
0x7e: {  	_ =	shalt  }
0x7f: {  	_ =	shalt  }
0x80: {  	_ =	shalt  }
0x81: {  	_ =	shalt  }
0x82: {  	_ =	shalt  }
0x83: {  	_ =	shalt  }
0x84: {  	_ =	shalt  }
0x85: {  	_ =	shalt  }
0x86: {  	_ =	shalt  }
0x87: {  	_ =	shalt  }
.Lfunc_end0:
.L_simem_size_0:
called_computation_lowered:
.L_overlay_start_0:
0x88: {  	s2 =	sld [smem:$0x3FD9]  }
0x89: {  	s3 =	sld [smem:$0x3FFE];
	_ =	sdelay $0x1  }
0x8a: {  	s1 =	srdreg.scid  }
0x8b: {  	s0 =	sand.u32 $0x1, s1  }
0x8c: {  	s17 =	sshll.u32 s0, $0xA;
	s2 =	sadd.s32 s3, s2  }
0x8d: {  	s2 =	sadd.s32 s2, s17  }
0x8e: {  	[smem:$0x3FC6] =	sst s2  }
0x8f: {  	_ = 	snop  }
0x90: {  	s2 =	sld [smem:$0x3FC9]  }
0x91: {  	s18 =	sld [smem:$0x3FD0];
	(tm) =	ssettm $0x1  }
0x92: {  	s4 =	sld [smem:$0x3FFB];
	_ =	sdelay $0x3  }
0x93: {  	_ =	strace s4  }
0x94: {  	s4 =	sld [smem:$0x3FFC];
	_ =	sdelay $0x3  }
0x95: {  	_ =	strace s4  }
0x96: {  	s4 =	sld [smem:$0x3FFD];
	_ =	sdelay $0x3  }
0x97: {  	_ =	strace s4  }
0x98: {  	_ =	strace $0x8FFFFFFF  }
0x99: {  	s19 =	sld [smem:$0x3FDB];
	_ =	sdelay $0x1  }
0x9a: {  	s5 =	simm.s32 $_scs_section_size  }
0x9b: {  	s6 =	simm.s32 $_size__tile_overlayer_lowered;
	s7 =	simm.s32 $_tile_overlayer_lowered  }
0x9c: {  	s22 =	simm.s32 $0x1BFF;
	s21 =	sshll.u32 s7, $0x1;
	s4 =	sadd.s32 s5, s19  }
0x9d: {  	s8 =	simm.s32 $0x0;
	s20 =	sshll.u32 s6, $0x1;
	s6 =	sadd.s32 s21, s4  }
0x9e: {  	[timem:s8], [sflag:s22] =	dma.local [hbm:s6], s20  }
0x9f: {  	_ =	swait.ge [sflag:s22], s20  }
0xa0: {  	s5 =	ssub.s32 $0x0, s20;
	[sflag:s22] =	ssyncset.done $0x0  }
0xa1: {  	[sflag:s22] =	ssyncadd.s32 s5;
	_ =	sdelay $0x1  }
0xa2: {  	s23 =	simm.s32 $0x1B8B  }
0xa3: {  	_ =	swait.ge [sflag:s23], $0x1  }
0xa4: {  	[sflag:s23] =	ssyncset.done $0x0  }
0xa5: {  	s25 =	simm.s32 $0x1B8E;
	s24 =	sld [smem:$0x3FFE];
	[sflag:s23] =	ssyncadd.s32 $0xFFFFFFFF  }
0xa6: {  	s26 =	simm.s32 $execute0_lowered;
	[smem:$0x3FD2] =	sst s25  }
0xa7: {  	s6 =	sshll.u32 s26, $0x1;
	_ =	strace $0x80000046;
	[dreg:$0x1] =	wrdreg $0xFFFFFFFF  }
0xa8: {  	s28 =	simm.s32 $_size_execute0_lowered;
	s4 =	sadd.s32 s4, s6;
	[dreg:$0x0] =	wrdreg $0x0  }
0xa9: {  	s6 =	sshll.u32 s28, $0x1;
	[dreg:$0x2] =	wrdreg s4  }
0xaa: {  	[dreg:$0x3] =	wrdreg s6  }
0xab: {  	[dreg:$0x4] =	wrdreg $0xC0  }
0xac: {  	_ =	task [dreg:s8], $0x5FFFF  }
0xad: {  	[dreg:$0x1] =	wrdreg $0xFFFFFFFF  }
0xae: {  	[dreg:$0x0] =	wrdreg $0x60  }
0xaf: {  	[dreg:$0x2] =	wrdreg s24  }
0xb0: {  	[dreg:$0x3] =	wrdreg s2  }
0xb1: {  	[dreg:$0x4] =	wrdreg s18  }
0xb2: {  	[dreg:$0x5] =	wrdreg $0x1E7000  }
0xb3: {  	[dreg:$0x6] =	wrdreg $0x9  }
0xb4: {  	_ =	task.clear_ibuf [dreg:s8], $0x7FFFF;
	_ =	strace $0x90000046  }
0xb5: {  	s29 =	simm.s32 $0x9;
	_ =	strace $0x80000048  }
0xb6: {  	_ =	swait.ge [sflag:s29], $0x1  }
0xb7: {  	[sflag:s29] =	ssyncadd.s32 $0xFFFFFFFF  }
0xb8: {  	_ =	strace $0x90000048  }
0xb9: {  	_ =	sfence  }
0xba: {  	s30 =	sld [smem:$0x0];
	_ =	sdelay $0x2  }
0xbb: {  	s31 =	sshll.u32 s1, $0xD;
	s1 =	sshrl.u32 s1, $0x2  }
0xbc: {  	s3 =	sand.u32 $0x4000, s31;
	s1 =	sadd.s32 s1, s30  }
0xbd: {  	s0 =	sor.u32 s3, s0;
	s1 =	sshll.u32 s1, $0x11  }
0xbe: {  	s0 =	sor.u32 s1, s0  }
0xbf: {  	s0 =	sadd.s32 $0x8F2B, s0  }
0xc0: {  	[sflag:s0] =	ssyncadd.remote.s32 $0x1  }
0xc1: {  	_ =	sfence.sel $0xFFFF  }
0xc2: {  	[dreg:$0x0] =	wrdreg $0xFFFFFFFF;
	(pc) =	sbr.abs _section_cstart, $3  }
0xc3: {  	[dreg:$0x1] =	wrdreg $0xFFFFFFFF  }
0xc4: {  	_ =	task.clear_ibuf [dreg:s8], $0x2FFFF;
	_ =	strace $0x9FFFFFFF  }
0xc5: {  	(tm) =	ssettm $0x7FFFFFFF  }
tec
execute0_lowered:
.L_overlay_start_1:
0x0: {  	(tag) =	ssettag $0x1  }
0x1: {  	s0 =	rddreg [dreg:$0x0]  }
0x2: {  	s8 =	rddreg [dreg:$0x1]  }
0x3: {  	s16 =	rddreg [dreg:$0x2]  }
0x4: {  	s2 =	rddreg [dreg:$0x3]  }
0x5: {  	s1 =	srdreg.scid;
	s3 =	stileid.u32;
	s19 =	simm.s32 $0x80  }
0x6: {  	s20 =	simm.s32 $0x400;
	s23 =	simm.s32 $0x18700;
	s28 =	simm.s32 $0x1  }
0x7: {  	s29 =	simm.s32 $0x1C700;
	s30 =	simm.s32 $0x2;
	s31 =	simm.s32 $0x1D700  }
0x8: {  	s17 =	simm.s32 $0x6;
	s1 =	sand.u32 $0x1, s1;
	s4 =	sshll.u32 s3, $0x9  }
0x9: {  	s5 =	sshrl.u32 s3, $0x1;
	s0 =	sadd.s32 $0x400, s0;
	s9 =	sadd.s32 $0x8000, s16  }
0xa: {  	s10 =	sadd.s32 $0x10000, s16;
	s11 =	sadd.s32 $0x18000, s16;
	s14 =	sadd.s32 $0x28000, s16  }
0xb: {  	s15 =	sadd.s32 $0x30000, s16;
	p0 =	sne.s32 s3, $0x0;
	p1 =	seq.s32 s3, $0x0  }
0xc: {  	s3 =	simm.s32 $0x3;
	s6 =	sshll.u32 s1, $0x8;
	s7 =	sand.u32 $0x200, s4  }
0xd: {  	s12 =	smul.u32 $0xC3800, s5;
	s4 =	simm.s32 $0x0;
	s1 =	ssub.s32 $0x2, s1  }
0xe: {  	s13 =	sor.u32 s6, s7;
	[smem:$0x7FF] =	sst s4;
	s24 =	sshrl.u32 s1, $0x1  }
0xf: {  	s7 =	sadd.s32 $0x1000, s8;
	s8 =	sshll.u32 s5, $0xF;
	s6 =	sor.u32 s12, s13  }
0x10: {  	_ =	strace $0x80000047;
	s1 =	ssub.s32 s1, s24;
	[dreg:$0x5] =	wrdreg s13  }
0x11: {  	s25 =	sor.u32 $0x80, s13;
	s13 =	sadd.s32 $0x20000, s16;
	s16 =	sadd.s32 $0x38000, s16  }
0x12: {  	s24 =	simm.s32 $0x19700;
	s6 =	sshrl.u32 s6, $0x3;
	[dreg:$0x7] =	wrdreg s25  }
0x13: {  	s5 =	sor.u32 s12, s25;
	s26 =	smax.u32 s1, $0x1;
	s25 =	simm.s32 $0x1A700  }
0x14: {  	s6 =	sadd.s32 s0, s6;
	s5 =	sshrl.u32 s5, $0x3;
	[dreg:$0x9] =	wrdreg s26  }
0x15: {  	s26 =	simm.s32 $0x1B700;
	[dreg:$0x6] =	wrdreg s6;
	s0 =	sadd.s32 s0, s5  }
0x16: {  	s6 =	simm.s32 $0x4;
	[dreg:$0x8] =	wrdreg s0;
	s0 =	sshrl.u32 @!p0 s2, $0x3  }
0x17: {  	s5 =	simm.s32 $0x0;
	[dreg:$0xa] =	wrdreg s0;
	s0 =	simm.s32 $0x5  }
.LBB2_1:
0x18: {  	[dreg:$0xb] =	wrdreg s5  }
0x19: {  	s1 =	rddreg [dreg:$0x6];
	s22 =	simm.s32 $0x8  }
0x1a: {  	[tilespmem:s4], [sflag:$0x8] =	stream.strided.gather [hbm4b:s1+s19], $0x18700, s20, s19, $0x38;
	[tilespmem:$0x1F700] =	vst v63  }
0x1b: {  	_ =	swait.ge [sflag:s22], $0x18700  }
0x1c: {  	[sflag:s22] =	ssyncset.done $0x0  }
0x1d: {  	s12 =	rddreg [dreg:$0xa];
	[sflag:s22] =	ssyncadd.s32 $0xFFFE7900  }
0x1e: {  	s1 =	simm.s32 @!p0 $0x1C07;
	s5 =	rddreg [dreg:$0x1]  }
0x1f: {  	[spmem:s12], [sflag:s1] =	dma.local @!p0 [hbm:s5], $0x1000  }
0x20: {  	s1 =	simm.s32 @!p0 $0x7  }
0x21: {  	_ =	swait.ge @!p0 [sflag:s1], $0x1000  }
0x22: {  	[sflag:s1] =	ssyncset.done @!p0 $0x0  }
0x23: {  	[sflag:s1] =	ssyncadd.s32 @!p0 $0xFFFFF000  }
0x24: {  	s22 =	simm.s32 $0x0;
	[bflag:$0x0] =	sbarrier.arrive $0xFFFF  }
.LBB2_2:
0x25: {  	p2 =	sne.s32 s22, $0x18  }
0x26: {  	p2 =	por !p1, !p2  }
0x27: {  	s1 =	sand.u32 $0x1, s22;
	p2 =	por !p2, !p2  }
0x28: {  	s5 =	sshll.u32 @p2 s1, $0xF  }
0x29: {  	s5 =	ssub.s32 @p2 s2, s5  }
0x2a: {  	s12 =	sshll.u32 @p2 s22, $0xC;
	s18 =	simm.s32 @p2 $0x1C07;
	s5 =	sadd.s32 @p2 $0x8000, s5  }
0x2b: {  	s1 =	sshll.u32 s1, $0xF;
	s12 =	sadd.s32 @p2 s12, s7;
	s5 =	sshrl.u32 @p2 s5, $0x3  }
0x2c: {  	[spmem:s5], [sflag:s18] =	dma.local @p2 [hbm:s12], $0x1000  }
0x2d: {  	s18 =	sadd.s32 s1, s2  }
0x2e: {  	[tilespmem:s23], [sflag:$0x1] =	stream.strided.gather [spmem:s18], $0x1000, s20, s19, $0x38;
	[tilespmem:$0x1F700] =	vst v63  }
0x2f: {  	s1 =	sadd.s32 $0x80, s18  }
0x30: {  	[tilespmem:s24], [sflag:$0x2] =	stream.strided.gather [spmem:s1], $0x1000, s20, s19, $0x38;
	[tilespmem:$0x1F700] =	vst v63  }
0x31: {  	s5 =	sadd.s32 $0x100, s18  }
0x32: {  	[tilespmem:s25], [sflag:$0x3] =	stream.strided.gather [spmem:s5], $0x1000, s20, s19, $0x38;
	[tilespmem:$0x1F700] =	vst v63  }
0x33: {  	s12 =	sadd.s32 $0x180, s18  }
0x34: {  	[tilespmem:s26], [sflag:$0x4] =	stream.strided.gather [spmem:s12], $0x1000, s20, s19, $0x38;
	[tilespmem:$0x1F700] =	vst v63  }
0x35: {  	_ =	swait.ge [sflag:s28], $0x1000  }
0x36: {  	p3 =	seq.s32 s22, $0x0;
	[sflag:s28] =	ssyncset.done $0x0  }
0x37: {  	s1 =	simm.s32 @!p3 $0x5;
	[sflag:s28] =	ssyncadd.s32 $0xFFFFF000  }
0x38: {  	_ =	swait.ge @!p3 [sflag:s1], $0x1000  }
0x39: {  	[sflag:s1] =	ssyncset.done @!p3 $0x0  }
0x3a: {  	s21 =	simm.s32 $0x18780;
	[sflag:s1] =	ssyncadd.s32 @!p3 $0xFFFFF000  }
0x3b: {  	v0 =	vld [tilespmem:s21+$0x70]  }
0x3c: {  	v1 =	vld [tilespmem:s21+$0xFFFFFF90]  }
0x3d: {  	v2 =	vld [tilespmem:s21+$0xFFFFFFA0]  }
0x3e: {  	v3 =	vld [tilespmem:s21+$0xFFFFFFB0]  }
0x3f: {  	v4 =	vld [tilespmem:s21+$0xFFFFFFC0]  }
0x40: {  	v5 =	vld [tilespmem:s21+$0xFFFFFFD0]  }
0x41: {  	v6 =	vld [tilespmem:s21+$0xFFFFFFE0]  }
0x42: {  	v7 =	vld [tilespmem:s21+$0xFFFFFFF0]  }
0x43: {  	v8 =	vld [tilespmem:s21+$0x0]  }
0x44: {  	v9 =	vld [tilespmem:s21+$0x10]  }
0x45: {  	v10 =	vld [tilespmem:s21+$0x20]  }
0x46: {  	v11 =	vld [tilespmem:s21+$0x30]  }
0x47: {  	v12 =	vld [tilespmem:s21+$0x40]  }
0x48: {  	v13 =	vld [tilespmem:s21+$0x50]  }
0x49: {  	v14 =	vld [tilespmem:s21+$0x60]  }
0x4a: {  	v15 =	vld [tilespmem:s21+$0xFFFFFF80]  }
0x4b: {  	v0 =	vld.idx.msk [tilespmem:v0+s4+$0x0], $0xffff  }
0x4c: {  	v1 =	vld.idx.msk [tilespmem:v1+s4+$0x0], $0xffff  }
0x4d: {  	v2 =	vld.idx.msk [tilespmem:v2+s4+$0x0], $0xffff  }
0x4e: {  	v3 =	vld.idx.msk [tilespmem:v3+s4+$0x0], $0xffff  }
0x4f: {  	v4 =	vld.idx.msk [tilespmem:v4+s4+$0x0], $0xffff  }
0x50: {  	s1 =	simm.s32 $0x1C780;
	v5 =	vld.idx.msk [tilespmem:v5+s4+$0x0], $0xffff  }
0x51: {  	v6 =	vld.idx.msk [tilespmem:v6+s4+$0x0], $0xffff;
	[tilespmem:s1+$0x70] =	vst v0  }
0x52: {  	v7 =	vld.idx.msk [tilespmem:v7+s4+$0x0], $0xffff;
	[tilespmem:s1+$0xFFFFFF90] =	vst v1  }
0x53: {  	v15 =	vld.idx.msk [tilespmem:v15+s4+$0x0], $0xffff;
	[tilespmem:s1+$0xFFFFFFA0] =	vst v2  }
0x54: {  	v8 =	vld.idx.msk [tilespmem:v8+s4+$0x0], $0xffff;
	[tilespmem:s1+$0xFFFFFFB0] =	vst v3  }
0x55: {  	[tilespmem:s1+$0xFFFFFFC0] =	vst v4;
	v0 =	vld.idx.msk [tilespmem:v9+s4+$0x0], $0xffff  }
0x56: {  	[tilespmem:s1+$0xFFFFFFD0] =	vst v5;
	v1 =	vld.idx.msk [tilespmem:v10+s4+$0x0], $0xffff  }
0x57: {  	[tilespmem:s1+$0xFFFFFFE0] =	vst v6;
	v2 =	vld.idx.msk [tilespmem:v11+s4+$0x0], $0xffff  }
0x58: {  	[tilespmem:s1+$0xFFFFFFF0] =	vst v7;
	v3 =	vld.idx.msk [tilespmem:v12+s4+$0x0], $0xffff  }
0x59: {  	[tilespmem:s1+$0xFFFFFF80] =	vst v15;
	v4 =	vld.idx.msk [tilespmem:v13+s4+$0x0], $0xffff  }
0x5a: {  	s5 =	simm.s32 $0x0;
	s12 =	simm.s32 $0x18880;
	s21 =	sshll.u32 s22, $0x15;
	[tilespmem:s1+$0x0] =	vst v8;
	v5 =	vld.idx.msk [tilespmem:v14+s4+$0x0], $0xffff  }
.LBB2_3:
0x5b: {  	v6 =	vld [tilespmem:s12+$0x70];
	s5 =	sadd.s32 $0x100, s5;
	[tilespmem:s1+$0x10] =	vst v0  }
0x5c: {  	v0 =	vld [tilespmem:s12+$0xFFFFFF90];
	p4 =	slt.u32 s5, $0xF00;
	[tilespmem:s1+$0x20] =	vst v1  }
0x5d: {  	v1 =	vld [tilespmem:s12+$0xFFFFFFA0];
	[tilespmem:s1+$0x30] =	vst v2  }
0x5e: {  	v2 =	vld [tilespmem:s12+$0xFFFFFFB0];
	[tilespmem:s1+$0x40] =	vst v3  }
0x5f: {  	v3 =	vld [tilespmem:s12+$0xFFFFFFC0];
	[tilespmem:s1+$0x50] =	vst v4  }
0x60: {  	v4 =	vld [tilespmem:s12+$0xFFFFFFD0];
	[tilespmem:s1+$0x60] =	vst v5  }
0x61: {  	v5 =	vld [tilespmem:s12+$0xFFFFFFE0]  }
0x62: {  	v7 =	vld [tilespmem:s12+$0xFFFFFFF0]  }
0x63: {  	v6 =	vld.idx.msk [tilespmem:v6+s4+$0x0], $0xffff  }
0x64: {  	v8 =	vld [tilespmem:s12+$0x0]  }
0x65: {  	v9 =	vld [tilespmem:s12+$0x10]  }
0x66: {  	v10 =	vld [tilespmem:s12+$0x20]  }
0x67: {  	v11 =	vld [tilespmem:s12+$0x30]  }
0x68: {  	s1 =	sadd.s32 $0x100, s1;
	v12 =	vld [tilespmem:s12+$0x40]  }
0x69: {  	v13 =	vld [tilespmem:s12+$0x50];
	[tilespmem:s1+$0x70] =	vst v6  }
0x6a: {  	v6 =	vld [tilespmem:s12+$0x60]  }
0x6b: {  	v14 =	vld [tilespmem:s12+$0xFFFFFF80]  }
0x6c: {  	v0 =	vld.idx.msk [tilespmem:v0+s4+$0x0], $0xffff  }
0x6d: {  	v1 =	vld.idx.msk [tilespmem:v1+s4+$0x0], $0xffff  }
0x6e: {  	v2 =	vld.idx.msk [tilespmem:v2+s4+$0x0], $0xffff  }
0x6f: {  	v3 =	vld.idx.msk [tilespmem:v3+s4+$0x0], $0xffff  }
0x70: {  	v4 =	vld.idx.msk [tilespmem:v4+s4+$0x0], $0xffff  }
0x71: {  	v5 =	vld.idx.msk [tilespmem:v5+s4+$0x0], $0xffff  }
0x72: {  	[tilespmem:s1+$0xFFFFFF90] =	vst v0;
	v7 =	vld.idx.msk [tilespmem:v7+s4+$0x0], $0xffff  }
0x73: {  	v14 =	vld.idx.msk [tilespmem:v14+s4+$0x0], $0xffff;
	[tilespmem:s1+$0xFFFFFFA0] =	vst v1  }
0x74: {  	[tilespmem:s1+$0xFFFFFFB0] =	vst v2;
	v8 =	vld.idx.msk [tilespmem:v8+s4+$0x0], $0xffff  }
0x75: {  	[tilespmem:s1+$0xFFFFFFC0] =	vst v3;
	v0 =	vld.idx.msk [tilespmem:v9+s4+$0x0], $0xffff  }
.Ltmp0:
0x76: {  	[tilespmem:s1+$0xFFFFFFD0] =	vst v4;
	v1 =	vld.idx.msk [tilespmem:v10+s4+$0x0], $0xffff;
	(pc) =	sbr.rel @p4 .LBB2_3-.Ltmp0, $4  }
0x77: {  	[tilespmem:s1+$0xFFFFFFE0] =	vst v5;
	v2 =	vld.idx.msk [tilespmem:v11+s4+$0x0], $0xffff  }
0x78: {  	[tilespmem:s1+$0xFFFFFFF0] =	vst v7;
	v3 =	vld.idx.msk [tilespmem:v12+s4+$0x0], $0xffff  }
0x79: {  	[tilespmem:s1+$0xFFFFFF80] =	vst v14;
	v4 =	vld.idx.msk [tilespmem:v13+s4+$0x0], $0xffff  }
0x7a: {  	s12 =	sadd.s32 $0x100, s12;
	[tilespmem:s1+$0x0] =	vst v8;
	v5 =	vld.idx.msk [tilespmem:v6+s4+$0x0], $0xffff  }
0x7b: {  	[tilespmem:s1+$0x10] =	vst v0  }
0x7c: {  	[tilespmem:s1+$0x20] =	vst v1  }
0x7d: {  	[tilespmem:s1+$0x30] =	vst v2  }
0x7e: {  	[tilespmem:s1+$0x40] =	vst v3  }
0x7f: {  	s5 =	sor.u32 s21, s8;
	s12 =	rddreg [dreg:$0x5]  }
0x80: {  	s5 =	sor.u32 s12, s5  }
0x81: {  	[tilespmem:s1+$0x50] =	vst v4;
	s12 =	rddreg [dreg:$0x2];
	s21 =	sshrl.u32 s5, $0x3  }
0x82: {  	[tilespmem:s1+$0x60] =	vst v5;
	s1 =	sadd.s32 s12, s21  }
0x83: {  	[hbm4b:s1+s19] =	stream.strided.scatter [tilespmem:s29], [sflag:$0x5], $0x1000, s20, s19, $0x38;
	[tilespmem:$0x1F700] =	vst v63  }
0x84: {  	s5 =	sadd.s32 $0x200, s18  }
0x85: {  	[tilespmem:s23], [sflag:$0x1] =	stream.strided.gather [spmem:s5], $0x1000, s20, s19, $0x38;
	[tilespmem:$0x1F700] =	vst v63  }
0x86: {  	_ =	swait.ge [sflag:s30], $0x1000  }
0x87: {  	[sflag:s30] =	ssyncset.done $0x0  }
0x88: {  	s1 =	simm.s32 @!p3 $0x6;
	[sflag:s30] =	ssyncadd.s32 $0xFFFFF000  }
0x89: {  	_ =	swait.ge @!p3 [sflag:s1], $0x1000  }
0x8a: {  	[sflag:s1] =	ssyncset.done @!p3 $0x0  }
0x8b: {  	s12 =	simm.s32 $0x197F0;
	[sflag:s1] =	ssyncadd.s32 @!p3 $0xFFFFF000  }
0x8c: {  	v0 =	vld [tilespmem:s12+$0x0]  }
0x8d: {  	v1 =	vld [tilespmem:s12+$0xFFFFFF20]  }
0x8e: {  	v2 =	vld [tilespmem:s12+$0xFFFFFF30]  }
0x8f: {  	v3 =	vld [tilespmem:s12+$0xFFFFFF40]  }
0x90: {  	v4 =	vld [tilespmem:s12+$0xFFFFFF50]  }
0x91: {  	v5 =	vld [tilespmem:s12+$0xFFFFFF60]  }
0x92: {  	v6 =	vld [tilespmem:s12+$0xFFFFFF70]  }
0x93: {  	v7 =	vld [tilespmem:s12+$0xFFFFFF80]  }
0x94: {  	v8 =	vld [tilespmem:s12+$0xFFFFFF90]  }
0x95: {  	v9 =	vld [tilespmem:s12+$0xFFFFFFA0]  }
0x96: {  	v10 =	vld [tilespmem:s12+$0xFFFFFFB0]  }
0x97: {  	v11 =	vld [tilespmem:s12+$0xFFFFFFC0]  }
0x98: {  	v12 =	vld [tilespmem:s12+$0xFFFFFFD0]  }
0x99: {  	v13 =	vld [tilespmem:s12+$0xFFFFFFE0]  }
0x9a: {  	v14 =	vld [tilespmem:s12+$0xFFFFFFF0]  }
0x9b: {  	v15 =	vld [tilespmem:s12+$0xFFFFFF10]  }
0x9c: {  	v0 =	vld.idx.msk [tilespmem:v0+s4+$0x0], $0xffff  }
0x9d: {  	v1 =	vld.idx.msk [tilespmem:v1+s4+$0x0], $0xffff  }
0x9e: {  	v2 =	vld.idx.msk [tilespmem:v2+s4+$0x0], $0xffff  }
0x9f: {  	v3 =	vld.idx.msk [tilespmem:v3+s4+$0x0], $0xffff  }
0xa0: {  	v4 =	vld.idx.msk [tilespmem:v4+s4+$0x0], $0xffff  }
0xa1: {  	s1 =	simm.s32 $0x1D7F0;
	v5 =	vld.idx.msk [tilespmem:v5+s4+$0x0], $0xffff  }
0xa2: {  	v6 =	vld.idx.msk [tilespmem:v6+s4+$0x0], $0xffff;
	[tilespmem:s1+$0x0] =	vst v0  }
0xa3: {  	v7 =	vld.idx.msk [tilespmem:v7+s4+$0x0], $0xffff;
	[tilespmem:s1+$0xFFFFFF20] =	vst v1  }
0xa4: {  	v15 =	vld.idx.msk [tilespmem:v15+s4+$0x0], $0xffff;
	[tilespmem:s1+$0xFFFFFF30] =	vst v2  }
0xa5: {  	v8 =	vld.idx.msk [tilespmem:v8+s4+$0x0], $0xffff;
	[tilespmem:s1+$0xFFFFFF40] =	vst v3  }
0xa6: {  	[tilespmem:s1+$0xFFFFFF50] =	vst v4;
	v0 =	vld.idx.msk [tilespmem:v9+s4+$0x0], $0xffff  }
0xa7: {  	[tilespmem:s1+$0xFFFFFF60] =	vst v5;
	v1 =	vld.idx.msk [tilespmem:v10+s4+$0x0], $0xffff  }
0xa8: {  	[tilespmem:s1+$0xFFFFFF70] =	vst v6;
	v2 =	vld.idx.msk [tilespmem:v11+s4+$0x0], $0xffff  }
0xa9: {  	[tilespmem:s1+$0xFFFFFF80] =	vst v7;
	v3 =	vld.idx.msk [tilespmem:v12+s4+$0x0], $0xffff  }
0xaa: {  	[tilespmem:s1+$0xFFFFFF10] =	vst v15;
	v4 =	vld.idx.msk [tilespmem:v13+s4+$0x0], $0xffff  }
0xab: {  	s5 =	simm.s32 $0x0;
	s12 =	simm.s32 $0x198F0;
	[tilespmem:s1+$0xFFFFFF90] =	vst v8;
	v5 =	vld.idx.msk [tilespmem:v14+s4+$0x0], $0xffff  }
.LBB2_5:
0xac: {  	v6 =	vld [tilespmem:s12+$0x0];
	s5 =	sadd.s32 $0x100, s5;
	[tilespmem:s1+$0xFFFFFFA0] =	vst v0  }
0xad: {  	v0 =	vld [tilespmem:s12+$0xFFFFFF20];
	p3 =	slt.u32 s5, $0xF00;
	[tilespmem:s1+$0xFFFFFFB0] =	vst v1  }
0xae: {  	v1 =	vld [tilespmem:s12+$0xFFFFFF30];
	[tilespmem:s1+$0xFFFFFFC0] =	vst v2  }
0xaf: {  	v2 =	vld [tilespmem:s12+$0xFFFFFF40];
	[tilespmem:s1+$0xFFFFFFD0] =	vst v3  }
0xb0: {  	v3 =	vld [tilespmem:s12+$0xFFFFFF50];
	[tilespmem:s1+$0xFFFFFFE0] =	vst v4  }
0xb1: {  	v4 =	vld [tilespmem:s12+$0xFFFFFF60];
	[tilespmem:s1+$0xFFFFFFF0] =	vst v5  }
0xb2: {  	v5 =	vld [tilespmem:s12+$0xFFFFFF70]  }
0xb3: {  	v7 =	vld [tilespmem:s12+$0xFFFFFF80]  }
0xb4: {  	v6 =	vld.idx.msk [tilespmem:v6+s4+$0x0], $0xffff  }
0xb5: {  	v8 =	vld [tilespmem:s12+$0xFFFFFF90]  }
0xb6: {  	v9 =	vld [tilespmem:s12+$0xFFFFFFA0]  }
0xb7: {  	v10 =	vld [tilespmem:s12+$0xFFFFFFB0]  }
0xb8: {  	v11 =	vld [tilespmem:s12+$0xFFFFFFC0]  }
0xb9: {  	s1 =	sadd.s32 $0x100, s1;
	v12 =	vld [tilespmem:s12+$0xFFFFFFD0]  }
0xba: {  	v13 =	vld [tilespmem:s12+$0xFFFFFFE0];
	[tilespmem:s1+$0x0] =	vst v6  }
0xbb: {  	v6 =	vld [tilespmem:s12+$0xFFFFFFF0]  }
0xbc: {  	v14 =	vld [tilespmem:s12+$0xFFFFFF10]  }
0xbd: {  	v0 =	vld.idx.msk [tilespmem:v0+s4+$0x0], $0xffff  }
0xbe: {  	v1 =	vld.idx.msk [tilespmem:v1+s4+$0x0], $0xffff  }
0xbf: {  	v2 =	vld.idx.msk [tilespmem:v2+s4+$0x0], $0xffff  }
0xc0: {  	v3 =	vld.idx.msk [tilespmem:v3+s4+$0x0], $0xffff  }
0xc1: {  	v4 =	vld.idx.msk [tilespmem:v4+s4+$0x0], $0xffff  }
0xc2: {  	v5 =	vld.idx.msk [tilespmem:v5+s4+$0x0], $0xffff  }
0xc3: {  	[tilespmem:s1+$0xFFFFFF20] =	vst v0;
	v7 =	vld.idx.msk [tilespmem:v7+s4+$0x0], $0xffff  }
0xc4: {  	v14 =	vld.idx.msk [tilespmem:v14+s4+$0x0], $0xffff;
	[tilespmem:s1+$0xFFFFFF30] =	vst v1  }
0xc5: {  	[tilespmem:s1+$0xFFFFFF40] =	vst v2;
	v8 =	vld.idx.msk [tilespmem:v8+s4+$0x0], $0xffff  }
0xc6: {  	[tilespmem:s1+$0xFFFFFF50] =	vst v3;
	v0 =	vld.idx.msk [tilespmem:v9+s4+$0x0], $0xffff  }
.Ltmp1:
0xc7: {  	[tilespmem:s1+$0xFFFFFF60] =	vst v4;
	v1 =	vld.idx.msk [tilespmem:v10+s4+$0x0], $0xffff;
	(pc) =	sbr.rel @p3 .LBB2_5-.Ltmp1, $4  }
0xc8: {  	[tilespmem:s1+$0xFFFFFF70] =	vst v5;
	v2 =	vld.idx.msk [tilespmem:v11+s4+$0x0], $0xffff  }
0xc9: {  	[tilespmem:s1+$0xFFFFFF80] =	vst v7;
	v3 =	vld.idx.msk [tilespmem:v12+s4+$0x0], $0xffff  }
0xca: {  	[tilespmem:s1+$0xFFFFFF10] =	vst v14;
	v4 =	vld.idx.msk [tilespmem:v13+s4+$0x0], $0xffff  }
0xcb: {  	s12 =	sadd.s32 $0x100, s12;
	[tilespmem:s1+$0xFFFFFF90] =	vst v8;
	v5 =	vld.idx.msk [tilespmem:v6+s4+$0x0], $0xffff  }
0xcc: {  	[tilespmem:s1+$0xFFFFFFA0] =	vst v0  }
0xcd: {  	[tilespmem:s1+$0xFFFFFFB0] =	vst v1  }
0xce: {  	[tilespmem:s1+$0xFFFFFFC0] =	vst v2  }
0xcf: {  	[tilespmem:s1+$0xFFFFFFD0] =	vst v3  }
0xd0: {  	[tilespmem:s1+$0xFFFFFFE0] =	vst v4  }
0xd1: {  	s12 =	sadd.s32 s21, s9;
	[tilespmem:s1+$0xFFFFFFF0] =	vst v5  }
0xd2: {  	[hbm4b:s12+s19] =	stream.strided.scatter [tilespmem:s31], [sflag:$0x6], $0x1000, s20, s19, $0x38;
	[tilespmem:$0x1F700] =	vst v63  }
0xd3: {  	s5 =	sadd.s32 $0x280, s18  }
0xd4: {  	[tilespmem:s24], [sflag:$0x2] =	stream.strided.gather [spmem:s5], $0x1000, s20, s19, $0x38;
	[tilespmem:$0x1F700] =	vst v63  }
0xd5: {  	_ =	swait.ge [sflag:s3], $0x1000  }
0xd6: {  	[sflag:s3] =	ssyncset.done $0x0  }
0xd7: {  	[sflag:s3] =	ssyncadd.s32 $0xFFFFF000  }
0xd8: {  	_ =	swait.ge [sflag:s0], $0x1000  }
0xd9: {  	[sflag:s0] =	ssyncset.done $0x0  }
0xda: {  	s12 =	simm.s32 $0x1A7F0;
	[sflag:s0] =	ssyncadd.s32 $0xFFFFF000  }
0xdb: {  	v0 =	vld [tilespmem:s12+$0x0]  }
0xdc: {  	v1 =	vld [tilespmem:s12+$0xFFFFFF20]  }
0xdd: {  	v2 =	vld [tilespmem:s12+$0xFFFFFF30]  }
0xde: {  	v3 =	vld [tilespmem:s12+$0xFFFFFF40]  }
0xdf: {  	v4 =	vld [tilespmem:s12+$0xFFFFFF50]  }
0xe0: {  	v5 =	vld [tilespmem:s12+$0xFFFFFF60]  }
0xe1: {  	v6 =	vld [tilespmem:s12+$0xFFFFFF70]  }
0xe2: {  	v7 =	vld [tilespmem:s12+$0xFFFFFF80]  }
0xe3: {  	v8 =	vld [tilespmem:s12+$0xFFFFFF90]  }
0xe4: {  	v9 =	vld [tilespmem:s12+$0xFFFFFFA0]  }
0xe5: {  	v10 =	vld [tilespmem:s12+$0xFFFFFFB0]  }
0xe6: {  	v11 =	vld [tilespmem:s12+$0xFFFFFFC0]  }
0xe7: {  	v12 =	vld [tilespmem:s12+$0xFFFFFFD0]  }
0xe8: {  	v13 =	vld [tilespmem:s12+$0xFFFFFFE0]  }
0xe9: {  	v14 =	vld [tilespmem:s12+$0xFFFFFFF0]  }
0xea: {  	v15 =	vld [tilespmem:s12+$0xFFFFFF10]  }
0xeb: {  	v0 =	vld.idx.msk [tilespmem:v0+s4+$0x0], $0xffff  }
0xec: {  	v1 =	vld.idx.msk [tilespmem:v1+s4+$0x0], $0xffff  }
0xed: {  	v2 =	vld.idx.msk [tilespmem:v2+s4+$0x0], $0xffff  }
0xee: {  	v3 =	vld.idx.msk [tilespmem:v3+s4+$0x0], $0xffff  }
0xef: {  	v4 =	vld.idx.msk [tilespmem:v4+s4+$0x0], $0xffff  }
0xf0: {  	s1 =	simm.s32 $0x1C780;
	v5 =	vld.idx.msk [tilespmem:v5+s4+$0x0], $0xffff  }
0xf1: {  	v6 =	vld.idx.msk [tilespmem:v6+s4+$0x0], $0xffff;
	[tilespmem:s1+$0x70] =	vst v0  }
0xf2: {  	v7 =	vld.idx.msk [tilespmem:v7+s4+$0x0], $0xffff;
	[tilespmem:s1+$0xFFFFFF90] =	vst v1  }
0xf3: {  	v15 =	vld.idx.msk [tilespmem:v15+s4+$0x0], $0xffff;
	[tilespmem:s1+$0xFFFFFFA0] =	vst v2  }
0xf4: {  	v8 =	vld.idx.msk [tilespmem:v8+s4+$0x0], $0xffff;
	[tilespmem:s1+$0xFFFFFFB0] =	vst v3  }
0xf5: {  	[tilespmem:s1+$0xFFFFFFC0] =	vst v4;
	v0 =	vld.idx.msk [tilespmem:v9+s4+$0x0], $0xffff  }
0xf6: {  	[tilespmem:s1+$0xFFFFFFD0] =	vst v5;
	v1 =	vld.idx.msk [tilespmem:v10+s4+$0x0], $0xffff  }
0xf7: {  	[tilespmem:s1+$0xFFFFFFE0] =	vst v6;
	v2 =	vld.idx.msk [tilespmem:v11+s4+$0x0], $0xffff  }
0xf8: {  	[tilespmem:s1+$0xFFFFFFF0] =	vst v7;
	v3 =	vld.idx.msk [tilespmem:v12+s4+$0x0], $0xffff  }
0xf9: {  	[tilespmem:s1+$0xFFFFFF80] =	vst v15;
	v4 =	vld.idx.msk [tilespmem:v13+s4+$0x0], $0xffff  }
0xfa: {  	s5 =	simm.s32 $0x0;
	s12 =	simm.s32 $0x1A8F0;
	[tilespmem:s1+$0x0] =	vst v8;
	v5 =	vld.idx.msk [tilespmem:v14+s4+$0x0], $0xffff  }
.LBB2_7:
0xfb: {  	v6 =	vld [tilespmem:s12+$0x0];
	s5 =	sadd.s32 $0x100, s5;
	[tilespmem:s1+$0x10] =	vst v0  }
0xfc: {  	v0 =	vld [tilespmem:s12+$0xFFFFFF20];
	p3 =	slt.u32 s5, $0xF00;
	[tilespmem:s1+$0x20] =	vst v1  }
0xfd: {  	v1 =	vld [tilespmem:s12+$0xFFFFFF30];
	[tilespmem:s1+$0x30] =	vst v2  }
0xfe: {  	v2 =	vld [tilespmem:s12+$0xFFFFFF40];
	[tilespmem:s1+$0x40] =	vst v3  }
0xff: {  	v3 =	vld [tilespmem:s12+$0xFFFFFF50];
	[tilespmem:s1+$0x50] =	vst v4  }
0x100: {  	v4 =	vld [tilespmem:s12+$0xFFFFFF60];
	[tilespmem:s1+$0x60] =	vst v5  }
0x101: {  	v5 =	vld [tilespmem:s12+$0xFFFFFF70]  }
0x102: {  	v7 =	vld [tilespmem:s12+$0xFFFFFF80]  }
0x103: {  	v6 =	vld.idx.msk [tilespmem:v6+s4+$0x0], $0xffff  }
0x104: {  	v8 =	vld [tilespmem:s12+$0xFFFFFF90]  }
0x105: {  	v9 =	vld [tilespmem:s12+$0xFFFFFFA0]  }
0x106: {  	v10 =	vld [tilespmem:s12+$0xFFFFFFB0]  }
0x107: {  	v11 =	vld [tilespmem:s12+$0xFFFFFFC0]  }
0x108: {  	s1 =	sadd.s32 $0x100, s1;
	v12 =	vld [tilespmem:s12+$0xFFFFFFD0]  }
0x109: {  	v13 =	vld [tilespmem:s12+$0xFFFFFFE0];
	[tilespmem:s1+$0x70] =	vst v6  }
0x10a: {  	v6 =	vld [tilespmem:s12+$0xFFFFFFF0]  }
0x10b: {  	v14 =	vld [tilespmem:s12+$0xFFFFFF10]  }
0x10c: {  	v0 =	vld.idx.msk [tilespmem:v0+s4+$0x0], $0xffff  }
0x10d: {  	v1 =	vld.idx.msk [tilespmem:v1+s4+$0x0], $0xffff  }
0x10e: {  	v2 =	vld.idx.msk [tilespmem:v2+s4+$0x0], $0xffff  }
0x10f: {  	v3 =	vld.idx.msk [tilespmem:v3+s4+$0x0], $0xffff  }
0x110: {  	v4 =	vld.idx.msk [tilespmem:v4+s4+$0x0], $0xffff  }
0x111: {  	v5 =	vld.idx.msk [tilespmem:v5+s4+$0x0], $0xffff  }
0x112: {  	[tilespmem:s1+$0xFFFFFF90] =	vst v0;
	v7 =	vld.idx.msk [tilespmem:v7+s4+$0x0], $0xffff  }
0x113: {  	v14 =	vld.idx.msk [tilespmem:v14+s4+$0x0], $0xffff;
	[tilespmem:s1+$0xFFFFFFA0] =	vst v1  }
0x114: {  	[tilespmem:s1+$0xFFFFFFB0] =	vst v2;
	v8 =	vld.idx.msk [tilespmem:v8+s4+$0x0], $0xffff  }
0x115: {  	[tilespmem:s1+$0xFFFFFFC0] =	vst v3;
	v0 =	vld.idx.msk [tilespmem:v9+s4+$0x0], $0xffff  }
.Ltmp2:
0x116: {  	[tilespmem:s1+$0xFFFFFFD0] =	vst v4;
	v1 =	vld.idx.msk [tilespmem:v10+s4+$0x0], $0xffff;
	(pc) =	sbr.rel @p3 .LBB2_7-.Ltmp2, $4  }
0x117: {  	[tilespmem:s1+$0xFFFFFFE0] =	vst v5;
	v2 =	vld.idx.msk [tilespmem:v11+s4+$0x0], $0xffff  }
0x118: {  	[tilespmem:s1+$0xFFFFFFF0] =	vst v7;
	v3 =	vld.idx.msk [tilespmem:v12+s4+$0x0], $0xffff  }
0x119: {  	[tilespmem:s1+$0xFFFFFF80] =	vst v14;
	v4 =	vld.idx.msk [tilespmem:v13+s4+$0x0], $0xffff  }
0x11a: {  	s12 =	sadd.s32 $0x100, s12;
	[tilespmem:s1+$0x0] =	vst v8;
	v5 =	vld.idx.msk [tilespmem:v6+s4+$0x0], $0xffff  }
0x11b: {  	[tilespmem:s1+$0x10] =	vst v0  }
0x11c: {  	[tilespmem:s1+$0x20] =	vst v1  }
0x11d: {  	[tilespmem:s1+$0x30] =	vst v2  }
0x11e: {  	[tilespmem:s1+$0x40] =	vst v3  }
0x11f: {  	[tilespmem:s1+$0x50] =	vst v4  }
0x120: {  	s12 =	sadd.s32 s21, s10;
	[tilespmem:s1+$0x60] =	vst v5  }
0x121: {  	[hbm4b:s12+s19] =	stream.strided.scatter [tilespmem:s29], [sflag:$0x5], $0x1000, s20, s19, $0x38;
	[tilespmem:$0x1F700] =	vst v63  }
0x122: {  	s5 =	sadd.s32 $0x300, s18  }
0x123: {  	[tilespmem:s25], [sflag:$0x3] =	stream.strided.gather [spmem:s5], $0x1000, s20, s19, $0x38;
	[tilespmem:$0x1F700] =	vst v63  }
0x124: {  	_ =	swait.ge [sflag:s6], $0x1000  }
0x125: {  	[sflag:s6] =	ssyncset.done $0x0  }
0x126: {  	[sflag:s6] =	ssyncadd.s32 $0xFFFFF000  }
0x127: {  	_ =	swait.ge [sflag:s17], $0x1000  }
0x128: {  	[sflag:s17] =	ssyncset.done $0x0  }
0x129: {  	s12 =	simm.s32 $0x1B7F0;
	[sflag:s17] =	ssyncadd.s32 $0xFFFFF000  }
0x12a: {  	v0 =	vld [tilespmem:s12+$0x0]  }
0x12b: {  	v1 =	vld [tilespmem:s12+$0xFFFFFF20]  }
0x12c: {  	v2 =	vld [tilespmem:s12+$0xFFFFFF30]  }
0x12d: {  	v3 =	vld [tilespmem:s12+$0xFFFFFF40]  }
0x12e: {  	v4 =	vld [tilespmem:s12+$0xFFFFFF50]  }
0x12f: {  	v5 =	vld [tilespmem:s12+$0xFFFFFF60]  }
0x130: {  	v6 =	vld [tilespmem:s12+$0xFFFFFF70]  }
0x131: {  	v7 =	vld [tilespmem:s12+$0xFFFFFF80]  }
0x132: {  	v8 =	vld [tilespmem:s12+$0xFFFFFF90]  }
0x133: {  	v9 =	vld [tilespmem:s12+$0xFFFFFFA0]  }
0x134: {  	v10 =	vld [tilespmem:s12+$0xFFFFFFB0]  }
0x135: {  	v11 =	vld [tilespmem:s12+$0xFFFFFFC0]  }
0x136: {  	v12 =	vld [tilespmem:s12+$0xFFFFFFD0]  }
0x137: {  	v13 =	vld [tilespmem:s12+$0xFFFFFFE0]  }
0x138: {  	v14 =	vld [tilespmem:s12+$0xFFFFFFF0]  }
0x139: {  	v15 =	vld [tilespmem:s12+$0xFFFFFF10]  }
0x13a: {  	v0 =	vld.idx.msk [tilespmem:v0+s4+$0x0], $0xffff  }
0x13b: {  	v1 =	vld.idx.msk [tilespmem:v1+s4+$0x0], $0xffff  }
0x13c: {  	v2 =	vld.idx.msk [tilespmem:v2+s4+$0x0], $0xffff  }
0x13d: {  	v3 =	vld.idx.msk [tilespmem:v3+s4+$0x0], $0xffff  }
0x13e: {  	v4 =	vld.idx.msk [tilespmem:v4+s4+$0x0], $0xffff  }
0x13f: {  	s1 =	simm.s32 $0x1D7F0;
	v5 =	vld.idx.msk [tilespmem:v5+s4+$0x0], $0xffff  }
0x140: {  	v6 =	vld.idx.msk [tilespmem:v6+s4+$0x0], $0xffff;
	[tilespmem:s1+$0x0] =	vst v0  }
0x141: {  	v7 =	vld.idx.msk [tilespmem:v7+s4+$0x0], $0xffff;
	[tilespmem:s1+$0xFFFFFF20] =	vst v1  }
0x142: {  	v15 =	vld.idx.msk [tilespmem:v15+s4+$0x0], $0xffff;
	[tilespmem:s1+$0xFFFFFF30] =	vst v2  }
0x143: {  	v8 =	vld.idx.msk [tilespmem:v8+s4+$0x0], $0xffff;
	[tilespmem:s1+$0xFFFFFF40] =	vst v3  }
0x144: {  	[tilespmem:s1+$0xFFFFFF50] =	vst v4;
	v0 =	vld.idx.msk [tilespmem:v9+s4+$0x0], $0xffff  }
0x145: {  	[tilespmem:s1+$0xFFFFFF60] =	vst v5;
	v1 =	vld.idx.msk [tilespmem:v10+s4+$0x0], $0xffff  }
0x146: {  	[tilespmem:s1+$0xFFFFFF70] =	vst v6;
	v2 =	vld.idx.msk [tilespmem:v11+s4+$0x0], $0xffff  }
0x147: {  	[tilespmem:s1+$0xFFFFFF80] =	vst v7;
	v3 =	vld.idx.msk [tilespmem:v12+s4+$0x0], $0xffff  }
0x148: {  	[tilespmem:s1+$0xFFFFFF10] =	vst v15;
	v4 =	vld.idx.msk [tilespmem:v13+s4+$0x0], $0xffff  }
0x149: {  	s5 =	simm.s32 $0x0;
	s12 =	simm.s32 $0x1B8F0;
	[tilespmem:s1+$0xFFFFFF90] =	vst v8;
	v5 =	vld.idx.msk [tilespmem:v14+s4+$0x0], $0xffff  }
.LBB2_9:
0x14a: {  	v6 =	vld [tilespmem:s12+$0x0];
	s5 =	sadd.s32 $0x100, s5;
	[tilespmem:s1+$0xFFFFFFA0] =	vst v0  }
0x14b: {  	v0 =	vld [tilespmem:s12+$0xFFFFFF20];
	p3 =	slt.u32 s5, $0xF00;
	[tilespmem:s1+$0xFFFFFFB0] =	vst v1  }
0x14c: {  	v1 =	vld [tilespmem:s12+$0xFFFFFF30];
	[tilespmem:s1+$0xFFFFFFC0] =	vst v2  }
0x14d: {  	v2 =	vld [tilespmem:s12+$0xFFFFFF40];
	[tilespmem:s1+$0xFFFFFFD0] =	vst v3  }
0x14e: {  	v3 =	vld [tilespmem:s12+$0xFFFFFF50];
	[tilespmem:s1+$0xFFFFFFE0] =	vst v4  }
0x14f: {  	v4 =	vld [tilespmem:s12+$0xFFFFFF60];
	[tilespmem:s1+$0xFFFFFFF0] =	vst v5  }
0x150: {  	v5 =	vld [tilespmem:s12+$0xFFFFFF70]  }
0x151: {  	v7 =	vld [tilespmem:s12+$0xFFFFFF80]  }
0x152: {  	v6 =	vld.idx.msk [tilespmem:v6+s4+$0x0], $0xffff  }
0x153: {  	v8 =	vld [tilespmem:s12+$0xFFFFFF90]  }
0x154: {  	v9 =	vld [tilespmem:s12+$0xFFFFFFA0]  }
0x155: {  	v10 =	vld [tilespmem:s12+$0xFFFFFFB0]  }
0x156: {  	v11 =	vld [tilespmem:s12+$0xFFFFFFC0]  }
0x157: {  	s1 =	sadd.s32 $0x100, s1;
	v12 =	vld [tilespmem:s12+$0xFFFFFFD0]  }
0x158: {  	v13 =	vld [tilespmem:s12+$0xFFFFFFE0];
	[tilespmem:s1+$0x0] =	vst v6  }
0x159: {  	v6 =	vld [tilespmem:s12+$0xFFFFFFF0]  }
0x15a: {  	v14 =	vld [tilespmem:s12+$0xFFFFFF10]  }
0x15b: {  	v0 =	vld.idx.msk [tilespmem:v0+s4+$0x0], $0xffff  }
0x15c: {  	v1 =	vld.idx.msk [tilespmem:v1+s4+$0x0], $0xffff  }
0x15d: {  	v2 =	vld.idx.msk [tilespmem:v2+s4+$0x0], $0xffff  }
0x15e: {  	v3 =	vld.idx.msk [tilespmem:v3+s4+$0x0], $0xffff  }
0x15f: {  	v4 =	vld.idx.msk [tilespmem:v4+s4+$0x0], $0xffff  }
0x160: {  	v5 =	vld.idx.msk [tilespmem:v5+s4+$0x0], $0xffff  }
0x161: {  	[tilespmem:s1+$0xFFFFFF20] =	vst v0;
	v7 =	vld.idx.msk [tilespmem:v7+s4+$0x0], $0xffff  }
0x162: {  	v14 =	vld.idx.msk [tilespmem:v14+s4+$0x0], $0xffff;
	[tilespmem:s1+$0xFFFFFF30] =	vst v1  }
0x163: {  	[tilespmem:s1+$0xFFFFFF40] =	vst v2;
	v8 =	vld.idx.msk [tilespmem:v8+s4+$0x0], $0xffff  }
0x164: {  	[tilespmem:s1+$0xFFFFFF50] =	vst v3;
	v0 =	vld.idx.msk [tilespmem:v9+s4+$0x0], $0xffff  }
.Ltmp3:
0x165: {  	[tilespmem:s1+$0xFFFFFF60] =	vst v4;
	v1 =	vld.idx.msk [tilespmem:v10+s4+$0x0], $0xffff;
	(pc) =	sbr.rel @p3 .LBB2_9-.Ltmp3, $4  }
0x166: {  	[tilespmem:s1+$0xFFFFFF70] =	vst v5;
	v2 =	vld.idx.msk [tilespmem:v11+s4+$0x0], $0xffff  }
0x167: {  	[tilespmem:s1+$0xFFFFFF80] =	vst v7;
	v3 =	vld.idx.msk [tilespmem:v12+s4+$0x0], $0xffff  }
0x168: {  	[tilespmem:s1+$0xFFFFFF10] =	vst v14;
	v4 =	vld.idx.msk [tilespmem:v13+s4+$0x0], $0xffff  }
0x169: {  	s12 =	sadd.s32 $0x100, s12;
	[tilespmem:s1+$0xFFFFFF90] =	vst v8;
	v5 =	vld.idx.msk [tilespmem:v6+s4+$0x0], $0xffff  }
0x16a: {  	[tilespmem:s1+$0xFFFFFFA0] =	vst v0  }
0x16b: {  	[tilespmem:s1+$0xFFFFFFB0] =	vst v1  }
0x16c: {  	[tilespmem:s1+$0xFFFFFFC0] =	vst v2  }
0x16d: {  	[tilespmem:s1+$0xFFFFFFD0] =	vst v3  }
0x16e: {  	[tilespmem:s1+$0xFFFFFFE0] =	vst v4  }
0x16f: {  	s5 =	sadd.s32 s21, s11;
	[tilespmem:s1+$0xFFFFFFF0] =	vst v5  }
0x170: {  	[hbm4b:s5+s19] =	stream.strided.scatter [tilespmem:s31], [sflag:$0x6], $0x1000, s20, s19, $0x38;
	[tilespmem:$0x1F700] =	vst v63  }
0x171: {  	s12 =	sadd.s32 $0x380, s18  }
0x172: {  	[tilespmem:s26], [sflag:$0x4] =	stream.strided.gather [spmem:s12], $0x1000, s20, s19, $0x38;
	[tilespmem:$0x1F700] =	vst v63  }
0x173: {  	_ =	swait.ge [sflag:s28], $0x1000  }
0x174: {  	[sflag:s28] =	ssyncset.done $0x0  }
0x175: {  	[sflag:s28] =	ssyncadd.s32 $0xFFFFF000  }
0x176: {  	_ =	swait.ge [sflag:s0], $0x1000  }
0x177: {  	[sflag:s0] =	ssyncset.done $0x0  }
0x178: {  	s18 =	simm.s32 $0x18780;
	[sflag:s0] =	ssyncadd.s32 $0xFFFFF000  }
0x179: {  	v0 =	vld [tilespmem:s18+$0x70]  }
0x17a: {  	v1 =	vld [tilespmem:s18+$0xFFFFFF90]  }
0x17b: {  	v2 =	vld [tilespmem:s18+$0xFFFFFFA0]  }
0x17c: {  	v3 =	vld [tilespmem:s18+$0xFFFFFFB0]  }
0x17d: {  	v4 =	vld [tilespmem:s18+$0xFFFFFFC0]  }
0x17e: {  	v5 =	vld [tilespmem:s18+$0xFFFFFFD0]  }
0x17f: {  	v6 =	vld [tilespmem:s18+$0xFFFFFFE0]  }
0x180: {  	v7 =	vld [tilespmem:s18+$0xFFFFFFF0]  }
0x181: {  	v8 =	vld [tilespmem:s18+$0x0]  }
0x182: {  	v9 =	vld [tilespmem:s18+$0x10]  }
0x183: {  	v10 =	vld [tilespmem:s18+$0x20]  }
0x184: {  	v11 =	vld [tilespmem:s18+$0x30]  }
0x185: {  	v12 =	vld [tilespmem:s18+$0x40]  }
0x186: {  	v13 =	vld [tilespmem:s18+$0x50]  }
0x187: {  	v14 =	vld [tilespmem:s18+$0x60]  }
0x188: {  	v15 =	vld [tilespmem:s18+$0xFFFFFF80]  }
0x189: {  	v0 =	vld.idx.msk [tilespmem:v0+s4+$0x0], $0xffff  }
0x18a: {  	v1 =	vld.idx.msk [tilespmem:v1+s4+$0x0], $0xffff  }
0x18b: {  	v2 =	vld.idx.msk [tilespmem:v2+s4+$0x0], $0xffff  }
0x18c: {  	v3 =	vld.idx.msk [tilespmem:v3+s4+$0x0], $0xffff  }
0x18d: {  	v4 =	vld.idx.msk [tilespmem:v4+s4+$0x0], $0xffff  }
0x18e: {  	s1 =	simm.s32 $0x1C780;
	v5 =	vld.idx.msk [tilespmem:v5+s4+$0x0], $0xffff  }
0x18f: {  	v6 =	vld.idx.msk [tilespmem:v6+s4+$0x0], $0xffff;
	[tilespmem:s1+$0x70] =	vst v0  }
0x190: {  	v7 =	vld.idx.msk [tilespmem:v7+s4+$0x0], $0xffff;
	[tilespmem:s1+$0xFFFFFF90] =	vst v1  }
0x191: {  	v15 =	vld.idx.msk [tilespmem:v15+s4+$0x0], $0xffff;
	[tilespmem:s1+$0xFFFFFFA0] =	vst v2  }
0x192: {  	v8 =	vld.idx.msk [tilespmem:v8+s4+$0x0], $0xffff;
	[tilespmem:s1+$0xFFFFFFB0] =	vst v3  }
0x193: {  	[tilespmem:s1+$0xFFFFFFC0] =	vst v4;
	v0 =	vld.idx.msk [tilespmem:v9+s4+$0x0], $0xffff  }
0x194: {  	[tilespmem:s1+$0xFFFFFFD0] =	vst v5;
	v1 =	vld.idx.msk [tilespmem:v10+s4+$0x0], $0xffff  }
0x195: {  	[tilespmem:s1+$0xFFFFFFE0] =	vst v6;
	v2 =	vld.idx.msk [tilespmem:v11+s4+$0x0], $0xffff  }
0x196: {  	[tilespmem:s1+$0xFFFFFFF0] =	vst v7;
	v3 =	vld.idx.msk [tilespmem:v12+s4+$0x0], $0xffff  }
0x197: {  	[tilespmem:s1+$0xFFFFFF80] =	vst v15;
	v4 =	vld.idx.msk [tilespmem:v13+s4+$0x0], $0xffff  }
0x198: {  	s5 =	simm.s32 $0x0;
	s12 =	simm.s32 $0x18880;
	[tilespmem:s1+$0x0] =	vst v8;
	v5 =	vld.idx.msk [tilespmem:v14+s4+$0x0], $0xffff  }
.LBB2_11:
0x199: {  	v6 =	vld [tilespmem:s12+$0x70];
	s5 =	sadd.s32 $0x100, s5;
	[tilespmem:s1+$0x10] =	vst v0  }
0x19a: {  	v0 =	vld [tilespmem:s12+$0xFFFFFF90];
	p3 =	slt.u32 s5, $0xF00;
	[tilespmem:s1+$0x20] =	vst v1  }
0x19b: {  	v1 =	vld [tilespmem:s12+$0xFFFFFFA0];
	[tilespmem:s1+$0x30] =	vst v2  }
0x19c: {  	v2 =	vld [tilespmem:s12+$0xFFFFFFB0];
	[tilespmem:s1+$0x40] =	vst v3  }
0x19d: {  	v3 =	vld [tilespmem:s12+$0xFFFFFFC0];
	[tilespmem:s1+$0x50] =	vst v4  }
0x19e: {  	v4 =	vld [tilespmem:s12+$0xFFFFFFD0];
	[tilespmem:s1+$0x60] =	vst v5  }
0x19f: {  	v5 =	vld [tilespmem:s12+$0xFFFFFFE0]  }
0x1a0: {  	v7 =	vld [tilespmem:s12+$0xFFFFFFF0]  }
0x1a1: {  	v6 =	vld.idx.msk [tilespmem:v6+s4+$0x0], $0xffff  }
0x1a2: {  	v8 =	vld [tilespmem:s12+$0x0]  }
0x1a3: {  	v9 =	vld [tilespmem:s12+$0x10]  }
0x1a4: {  	v10 =	vld [tilespmem:s12+$0x20]  }
0x1a5: {  	v11 =	vld [tilespmem:s12+$0x30]  }
0x1a6: {  	s1 =	sadd.s32 $0x100, s1;
	v12 =	vld [tilespmem:s12+$0x40]  }
0x1a7: {  	v13 =	vld [tilespmem:s12+$0x50];
	[tilespmem:s1+$0x70] =	vst v6  }
0x1a8: {  	v6 =	vld [tilespmem:s12+$0x60]  }
0x1a9: {  	v14 =	vld [tilespmem:s12+$0xFFFFFF80]  }
0x1aa: {  	v0 =	vld.idx.msk [tilespmem:v0+s4+$0x0], $0xffff  }
0x1ab: {  	v1 =	vld.idx.msk [tilespmem:v1+s4+$0x0], $0xffff  }
0x1ac: {  	v2 =	vld.idx.msk [tilespmem:v2+s4+$0x0], $0xffff  }
0x1ad: {  	v3 =	vld.idx.msk [tilespmem:v3+s4+$0x0], $0xffff  }
0x1ae: {  	v4 =	vld.idx.msk [tilespmem:v4+s4+$0x0], $0xffff  }
0x1af: {  	v5 =	vld.idx.msk [tilespmem:v5+s4+$0x0], $0xffff  }
0x1b0: {  	[tilespmem:s1+$0xFFFFFF90] =	vst v0;
	v7 =	vld.idx.msk [tilespmem:v7+s4+$0x0], $0xffff  }
0x1b1: {  	v14 =	vld.idx.msk [tilespmem:v14+s4+$0x0], $0xffff;
	[tilespmem:s1+$0xFFFFFFA0] =	vst v1  }
0x1b2: {  	[tilespmem:s1+$0xFFFFFFB0] =	vst v2;
	v8 =	vld.idx.msk [tilespmem:v8+s4+$0x0], $0xffff  }
0x1b3: {  	[tilespmem:s1+$0xFFFFFFC0] =	vst v3;
	v0 =	vld.idx.msk [tilespmem:v9+s4+$0x0], $0xffff  }
.Ltmp4:
0x1b4: {  	[tilespmem:s1+$0xFFFFFFD0] =	vst v4;
	v1 =	vld.idx.msk [tilespmem:v10+s4+$0x0], $0xffff;
	(pc) =	sbr.rel @p3 .LBB2_11-.Ltmp4, $4  }
0x1b5: {  	[tilespmem:s1+$0xFFFFFFE0] =	vst v5;
	v2 =	vld.idx.msk [tilespmem:v11+s4+$0x0], $0xffff  }
0x1b6: {  	[tilespmem:s1+$0xFFFFFFF0] =	vst v7;
	v3 =	vld.idx.msk [tilespmem:v12+s4+$0x0], $0xffff  }
0x1b7: {  	[tilespmem:s1+$0xFFFFFF80] =	vst v14;
	v4 =	vld.idx.msk [tilespmem:v13+s4+$0x0], $0xffff  }
0x1b8: {  	s12 =	sadd.s32 $0x100, s12;
	[tilespmem:s1+$0x0] =	vst v8;
	v5 =	vld.idx.msk [tilespmem:v6+s4+$0x0], $0xffff  }
0x1b9: {  	[tilespmem:s1+$0x10] =	vst v0  }
0x1ba: {  	[tilespmem:s1+$0x20] =	vst v1  }
0x1bb: {  	[tilespmem:s1+$0x30] =	vst v2  }
0x1bc: {  	[tilespmem:s1+$0x40] =	vst v3  }
0x1bd: {  	[tilespmem:s1+$0x50] =	vst v4  }
0x1be: {  	s12 =	sadd.s32 s21, s13;
	[tilespmem:s1+$0x60] =	vst v5  }
0x1bf: {  	[hbm4b:s12+s19] =	stream.strided.scatter [tilespmem:s29], [sflag:$0x5], $0x1000, s20, s19, $0x38;
	[tilespmem:$0x1F700] =	vst v63  }
0x1c0: {  	_ =	swait.ge [sflag:s30], $0x1000  }
0x1c1: {  	[sflag:s30] =	ssyncset.done $0x0  }
0x1c2: {  	[sflag:s30] =	ssyncadd.s32 $0xFFFFF000  }
0x1c3: {  	_ =	swait.ge [sflag:s17], $0x1000  }
0x1c4: {  	[sflag:s17] =	ssyncset.done $0x0  }
0x1c5: {  	s18 =	simm.s32 $0x197F0;
	[sflag:s17] =	ssyncadd.s32 $0xFFFFF000  }
0x1c6: {  	v0 =	vld [tilespmem:s18+$0x0]  }
0x1c7: {  	v1 =	vld [tilespmem:s18+$0xFFFFFF20]  }
0x1c8: {  	v2 =	vld [tilespmem:s18+$0xFFFFFF30]  }
0x1c9: {  	v3 =	vld [tilespmem:s18+$0xFFFFFF40]  }
0x1ca: {  	v4 =	vld [tilespmem:s18+$0xFFFFFF50]  }
0x1cb: {  	v5 =	vld [tilespmem:s18+$0xFFFFFF60]  }
0x1cc: {  	v6 =	vld [tilespmem:s18+$0xFFFFFF70]  }
0x1cd: {  	v7 =	vld [tilespmem:s18+$0xFFFFFF80]  }
0x1ce: {  	v8 =	vld [tilespmem:s18+$0xFFFFFF90]  }
0x1cf: {  	v9 =	vld [tilespmem:s18+$0xFFFFFFA0]  }
0x1d0: {  	v10 =	vld [tilespmem:s18+$0xFFFFFFB0]  }
0x1d1: {  	v11 =	vld [tilespmem:s18+$0xFFFFFFC0]  }
0x1d2: {  	v12 =	vld [tilespmem:s18+$0xFFFFFFD0]  }
0x1d3: {  	v13 =	vld [tilespmem:s18+$0xFFFFFFE0]  }
0x1d4: {  	v14 =	vld [tilespmem:s18+$0xFFFFFFF0]  }
0x1d5: {  	v15 =	vld [tilespmem:s18+$0xFFFFFF10]  }
0x1d6: {  	v0 =	vld.idx.msk [tilespmem:v0+s4+$0x0], $0xffff  }
0x1d7: {  	v1 =	vld.idx.msk [tilespmem:v1+s4+$0x0], $0xffff  }
0x1d8: {  	v2 =	vld.idx.msk [tilespmem:v2+s4+$0x0], $0xffff  }
0x1d9: {  	v3 =	vld.idx.msk [tilespmem:v3+s4+$0x0], $0xffff  }
0x1da: {  	v4 =	vld.idx.msk [tilespmem:v4+s4+$0x0], $0xffff  }
0x1db: {  	s1 =	simm.s32 $0x1D7F0;
	v5 =	vld.idx.msk [tilespmem:v5+s4+$0x0], $0xffff  }
0x1dc: {  	v6 =	vld.idx.msk [tilespmem:v6+s4+$0x0], $0xffff;
	[tilespmem:s1+$0x0] =	vst v0  }
0x1dd: {  	v7 =	vld.idx.msk [tilespmem:v7+s4+$0x0], $0xffff;
	[tilespmem:s1+$0xFFFFFF20] =	vst v1  }
0x1de: {  	v15 =	vld.idx.msk [tilespmem:v15+s4+$0x0], $0xffff;
	[tilespmem:s1+$0xFFFFFF30] =	vst v2  }
0x1df: {  	v8 =	vld.idx.msk [tilespmem:v8+s4+$0x0], $0xffff;
	[tilespmem:s1+$0xFFFFFF40] =	vst v3  }
0x1e0: {  	[tilespmem:s1+$0xFFFFFF50] =	vst v4;
	v0 =	vld.idx.msk [tilespmem:v9+s4+$0x0], $0xffff  }
0x1e1: {  	[tilespmem:s1+$0xFFFFFF60] =	vst v5;
	v1 =	vld.idx.msk [tilespmem:v10+s4+$0x0], $0xffff  }
0x1e2: {  	[tilespmem:s1+$0xFFFFFF70] =	vst v6;
	v2 =	vld.idx.msk [tilespmem:v11+s4+$0x0], $0xffff  }
0x1e3: {  	[tilespmem:s1+$0xFFFFFF80] =	vst v7;
	v3 =	vld.idx.msk [tilespmem:v12+s4+$0x0], $0xffff  }
0x1e4: {  	[tilespmem:s1+$0xFFFFFF10] =	vst v15;
	v4 =	vld.idx.msk [tilespmem:v13+s4+$0x0], $0xffff  }
0x1e5: {  	s5 =	simm.s32 $0x0;
	s12 =	simm.s32 $0x198F0;
	[tilespmem:s1+$0xFFFFFF90] =	vst v8;
	v5 =	vld.idx.msk [tilespmem:v14+s4+$0x0], $0xffff  }
.LBB2_13:
0x1e6: {  	v6 =	vld [tilespmem:s12+$0x0];
	s5 =	sadd.s32 $0x100, s5;
	[tilespmem:s1+$0xFFFFFFA0] =	vst v0  }
0x1e7: {  	v0 =	vld [tilespmem:s12+$0xFFFFFF20];
	p3 =	slt.u32 s5, $0xF00;
	[tilespmem:s1+$0xFFFFFFB0] =	vst v1  }
0x1e8: {  	v1 =	vld [tilespmem:s12+$0xFFFFFF30];
	[tilespmem:s1+$0xFFFFFFC0] =	vst v2  }
0x1e9: {  	v2 =	vld [tilespmem:s12+$0xFFFFFF40];
	[tilespmem:s1+$0xFFFFFFD0] =	vst v3  }
0x1ea: {  	v3 =	vld [tilespmem:s12+$0xFFFFFF50];
	[tilespmem:s1+$0xFFFFFFE0] =	vst v4  }
0x1eb: {  	v4 =	vld [tilespmem:s12+$0xFFFFFF60];
	[tilespmem:s1+$0xFFFFFFF0] =	vst v5  }
0x1ec: {  	v5 =	vld [tilespmem:s12+$0xFFFFFF70]  }
0x1ed: {  	v7 =	vld [tilespmem:s12+$0xFFFFFF80]  }
0x1ee: {  	v6 =	vld.idx.msk [tilespmem:v6+s4+$0x0], $0xffff  }
0x1ef: {  	v8 =	vld [tilespmem:s12+$0xFFFFFF90]  }
0x1f0: {  	v9 =	vld [tilespmem:s12+$0xFFFFFFA0]  }
0x1f1: {  	v10 =	vld [tilespmem:s12+$0xFFFFFFB0]  }
0x1f2: {  	v11 =	vld [tilespmem:s12+$0xFFFFFFC0]  }
0x1f3: {  	s1 =	sadd.s32 $0x100, s1;
	v12 =	vld [tilespmem:s12+$0xFFFFFFD0]  }
0x1f4: {  	v13 =	vld [tilespmem:s12+$0xFFFFFFE0];
	[tilespmem:s1+$0x0] =	vst v6  }
0x1f5: {  	v6 =	vld [tilespmem:s12+$0xFFFFFFF0]  }
0x1f6: {  	v14 =	vld [tilespmem:s12+$0xFFFFFF10]  }
0x1f7: {  	v0 =	vld.idx.msk [tilespmem:v0+s4+$0x0], $0xffff  }
0x1f8: {  	v1 =	vld.idx.msk [tilespmem:v1+s4+$0x0], $0xffff  }
0x1f9: {  	v2 =	vld.idx.msk [tilespmem:v2+s4+$0x0], $0xffff  }
0x1fa: {  	v3 =	vld.idx.msk [tilespmem:v3+s4+$0x0], $0xffff  }
0x1fb: {  	v4 =	vld.idx.msk [tilespmem:v4+s4+$0x0], $0xffff  }
0x1fc: {  	v5 =	vld.idx.msk [tilespmem:v5+s4+$0x0], $0xffff  }
0x1fd: {  	[tilespmem:s1+$0xFFFFFF20] =	vst v0;
	v7 =	vld.idx.msk [tilespmem:v7+s4+$0x0], $0xffff  }
0x1fe: {  	v14 =	vld.idx.msk [tilespmem:v14+s4+$0x0], $0xffff;
	[tilespmem:s1+$0xFFFFFF30] =	vst v1  }
0x1ff: {  	[tilespmem:s1+$0xFFFFFF40] =	vst v2;
	v8 =	vld.idx.msk [tilespmem:v8+s4+$0x0], $0xffff  }
0x200: {  	[tilespmem:s1+$0xFFFFFF50] =	vst v3;
	v0 =	vld.idx.msk [tilespmem:v9+s4+$0x0], $0xffff  }
.Ltmp5:
0x201: {  	[tilespmem:s1+$0xFFFFFF60] =	vst v4;
	v1 =	vld.idx.msk [tilespmem:v10+s4+$0x0], $0xffff;
	(pc) =	sbr.rel @p3 .LBB2_13-.Ltmp5, $4  }
0x202: {  	[tilespmem:s1+$0xFFFFFF70] =	vst v5;
	v2 =	vld.idx.msk [tilespmem:v11+s4+$0x0], $0xffff  }
0x203: {  	[tilespmem:s1+$0xFFFFFF80] =	vst v7;
	v3 =	vld.idx.msk [tilespmem:v12+s4+$0x0], $0xffff  }
0x204: {  	[tilespmem:s1+$0xFFFFFF10] =	vst v14;
	v4 =	vld.idx.msk [tilespmem:v13+s4+$0x0], $0xffff  }
0x205: {  	s12 =	sadd.s32 $0x100, s12;
	[tilespmem:s1+$0xFFFFFF90] =	vst v8;
	v5 =	vld.idx.msk [tilespmem:v6+s4+$0x0], $0xffff  }
0x206: {  	[tilespmem:s1+$0xFFFFFFA0] =	vst v0  }
0x207: {  	[tilespmem:s1+$0xFFFFFFB0] =	vst v1  }
0x208: {  	[tilespmem:s1+$0xFFFFFFC0] =	vst v2  }
0x209: {  	[tilespmem:s1+$0xFFFFFFD0] =	vst v3  }
0x20a: {  	[tilespmem:s1+$0xFFFFFFE0] =	vst v4  }
0x20b: {  	s12 =	sadd.s32 s21, s14;
	[tilespmem:s1+$0xFFFFFFF0] =	vst v5  }
0x20c: {  	[hbm4b:s12+s19] =	stream.strided.scatter [tilespmem:s31], [sflag:$0x6], $0x1000, s20, s19, $0x38;
	[tilespmem:$0x1F700] =	vst v63  }
0x20d: {  	_ =	swait.ge [sflag:s3], $0x1000  }
0x20e: {  	[sflag:s3] =	ssyncset.done $0x0  }
0x20f: {  	[sflag:s3] =	ssyncadd.s32 $0xFFFFF000  }
0x210: {  	_ =	swait.ge [sflag:s0], $0x1000  }
0x211: {  	[sflag:s0] =	ssyncset.done $0x0  }
0x212: {  	s18 =	simm.s32 $0x1A7F0;
	[sflag:s0] =	ssyncadd.s32 $0xFFFFF000  }
0x213: {  	v0 =	vld [tilespmem:s18+$0x0]  }
0x214: {  	v1 =	vld [tilespmem:s18+$0xFFFFFF20]  }
0x215: {  	v2 =	vld [tilespmem:s18+$0xFFFFFF30]  }
0x216: {  	v3 =	vld [tilespmem:s18+$0xFFFFFF40]  }
0x217: {  	v4 =	vld [tilespmem:s18+$0xFFFFFF50]  }
0x218: {  	v5 =	vld [tilespmem:s18+$0xFFFFFF60]  }
0x219: {  	v6 =	vld [tilespmem:s18+$0xFFFFFF70]  }
0x21a: {  	v7 =	vld [tilespmem:s18+$0xFFFFFF80]  }
0x21b: {  	v8 =	vld [tilespmem:s18+$0xFFFFFF90]  }
0x21c: {  	v9 =	vld [tilespmem:s18+$0xFFFFFFA0]  }
0x21d: {  	v10 =	vld [tilespmem:s18+$0xFFFFFFB0]  }
0x21e: {  	v11 =	vld [tilespmem:s18+$0xFFFFFFC0]  }
0x21f: {  	v12 =	vld [tilespmem:s18+$0xFFFFFFD0]  }
0x220: {  	v13 =	vld [tilespmem:s18+$0xFFFFFFE0]  }
0x221: {  	v14 =	vld [tilespmem:s18+$0xFFFFFFF0]  }
0x222: {  	v15 =	vld [tilespmem:s18+$0xFFFFFF10]  }
0x223: {  	v0 =	vld.idx.msk [tilespmem:v0+s4+$0x0], $0xffff  }
0x224: {  	v1 =	vld.idx.msk [tilespmem:v1+s4+$0x0], $0xffff  }
0x225: {  	v2 =	vld.idx.msk [tilespmem:v2+s4+$0x0], $0xffff  }
0x226: {  	v3 =	vld.idx.msk [tilespmem:v3+s4+$0x0], $0xffff  }
0x227: {  	v4 =	vld.idx.msk [tilespmem:v4+s4+$0x0], $0xffff  }
0x228: {  	s1 =	simm.s32 $0x1C780;
	v5 =	vld.idx.msk [tilespmem:v5+s4+$0x0], $0xffff  }
0x229: {  	v6 =	vld.idx.msk [tilespmem:v6+s4+$0x0], $0xffff;
	[tilespmem:s1+$0x70] =	vst v0  }
0x22a: {  	v7 =	vld.idx.msk [tilespmem:v7+s4+$0x0], $0xffff;
	[tilespmem:s1+$0xFFFFFF90] =	vst v1  }
0x22b: {  	v15 =	vld.idx.msk [tilespmem:v15+s4+$0x0], $0xffff;
	[tilespmem:s1+$0xFFFFFFA0] =	vst v2  }
0x22c: {  	v8 =	vld.idx.msk [tilespmem:v8+s4+$0x0], $0xffff;
	[tilespmem:s1+$0xFFFFFFB0] =	vst v3  }
0x22d: {  	[tilespmem:s1+$0xFFFFFFC0] =	vst v4;
	v0 =	vld.idx.msk [tilespmem:v9+s4+$0x0], $0xffff  }
0x22e: {  	[tilespmem:s1+$0xFFFFFFD0] =	vst v5;
	v1 =	vld.idx.msk [tilespmem:v10+s4+$0x0], $0xffff  }
0x22f: {  	[tilespmem:s1+$0xFFFFFFE0] =	vst v6;
	v2 =	vld.idx.msk [tilespmem:v11+s4+$0x0], $0xffff  }
0x230: {  	[tilespmem:s1+$0xFFFFFFF0] =	vst v7;
	v3 =	vld.idx.msk [tilespmem:v12+s4+$0x0], $0xffff  }
0x231: {  	[tilespmem:s1+$0xFFFFFF80] =	vst v15;
	v4 =	vld.idx.msk [tilespmem:v13+s4+$0x0], $0xffff  }
0x232: {  	s5 =	simm.s32 $0x0;
	s12 =	simm.s32 $0x1A8F0;
	[tilespmem:s1+$0x0] =	vst v8;
	v5 =	vld.idx.msk [tilespmem:v14+s4+$0x0], $0xffff  }
.LBB2_15:
0x233: {  	v6 =	vld [tilespmem:s12+$0x0];
	s5 =	sadd.s32 $0x100, s5;
	[tilespmem:s1+$0x10] =	vst v0  }
0x234: {  	v0 =	vld [tilespmem:s12+$0xFFFFFF20];
	p3 =	slt.u32 s5, $0xF00;
	[tilespmem:s1+$0x20] =	vst v1  }
0x235: {  	v1 =	vld [tilespmem:s12+$0xFFFFFF30];
	[tilespmem:s1+$0x30] =	vst v2  }
0x236: {  	v2 =	vld [tilespmem:s12+$0xFFFFFF40];
	[tilespmem:s1+$0x40] =	vst v3  }
0x237: {  	v3 =	vld [tilespmem:s12+$0xFFFFFF50];
	[tilespmem:s1+$0x50] =	vst v4  }
0x238: {  	v4 =	vld [tilespmem:s12+$0xFFFFFF60];
	[tilespmem:s1+$0x60] =	vst v5  }
0x239: {  	v5 =	vld [tilespmem:s12+$0xFFFFFF70]  }
0x23a: {  	v7 =	vld [tilespmem:s12+$0xFFFFFF80]  }
0x23b: {  	v6 =	vld.idx.msk [tilespmem:v6+s4+$0x0], $0xffff  }
0x23c: {  	v8 =	vld [tilespmem:s12+$0xFFFFFF90]  }
0x23d: {  	v9 =	vld [tilespmem:s12+$0xFFFFFFA0]  }
0x23e: {  	v10 =	vld [tilespmem:s12+$0xFFFFFFB0]  }
0x23f: {  	v11 =	vld [tilespmem:s12+$0xFFFFFFC0]  }
0x240: {  	s1 =	sadd.s32 $0x100, s1;
	v12 =	vld [tilespmem:s12+$0xFFFFFFD0]  }
0x241: {  	v13 =	vld [tilespmem:s12+$0xFFFFFFE0];
	[tilespmem:s1+$0x70] =	vst v6  }
0x242: {  	v6 =	vld [tilespmem:s12+$0xFFFFFFF0]  }
0x243: {  	v14 =	vld [tilespmem:s12+$0xFFFFFF10]  }
0x244: {  	v0 =	vld.idx.msk [tilespmem:v0+s4+$0x0], $0xffff  }
0x245: {  	v1 =	vld.idx.msk [tilespmem:v1+s4+$0x0], $0xffff  }
0x246: {  	v2 =	vld.idx.msk [tilespmem:v2+s4+$0x0], $0xffff  }
0x247: {  	v3 =	vld.idx.msk [tilespmem:v3+s4+$0x0], $0xffff  }
0x248: {  	v4 =	vld.idx.msk [tilespmem:v4+s4+$0x0], $0xffff  }
0x249: {  	v5 =	vld.idx.msk [tilespmem:v5+s4+$0x0], $0xffff  }
0x24a: {  	[tilespmem:s1+$0xFFFFFF90] =	vst v0;
	v7 =	vld.idx.msk [tilespmem:v7+s4+$0x0], $0xffff  }
0x24b: {  	v14 =	vld.idx.msk [tilespmem:v14+s4+$0x0], $0xffff;
	[tilespmem:s1+$0xFFFFFFA0] =	vst v1  }
0x24c: {  	[tilespmem:s1+$0xFFFFFFB0] =	vst v2;
	v8 =	vld.idx.msk [tilespmem:v8+s4+$0x0], $0xffff  }
0x24d: {  	[tilespmem:s1+$0xFFFFFFC0] =	vst v3;
	v0 =	vld.idx.msk [tilespmem:v9+s4+$0x0], $0xffff  }
.Ltmp6:
0x24e: {  	[tilespmem:s1+$0xFFFFFFD0] =	vst v4;
	v1 =	vld.idx.msk [tilespmem:v10+s4+$0x0], $0xffff;
	(pc) =	sbr.rel @p3 .LBB2_15-.Ltmp6, $4  }
0x24f: {  	[tilespmem:s1+$0xFFFFFFE0] =	vst v5;
	v2 =	vld.idx.msk [tilespmem:v11+s4+$0x0], $0xffff  }
0x250: {  	[tilespmem:s1+$0xFFFFFFF0] =	vst v7;
	v3 =	vld.idx.msk [tilespmem:v12+s4+$0x0], $0xffff  }
0x251: {  	[tilespmem:s1+$0xFFFFFF80] =	vst v14;
	v4 =	vld.idx.msk [tilespmem:v13+s4+$0x0], $0xffff  }
0x252: {  	s12 =	sadd.s32 $0x100, s12;
	[tilespmem:s1+$0x0] =	vst v8;
	v5 =	vld.idx.msk [tilespmem:v6+s4+$0x0], $0xffff  }
0x253: {  	[tilespmem:s1+$0x10] =	vst v0  }
0x254: {  	[tilespmem:s1+$0x20] =	vst v1  }
0x255: {  	[tilespmem:s1+$0x30] =	vst v2  }
0x256: {  	[tilespmem:s1+$0x40] =	vst v3  }
0x257: {  	[tilespmem:s1+$0x50] =	vst v4  }
0x258: {  	s12 =	sadd.s32 s21, s15;
	[tilespmem:s1+$0x60] =	vst v5  }
0x259: {  	[hbm4b:s12+s19] =	stream.strided.scatter [tilespmem:s29], [sflag:$0x5], $0x1000, s20, s19, $0x38;
	[tilespmem:$0x1F700] =	vst v63  }
0x25a: {  	_ =	swait.ge [sflag:s6], $0x1000  }
0x25b: {  	[sflag:s6] =	ssyncset.done $0x0  }
0x25c: {  	[sflag:s6] =	ssyncadd.s32 $0xFFFFF000  }
0x25d: {  	_ =	swait.ge [sflag:s17], $0x1000  }
0x25e: {  	[sflag:s17] =	ssyncset.done $0x0  }
0x25f: {  	s18 =	simm.s32 $0x1B7F0;
	[sflag:s17] =	ssyncadd.s32 $0xFFFFF000  }
0x260: {  	v0 =	vld [tilespmem:s18+$0x0]  }
0x261: {  	v1 =	vld [tilespmem:s18+$0xFFFFFF20]  }
0x262: {  	v2 =	vld [tilespmem:s18+$0xFFFFFF30]  }
0x263: {  	v3 =	vld [tilespmem:s18+$0xFFFFFF40]  }
0x264: {  	v4 =	vld [tilespmem:s18+$0xFFFFFF50]  }
0x265: {  	v5 =	vld [tilespmem:s18+$0xFFFFFF60]  }
0x266: {  	v6 =	vld [tilespmem:s18+$0xFFFFFF70]  }
0x267: {  	v7 =	vld [tilespmem:s18+$0xFFFFFF80]  }
0x268: {  	v8 =	vld [tilespmem:s18+$0xFFFFFF90]  }
0x269: {  	v9 =	vld [tilespmem:s18+$0xFFFFFFA0]  }
0x26a: {  	v10 =	vld [tilespmem:s18+$0xFFFFFFB0]  }
0x26b: {  	v11 =	vld [tilespmem:s18+$0xFFFFFFC0]  }
0x26c: {  	v12 =	vld [tilespmem:s18+$0xFFFFFFD0]  }
0x26d: {  	v13 =	vld [tilespmem:s18+$0xFFFFFFE0]  }
0x26e: {  	v14 =	vld [tilespmem:s18+$0xFFFFFFF0]  }
0x26f: {  	v15 =	vld [tilespmem:s18+$0xFFFFFF10]  }
0x270: {  	v0 =	vld.idx.msk [tilespmem:v0+s4+$0x0], $0xffff  }
0x271: {  	v1 =	vld.idx.msk [tilespmem:v1+s4+$0x0], $0xffff  }
0x272: {  	v2 =	vld.idx.msk [tilespmem:v2+s4+$0x0], $0xffff  }
0x273: {  	v3 =	vld.idx.msk [tilespmem:v3+s4+$0x0], $0xffff  }
0x274: {  	v4 =	vld.idx.msk [tilespmem:v4+s4+$0x0], $0xffff  }
0x275: {  	s1 =	simm.s32 $0x1D7F0;
	v5 =	vld.idx.msk [tilespmem:v5+s4+$0x0], $0xffff  }
0x276: {  	v6 =	vld.idx.msk [tilespmem:v6+s4+$0x0], $0xffff;
	[tilespmem:s1+$0x0] =	vst v0  }
0x277: {  	v7 =	vld.idx.msk [tilespmem:v7+s4+$0x0], $0xffff;
	[tilespmem:s1+$0xFFFFFF20] =	vst v1  }
0x278: {  	v15 =	vld.idx.msk [tilespmem:v15+s4+$0x0], $0xffff;
	[tilespmem:s1+$0xFFFFFF30] =	vst v2  }
0x279: {  	v8 =	vld.idx.msk [tilespmem:v8+s4+$0x0], $0xffff;
	[tilespmem:s1+$0xFFFFFF40] =	vst v3  }
0x27a: {  	[tilespmem:s1+$0xFFFFFF50] =	vst v4;
	v0 =	vld.idx.msk [tilespmem:v9+s4+$0x0], $0xffff  }
0x27b: {  	[tilespmem:s1+$0xFFFFFF60] =	vst v5;
	v1 =	vld.idx.msk [tilespmem:v10+s4+$0x0], $0xffff  }
0x27c: {  	[tilespmem:s1+$0xFFFFFF70] =	vst v6;
	v2 =	vld.idx.msk [tilespmem:v11+s4+$0x0], $0xffff  }
0x27d: {  	[tilespmem:s1+$0xFFFFFF80] =	vst v7;
	v3 =	vld.idx.msk [tilespmem:v12+s4+$0x0], $0xffff  }
0x27e: {  	[tilespmem:s1+$0xFFFFFF10] =	vst v15;
	v4 =	vld.idx.msk [tilespmem:v13+s4+$0x0], $0xffff  }
0x27f: {  	s5 =	simm.s32 $0x0;
	s12 =	simm.s32 $0x1B8F0;
	[tilespmem:s1+$0xFFFFFF90] =	vst v8;
	v5 =	vld.idx.msk [tilespmem:v14+s4+$0x0], $0xffff  }
.LBB2_17:
0x280: {  	v6 =	vld [tilespmem:s12+$0x0];
	s5 =	sadd.s32 $0x100, s5;
	[tilespmem:s1+$0xFFFFFFA0] =	vst v0  }
0x281: {  	v0 =	vld [tilespmem:s12+$0xFFFFFF20];
	p3 =	slt.u32 s5, $0xF00;
	[tilespmem:s1+$0xFFFFFFB0] =	vst v1  }
0x282: {  	v1 =	vld [tilespmem:s12+$0xFFFFFF30];
	[tilespmem:s1+$0xFFFFFFC0] =	vst v2  }
0x283: {  	v2 =	vld [tilespmem:s12+$0xFFFFFF40];
	[tilespmem:s1+$0xFFFFFFD0] =	vst v3  }
0x284: {  	v3 =	vld [tilespmem:s12+$0xFFFFFF50];
	[tilespmem:s1+$0xFFFFFFE0] =	vst v4  }
0x285: {  	v4 =	vld [tilespmem:s12+$0xFFFFFF60];
	[tilespmem:s1+$0xFFFFFFF0] =	vst v5  }
0x286: {  	v5 =	vld [tilespmem:s12+$0xFFFFFF70]  }
0x287: {  	v7 =	vld [tilespmem:s12+$0xFFFFFF80]  }
0x288: {  	v6 =	vld.idx.msk [tilespmem:v6+s4+$0x0], $0xffff  }
0x289: {  	v8 =	vld [tilespmem:s12+$0xFFFFFF90]  }
0x28a: {  	v9 =	vld [tilespmem:s12+$0xFFFFFFA0]  }
0x28b: {  	v10 =	vld [tilespmem:s12+$0xFFFFFFB0]  }
0x28c: {  	v11 =	vld [tilespmem:s12+$0xFFFFFFC0]  }
0x28d: {  	s1 =	sadd.s32 $0x100, s1;
	v12 =	vld [tilespmem:s12+$0xFFFFFFD0]  }
0x28e: {  	v13 =	vld [tilespmem:s12+$0xFFFFFFE0];
	[tilespmem:s1+$0x0] =	vst v6  }
0x28f: {  	v6 =	vld [tilespmem:s12+$0xFFFFFFF0]  }
0x290: {  	v14 =	vld [tilespmem:s12+$0xFFFFFF10]  }
0x291: {  	v0 =	vld.idx.msk [tilespmem:v0+s4+$0x0], $0xffff  }
0x292: {  	v1 =	vld.idx.msk [tilespmem:v1+s4+$0x0], $0xffff  }
0x293: {  	v2 =	vld.idx.msk [tilespmem:v2+s4+$0x0], $0xffff  }
0x294: {  	v3 =	vld.idx.msk [tilespmem:v3+s4+$0x0], $0xffff  }
0x295: {  	v4 =	vld.idx.msk [tilespmem:v4+s4+$0x0], $0xffff  }
0x296: {  	v5 =	vld.idx.msk [tilespmem:v5+s4+$0x0], $0xffff  }
0x297: {  	[tilespmem:s1+$0xFFFFFF20] =	vst v0;
	v7 =	vld.idx.msk [tilespmem:v7+s4+$0x0], $0xffff  }
0x298: {  	v14 =	vld.idx.msk [tilespmem:v14+s4+$0x0], $0xffff;
	[tilespmem:s1+$0xFFFFFF30] =	vst v1  }
0x299: {  	[tilespmem:s1+$0xFFFFFF40] =	vst v2;
	v8 =	vld.idx.msk [tilespmem:v8+s4+$0x0], $0xffff  }
0x29a: {  	[tilespmem:s1+$0xFFFFFF50] =	vst v3;
	v0 =	vld.idx.msk [tilespmem:v9+s4+$0x0], $0xffff  }
.Ltmp7:
0x29b: {  	[tilespmem:s1+$0xFFFFFF60] =	vst v4;
	v1 =	vld.idx.msk [tilespmem:v10+s4+$0x0], $0xffff;
	(pc) =	sbr.rel @p3 .LBB2_17-.Ltmp7, $4  }
0x29c: {  	[tilespmem:s1+$0xFFFFFF70] =	vst v5;
	v2 =	vld.idx.msk [tilespmem:v11+s4+$0x0], $0xffff  }
0x29d: {  	[tilespmem:s1+$0xFFFFFF80] =	vst v7;
	v3 =	vld.idx.msk [tilespmem:v12+s4+$0x0], $0xffff  }
0x29e: {  	[tilespmem:s1+$0xFFFFFF10] =	vst v14;
	v4 =	vld.idx.msk [tilespmem:v13+s4+$0x0], $0xffff  }
0x29f: {  	s12 =	sadd.s32 $0x100, s12;
	[tilespmem:s1+$0xFFFFFF90] =	vst v8;
	v5 =	vld.idx.msk [tilespmem:v6+s4+$0x0], $0xffff  }
0x2a0: {  	[tilespmem:s1+$0xFFFFFFA0] =	vst v0  }
0x2a1: {  	[tilespmem:s1+$0xFFFFFFB0] =	vst v1  }
0x2a2: {  	[tilespmem:s1+$0xFFFFFFC0] =	vst v2  }
0x2a3: {  	[tilespmem:s1+$0xFFFFFFD0] =	vst v3  }
0x2a4: {  	[tilespmem:s1+$0xFFFFFFE0] =	vst v4  }
0x2a5: {  	s21 =	sadd.s32 s21, s16;
	[tilespmem:s1+$0xFFFFFFF0] =	vst v5;
	s1 =	simm.s32 @p2 $0x7  }
0x2a6: {  	[hbm4b:s21+s19] =	stream.strided.scatter [tilespmem:s31], [sflag:$0x6], $0x1000, s20, s19, $0x38;
	[tilespmem:$0x1F700] =	vst v63  }
0x2a7: {  	_ =	swait.ge @p2 [sflag:s1], $0x1000  }
0x2a8: {  	s22 =	sadd.s32 $0x1, s22;
	[sflag:s1] =	ssyncset.done @p2 $0x0  }
0x2a9: {  	[sflag:s1] =	ssyncadd.s32 @p2 $0xFFFFF000;
	p2 =	sne.s32 s22, $0x19  }
.Ltmp8:
0x2aa: {  	_ = 	snop;
	(pc) =	sbr.rel @p2 .LBB2_2-.Ltmp8, $2  }
0x2ab: {  	_ =	sdelay $0x1  }
0x2ac: {  	[bflag:$0x0] =	sbarrier.arrive $0xFFFF;
	_ =	sdelay $0x1  }
0x2ad: {  	_ =	swait.ge [sflag:s0], $0x1000  }
0x2ae: {  	[sflag:s0] =	ssyncset.done $0x0  }
0x2af: {  	[sflag:s0] =	ssyncadd.s32 $0xFFFFF000  }
0x2b0: {  	_ =	swait.ge [sflag:s17], $0x1000  }
0x2b1: {  	[sflag:s17] =	ssyncset.done $0x0  }
0x2b2: {  	s22 =	simm.s32 $0x8;
	s1 =	rddreg [dreg:$0x8];
	[sflag:s17] =	ssyncadd.s32 $0xFFFFF000  }
0x2b3: {  	[tilespmem:s4], [sflag:$0x8] =	stream.strided.gather [hbm4b:s1+s19], $0x18700, s20, s19, $0x38;
	[tilespmem:$0x1F700] =	vst v63  }
0x2b4: {  	_ =	swait.ge [sflag:s22], $0x18700  }
0x2b5: {  	[sflag:s22] =	ssyncset.done $0x0  }
0x2b6: {  	s12 =	rddreg [dreg:$0xa];
	[sflag:s22] =	ssyncadd.s32 $0xFFFE7900  }
0x2b7: {  	s1 =	simm.s32 @!p0 $0x1C07;
	s5 =	rddreg [dreg:$0x1]  }
0x2b8: {  	[spmem:s12], [sflag:s1] =	dma.local @!p0 [hbm:s5], $0x1000  }
0x2b9: {  	s1 =	simm.s32 @!p0 $0x7  }
0x2ba: {  	_ =	swait.ge @!p0 [sflag:s1], $0x1000  }
0x2bb: {  	[sflag:s1] =	ssyncset.done @!p0 $0x0  }
0x2bc: {  	[sflag:s1] =	ssyncadd.s32 @!p0 $0xFFFFF000  }
0x2bd: {  	s22 =	simm.s32 $0x0;
	[bflag:$0x0] =	sbarrier.arrive $0xFFFF  }
.LBB2_20:
0x2be: {  	p2 =	sne.s32 s22, $0x18  }
0x2bf: {  	p2 =	por !p1, !p2  }
0x2c0: {  	s1 =	sand.u32 $0x1, s22;
	p2 =	por !p2, !p2  }
0x2c1: {  	s5 =	sshll.u32 @p2 s1, $0xF  }
0x2c2: {  	s5 =	ssub.s32 @p2 s2, s5  }
0x2c3: {  	s12 =	sshll.u32 @p2 s22, $0xC;
	s18 =	simm.s32 @p2 $0x1C07;
	s5 =	sadd.s32 @p2 $0x8000, s5  }
0x2c4: {  	s1 =	sshll.u32 s1, $0xF;
	s12 =	sadd.s32 @p2 s12, s7;
	s5 =	sshrl.u32 @p2 s5, $0x3  }
0x2c5: {  	[spmem:s5], [sflag:s18] =	dma.local @p2 [hbm:s12], $0x1000  }
0x2c6: {  	s18 =	sadd.s32 s1, s2  }
0x2c7: {  	[tilespmem:s23], [sflag:$0x1] =	stream.strided.gather [spmem:s18], $0x1000, s20, s19, $0x38;
	[tilespmem:$0x1F700] =	vst v63  }
0x2c8: {  	s1 =	sadd.s32 $0x80, s18  }
0x2c9: {  	[tilespmem:s24], [sflag:$0x2] =	stream.strided.gather [spmem:s1], $0x1000, s20, s19, $0x38;
	[tilespmem:$0x1F700] =	vst v63  }
0x2ca: {  	s5 =	sadd.s32 $0x100, s18  }
0x2cb: {  	[tilespmem:s25], [sflag:$0x3] =	stream.strided.gather [spmem:s5], $0x1000, s20, s19, $0x38;
	[tilespmem:$0x1F700] =	vst v63  }
0x2cc: {  	s12 =	sadd.s32 $0x180, s18  }
0x2cd: {  	[tilespmem:s26], [sflag:$0x4] =	stream.strided.gather [spmem:s12], $0x1000, s20, s19, $0x38;
	[tilespmem:$0x1F700] =	vst v63  }
0x2ce: {  	_ =	swait.ge [sflag:s28], $0x1000  }
0x2cf: {  	p3 =	seq.s32 s22, $0x0;
	[sflag:s28] =	ssyncset.done $0x0  }
0x2d0: {  	s1 =	simm.s32 @!p3 $0x5;
	[sflag:s28] =	ssyncadd.s32 $0xFFFFF000  }
0x2d1: {  	_ =	swait.ge @!p3 [sflag:s1], $0x1000  }
0x2d2: {  	[sflag:s1] =	ssyncset.done @!p3 $0x0  }
0x2d3: {  	s21 =	simm.s32 $0x18780;
	[sflag:s1] =	ssyncadd.s32 @!p3 $0xFFFFF000  }
0x2d4: {  	v0 =	vld [tilespmem:s21+$0x70]  }
0x2d5: {  	v1 =	vld [tilespmem:s21+$0xFFFFFF90]  }
0x2d6: {  	v2 =	vld [tilespmem:s21+$0xFFFFFFA0]  }
0x2d7: {  	v3 =	vld [tilespmem:s21+$0xFFFFFFB0]  }
0x2d8: {  	v4 =	vld [tilespmem:s21+$0xFFFFFFC0]  }
0x2d9: {  	v5 =	vld [tilespmem:s21+$0xFFFFFFD0]  }
0x2da: {  	v6 =	vld [tilespmem:s21+$0xFFFFFFE0]  }
0x2db: {  	v7 =	vld [tilespmem:s21+$0xFFFFFFF0]  }
0x2dc: {  	v8 =	vld [tilespmem:s21+$0x0]  }
0x2dd: {  	v9 =	vld [tilespmem:s21+$0x10]  }
0x2de: {  	v10 =	vld [tilespmem:s21+$0x20]  }
0x2df: {  	v11 =	vld [tilespmem:s21+$0x30]  }
0x2e0: {  	v12 =	vld [tilespmem:s21+$0x40]  }
0x2e1: {  	v13 =	vld [tilespmem:s21+$0x50]  }
0x2e2: {  	v14 =	vld [tilespmem:s21+$0x60]  }
0x2e3: {  	v15 =	vld [tilespmem:s21+$0xFFFFFF80]  }
0x2e4: {  	v0 =	vld.idx.msk [tilespmem:v0+s4+$0x0], $0xffff  }
0x2e5: {  	v1 =	vld.idx.msk [tilespmem:v1+s4+$0x0], $0xffff  }
0x2e6: {  	v2 =	vld.idx.msk [tilespmem:v2+s4+$0x0], $0xffff  }
0x2e7: {  	v3 =	vld.idx.msk [tilespmem:v3+s4+$0x0], $0xffff  }
0x2e8: {  	v4 =	vld.idx.msk [tilespmem:v4+s4+$0x0], $0xffff  }
0x2e9: {  	s1 =	simm.s32 $0x1C780;
	v5 =	vld.idx.msk [tilespmem:v5+s4+$0x0], $0xffff  }
0x2ea: {  	v6 =	vld.idx.msk [tilespmem:v6+s4+$0x0], $0xffff;
	[tilespmem:s1+$0x70] =	vst v0  }
0x2eb: {  	v7 =	vld.idx.msk [tilespmem:v7+s4+$0x0], $0xffff;
	[tilespmem:s1+$0xFFFFFF90] =	vst v1  }
0x2ec: {  	v15 =	vld.idx.msk [tilespmem:v15+s4+$0x0], $0xffff;
	[tilespmem:s1+$0xFFFFFFA0] =	vst v2  }
0x2ed: {  	v8 =	vld.idx.msk [tilespmem:v8+s4+$0x0], $0xffff;
	[tilespmem:s1+$0xFFFFFFB0] =	vst v3  }
0x2ee: {  	[tilespmem:s1+$0xFFFFFFC0] =	vst v4;
	v0 =	vld.idx.msk [tilespmem:v9+s4+$0x0], $0xffff  }
0x2ef: {  	[tilespmem:s1+$0xFFFFFFD0] =	vst v5;
	v1 =	vld.idx.msk [tilespmem:v10+s4+$0x0], $0xffff  }
0x2f0: {  	[tilespmem:s1+$0xFFFFFFE0] =	vst v6;
	v2 =	vld.idx.msk [tilespmem:v11+s4+$0x0], $0xffff  }
0x2f1: {  	[tilespmem:s1+$0xFFFFFFF0] =	vst v7;
	v3 =	vld.idx.msk [tilespmem:v12+s4+$0x0], $0xffff  }
0x2f2: {  	[tilespmem:s1+$0xFFFFFF80] =	vst v15;
	v4 =	vld.idx.msk [tilespmem:v13+s4+$0x0], $0xffff  }
0x2f3: {  	s5 =	simm.s32 $0x0;
	s12 =	simm.s32 $0x18880;
	s21 =	sshll.u32 s22, $0x15;
	[tilespmem:s1+$0x0] =	vst v8;
	v5 =	vld.idx.msk [tilespmem:v14+s4+$0x0], $0xffff  }
.LBB2_21:
0x2f4: {  	v6 =	vld [tilespmem:s12+$0x70];
	s5 =	sadd.s32 $0x100, s5;
	[tilespmem:s1+$0x10] =	vst v0  }
0x2f5: {  	v0 =	vld [tilespmem:s12+$0xFFFFFF90];
	p4 =	slt.u32 s5, $0xF00;
	[tilespmem:s1+$0x20] =	vst v1  }
0x2f6: {  	v1 =	vld [tilespmem:s12+$0xFFFFFFA0];
	[tilespmem:s1+$0x30] =	vst v2  }
0x2f7: {  	v2 =	vld [tilespmem:s12+$0xFFFFFFB0];
	[tilespmem:s1+$0x40] =	vst v3  }
0x2f8: {  	v3 =	vld [tilespmem:s12+$0xFFFFFFC0];
	[tilespmem:s1+$0x50] =	vst v4  }
0x2f9: {  	v4 =	vld [tilespmem:s12+$0xFFFFFFD0];
	[tilespmem:s1+$0x60] =	vst v5  }
0x2fa: {  	v5 =	vld [tilespmem:s12+$0xFFFFFFE0]  }
0x2fb: {  	v7 =	vld [tilespmem:s12+$0xFFFFFFF0]  }
0x2fc: {  	v6 =	vld.idx.msk [tilespmem:v6+s4+$0x0], $0xffff  }
0x2fd: {  	v8 =	vld [tilespmem:s12+$0x0]  }
0x2fe: {  	v9 =	vld [tilespmem:s12+$0x10]  }
0x2ff: {  	v10 =	vld [tilespmem:s12+$0x20]  }
0x300: {  	v11 =	vld [tilespmem:s12+$0x30]  }
0x301: {  	s1 =	sadd.s32 $0x100, s1;
	v12 =	vld [tilespmem:s12+$0x40]  }
0x302: {  	v13 =	vld [tilespmem:s12+$0x50];
	[tilespmem:s1+$0x70] =	vst v6  }
0x303: {  	v6 =	vld [tilespmem:s12+$0x60]  }
0x304: {  	v14 =	vld [tilespmem:s12+$0xFFFFFF80]  }
0x305: {  	v0 =	vld.idx.msk [tilespmem:v0+s4+$0x0], $0xffff  }
0x306: {  	v1 =	vld.idx.msk [tilespmem:v1+s4+$0x0], $0xffff  }
0x307: {  	v2 =	vld.idx.msk [tilespmem:v2+s4+$0x0], $0xffff  }
0x308: {  	v3 =	vld.idx.msk [tilespmem:v3+s4+$0x0], $0xffff  }
0x309: {  	v4 =	vld.idx.msk [tilespmem:v4+s4+$0x0], $0xffff  }
0x30a: {  	v5 =	vld.idx.msk [tilespmem:v5+s4+$0x0], $0xffff  }
0x30b: {  	[tilespmem:s1+$0xFFFFFF90] =	vst v0;
	v7 =	vld.idx.msk [tilespmem:v7+s4+$0x0], $0xffff  }
0x30c: {  	v14 =	vld.idx.msk [tilespmem:v14+s4+$0x0], $0xffff;
	[tilespmem:s1+$0xFFFFFFA0] =	vst v1  }
0x30d: {  	[tilespmem:s1+$0xFFFFFFB0] =	vst v2;
	v8 =	vld.idx.msk [tilespmem:v8+s4+$0x0], $0xffff  }
0x30e: {  	[tilespmem:s1+$0xFFFFFFC0] =	vst v3;
	v0 =	vld.idx.msk [tilespmem:v9+s4+$0x0], $0xffff  }
.Ltmp9:
0x30f: {  	[tilespmem:s1+$0xFFFFFFD0] =	vst v4;
	v1 =	vld.idx.msk [tilespmem:v10+s4+$0x0], $0xffff;
	(pc) =	sbr.rel @p4 .LBB2_21-.Ltmp9, $4  }
0x310: {  	[tilespmem:s1+$0xFFFFFFE0] =	vst v5;
	v2 =	vld.idx.msk [tilespmem:v11+s4+$0x0], $0xffff  }
0x311: {  	[tilespmem:s1+$0xFFFFFFF0] =	vst v7;
	v3 =	vld.idx.msk [tilespmem:v12+s4+$0x0], $0xffff  }
0x312: {  	[tilespmem:s1+$0xFFFFFF80] =	vst v14;
	v4 =	vld.idx.msk [tilespmem:v13+s4+$0x0], $0xffff  }
0x313: {  	s12 =	sadd.s32 $0x100, s12;
	[tilespmem:s1+$0x0] =	vst v8;
	v5 =	vld.idx.msk [tilespmem:v6+s4+$0x0], $0xffff  }
0x314: {  	[tilespmem:s1+$0x10] =	vst v0  }
0x315: {  	[tilespmem:s1+$0x20] =	vst v1  }
0x316: {  	[tilespmem:s1+$0x30] =	vst v2  }
0x317: {  	[tilespmem:s1+$0x40] =	vst v3  }
0x318: {  	s5 =	sor.u32 s21, s8;
	s12 =	rddreg [dreg:$0x7]  }
0x319: {  	s5 =	sor.u32 s12, s5  }
0x31a: {  	[tilespmem:s1+$0x50] =	vst v4;
	s12 =	rddreg [dreg:$0x2];
	s21 =	sshrl.u32 s5, $0x3  }
0x31b: {  	[tilespmem:s1+$0x60] =	vst v5;
	s1 =	sadd.s32 s12, s21  }
0x31c: {  	[hbm4b:s1+s19] =	stream.strided.scatter [tilespmem:s29], [sflag:$0x5], $0x1000, s20, s19, $0x38;
	[tilespmem:$0x1F700] =	vst v63  }
0x31d: {  	s5 =	sadd.s32 $0x200, s18  }
0x31e: {  	[tilespmem:s23], [sflag:$0x1] =	stream.strided.gather [spmem:s5], $0x1000, s20, s19, $0x38;
	[tilespmem:$0x1F700] =	vst v63  }
0x31f: {  	_ =	swait.ge [sflag:s30], $0x1000  }
0x320: {  	[sflag:s30] =	ssyncset.done $0x0  }
0x321: {  	s1 =	simm.s32 @!p3 $0x6;
	[sflag:s30] =	ssyncadd.s32 $0xFFFFF000  }
0x322: {  	_ =	swait.ge @!p3 [sflag:s1], $0x1000  }
0x323: {  	[sflag:s1] =	ssyncset.done @!p3 $0x0  }
0x324: {  	s12 =	simm.s32 $0x197F0;
	[sflag:s1] =	ssyncadd.s32 @!p3 $0xFFFFF000  }
0x325: {  	v0 =	vld [tilespmem:s12+$0x0]  }
0x326: {  	v1 =	vld [tilespmem:s12+$0xFFFFFF20]  }
0x327: {  	v2 =	vld [tilespmem:s12+$0xFFFFFF30]  }
0x328: {  	v3 =	vld [tilespmem:s12+$0xFFFFFF40]  }
0x329: {  	v4 =	vld [tilespmem:s12+$0xFFFFFF50]  }
0x32a: {  	v5 =	vld [tilespmem:s12+$0xFFFFFF60]  }
0x32b: {  	v6 =	vld [tilespmem:s12+$0xFFFFFF70]  }
0x32c: {  	v7 =	vld [tilespmem:s12+$0xFFFFFF80]  }
0x32d: {  	v8 =	vld [tilespmem:s12+$0xFFFFFF90]  }
0x32e: {  	v9 =	vld [tilespmem:s12+$0xFFFFFFA0]  }
0x32f: {  	v10 =	vld [tilespmem:s12+$0xFFFFFFB0]  }
0x330: {  	v11 =	vld [tilespmem:s12+$0xFFFFFFC0]  }
0x331: {  	v12 =	vld [tilespmem:s12+$0xFFFFFFD0]  }
0x332: {  	v13 =	vld [tilespmem:s12+$0xFFFFFFE0]  }
0x333: {  	v14 =	vld [tilespmem:s12+$0xFFFFFFF0]  }
0x334: {  	v15 =	vld [tilespmem:s12+$0xFFFFFF10]  }
0x335: {  	v0 =	vld.idx.msk [tilespmem:v0+s4+$0x0], $0xffff  }
0x336: {  	v1 =	vld.idx.msk [tilespmem:v1+s4+$0x0], $0xffff  }
0x337: {  	v2 =	vld.idx.msk [tilespmem:v2+s4+$0x0], $0xffff  }
0x338: {  	v3 =	vld.idx.msk [tilespmem:v3+s4+$0x0], $0xffff  }
0x339: {  	v4 =	vld.idx.msk [tilespmem:v4+s4+$0x0], $0xffff  }
0x33a: {  	s1 =	simm.s32 $0x1D7F0;
	v5 =	vld.idx.msk [tilespmem:v5+s4+$0x0], $0xffff  }
0x33b: {  	v6 =	vld.idx.msk [tilespmem:v6+s4+$0x0], $0xffff;
	[tilespmem:s1+$0x0] =	vst v0  }
0x33c: {  	v7 =	vld.idx.msk [tilespmem:v7+s4+$0x0], $0xffff;
	[tilespmem:s1+$0xFFFFFF20] =	vst v1  }
0x33d: {  	v15 =	vld.idx.msk [tilespmem:v15+s4+$0x0], $0xffff;
	[tilespmem:s1+$0xFFFFFF30] =	vst v2  }
0x33e: {  	v8 =	vld.idx.msk [tilespmem:v8+s4+$0x0], $0xffff;
	[tilespmem:s1+$0xFFFFFF40] =	vst v3  }
0x33f: {  	[tilespmem:s1+$0xFFFFFF50] =	vst v4;
	v0 =	vld.idx.msk [tilespmem:v9+s4+$0x0], $0xffff  }
0x340: {  	[tilespmem:s1+$0xFFFFFF60] =	vst v5;
	v1 =	vld.idx.msk [tilespmem:v10+s4+$0x0], $0xffff  }
0x341: {  	[tilespmem:s1+$0xFFFFFF70] =	vst v6;
	v2 =	vld.idx.msk [tilespmem:v11+s4+$0x0], $0xffff  }
0x342: {  	[tilespmem:s1+$0xFFFFFF80] =	vst v7;
	v3 =	vld.idx.msk [tilespmem:v12+s4+$0x0], $0xffff  }
0x343: {  	[tilespmem:s1+$0xFFFFFF10] =	vst v15;
	v4 =	vld.idx.msk [tilespmem:v13+s4+$0x0], $0xffff  }
0x344: {  	s5 =	simm.s32 $0x0;
	s12 =	simm.s32 $0x198F0;
	[tilespmem:s1+$0xFFFFFF90] =	vst v8;
	v5 =	vld.idx.msk [tilespmem:v14+s4+$0x0], $0xffff  }
.LBB2_23:
0x345: {  	v6 =	vld [tilespmem:s12+$0x0];
	s5 =	sadd.s32 $0x100, s5;
	[tilespmem:s1+$0xFFFFFFA0] =	vst v0  }
0x346: {  	v0 =	vld [tilespmem:s12+$0xFFFFFF20];
	p3 =	slt.u32 s5, $0xF00;
	[tilespmem:s1+$0xFFFFFFB0] =	vst v1  }
0x347: {  	v1 =	vld [tilespmem:s12+$0xFFFFFF30];
	[tilespmem:s1+$0xFFFFFFC0] =	vst v2  }
0x348: {  	v2 =	vld [tilespmem:s12+$0xFFFFFF40];
	[tilespmem:s1+$0xFFFFFFD0] =	vst v3  }
0x349: {  	v3 =	vld [tilespmem:s12+$0xFFFFFF50];
	[tilespmem:s1+$0xFFFFFFE0] =	vst v4  }
0x34a: {  	v4 =	vld [tilespmem:s12+$0xFFFFFF60];
	[tilespmem:s1+$0xFFFFFFF0] =	vst v5  }
0x34b: {  	v5 =	vld [tilespmem:s12+$0xFFFFFF70]  }
0x34c: {  	v7 =	vld [tilespmem:s12+$0xFFFFFF80]  }
0x34d: {  	v6 =	vld.idx.msk [tilespmem:v6+s4+$0x0], $0xffff  }
0x34e: {  	v8 =	vld [tilespmem:s12+$0xFFFFFF90]  }
0x34f: {  	v9 =	vld [tilespmem:s12+$0xFFFFFFA0]  }
0x350: {  	v10 =	vld [tilespmem:s12+$0xFFFFFFB0]  }
0x351: {  	v11 =	vld [tilespmem:s12+$0xFFFFFFC0]  }
0x352: {  	s1 =	sadd.s32 $0x100, s1;
	v12 =	vld [tilespmem:s12+$0xFFFFFFD0]  }
0x353: {  	v13 =	vld [tilespmem:s12+$0xFFFFFFE0];
	[tilespmem:s1+$0x0] =	vst v6  }
0x354: {  	v6 =	vld [tilespmem:s12+$0xFFFFFFF0]  }
0x355: {  	v14 =	vld [tilespmem:s12+$0xFFFFFF10]  }
0x356: {  	v0 =	vld.idx.msk [tilespmem:v0+s4+$0x0], $0xffff  }
0x357: {  	v1 =	vld.idx.msk [tilespmem:v1+s4+$0x0], $0xffff  }
0x358: {  	v2 =	vld.idx.msk [tilespmem:v2+s4+$0x0], $0xffff  }
0x359: {  	v3 =	vld.idx.msk [tilespmem:v3+s4+$0x0], $0xffff  }
0x35a: {  	v4 =	vld.idx.msk [tilespmem:v4+s4+$0x0], $0xffff  }
0x35b: {  	v5 =	vld.idx.msk [tilespmem:v5+s4+$0x0], $0xffff  }
0x35c: {  	[tilespmem:s1+$0xFFFFFF20] =	vst v0;
	v7 =	vld.idx.msk [tilespmem:v7+s4+$0x0], $0xffff  }
0x35d: {  	v14 =	vld.idx.msk [tilespmem:v14+s4+$0x0], $0xffff;
	[tilespmem:s1+$0xFFFFFF30] =	vst v1  }
0x35e: {  	[tilespmem:s1+$0xFFFFFF40] =	vst v2;
	v8 =	vld.idx.msk [tilespmem:v8+s4+$0x0], $0xffff  }
0x35f: {  	[tilespmem:s1+$0xFFFFFF50] =	vst v3;
	v0 =	vld.idx.msk [tilespmem:v9+s4+$0x0], $0xffff  }
.Ltmp10:
0x360: {  	[tilespmem:s1+$0xFFFFFF60] =	vst v4;
	v1 =	vld.idx.msk [tilespmem:v10+s4+$0x0], $0xffff;
	(pc) =	sbr.rel @p3 .LBB2_23-.Ltmp10, $4  }
0x361: {  	[tilespmem:s1+$0xFFFFFF70] =	vst v5;
	v2 =	vld.idx.msk [tilespmem:v11+s4+$0x0], $0xffff  }
0x362: {  	[tilespmem:s1+$0xFFFFFF80] =	vst v7;
	v3 =	vld.idx.msk [tilespmem:v12+s4+$0x0], $0xffff  }
0x363: {  	[tilespmem:s1+$0xFFFFFF10] =	vst v14;
	v4 =	vld.idx.msk [tilespmem:v13+s4+$0x0], $0xffff  }
0x364: {  	s12 =	sadd.s32 $0x100, s12;
	[tilespmem:s1+$0xFFFFFF90] =	vst v8;
	v5 =	vld.idx.msk [tilespmem:v6+s4+$0x0], $0xffff  }
0x365: {  	[tilespmem:s1+$0xFFFFFFA0] =	vst v0  }
0x366: {  	[tilespmem:s1+$0xFFFFFFB0] =	vst v1  }
0x367: {  	[tilespmem:s1+$0xFFFFFFC0] =	vst v2  }
0x368: {  	[tilespmem:s1+$0xFFFFFFD0] =	vst v3  }
0x369: {  	[tilespmem:s1+$0xFFFFFFE0] =	vst v4  }
0x36a: {  	s12 =	sadd.s32 s21, s9;
	[tilespmem:s1+$0xFFFFFFF0] =	vst v5  }
0x36b: {  	[hbm4b:s12+s19] =	stream.strided.scatter [tilespmem:s31], [sflag:$0x6], $0x1000, s20, s19, $0x38;
	[tilespmem:$0x1F700] =	vst v63  }
0x36c: {  	s5 =	sadd.s32 $0x280, s18  }
0x36d: {  	[tilespmem:s24], [sflag:$0x2] =	stream.strided.gather [spmem:s5], $0x1000, s20, s19, $0x38;
	[tilespmem:$0x1F700] =	vst v63  }
0x36e: {  	_ =	swait.ge [sflag:s3], $0x1000  }
0x36f: {  	[sflag:s3] =	ssyncset.done $0x0  }
0x370: {  	[sflag:s3] =	ssyncadd.s32 $0xFFFFF000  }
0x371: {  	_ =	swait.ge [sflag:s0], $0x1000  }
0x372: {  	[sflag:s0] =	ssyncset.done $0x0  }
0x373: {  	s12 =	simm.s32 $0x1A7F0;
	[sflag:s0] =	ssyncadd.s32 $0xFFFFF000  }
0x374: {  	v0 =	vld [tilespmem:s12+$0x0]  }
0x375: {  	v1 =	vld [tilespmem:s12+$0xFFFFFF20]  }
0x376: {  	v2 =	vld [tilespmem:s12+$0xFFFFFF30]  }
0x377: {  	v3 =	vld [tilespmem:s12+$0xFFFFFF40]  }
0x378: {  	v4 =	vld [tilespmem:s12+$0xFFFFFF50]  }
0x379: {  	v5 =	vld [tilespmem:s12+$0xFFFFFF60]  }
0x37a: {  	v6 =	vld [tilespmem:s12+$0xFFFFFF70]  }
0x37b: {  	v7 =	vld [tilespmem:s12+$0xFFFFFF80]  }
0x37c: {  	v8 =	vld [tilespmem:s12+$0xFFFFFF90]  }
0x37d: {  	v9 =	vld [tilespmem:s12+$0xFFFFFFA0]  }
0x37e: {  	v10 =	vld [tilespmem:s12+$0xFFFFFFB0]  }
0x37f: {  	v11 =	vld [tilespmem:s12+$0xFFFFFFC0]  }
0x380: {  	v12 =	vld [tilespmem:s12+$0xFFFFFFD0]  }
0x381: {  	v13 =	vld [tilespmem:s12+$0xFFFFFFE0]  }
0x382: {  	v14 =	vld [tilespmem:s12+$0xFFFFFFF0]  }
0x383: {  	v15 =	vld [tilespmem:s12+$0xFFFFFF10]  }
0x384: {  	v0 =	vld.idx.msk [tilespmem:v0+s4+$0x0], $0xffff  }
0x385: {  	v1 =	vld.idx.msk [tilespmem:v1+s4+$0x0], $0xffff  }
0x386: {  	v2 =	vld.idx.msk [tilespmem:v2+s4+$0x0], $0xffff  }
0x387: {  	v3 =	vld.idx.msk [tilespmem:v3+s4+$0x0], $0xffff  }
0x388: {  	v4 =	vld.idx.msk [tilespmem:v4+s4+$0x0], $0xffff  }
0x389: {  	s1 =	simm.s32 $0x1C780;
	v5 =	vld.idx.msk [tilespmem:v5+s4+$0x0], $0xffff  }
0x38a: {  	v6 =	vld.idx.msk [tilespmem:v6+s4+$0x0], $0xffff;
	[tilespmem:s1+$0x70] =	vst v0  }
0x38b: {  	v7 =	vld.idx.msk [tilespmem:v7+s4+$0x0], $0xffff;
	[tilespmem:s1+$0xFFFFFF90] =	vst v1  }
0x38c: {  	v15 =	vld.idx.msk [tilespmem:v15+s4+$0x0], $0xffff;
	[tilespmem:s1+$0xFFFFFFA0] =	vst v2  }
0x38d: {  	v8 =	vld.idx.msk [tilespmem:v8+s4+$0x0], $0xffff;
	[tilespmem:s1+$0xFFFFFFB0] =	vst v3  }
0x38e: {  	[tilespmem:s1+$0xFFFFFFC0] =	vst v4;
	v0 =	vld.idx.msk [tilespmem:v9+s4+$0x0], $0xffff  }
0x38f: {  	[tilespmem:s1+$0xFFFFFFD0] =	vst v5;
	v1 =	vld.idx.msk [tilespmem:v10+s4+$0x0], $0xffff  }
0x390: {  	[tilespmem:s1+$0xFFFFFFE0] =	vst v6;
	v2 =	vld.idx.msk [tilespmem:v11+s4+$0x0], $0xffff  }
0x391: {  	[tilespmem:s1+$0xFFFFFFF0] =	vst v7;
	v3 =	vld.idx.msk [tilespmem:v12+s4+$0x0], $0xffff  }
0x392: {  	[tilespmem:s1+$0xFFFFFF80] =	vst v15;
	v4 =	vld.idx.msk [tilespmem:v13+s4+$0x0], $0xffff  }
0x393: {  	s5 =	simm.s32 $0x0;
	s12 =	simm.s32 $0x1A8F0;
	[tilespmem:s1+$0x0] =	vst v8;
	v5 =	vld.idx.msk [tilespmem:v14+s4+$0x0], $0xffff  }
.LBB2_25:
0x394: {  	v6 =	vld [tilespmem:s12+$0x0];
	s5 =	sadd.s32 $0x100, s5;
	[tilespmem:s1+$0x10] =	vst v0  }
0x395: {  	v0 =	vld [tilespmem:s12+$0xFFFFFF20];
	p3 =	slt.u32 s5, $0xF00;
	[tilespmem:s1+$0x20] =	vst v1  }
0x396: {  	v1 =	vld [tilespmem:s12+$0xFFFFFF30];
	[tilespmem:s1+$0x30] =	vst v2  }
0x397: {  	v2 =	vld [tilespmem:s12+$0xFFFFFF40];
	[tilespmem:s1+$0x40] =	vst v3  }
0x398: {  	v3 =	vld [tilespmem:s12+$0xFFFFFF50];
	[tilespmem:s1+$0x50] =	vst v4  }
0x399: {  	v4 =	vld [tilespmem:s12+$0xFFFFFF60];
	[tilespmem:s1+$0x60] =	vst v5  }
0x39a: {  	v5 =	vld [tilespmem:s12+$0xFFFFFF70]  }
0x39b: {  	v7 =	vld [tilespmem:s12+$0xFFFFFF80]  }
0x39c: {  	v6 =	vld.idx.msk [tilespmem:v6+s4+$0x0], $0xffff  }
0x39d: {  	v8 =	vld [tilespmem:s12+$0xFFFFFF90]  }
0x39e: {  	v9 =	vld [tilespmem:s12+$0xFFFFFFA0]  }
0x39f: {  	v10 =	vld [tilespmem:s12+$0xFFFFFFB0]  }
0x3a0: {  	v11 =	vld [tilespmem:s12+$0xFFFFFFC0]  }
0x3a1: {  	s1 =	sadd.s32 $0x100, s1;
	v12 =	vld [tilespmem:s12+$0xFFFFFFD0]  }
0x3a2: {  	v13 =	vld [tilespmem:s12+$0xFFFFFFE0];
	[tilespmem:s1+$0x70] =	vst v6  }
0x3a3: {  	v6 =	vld [tilespmem:s12+$0xFFFFFFF0]  }
0x3a4: {  	v14 =	vld [tilespmem:s12+$0xFFFFFF10]  }
0x3a5: {  	v0 =	vld.idx.msk [tilespmem:v0+s4+$0x0], $0xffff  }
0x3a6: {  	v1 =	vld.idx.msk [tilespmem:v1+s4+$0x0], $0xffff  }
0x3a7: {  	v2 =	vld.idx.msk [tilespmem:v2+s4+$0x0], $0xffff  }
0x3a8: {  	v3 =	vld.idx.msk [tilespmem:v3+s4+$0x0], $0xffff  }
0x3a9: {  	v4 =	vld.idx.msk [tilespmem:v4+s4+$0x0], $0xffff  }
0x3aa: {  	v5 =	vld.idx.msk [tilespmem:v5+s4+$0x0], $0xffff  }
0x3ab: {  	[tilespmem:s1+$0xFFFFFF90] =	vst v0;
	v7 =	vld.idx.msk [tilespmem:v7+s4+$0x0], $0xffff  }
0x3ac: {  	v14 =	vld.idx.msk [tilespmem:v14+s4+$0x0], $0xffff;
	[tilespmem:s1+$0xFFFFFFA0] =	vst v1  }
0x3ad: {  	[tilespmem:s1+$0xFFFFFFB0] =	vst v2;
	v8 =	vld.idx.msk [tilespmem:v8+s4+$0x0], $0xffff  }
0x3ae: {  	[tilespmem:s1+$0xFFFFFFC0] =	vst v3;
	v0 =	vld.idx.msk [tilespmem:v9+s4+$0x0], $0xffff  }
.Ltmp11:
0x3af: {  	[tilespmem:s1+$0xFFFFFFD0] =	vst v4;
	v1 =	vld.idx.msk [tilespmem:v10+s4+$0x0], $0xffff;
	(pc) =	sbr.rel @p3 .LBB2_25-.Ltmp11, $4  }
0x3b0: {  	[tilespmem:s1+$0xFFFFFFE0] =	vst v5;
	v2 =	vld.idx.msk [tilespmem:v11+s4+$0x0], $0xffff  }
0x3b1: {  	[tilespmem:s1+$0xFFFFFFF0] =	vst v7;
	v3 =	vld.idx.msk [tilespmem:v12+s4+$0x0], $0xffff  }
0x3b2: {  	[tilespmem:s1+$0xFFFFFF80] =	vst v14;
	v4 =	vld.idx.msk [tilespmem:v13+s4+$0x0], $0xffff  }
0x3b3: {  	s12 =	sadd.s32 $0x100, s12;
	[tilespmem:s1+$0x0] =	vst v8;
	v5 =	vld.idx.msk [tilespmem:v6+s4+$0x0], $0xffff  }
0x3b4: {  	[tilespmem:s1+$0x10] =	vst v0  }
0x3b5: {  	[tilespmem:s1+$0x20] =	vst v1  }
0x3b6: {  	[tilespmem:s1+$0x30] =	vst v2  }
0x3b7: {  	[tilespmem:s1+$0x40] =	vst v3  }
0x3b8: {  	[tilespmem:s1+$0x50] =	vst v4  }
0x3b9: {  	s12 =	sadd.s32 s21, s10;
	[tilespmem:s1+$0x60] =	vst v5  }
0x3ba: {  	[hbm4b:s12+s19] =	stream.strided.scatter [tilespmem:s29], [sflag:$0x5], $0x1000, s20, s19, $0x38;
	[tilespmem:$0x1F700] =	vst v63  }
0x3bb: {  	s5 =	sadd.s32 $0x300, s18  }
0x3bc: {  	[tilespmem:s25], [sflag:$0x3] =	stream.strided.gather [spmem:s5], $0x1000, s20, s19, $0x38;
	[tilespmem:$0x1F700] =	vst v63  }
0x3bd: {  	_ =	swait.ge [sflag:s6], $0x1000  }
0x3be: {  	[sflag:s6] =	ssyncset.done $0x0  }
0x3bf: {  	[sflag:s6] =	ssyncadd.s32 $0xFFFFF000  }
0x3c0: {  	_ =	swait.ge [sflag:s17], $0x1000  }
0x3c1: {  	[sflag:s17] =	ssyncset.done $0x0  }
0x3c2: {  	s12 =	simm.s32 $0x1B7F0;
	[sflag:s17] =	ssyncadd.s32 $0xFFFFF000  }
0x3c3: {  	v0 =	vld [tilespmem:s12+$0x0]  }
0x3c4: {  	v1 =	vld [tilespmem:s12+$0xFFFFFF20]  }
0x3c5: {  	v2 =	vld [tilespmem:s12+$0xFFFFFF30]  }
0x3c6: {  	v3 =	vld [tilespmem:s12+$0xFFFFFF40]  }
0x3c7: {  	v4 =	vld [tilespmem:s12+$0xFFFFFF50]  }
0x3c8: {  	v5 =	vld [tilespmem:s12+$0xFFFFFF60]  }
0x3c9: {  	v6 =	vld [tilespmem:s12+$0xFFFFFF70]  }
0x3ca: {  	v7 =	vld [tilespmem:s12+$0xFFFFFF80]  }
0x3cb: {  	v8 =	vld [tilespmem:s12+$0xFFFFFF90]  }
0x3cc: {  	v9 =	vld [tilespmem:s12+$0xFFFFFFA0]  }
0x3cd: {  	v10 =	vld [tilespmem:s12+$0xFFFFFFB0]  }
0x3ce: {  	v11 =	vld [tilespmem:s12+$0xFFFFFFC0]  }
0x3cf: {  	v12 =	vld [tilespmem:s12+$0xFFFFFFD0]  }
0x3d0: {  	v13 =	vld [tilespmem:s12+$0xFFFFFFE0]  }
0x3d1: {  	v14 =	vld [tilespmem:s12+$0xFFFFFFF0]  }
0x3d2: {  	v15 =	vld [tilespmem:s12+$0xFFFFFF10]  }
0x3d3: {  	v0 =	vld.idx.msk [tilespmem:v0+s4+$0x0], $0xffff  }
0x3d4: {  	v1 =	vld.idx.msk [tilespmem:v1+s4+$0x0], $0xffff  }
0x3d5: {  	v2 =	vld.idx.msk [tilespmem:v2+s4+$0x0], $0xffff  }
0x3d6: {  	v3 =	vld.idx.msk [tilespmem:v3+s4+$0x0], $0xffff  }
0x3d7: {  	v4 =	vld.idx.msk [tilespmem:v4+s4+$0x0], $0xffff  }
0x3d8: {  	s1 =	simm.s32 $0x1D7F0;
	v5 =	vld.idx.msk [tilespmem:v5+s4+$0x0], $0xffff  }
0x3d9: {  	v6 =	vld.idx.msk [tilespmem:v6+s4+$0x0], $0xffff;
	[tilespmem:s1+$0x0] =	vst v0  }
0x3da: {  	v7 =	vld.idx.msk [tilespmem:v7+s4+$0x0], $0xffff;
	[tilespmem:s1+$0xFFFFFF20] =	vst v1  }
0x3db: {  	v15 =	vld.idx.msk [tilespmem:v15+s4+$0x0], $0xffff;
	[tilespmem:s1+$0xFFFFFF30] =	vst v2  }
0x3dc: {  	v8 =	vld.idx.msk [tilespmem:v8+s4+$0x0], $0xffff;
	[tilespmem:s1+$0xFFFFFF40] =	vst v3  }
0x3dd: {  	[tilespmem:s1+$0xFFFFFF50] =	vst v4;
	v0 =	vld.idx.msk [tilespmem:v9+s4+$0x0], $0xffff  }
0x3de: {  	[tilespmem:s1+$0xFFFFFF60] =	vst v5;
	v1 =	vld.idx.msk [tilespmem:v10+s4+$0x0], $0xffff  }
0x3df: {  	[tilespmem:s1+$0xFFFFFF70] =	vst v6;
	v2 =	vld.idx.msk [tilespmem:v11+s4+$0x0], $0xffff  }
0x3e0: {  	[tilespmem:s1+$0xFFFFFF80] =	vst v7;
	v3 =	vld.idx.msk [tilespmem:v12+s4+$0x0], $0xffff  }
0x3e1: {  	[tilespmem:s1+$0xFFFFFF10] =	vst v15;
	v4 =	vld.idx.msk [tilespmem:v13+s4+$0x0], $0xffff  }
0x3e2: {  	s5 =	simm.s32 $0x0;
	s12 =	simm.s32 $0x1B8F0;
	[tilespmem:s1+$0xFFFFFF90] =	vst v8;
	v5 =	vld.idx.msk [tilespmem:v14+s4+$0x0], $0xffff  }
.LBB2_27:
0x3e3: {  	v6 =	vld [tilespmem:s12+$0x0];
	s5 =	sadd.s32 $0x100, s5;
	[tilespmem:s1+$0xFFFFFFA0] =	vst v0  }
0x3e4: {  	v0 =	vld [tilespmem:s12+$0xFFFFFF20];
	p3 =	slt.u32 s5, $0xF00;
	[tilespmem:s1+$0xFFFFFFB0] =	vst v1  }
0x3e5: {  	v1 =	vld [tilespmem:s12+$0xFFFFFF30];
	[tilespmem:s1+$0xFFFFFFC0] =	vst v2  }
0x3e6: {  	v2 =	vld [tilespmem:s12+$0xFFFFFF40];
	[tilespmem:s1+$0xFFFFFFD0] =	vst v3  }
0x3e7: {  	v3 =	vld [tilespmem:s12+$0xFFFFFF50];
	[tilespmem:s1+$0xFFFFFFE0] =	vst v4  }
0x3e8: {  	v4 =	vld [tilespmem:s12+$0xFFFFFF60];
	[tilespmem:s1+$0xFFFFFFF0] =	vst v5  }
0x3e9: {  	v5 =	vld [tilespmem:s12+$0xFFFFFF70]  }
0x3ea: {  	v7 =	vld [tilespmem:s12+$0xFFFFFF80]  }
0x3eb: {  	v6 =	vld.idx.msk [tilespmem:v6+s4+$0x0], $0xffff  }
0x3ec: {  	v8 =	vld [tilespmem:s12+$0xFFFFFF90]  }
0x3ed: {  	v9 =	vld [tilespmem:s12+$0xFFFFFFA0]  }
0x3ee: {  	v10 =	vld [tilespmem:s12+$0xFFFFFFB0]  }
0x3ef: {  	v11 =	vld [tilespmem:s12+$0xFFFFFFC0]  }
0x3f0: {  	s1 =	sadd.s32 $0x100, s1;
	v12 =	vld [tilespmem:s12+$0xFFFFFFD0]  }
0x3f1: {  	v13 =	vld [tilespmem:s12+$0xFFFFFFE0];
	[tilespmem:s1+$0x0] =	vst v6  }
0x3f2: {  	v6 =	vld [tilespmem:s12+$0xFFFFFFF0]  }
0x3f3: {  	v14 =	vld [tilespmem:s12+$0xFFFFFF10]  }
0x3f4: {  	v0 =	vld.idx.msk [tilespmem:v0+s4+$0x0], $0xffff  }
0x3f5: {  	v1 =	vld.idx.msk [tilespmem:v1+s4+$0x0], $0xffff  }
0x3f6: {  	v2 =	vld.idx.msk [tilespmem:v2+s4+$0x0], $0xffff  }
0x3f7: {  	v3 =	vld.idx.msk [tilespmem:v3+s4+$0x0], $0xffff  }
0x3f8: {  	v4 =	vld.idx.msk [tilespmem:v4+s4+$0x0], $0xffff  }
0x3f9: {  	v5 =	vld.idx.msk [tilespmem:v5+s4+$0x0], $0xffff  }
0x3fa: {  	[tilespmem:s1+$0xFFFFFF20] =	vst v0;
	v7 =	vld.idx.msk [tilespmem:v7+s4+$0x0], $0xffff  }
0x3fb: {  	v14 =	vld.idx.msk [tilespmem:v14+s4+$0x0], $0xffff;
	[tilespmem:s1+$0xFFFFFF30] =	vst v1  }
0x3fc: {  	[tilespmem:s1+$0xFFFFFF40] =	vst v2;
	v8 =	vld.idx.msk [tilespmem:v8+s4+$0x0], $0xffff  }
0x3fd: {  	[tilespmem:s1+$0xFFFFFF50] =	vst v3;
	v0 =	vld.idx.msk [tilespmem:v9+s4+$0x0], $0xffff  }
.Ltmp12:
0x3fe: {  	[tilespmem:s1+$0xFFFFFF60] =	vst v4;
	v1 =	vld.idx.msk [tilespmem:v10+s4+$0x0], $0xffff;
	(pc) =	sbr.rel @p3 .LBB2_27-.Ltmp12, $4  }
0x3ff: {  	[tilespmem:s1+$0xFFFFFF70] =	vst v5;
	v2 =	vld.idx.msk [tilespmem:v11+s4+$0x0], $0xffff  }
0x400: {  	[tilespmem:s1+$0xFFFFFF80] =	vst v7;
	v3 =	vld.idx.msk [tilespmem:v12+s4+$0x0], $0xffff  }
0x401: {  	[tilespmem:s1+$0xFFFFFF10] =	vst v14;
	v4 =	vld.idx.msk [tilespmem:v13+s4+$0x0], $0xffff  }
0x402: {  	s12 =	sadd.s32 $0x100, s12;
	[tilespmem:s1+$0xFFFFFF90] =	vst v8;
	v5 =	vld.idx.msk [tilespmem:v6+s4+$0x0], $0xffff  }
0x403: {  	[tilespmem:s1+$0xFFFFFFA0] =	vst v0  }
0x404: {  	[tilespmem:s1+$0xFFFFFFB0] =	vst v1  }
0x405: {  	[tilespmem:s1+$0xFFFFFFC0] =	vst v2  }
0x406: {  	[tilespmem:s1+$0xFFFFFFD0] =	vst v3  }
0x407: {  	[tilespmem:s1+$0xFFFFFFE0] =	vst v4  }
0x408: {  	s5 =	sadd.s32 s21, s11;
	[tilespmem:s1+$0xFFFFFFF0] =	vst v5  }
0x409: {  	[hbm4b:s5+s19] =	stream.strided.scatter [tilespmem:s31], [sflag:$0x6], $0x1000, s20, s19, $0x38;
	[tilespmem:$0x1F700] =	vst v63  }
0x40a: {  	s12 =	sadd.s32 $0x380, s18  }
0x40b: {  	[tilespmem:s26], [sflag:$0x4] =	stream.strided.gather [spmem:s12], $0x1000, s20, s19, $0x38;
	[tilespmem:$0x1F700] =	vst v63  }
0x40c: {  	_ =	swait.ge [sflag:s28], $0x1000  }
0x40d: {  	[sflag:s28] =	ssyncset.done $0x0  }
0x40e: {  	[sflag:s28] =	ssyncadd.s32 $0xFFFFF000  }
0x40f: {  	_ =	swait.ge [sflag:s0], $0x1000  }
0x410: {  	[sflag:s0] =	ssyncset.done $0x0  }
0x411: {  	s18 =	simm.s32 $0x18780;
	[sflag:s0] =	ssyncadd.s32 $0xFFFFF000  }
0x412: {  	v0 =	vld [tilespmem:s18+$0x70]  }
0x413: {  	v1 =	vld [tilespmem:s18+$0xFFFFFF90]  }
0x414: {  	v2 =	vld [tilespmem:s18+$0xFFFFFFA0]  }
0x415: {  	v3 =	vld [tilespmem:s18+$0xFFFFFFB0]  }
0x416: {  	v4 =	vld [tilespmem:s18+$0xFFFFFFC0]  }
0x417: {  	v5 =	vld [tilespmem:s18+$0xFFFFFFD0]  }
0x418: {  	v6 =	vld [tilespmem:s18+$0xFFFFFFE0]  }
0x419: {  	v7 =	vld [tilespmem:s18+$0xFFFFFFF0]  }
0x41a: {  	v8 =	vld [tilespmem:s18+$0x0]  }
0x41b: {  	v9 =	vld [tilespmem:s18+$0x10]  }
0x41c: {  	v10 =	vld [tilespmem:s18+$0x20]  }
0x41d: {  	v11 =	vld [tilespmem:s18+$0x30]  }
0x41e: {  	v12 =	vld [tilespmem:s18+$0x40]  }
0x41f: {  	v13 =	vld [tilespmem:s18+$0x50]  }
0x420: {  	v14 =	vld [tilespmem:s18+$0x60]  }
0x421: {  	v15 =	vld [tilespmem:s18+$0xFFFFFF80]  }
0x422: {  	v0 =	vld.idx.msk [tilespmem:v0+s4+$0x0], $0xffff  }
0x423: {  	v1 =	vld.idx.msk [tilespmem:v1+s4+$0x0], $0xffff  }
0x424: {  	v2 =	vld.idx.msk [tilespmem:v2+s4+$0x0], $0xffff  }
0x425: {  	v3 =	vld.idx.msk [tilespmem:v3+s4+$0x0], $0xffff  }
0x426: {  	v4 =	vld.idx.msk [tilespmem:v4+s4+$0x0], $0xffff  }
0x427: {  	s1 =	simm.s32 $0x1C780;
	v5 =	vld.idx.msk [tilespmem:v5+s4+$0x0], $0xffff  }
0x428: {  	v6 =	vld.idx.msk [tilespmem:v6+s4+$0x0], $0xffff;
	[tilespmem:s1+$0x70] =	vst v0  }
0x429: {  	v7 =	vld.idx.msk [tilespmem:v7+s4+$0x0], $0xffff;
	[tilespmem:s1+$0xFFFFFF90] =	vst v1  }
0x42a: {  	v15 =	vld.idx.msk [tilespmem:v15+s4+$0x0], $0xffff;
	[tilespmem:s1+$0xFFFFFFA0] =	vst v2  }
0x42b: {  	v8 =	vld.idx.msk [tilespmem:v8+s4+$0x0], $0xffff;
	[tilespmem:s1+$0xFFFFFFB0] =	vst v3  }
0x42c: {  	[tilespmem:s1+$0xFFFFFFC0] =	vst v4;
	v0 =	vld.idx.msk [tilespmem:v9+s4+$0x0], $0xffff  }
0x42d: {  	[tilespmem:s1+$0xFFFFFFD0] =	vst v5;
	v1 =	vld.idx.msk [tilespmem:v10+s4+$0x0], $0xffff  }
0x42e: {  	[tilespmem:s1+$0xFFFFFFE0] =	vst v6;
	v2 =	vld.idx.msk [tilespmem:v11+s4+$0x0], $0xffff  }
0x42f: {  	[tilespmem:s1+$0xFFFFFFF0] =	vst v7;
	v3 =	vld.idx.msk [tilespmem:v12+s4+$0x0], $0xffff  }
0x430: {  	[tilespmem:s1+$0xFFFFFF80] =	vst v15;
	v4 =	vld.idx.msk [tilespmem:v13+s4+$0x0], $0xffff  }
0x431: {  	s5 =	simm.s32 $0x0;
	s12 =	simm.s32 $0x18880;
	[tilespmem:s1+$0x0] =	vst v8;
	v5 =	vld.idx.msk [tilespmem:v14+s4+$0x0], $0xffff  }
.LBB2_29:
0x432: {  	v6 =	vld [tilespmem:s12+$0x70];
	s5 =	sadd.s32 $0x100, s5;
	[tilespmem:s1+$0x10] =	vst v0  }
0x433: {  	v0 =	vld [tilespmem:s12+$0xFFFFFF90];
	p3 =	slt.u32 s5, $0xF00;
	[tilespmem:s1+$0x20] =	vst v1  }
0x434: {  	v1 =	vld [tilespmem:s12+$0xFFFFFFA0];
	[tilespmem:s1+$0x30] =	vst v2  }
0x435: {  	v2 =	vld [tilespmem:s12+$0xFFFFFFB0];
	[tilespmem:s1+$0x40] =	vst v3  }
0x436: {  	v3 =	vld [tilespmem:s12+$0xFFFFFFC0];
	[tilespmem:s1+$0x50] =	vst v4  }
0x437: {  	v4 =	vld [tilespmem:s12+$0xFFFFFFD0];
	[tilespmem:s1+$0x60] =	vst v5  }
0x438: {  	v5 =	vld [tilespmem:s12+$0xFFFFFFE0]  }
0x439: {  	v7 =	vld [tilespmem:s12+$0xFFFFFFF0]  }
0x43a: {  	v6 =	vld.idx.msk [tilespmem:v6+s4+$0x0], $0xffff  }
0x43b: {  	v8 =	vld [tilespmem:s12+$0x0]  }
0x43c: {  	v9 =	vld [tilespmem:s12+$0x10]  }
0x43d: {  	v10 =	vld [tilespmem:s12+$0x20]  }
0x43e: {  	v11 =	vld [tilespmem:s12+$0x30]  }
0x43f: {  	s1 =	sadd.s32 $0x100, s1;
	v12 =	vld [tilespmem:s12+$0x40]  }
0x440: {  	v13 =	vld [tilespmem:s12+$0x50];
	[tilespmem:s1+$0x70] =	vst v6  }
0x441: {  	v6 =	vld [tilespmem:s12+$0x60]  }
0x442: {  	v14 =	vld [tilespmem:s12+$0xFFFFFF80]  }
0x443: {  	v0 =	vld.idx.msk [tilespmem:v0+s4+$0x0], $0xffff  }
0x444: {  	v1 =	vld.idx.msk [tilespmem:v1+s4+$0x0], $0xffff  }
0x445: {  	v2 =	vld.idx.msk [tilespmem:v2+s4+$0x0], $0xffff  }
0x446: {  	v3 =	vld.idx.msk [tilespmem:v3+s4+$0x0], $0xffff  }
0x447: {  	v4 =	vld.idx.msk [tilespmem:v4+s4+$0x0], $0xffff  }
0x448: {  	v5 =	vld.idx.msk [tilespmem:v5+s4+$0x0], $0xffff  }
0x449: {  	[tilespmem:s1+$0xFFFFFF90] =	vst v0;
	v7 =	vld.idx.msk [tilespmem:v7+s4+$0x0], $0xffff  }
0x44a: {  	v14 =	vld.idx.msk [tilespmem:v14+s4+$0x0], $0xffff;
	[tilespmem:s1+$0xFFFFFFA0] =	vst v1  }
0x44b: {  	[tilespmem:s1+$0xFFFFFFB0] =	vst v2;
	v8 =	vld.idx.msk [tilespmem:v8+s4+$0x0], $0xffff  }
0x44c: {  	[tilespmem:s1+$0xFFFFFFC0] =	vst v3;
	v0 =	vld.idx.msk [tilespmem:v9+s4+$0x0], $0xffff  }
.Ltmp13:
0x44d: {  	[tilespmem:s1+$0xFFFFFFD0] =	vst v4;
	v1 =	vld.idx.msk [tilespmem:v10+s4+$0x0], $0xffff;
	(pc) =	sbr.rel @p3 .LBB2_29-.Ltmp13, $4  }
0x44e: {  	[tilespmem:s1+$0xFFFFFFE0] =	vst v5;
	v2 =	vld.idx.msk [tilespmem:v11+s4+$0x0], $0xffff  }
0x44f: {  	[tilespmem:s1+$0xFFFFFFF0] =	vst v7;
	v3 =	vld.idx.msk [tilespmem:v12+s4+$0x0], $0xffff  }
0x450: {  	[tilespmem:s1+$0xFFFFFF80] =	vst v14;
	v4 =	vld.idx.msk [tilespmem:v13+s4+$0x0], $0xffff  }
0x451: {  	s12 =	sadd.s32 $0x100, s12;
	[tilespmem:s1+$0x0] =	vst v8;
	v5 =	vld.idx.msk [tilespmem:v6+s4+$0x0], $0xffff  }
0x452: {  	[tilespmem:s1+$0x10] =	vst v0  }
0x453: {  	[tilespmem:s1+$0x20] =	vst v1  }
0x454: {  	[tilespmem:s1+$0x30] =	vst v2  }
0x455: {  	[tilespmem:s1+$0x40] =	vst v3  }
0x456: {  	[tilespmem:s1+$0x50] =	vst v4  }
0x457: {  	s12 =	sadd.s32 s21, s13;
	[tilespmem:s1+$0x60] =	vst v5  }
0x458: {  	[hbm4b:s12+s19] =	stream.strided.scatter [tilespmem:s29], [sflag:$0x5], $0x1000, s20, s19, $0x38;
	[tilespmem:$0x1F700] =	vst v63  }
0x459: {  	_ =	swait.ge [sflag:s30], $0x1000  }
0x45a: {  	[sflag:s30] =	ssyncset.done $0x0  }
0x45b: {  	[sflag:s30] =	ssyncadd.s32 $0xFFFFF000  }
0x45c: {  	_ =	swait.ge [sflag:s17], $0x1000  }
0x45d: {  	[sflag:s17] =	ssyncset.done $0x0  }
0x45e: {  	s18 =	simm.s32 $0x197F0;
	[sflag:s17] =	ssyncadd.s32 $0xFFFFF000  }
0x45f: {  	v0 =	vld [tilespmem:s18+$0x0]  }
0x460: {  	v1 =	vld [tilespmem:s18+$0xFFFFFF20]  }
0x461: {  	v2 =	vld [tilespmem:s18+$0xFFFFFF30]  }
0x462: {  	v3 =	vld [tilespmem:s18+$0xFFFFFF40]  }
0x463: {  	v4 =	vld [tilespmem:s18+$0xFFFFFF50]  }
0x464: {  	v5 =	vld [tilespmem:s18+$0xFFFFFF60]  }
0x465: {  	v6 =	vld [tilespmem:s18+$0xFFFFFF70]  }
0x466: {  	v7 =	vld [tilespmem:s18+$0xFFFFFF80]  }
0x467: {  	v8 =	vld [tilespmem:s18+$0xFFFFFF90]  }
0x468: {  	v9 =	vld [tilespmem:s18+$0xFFFFFFA0]  }
0x469: {  	v10 =	vld [tilespmem:s18+$0xFFFFFFB0]  }
0x46a: {  	v11 =	vld [tilespmem:s18+$0xFFFFFFC0]  }
0x46b: {  	v12 =	vld [tilespmem:s18+$0xFFFFFFD0]  }
0x46c: {  	v13 =	vld [tilespmem:s18+$0xFFFFFFE0]  }
0x46d: {  	v14 =	vld [tilespmem:s18+$0xFFFFFFF0]  }
0x46e: {  	v15 =	vld [tilespmem:s18+$0xFFFFFF10]  }
0x46f: {  	v0 =	vld.idx.msk [tilespmem:v0+s4+$0x0], $0xffff  }
0x470: {  	v1 =	vld.idx.msk [tilespmem:v1+s4+$0x0], $0xffff  }
0x471: {  	v2 =	vld.idx.msk [tilespmem:v2+s4+$0x0], $0xffff  }
0x472: {  	v3 =	vld.idx.msk [tilespmem:v3+s4+$0x0], $0xffff  }
0x473: {  	v4 =	vld.idx.msk [tilespmem:v4+s4+$0x0], $0xffff  }
0x474: {  	s1 =	simm.s32 $0x1D7F0;
	v5 =	vld.idx.msk [tilespmem:v5+s4+$0x0], $0xffff  }
0x475: {  	v6 =	vld.idx.msk [tilespmem:v6+s4+$0x0], $0xffff;
	[tilespmem:s1+$0x0] =	vst v0  }
0x476: {  	v7 =	vld.idx.msk [tilespmem:v7+s4+$0x0], $0xffff;
	[tilespmem:s1+$0xFFFFFF20] =	vst v1  }
0x477: {  	v15 =	vld.idx.msk [tilespmem:v15+s4+$0x0], $0xffff;
	[tilespmem:s1+$0xFFFFFF30] =	vst v2  }
0x478: {  	v8 =	vld.idx.msk [tilespmem:v8+s4+$0x0], $0xffff;
	[tilespmem:s1+$0xFFFFFF40] =	vst v3  }
0x479: {  	[tilespmem:s1+$0xFFFFFF50] =	vst v4;
	v0 =	vld.idx.msk [tilespmem:v9+s4+$0x0], $0xffff  }
0x47a: {  	[tilespmem:s1+$0xFFFFFF60] =	vst v5;
	v1 =	vld.idx.msk [tilespmem:v10+s4+$0x0], $0xffff  }
0x47b: {  	[tilespmem:s1+$0xFFFFFF70] =	vst v6;
	v2 =	vld.idx.msk [tilespmem:v11+s4+$0x0], $0xffff  }
0x47c: {  	[tilespmem:s1+$0xFFFFFF80] =	vst v7;
	v3 =	vld.idx.msk [tilespmem:v12+s4+$0x0], $0xffff  }
0x47d: {  	[tilespmem:s1+$0xFFFFFF10] =	vst v15;
	v4 =	vld.idx.msk [tilespmem:v13+s4+$0x0], $0xffff  }
0x47e: {  	s5 =	simm.s32 $0x0;
	s12 =	simm.s32 $0x198F0;
	[tilespmem:s1+$0xFFFFFF90] =	vst v8;
	v5 =	vld.idx.msk [tilespmem:v14+s4+$0x0], $0xffff  }
.LBB2_31:
0x47f: {  	v6 =	vld [tilespmem:s12+$0x0];
	s5 =	sadd.s32 $0x100, s5;
	[tilespmem:s1+$0xFFFFFFA0] =	vst v0  }
0x480: {  	v0 =	vld [tilespmem:s12+$0xFFFFFF20];
	p3 =	slt.u32 s5, $0xF00;
	[tilespmem:s1+$0xFFFFFFB0] =	vst v1  }
0x481: {  	v1 =	vld [tilespmem:s12+$0xFFFFFF30];
	[tilespmem:s1+$0xFFFFFFC0] =	vst v2  }
0x482: {  	v2 =	vld [tilespmem:s12+$0xFFFFFF40];
	[tilespmem:s1+$0xFFFFFFD0] =	vst v3  }
0x483: {  	v3 =	vld [tilespmem:s12+$0xFFFFFF50];
	[tilespmem:s1+$0xFFFFFFE0] =	vst v4  }
0x484: {  	v4 =	vld [tilespmem:s12+$0xFFFFFF60];
	[tilespmem:s1+$0xFFFFFFF0] =	vst v5  }
0x485: {  	v5 =	vld [tilespmem:s12+$0xFFFFFF70]  }
0x486: {  	v7 =	vld [tilespmem:s12+$0xFFFFFF80]  }
0x487: {  	v6 =	vld.idx.msk [tilespmem:v6+s4+$0x0], $0xffff  }
0x488: {  	v8 =	vld [tilespmem:s12+$0xFFFFFF90]  }
0x489: {  	v9 =	vld [tilespmem:s12+$0xFFFFFFA0]  }
0x48a: {  	v10 =	vld [tilespmem:s12+$0xFFFFFFB0]  }
0x48b: {  	v11 =	vld [tilespmem:s12+$0xFFFFFFC0]  }
0x48c: {  	s1 =	sadd.s32 $0x100, s1;
	v12 =	vld [tilespmem:s12+$0xFFFFFFD0]  }
0x48d: {  	v13 =	vld [tilespmem:s12+$0xFFFFFFE0];
	[tilespmem:s1+$0x0] =	vst v6  }
0x48e: {  	v6 =	vld [tilespmem:s12+$0xFFFFFFF0]  }
0x48f: {  	v14 =	vld [tilespmem:s12+$0xFFFFFF10]  }
0x490: {  	v0 =	vld.idx.msk [tilespmem:v0+s4+$0x0], $0xffff  }
0x491: {  	v1 =	vld.idx.msk [tilespmem:v1+s4+$0x0], $0xffff  }
0x492: {  	v2 =	vld.idx.msk [tilespmem:v2+s4+$0x0], $0xffff  }
0x493: {  	v3 =	vld.idx.msk [tilespmem:v3+s4+$0x0], $0xffff  }
0x494: {  	v4 =	vld.idx.msk [tilespmem:v4+s4+$0x0], $0xffff  }
0x495: {  	v5 =	vld.idx.msk [tilespmem:v5+s4+$0x0], $0xffff  }
0x496: {  	[tilespmem:s1+$0xFFFFFF20] =	vst v0;
	v7 =	vld.idx.msk [tilespmem:v7+s4+$0x0], $0xffff  }
0x497: {  	v14 =	vld.idx.msk [tilespmem:v14+s4+$0x0], $0xffff;
	[tilespmem:s1+$0xFFFFFF30] =	vst v1  }
0x498: {  	[tilespmem:s1+$0xFFFFFF40] =	vst v2;
	v8 =	vld.idx.msk [tilespmem:v8+s4+$0x0], $0xffff  }
0x499: {  	[tilespmem:s1+$0xFFFFFF50] =	vst v3;
	v0 =	vld.idx.msk [tilespmem:v9+s4+$0x0], $0xffff  }
.Ltmp14:
0x49a: {  	[tilespmem:s1+$0xFFFFFF60] =	vst v4;
	v1 =	vld.idx.msk [tilespmem:v10+s4+$0x0], $0xffff;
	(pc) =	sbr.rel @p3 .LBB2_31-.Ltmp14, $4  }
0x49b: {  	[tilespmem:s1+$0xFFFFFF70] =	vst v5;
	v2 =	vld.idx.msk [tilespmem:v11+s4+$0x0], $0xffff  }
0x49c: {  	[tilespmem:s1+$0xFFFFFF80] =	vst v7;
	v3 =	vld.idx.msk [tilespmem:v12+s4+$0x0], $0xffff  }
0x49d: {  	[tilespmem:s1+$0xFFFFFF10] =	vst v14;
	v4 =	vld.idx.msk [tilespmem:v13+s4+$0x0], $0xffff  }
0x49e: {  	s12 =	sadd.s32 $0x100, s12;
	[tilespmem:s1+$0xFFFFFF90] =	vst v8;
	v5 =	vld.idx.msk [tilespmem:v6+s4+$0x0], $0xffff  }
0x49f: {  	[tilespmem:s1+$0xFFFFFFA0] =	vst v0  }
0x4a0: {  	[tilespmem:s1+$0xFFFFFFB0] =	vst v1  }
0x4a1: {  	[tilespmem:s1+$0xFFFFFFC0] =	vst v2  }
0x4a2: {  	[tilespmem:s1+$0xFFFFFFD0] =	vst v3  }
0x4a3: {  	[tilespmem:s1+$0xFFFFFFE0] =	vst v4  }
0x4a4: {  	s12 =	sadd.s32 s21, s14;
	[tilespmem:s1+$0xFFFFFFF0] =	vst v5  }
0x4a5: {  	[hbm4b:s12+s19] =	stream.strided.scatter [tilespmem:s31], [sflag:$0x6], $0x1000, s20, s19, $0x38;
	[tilespmem:$0x1F700] =	vst v63  }
0x4a6: {  	_ =	swait.ge [sflag:s3], $0x1000  }
0x4a7: {  	[sflag:s3] =	ssyncset.done $0x0  }
0x4a8: {  	[sflag:s3] =	ssyncadd.s32 $0xFFFFF000  }
0x4a9: {  	_ =	swait.ge [sflag:s0], $0x1000  }
0x4aa: {  	[sflag:s0] =	ssyncset.done $0x0  }
0x4ab: {  	s18 =	simm.s32 $0x1A7F0;
	[sflag:s0] =	ssyncadd.s32 $0xFFFFF000  }
0x4ac: {  	v0 =	vld [tilespmem:s18+$0x0]  }
0x4ad: {  	v1 =	vld [tilespmem:s18+$0xFFFFFF20]  }
0x4ae: {  	v2 =	vld [tilespmem:s18+$0xFFFFFF30]  }
0x4af: {  	v3 =	vld [tilespmem:s18+$0xFFFFFF40]  }
0x4b0: {  	v4 =	vld [tilespmem:s18+$0xFFFFFF50]  }
0x4b1: {  	v5 =	vld [tilespmem:s18+$0xFFFFFF60]  }
0x4b2: {  	v6 =	vld [tilespmem:s18+$0xFFFFFF70]  }
0x4b3: {  	v7 =	vld [tilespmem:s18+$0xFFFFFF80]  }
0x4b4: {  	v8 =	vld [tilespmem:s18+$0xFFFFFF90]  }
0x4b5: {  	v9 =	vld [tilespmem:s18+$0xFFFFFFA0]  }
0x4b6: {  	v10 =	vld [tilespmem:s18+$0xFFFFFFB0]  }
0x4b7: {  	v11 =	vld [tilespmem:s18+$0xFFFFFFC0]  }
0x4b8: {  	v12 =	vld [tilespmem:s18+$0xFFFFFFD0]  }
0x4b9: {  	v13 =	vld [tilespmem:s18+$0xFFFFFFE0]  }
0x4ba: {  	v14 =	vld [tilespmem:s18+$0xFFFFFFF0]  }
0x4bb: {  	v15 =	vld [tilespmem:s18+$0xFFFFFF10]  }
0x4bc: {  	v0 =	vld.idx.msk [tilespmem:v0+s4+$0x0], $0xffff  }
0x4bd: {  	v1 =	vld.idx.msk [tilespmem:v1+s4+$0x0], $0xffff  }
0x4be: {  	v2 =	vld.idx.msk [tilespmem:v2+s4+$0x0], $0xffff  }
0x4bf: {  	v3 =	vld.idx.msk [tilespmem:v3+s4+$0x0], $0xffff  }
0x4c0: {  	v4 =	vld.idx.msk [tilespmem:v4+s4+$0x0], $0xffff  }
0x4c1: {  	s1 =	simm.s32 $0x1C780;
	v5 =	vld.idx.msk [tilespmem:v5+s4+$0x0], $0xffff  }
0x4c2: {  	v6 =	vld.idx.msk [tilespmem:v6+s4+$0x0], $0xffff;
	[tilespmem:s1+$0x70] =	vst v0  }
0x4c3: {  	v7 =	vld.idx.msk [tilespmem:v7+s4+$0x0], $0xffff;
	[tilespmem:s1+$0xFFFFFF90] =	vst v1  }
0x4c4: {  	v15 =	vld.idx.msk [tilespmem:v15+s4+$0x0], $0xffff;
	[tilespmem:s1+$0xFFFFFFA0] =	vst v2  }
0x4c5: {  	v8 =	vld.idx.msk [tilespmem:v8+s4+$0x0], $0xffff;
	[tilespmem:s1+$0xFFFFFFB0] =	vst v3  }
0x4c6: {  	[tilespmem:s1+$0xFFFFFFC0] =	vst v4;
	v0 =	vld.idx.msk [tilespmem:v9+s4+$0x0], $0xffff  }
0x4c7: {  	[tilespmem:s1+$0xFFFFFFD0] =	vst v5;
	v1 =	vld.idx.msk [tilespmem:v10+s4+$0x0], $0xffff  }
0x4c8: {  	[tilespmem:s1+$0xFFFFFFE0] =	vst v6;
	v2 =	vld.idx.msk [tilespmem:v11+s4+$0x0], $0xffff  }
0x4c9: {  	[tilespmem:s1+$0xFFFFFFF0] =	vst v7;
	v3 =	vld.idx.msk [tilespmem:v12+s4+$0x0], $0xffff  }
0x4ca: {  	[tilespmem:s1+$0xFFFFFF80] =	vst v15;
	v4 =	vld.idx.msk [tilespmem:v13+s4+$0x0], $0xffff  }
0x4cb: {  	s5 =	simm.s32 $0x0;
	s12 =	simm.s32 $0x1A8F0;
	[tilespmem:s1+$0x0] =	vst v8;
	v5 =	vld.idx.msk [tilespmem:v14+s4+$0x0], $0xffff  }
.LBB2_33:
0x4cc: {  	v6 =	vld [tilespmem:s12+$0x0];
	s5 =	sadd.s32 $0x100, s5;
	[tilespmem:s1+$0x10] =	vst v0  }
0x4cd: {  	v0 =	vld [tilespmem:s12+$0xFFFFFF20];
	p3 =	slt.u32 s5, $0xF00;
	[tilespmem:s1+$0x20] =	vst v1  }
0x4ce: {  	v1 =	vld [tilespmem:s12+$0xFFFFFF30];
	[tilespmem:s1+$0x30] =	vst v2  }
0x4cf: {  	v2 =	vld [tilespmem:s12+$0xFFFFFF40];
	[tilespmem:s1+$0x40] =	vst v3  }
0x4d0: {  	v3 =	vld [tilespmem:s12+$0xFFFFFF50];
	[tilespmem:s1+$0x50] =	vst v4  }
0x4d1: {  	v4 =	vld [tilespmem:s12+$0xFFFFFF60];
	[tilespmem:s1+$0x60] =	vst v5  }
0x4d2: {  	v5 =	vld [tilespmem:s12+$0xFFFFFF70]  }
0x4d3: {  	v7 =	vld [tilespmem:s12+$0xFFFFFF80]  }
0x4d4: {  	v6 =	vld.idx.msk [tilespmem:v6+s4+$0x0], $0xffff  }
0x4d5: {  	v8 =	vld [tilespmem:s12+$0xFFFFFF90]  }
0x4d6: {  	v9 =	vld [tilespmem:s12+$0xFFFFFFA0]  }
0x4d7: {  	v10 =	vld [tilespmem:s12+$0xFFFFFFB0]  }
0x4d8: {  	v11 =	vld [tilespmem:s12+$0xFFFFFFC0]  }
0x4d9: {  	s1 =	sadd.s32 $0x100, s1;
	v12 =	vld [tilespmem:s12+$0xFFFFFFD0]  }
0x4da: {  	v13 =	vld [tilespmem:s12+$0xFFFFFFE0];
	[tilespmem:s1+$0x70] =	vst v6  }
0x4db: {  	v6 =	vld [tilespmem:s12+$0xFFFFFFF0]  }
0x4dc: {  	v14 =	vld [tilespmem:s12+$0xFFFFFF10]  }
0x4dd: {  	v0 =	vld.idx.msk [tilespmem:v0+s4+$0x0], $0xffff  }
0x4de: {  	v1 =	vld.idx.msk [tilespmem:v1+s4+$0x0], $0xffff  }
0x4df: {  	v2 =	vld.idx.msk [tilespmem:v2+s4+$0x0], $0xffff  }
0x4e0: {  	v3 =	vld.idx.msk [tilespmem:v3+s4+$0x0], $0xffff  }
0x4e1: {  	v4 =	vld.idx.msk [tilespmem:v4+s4+$0x0], $0xffff  }
0x4e2: {  	v5 =	vld.idx.msk [tilespmem:v5+s4+$0x0], $0xffff  }
0x4e3: {  	[tilespmem:s1+$0xFFFFFF90] =	vst v0;
	v7 =	vld.idx.msk [tilespmem:v7+s4+$0x0], $0xffff  }
0x4e4: {  	v14 =	vld.idx.msk [tilespmem:v14+s4+$0x0], $0xffff;
	[tilespmem:s1+$0xFFFFFFA0] =	vst v1  }
0x4e5: {  	[tilespmem:s1+$0xFFFFFFB0] =	vst v2;
	v8 =	vld.idx.msk [tilespmem:v8+s4+$0x0], $0xffff  }
0x4e6: {  	[tilespmem:s1+$0xFFFFFFC0] =	vst v3;
	v0 =	vld.idx.msk [tilespmem:v9+s4+$0x0], $0xffff  }
.Ltmp15:
0x4e7: {  	[tilespmem:s1+$0xFFFFFFD0] =	vst v4;
	v1 =	vld.idx.msk [tilespmem:v10+s4+$0x0], $0xffff;
	(pc) =	sbr.rel @p3 .LBB2_33-.Ltmp15, $4  }
0x4e8: {  	[tilespmem:s1+$0xFFFFFFE0] =	vst v5;
	v2 =	vld.idx.msk [tilespmem:v11+s4+$0x0], $0xffff  }
0x4e9: {  	[tilespmem:s1+$0xFFFFFFF0] =	vst v7;
	v3 =	vld.idx.msk [tilespmem:v12+s4+$0x0], $0xffff  }
0x4ea: {  	[tilespmem:s1+$0xFFFFFF80] =	vst v14;
	v4 =	vld.idx.msk [tilespmem:v13+s4+$0x0], $0xffff  }
0x4eb: {  	s12 =	sadd.s32 $0x100, s12;
	[tilespmem:s1+$0x0] =	vst v8;
	v5 =	vld.idx.msk [tilespmem:v6+s4+$0x0], $0xffff  }
0x4ec: {  	[tilespmem:s1+$0x10] =	vst v0  }
0x4ed: {  	[tilespmem:s1+$0x20] =	vst v1  }
0x4ee: {  	[tilespmem:s1+$0x30] =	vst v2  }
0x4ef: {  	[tilespmem:s1+$0x40] =	vst v3  }
0x4f0: {  	[tilespmem:s1+$0x50] =	vst v4  }
0x4f1: {  	s12 =	sadd.s32 s21, s15;
	[tilespmem:s1+$0x60] =	vst v5  }
0x4f2: {  	[hbm4b:s12+s19] =	stream.strided.scatter [tilespmem:s29], [sflag:$0x5], $0x1000, s20, s19, $0x38;
	[tilespmem:$0x1F700] =	vst v63  }
0x4f3: {  	_ =	swait.ge [sflag:s6], $0x1000  }
0x4f4: {  	[sflag:s6] =	ssyncset.done $0x0  }
0x4f5: {  	[sflag:s6] =	ssyncadd.s32 $0xFFFFF000  }
0x4f6: {  	_ =	swait.ge [sflag:s17], $0x1000  }
0x4f7: {  	[sflag:s17] =	ssyncset.done $0x0  }
0x4f8: {  	s18 =	simm.s32 $0x1B7F0;
	[sflag:s17] =	ssyncadd.s32 $0xFFFFF000  }
0x4f9: {  	v0 =	vld [tilespmem:s18+$0x0]  }
0x4fa: {  	v1 =	vld [tilespmem:s18+$0xFFFFFF20]  }
0x4fb: {  	v2 =	vld [tilespmem:s18+$0xFFFFFF30]  }
0x4fc: {  	v3 =	vld [tilespmem:s18+$0xFFFFFF40]  }
0x4fd: {  	v4 =	vld [tilespmem:s18+$0xFFFFFF50]  }
0x4fe: {  	v5 =	vld [tilespmem:s18+$0xFFFFFF60]  }
0x4ff: {  	v6 =	vld [tilespmem:s18+$0xFFFFFF70]  }
0x500: {  	v7 =	vld [tilespmem:s18+$0xFFFFFF80]  }
0x501: {  	v8 =	vld [tilespmem:s18+$0xFFFFFF90]  }
0x502: {  	v9 =	vld [tilespmem:s18+$0xFFFFFFA0]  }
0x503: {  	v10 =	vld [tilespmem:s18+$0xFFFFFFB0]  }
0x504: {  	v11 =	vld [tilespmem:s18+$0xFFFFFFC0]  }
0x505: {  	v12 =	vld [tilespmem:s18+$0xFFFFFFD0]  }
0x506: {  	v13 =	vld [tilespmem:s18+$0xFFFFFFE0]  }
0x507: {  	v14 =	vld [tilespmem:s18+$0xFFFFFFF0]  }
0x508: {  	v15 =	vld [tilespmem:s18+$0xFFFFFF10]  }
0x509: {  	v0 =	vld.idx.msk [tilespmem:v0+s4+$0x0], $0xffff  }
0x50a: {  	v1 =	vld.idx.msk [tilespmem:v1+s4+$0x0], $0xffff  }
0x50b: {  	v2 =	vld.idx.msk [tilespmem:v2+s4+$0x0], $0xffff  }
0x50c: {  	v3 =	vld.idx.msk [tilespmem:v3+s4+$0x0], $0xffff  }
0x50d: {  	v4 =	vld.idx.msk [tilespmem:v4+s4+$0x0], $0xffff  }
0x50e: {  	s1 =	simm.s32 $0x1D7F0;
	v5 =	vld.idx.msk [tilespmem:v5+s4+$0x0], $0xffff  }
0x50f: {  	v6 =	vld.idx.msk [tilespmem:v6+s4+$0x0], $0xffff;
	[tilespmem:s1+$0x0] =	vst v0  }
0x510: {  	v7 =	vld.idx.msk [tilespmem:v7+s4+$0x0], $0xffff;
	[tilespmem:s1+$0xFFFFFF20] =	vst v1  }
0x511: {  	v15 =	vld.idx.msk [tilespmem:v15+s4+$0x0], $0xffff;
	[tilespmem:s1+$0xFFFFFF30] =	vst v2  }
0x512: {  	v8 =	vld.idx.msk [tilespmem:v8+s4+$0x0], $0xffff;
	[tilespmem:s1+$0xFFFFFF40] =	vst v3  }
0x513: {  	[tilespmem:s1+$0xFFFFFF50] =	vst v4;
	v0 =	vld.idx.msk [tilespmem:v9+s4+$0x0], $0xffff  }
0x514: {  	[tilespmem:s1+$0xFFFFFF60] =	vst v5;
	v1 =	vld.idx.msk [tilespmem:v10+s4+$0x0], $0xffff  }
0x515: {  	[tilespmem:s1+$0xFFFFFF70] =	vst v6;
	v2 =	vld.idx.msk [tilespmem:v11+s4+$0x0], $0xffff  }
0x516: {  	[tilespmem:s1+$0xFFFFFF80] =	vst v7;
	v3 =	vld.idx.msk [tilespmem:v12+s4+$0x0], $0xffff  }
0x517: {  	[tilespmem:s1+$0xFFFFFF10] =	vst v15;
	v4 =	vld.idx.msk [tilespmem:v13+s4+$0x0], $0xffff  }
0x518: {  	s5 =	simm.s32 $0x0;
	s12 =	simm.s32 $0x1B8F0;
	[tilespmem:s1+$0xFFFFFF90] =	vst v8;
	v5 =	vld.idx.msk [tilespmem:v14+s4+$0x0], $0xffff  }
.LBB2_35:
0x519: {  	v6 =	vld [tilespmem:s12+$0x0];
	s5 =	sadd.s32 $0x100, s5;
	[tilespmem:s1+$0xFFFFFFA0] =	vst v0  }
0x51a: {  	v0 =	vld [tilespmem:s12+$0xFFFFFF20];
	p3 =	slt.u32 s5, $0xF00;
	[tilespmem:s1+$0xFFFFFFB0] =	vst v1  }
0x51b: {  	v1 =	vld [tilespmem:s12+$0xFFFFFF30];
	[tilespmem:s1+$0xFFFFFFC0] =	vst v2  }
0x51c: {  	v2 =	vld [tilespmem:s12+$0xFFFFFF40];
	[tilespmem:s1+$0xFFFFFFD0] =	vst v3  }
0x51d: {  	v3 =	vld [tilespmem:s12+$0xFFFFFF50];
	[tilespmem:s1+$0xFFFFFFE0] =	vst v4  }
0x51e: {  	v4 =	vld [tilespmem:s12+$0xFFFFFF60];
	[tilespmem:s1+$0xFFFFFFF0] =	vst v5  }
0x51f: {  	v5 =	vld [tilespmem:s12+$0xFFFFFF70]  }
0x520: {  	v7 =	vld [tilespmem:s12+$0xFFFFFF80]  }
0x521: {  	v6 =	vld.idx.msk [tilespmem:v6+s4+$0x0], $0xffff  }
0x522: {  	v8 =	vld [tilespmem:s12+$0xFFFFFF90]  }
0x523: {  	v9 =	vld [tilespmem:s12+$0xFFFFFFA0]  }
0x524: {  	v10 =	vld [tilespmem:s12+$0xFFFFFFB0]  }
0x525: {  	v11 =	vld [tilespmem:s12+$0xFFFFFFC0]  }
0x526: {  	s1 =	sadd.s32 $0x100, s1;
	v12 =	vld [tilespmem:s12+$0xFFFFFFD0]  }
0x527: {  	v13 =	vld [tilespmem:s12+$0xFFFFFFE0];
	[tilespmem:s1+$0x0] =	vst v6  }
0x528: {  	v6 =	vld [tilespmem:s12+$0xFFFFFFF0]  }
0x529: {  	v14 =	vld [tilespmem:s12+$0xFFFFFF10]  }
0x52a: {  	v0 =	vld.idx.msk [tilespmem:v0+s4+$0x0], $0xffff  }
0x52b: {  	v1 =	vld.idx.msk [tilespmem:v1+s4+$0x0], $0xffff  }
0x52c: {  	v2 =	vld.idx.msk [tilespmem:v2+s4+$0x0], $0xffff  }
0x52d: {  	v3 =	vld.idx.msk [tilespmem:v3+s4+$0x0], $0xffff  }
0x52e: {  	v4 =	vld.idx.msk [tilespmem:v4+s4+$0x0], $0xffff  }
0x52f: {  	v5 =	vld.idx.msk [tilespmem:v5+s4+$0x0], $0xffff  }
0x530: {  	[tilespmem:s1+$0xFFFFFF20] =	vst v0;
	v7 =	vld.idx.msk [tilespmem:v7+s4+$0x0], $0xffff  }
0x531: {  	v14 =	vld.idx.msk [tilespmem:v14+s4+$0x0], $0xffff;
	[tilespmem:s1+$0xFFFFFF30] =	vst v1  }
0x532: {  	[tilespmem:s1+$0xFFFFFF40] =	vst v2;
	v8 =	vld.idx.msk [tilespmem:v8+s4+$0x0], $0xffff  }
0x533: {  	[tilespmem:s1+$0xFFFFFF50] =	vst v3;
	v0 =	vld.idx.msk [tilespmem:v9+s4+$0x0], $0xffff  }
.Ltmp16:
0x534: {  	[tilespmem:s1+$0xFFFFFF60] =	vst v4;
	v1 =	vld.idx.msk [tilespmem:v10+s4+$0x0], $0xffff;
	(pc) =	sbr.rel @p3 .LBB2_35-.Ltmp16, $4  }
0x535: {  	[tilespmem:s1+$0xFFFFFF70] =	vst v5;
	v2 =	vld.idx.msk [tilespmem:v11+s4+$0x0], $0xffff  }
0x536: {  	[tilespmem:s1+$0xFFFFFF80] =	vst v7;
	v3 =	vld.idx.msk [tilespmem:v12+s4+$0x0], $0xffff  }
0x537: {  	[tilespmem:s1+$0xFFFFFF10] =	vst v14;
	v4 =	vld.idx.msk [tilespmem:v13+s4+$0x0], $0xffff  }
0x538: {  	s12 =	sadd.s32 $0x100, s12;
	[tilespmem:s1+$0xFFFFFF90] =	vst v8;
	v5 =	vld.idx.msk [tilespmem:v6+s4+$0x0], $0xffff  }
0x539: {  	[tilespmem:s1+$0xFFFFFFA0] =	vst v0  }
0x53a: {  	[tilespmem:s1+$0xFFFFFFB0] =	vst v1  }
0x53b: {  	[tilespmem:s1+$0xFFFFFFC0] =	vst v2  }
0x53c: {  	[tilespmem:s1+$0xFFFFFFD0] =	vst v3  }
0x53d: {  	[tilespmem:s1+$0xFFFFFFE0] =	vst v4  }
0x53e: {  	s21 =	sadd.s32 s21, s16;
	[tilespmem:s1+$0xFFFFFFF0] =	vst v5;
	s1 =	simm.s32 @p2 $0x7  }
0x53f: {  	[hbm4b:s21+s19] =	stream.strided.scatter [tilespmem:s31], [sflag:$0x6], $0x1000, s20, s19, $0x38;
	[tilespmem:$0x1F700] =	vst v63  }
0x540: {  	_ =	swait.ge @p2 [sflag:s1], $0x1000  }
0x541: {  	s22 =	sadd.s32 $0x1, s22;
	[sflag:s1] =	ssyncset.done @p2 $0x0  }
0x542: {  	[sflag:s1] =	ssyncadd.s32 @p2 $0xFFFFF000;
	p2 =	sne.s32 s22, $0x19  }
.Ltmp17:
0x543: {  	_ = 	snop;
	(pc) =	sbr.rel @p2 .LBB2_20-.Ltmp17, $2  }
0x544: {  	_ =	sdelay $0x1  }
0x545: {  	[bflag:$0x0] =	sbarrier.arrive $0xFFFF;
	_ =	sdelay $0x1  }
0x546: {  	_ =	swait.ge [sflag:s0], $0x1000  }
0x547: {  	[sflag:s0] =	ssyncset.done $0x0  }
0x548: {  	[sflag:s0] =	ssyncadd.s32 $0xFFFFF000  }
0x549: {  	_ =	swait.ge [sflag:s17], $0x1000  }
0x54a: {  	s5 =	rddreg [dreg:$0xb]  }
0x54b: {  	s1 =	rddreg [dreg:$0x9];
	s5 =	sadd.s32 $0x1, s5  }
0x54c: {  	p2 =	sne.s32 s5, s1  }
.Ltmp18:
0x54d: {  	_ = 	snop;
	(pc) =	sbr.rel @p2 .LBB2_1-.Ltmp18, $3  }
0x54e: {  	_ =	sdelay $0x1  }
0x54f: {  	[sflag:s17] =	ssyncset.done $0x0  }
0x550: {  	[sflag:s17] =	ssyncadd.s32 $0xFFFFF000  }
0x551: {  	_ =	sfence.sel $0x180000  }
0x552: {  	[bflag:$0x0] =	sbarrier.arrive $0xFFFF  }
0x553: {  	_ =	strace $0x90000047  }
0x554: {  	[bflag:$0x2] =	sbarrier.arrive $0xFFFF  }
0x555: {  	s0 =	rddreg [dreg:$0x4]  }
0x556: {  	s0 =	sadd.s32 @!p0 $0x100000, s0  }
0x557: {  	[sflag:s0] =	ssyncadd.tile.s32 @!p0 $0x1;
	_ =	shalt  }
.Lfunc_end2:
_tile_overlayer_lowered:
.L_overlay_start_2:
0x558: {  	(tag) =	ssettag $0x2  }
0x559: {  	s0 =	rddreg [dreg:$0x0];
	s2 =	stileid.u32  }
0x55a: {  	s1 =	rddreg [dreg:$0x1];
	p0 =	sne.s32 s2, $0x0  }
0x55b: {  	s3 =	rddreg [dreg:$0x2];
	[bflag:$0x3] =	sbarrier.arrive $0xFFFF;
	s2 =	simm.s32 @!p0 $0x1C08  }
0x55c: {  	[timem:s3], [sflag:s2] =	dma.local @!p0 [hbm:s0], s1  }
0x55d: {  	s0 =	simm.s32 @!p0 $0x8  }
0x55e: {  	_ =	swait.ge @!p0 [sflag:s0], s1  }
0x55f: {  	s1 =	ssub.s32 @!p0 $0x0, s1;
	[sflag:s0] =	ssyncset.done @!p0 $0x0  }
0x560: {  	[sflag:s0] =	ssyncadd.s32 @!p0 s1  }
0x561: {  	[bflag:$0x3] =	sbarrier.arrive $0xFFFF  }
0x562: {  	_ =	shalt  }

</sc_bundles>
